<compile_context>
chip_gen: v7x
topology: tpu7x:2x2x1
jax: 0.10.2.dev20260603
libtpu: 0.0.44.dev20260713+nightly
codegen_flags: <defaults>
</compile_context>

<pallas_src>
import functools

import jax
import jax.numpy as jnp
from jax import lax
from jax.experimental import pallas as pl
from jax.experimental.pallas import tpu as pltpu
from jax.experimental.pallas import tpu_sc as plsc

N, E, D, H, B = 10000, 160000, 256, 256, 64
HC = H // 2
NPAD = 10240
EPAD = 163840
BLK = 512
NBLK = NPAD // BLK
NTILE = 16
ROWS_PER_TILE = NPAD // NTILE
EDGES_PER_TILE = EPAD // NTILE
CHUNK = 128
NCHUNK = EDGES_PER_TILE // CHUNK


DPAD = 384


def _encode_body(xv_ref, winp_ref, bin_ref, h0_ref, h1_ref):
    h = jnp.dot(xv_ref[...], winp_ref[...], preferred_element_type=jnp.float32)
    h = jnp.maximum(h + bin_ref[...], 0.0)
    h0_ref[...] = h[:, :HC]
    h1_ref[...] = h[:, HC:]


def _encode(xv, winp, bin2):
    return pl.pallas_call(
        _encode_body,
        grid=(NBLK,),
        in_specs=[
            pl.BlockSpec((BLK, DPAD), lambda i: (i, 0)),
            pl.BlockSpec((DPAD, H), lambda i: (0, 0)),
            pl.BlockSpec((1, H), lambda i: (0, 0)),
        ],
        out_specs=[
            pl.BlockSpec((BLK, HC), lambda i: (i, 0)),
            pl.BlockSpec((BLK, HC), lambda i: (i, 0)),
        ],
        out_shape=[
            jax.ShapeDtypeStruct((NPAD, HC), jnp.float32),
            jax.ShapeDtypeStruct((NPAD, HC), jnp.float32),
        ],
    )(xv, winp, bin2)


CPB = 8
EROWS = EPAD // CHUNK
EROWS_PAD = EROWS + CPB
CHUNKS_PER_TILE = EDGES_PER_TILE // CHUNK
MAIN_T = CHUNKS_PER_TILE // (2 * CPB)
DEG_CPT = (EPAD // 2 // NTILE) // CHUNK
DEG_T = DEG_CPT // (2 * CPB)


@functools.cache
def _make_message_pass():
    mesh = plsc.VectorSubcoreMesh(core_axis_name="c", subcore_axis_name="s")

    @functools.partial(
        pl.kernel,
        mesh=mesh,
        out_type=[
            jax.ShapeDtypeStruct((NPAD, HC), jnp.float32),
            jax.ShapeDtypeStruct((NPAD, HC), jnp.float32),
            jax.ShapeDtypeStruct((NPAD, HC), jnp.float32),
            jax.ShapeDtypeStruct((NPAD, HC), jnp.float32),
        ],
        scratch_types=[
            pltpu.VMEM((CPB, CHUNK), jnp.int32),
            pltpu.VMEM((CPB, CHUNK), jnp.int32),
            pltpu.VMEM((CPB, CHUNK), jnp.int32),
            pltpu.VMEM((CPB, CHUNK), jnp.int32),
            pltpu.VMEM((CHUNK, HC), jnp.float32),
            pltpu.VMEM((CHUNK, HC), jnp.float32),
            pltpu.VMEM_SHARED((NPAD, HC), jnp.float32),
            pltpu.SemaphoreType.DMA,
            pltpu.SemaphoreType.DMA,
            pltpu.SemaphoreType.DMA,
            pltpu.SemaphoreType.DMA,
            pltpu.SemaphoreType.DMA,
            pltpu.SemaphoreType.DMA,
        ],
    )
    def mp_body(h0, h1, src2d, dst2d, zrows, ones_rows,
                s0_out, s1_out, d0_out, d1_out,
                srcA, srcB, dstA, dstB, rowsA, rowsB, acc_s,
                sem_ga, sem_gb, sem_sa, sem_sb, sem_ia, sem_ib):
        c = lax.axis_index("c")
        s = lax.axis_index("s")
        r0 = s * ROWS_PER_TILE
        rows = (rowsA, rowsB)
        gsem = (sem_ga, sem_gb)
        ssem = (sem_sa, sem_sb)
        pltpu.sync_copy(zrows, acc_s.at[pl.ds(r0, ROWS_PER_TILE)])
        plsc.subcore_barrier()

        def gather_scatter_8(h_ref, srcbuf, dstbuf):
            g = [None, None]
            sd = [None, None]
            g[0] = pltpu.async_copy(h_ref.at[srcbuf.at[0]], rowsA, sem_ga)
            for k in range(CPB):
                cur = k % 2
                g[cur].wait()
                new_sd = pltpu.async_copy(rows[cur], acc_s.at[dstbuf.at[k]],
                                          ssem[cur], add=True)
                if k < CPB - 1:
                    if sd[1 - cur] is not None:
                        sd[1 - cur].wait()
                    g[1 - cur] = pltpu.async_copy(
                        h_ref.at[srcbuf.at[k + 1]], rows[1 - cur],
                        gsem[1 - cur])
                sd[cur] = new_sd
            sd[0].wait()
            sd[1].wait()

        def main_pass(h_ref):
            row0 = s * CHUNKS_PER_TILE
            pltpu.sync_copy(src2d.at[pl.ds(row0, CPB)], srcA)
            pltpu.sync_copy(dst2d.at[pl.ds(row0, CPB)], dstA)

            def t_body(t, carry):
                rbase = row0 + 2 * CPB * t
                ib1 = pltpu.async_copy(src2d.at[pl.ds(rbase + CPB, CPB)],
                                       srcB, sem_ib)
                ib2 = pltpu.async_copy(dst2d.at[pl.ds(rbase + CPB, CPB)],
                                       dstB, sem_ib)
                gather_scatter_8(h_ref, srcA, dstA)
                ib1.wait()
                ib2.wait()
                ia1 = pltpu.async_copy(src2d.at[pl.ds(rbase + 2 * CPB, CPB)],
                                       srcA, sem_ia)
                ia2 = pltpu.async_copy(dst2d.at[pl.ds(rbase + 2 * CPB, CPB)],
                                       dstA, sem_ia)
                gather_scatter_8(h_ref, srcB, dstB)
                ia1.wait()
                ia2.wait()
                return carry
            lax.fori_loop(0, MAIN_T, t_body, 0)

        @pl.when(c == 0)
        def _():
            main_pass(h0)

        @pl.when(c == 1)
        def _():
            main_pass(h1)

        plsc.subcore_barrier()

        @pl.when(c == 0)
        def _():
            pltpu.sync_copy(acc_s.at[pl.ds(r0, ROWS_PER_TILE)],
                            s0_out.at[pl.ds(r0, ROWS_PER_TILE)])

        @pl.when(c == 1)
        def _():
            pltpu.sync_copy(acc_s.at[pl.ds(r0, ROWS_PER_TILE)],
                            s1_out.at[pl.ds(r0, ROWS_PER_TILE)])

        plsc.subcore_barrier()

        pltpu.sync_copy(zrows, acc_s.at[pl.ds(r0, ROWS_PER_TILE)])
        pltpu.sync_copy(ones_rows, rowsA)
        plsc.subcore_barrier()

        def deg_scatter_8(dstbuf):
            sds = [pltpu.async_copy(rowsA, acc_s.at[dstbuf.at[k]],
                                    ssem[k % 2], add=True)
                   for k in range(CPB)]
            for d in sds:
                d.wait()

        def deg_pass(core_row0):
            row0 = core_row0 + s * DEG_CPT
            pltpu.sync_copy(dst2d.at[pl.ds(row0, CPB)], dstA)

            def t_body(t, carry):
                rbase = row0 + 2 * CPB * t
                ib = pltpu.async_copy(dst2d.at[pl.ds(rbase + CPB, CPB)],
                                      dstB, sem_ib)
                deg_scatter_8(dstA)
                ib.wait()
                ia = pltpu.async_copy(dst2d.at[pl.ds(rbase + 2 * CPB, CPB)],
                                      dstA, sem_ia)
                deg_scatter_8(dstB)
                ia.wait()
                return carry
            lax.fori_loop(0, DEG_T, t_body, 0)
            deg_scatter_8(dstA)

        @pl.when(c == 0)
        def _():
            deg_pass(0)

        @pl.when(c == 1)
        def _():
            deg_pass(EROWS // 2)

        plsc.subcore_barrier()

        @pl.when(c == 0)
        def _():
            pltpu.sync_copy(acc_s.at[pl.ds(r0, ROWS_PER_TILE)],
                            d0_out.at[pl.ds(r0, ROWS_PER_TILE)])

        @pl.when(c == 1)
        def _():
            pltpu.sync_copy(acc_s.at[pl.ds(r0, ROWS_PER_TILE)],
                            d1_out.at[pl.ds(r0, ROWS_PER_TILE)])

    return mp_body


def _message_pass(h0, h1, src2d, dst2d, zrows, ones_rows):
    return _make_message_pass()(h0, h1, src2d, dst2d, zrows, ones_rows)


def _final_body(h0_ref, h1_ref, s0_ref, s1_ref, d0_ref, d1_ref, batch_ref,
                wmsg_ref, bmsg_ref, wout_ref, bout_ref, wtrunk_ref, btrunk_ref,
                out_ref, pooled_acc, cnt_acc):
    i = pl.program_id(0)

    @pl.when(i == 0)
    def _():
        pooled_acc[...] = jnp.zeros_like(pooled_acc)
        cnt_acc[...] = jnp.zeros_like(cnt_acc)

    h = jnp.concatenate([h0_ref[...], h1_ref[...]], axis=1)
    sums = jnp.concatenate([s0_ref[...], s1_ref[...]], axis=1)
    deg = (d0_ref[...] + d1_ref[...])[:, 0:1]
    agg = jnp.dot(sums, wmsg_ref[...], preferred_element_type=jnp.float32,
                  precision=lax.Precision.HIGHEST)
    agg = (agg + deg * bmsg_ref[...]) / jnp.maximum(deg, 1.0)
    h2 = jnp.maximum(h + agg, 0.0)

    b = batch_ref[0, 0, :]
    onehot = (b[None, :] == lax.broadcasted_iota(jnp.int32, (B, BLK), 0)
              ).astype(jnp.float32)
    pooled_acc[...] += jnp.dot(onehot, h2, preferred_element_type=jnp.float32,
                               precision=lax.Precision.HIGHEST)
    cnt_acc[...] += jnp.sum(onehot, axis=1, keepdims=True)

    @pl.when(i == NBLK - 1)
    def _():
        cnt = jnp.max(cnt_acc[...], axis=1, keepdims=True)
        pooled = pooled_acc[...] / jnp.maximum(cnt, 1.0)
        enc = jnp.dot(pooled, wout_ref[...], preferred_element_type=jnp.float32)
        enc = jnp.maximum(enc + bout_ref[...], 0.0)
        out_ref[...] = (jnp.dot(enc, wtrunk_ref[...],
                                preferred_element_type=jnp.float32)
                        + btrunk_ref[...])


def _final(h0, h1, s0, s1, d0, d1, batch3, wmsg, bmsg2, wout, bout2, wtrunkp, btrunk2):
    return pl.pallas_call(
        _final_body,
        grid=(NBLK,),
        in_specs=[
            pl.BlockSpec((BLK, HC), lambda i: (i, 0)),
            pl.BlockSpec((BLK, HC), lambda i: (i, 0)),
            pl.BlockSpec((BLK, HC), lambda i: (i, 0)),
            pl.BlockSpec((BLK, HC), lambda i: (i, 0)),
            pl.BlockSpec((BLK, HC), lambda i: (i, 0)),
            pl.BlockSpec((BLK, HC), lambda i: (i, 0)),
            pl.BlockSpec((1, 1, BLK), lambda i: (i, 0, 0)),
            pl.BlockSpec((H, H), lambda i: (0, 0)),
            pl.BlockSpec((1, H), lambda i: (0, 0)),
            pl.BlockSpec((H, H), lambda i: (0, 0)),
            pl.BlockSpec((1, H), lambda i: (0, 0)),
            pl.BlockSpec((H, 128), lambda i: (0, 0)),
            pl.BlockSpec((1, 128), lambda i: (0, 0)),
        ],
        out_specs=pl.BlockSpec((B, 128), lambda i: (0, 0)),
        out_shape=jax.ShapeDtypeStruct((B, 128), jnp.float32),
        scratch_shapes=[
            pltpu.VMEM((B, H), jnp.float32),
            pltpu.VMEM((B, 128), jnp.float32),
        ],
    )(h0, h1, s0, s1, d0, d1, batch3, wmsg, bmsg2, wout, bout2, wtrunkp, btrunk2)


def kernel(x, edge_index, batch, votes, W_in, b_in, W_msg, b_msg,
           W_out, b_out, W_trunk, b_trunk):
    f32 = jnp.float32
    xv = jnp.concatenate([x, votes], axis=1)
    xv = jnp.pad(xv, ((0, NPAD - N), (0, DPAD - D - 1)))
    winp = jnp.pad(W_in, ((0, DPAD - D - 1), (0, 0)))
    batch3 = jnp.pad(batch, (0, NPAD - N), constant_values=B).reshape(NBLK, 1, BLK)
    epad2 = EROWS_PAD * CHUNK
    src = jnp.pad(edge_index[0], (0, epad2 - E)).reshape(EROWS_PAD, CHUNK)
    dst = jnp.pad(edge_index[1], (0, epad2 - E),
                  constant_values=N).reshape(EROWS_PAD, CHUNK)

    h0, h1 = _encode(xv, winp, b_in.reshape(1, H))

    zrows = jnp.zeros((ROWS_PER_TILE, HC), f32)
    ones_rows = jnp.ones((CHUNK, HC), f32)
    s0, s1, d0, d1 = _message_pass(h0, h1, src, dst, zrows, ones_rows)

    wtrunkp = jnp.pad(W_trunk, ((0, 0), (0, 127)))
    out = _final(h0, h1, s0, s1, d0, d1, batch3,
                 W_msg, b_msg.reshape(1, H), W_out, b_out.reshape(1, H),
                 wtrunkp, jnp.pad(b_trunk.reshape(1, 1), ((0, 0), (0, 127))))
    return out[:, :1]

# --- scband reference (transcript-rebuilt; emitter-appended) ---
"""Pipeline reference for scband-discriminator-12395275616629 (READ-ONLY COPY).

The authoritative reference and input builder live on the scoring server;
editing this copy changes nothing except your own understanding.
"""

import jax, jax.numpy as jnp
import numpy as np

N = 10000
E = 160000
D = 256
H = 256
B = 64

def setup_inputs(seed: int = 0) -> dict:
    key = jax.random.key(seed)
    ks = jax.random.split(key, 12)
    x = jax.random.normal(ks[0], (N, D), dtype=jnp.float32)
    edge_index = jax.random.randint(ks[1], (2, E), 0, N, dtype=jnp.int32)
    batch = jnp.sort(jax.random.randint(ks[2], (N,), 0, B, dtype=jnp.int32))
    votes = jax.random.uniform(ks[3], (N, 1), dtype=jnp.float32)
    # Encoder + trunk parameters (WoBObservationEncoder approximated as a
    # one-round message-passing GNN over (node features || votes), followed by
    # per-graph mean pooling to hidden_dim; trunk is Linear(hidden_dim, 1)).
    W_in = jax.random.normal(ks[4], (D + 1, H), dtype=jnp.float32) * (1.0 / np.sqrt(D + 1))
    b_in = jnp.zeros((H,), dtype=jnp.float32)
    W_msg = jax.random.normal(ks[5], (H, H), dtype=jnp.float32) * (1.0 / np.sqrt(H))
    b_msg = jnp.zeros((H,), dtype=jnp.float32)
    W_out = jax.random.normal(ks[6], (H, H), dtype=jnp.float32) * (1.0 / np.sqrt(H))
    b_out = jnp.zeros((H,), dtype=jnp.float32)
    W_trunk = jax.random.normal(ks[7], (H, 1), dtype=jnp.float32) * (1.0 / np.sqrt(H))
    b_trunk = jnp.zeros((1,), dtype=jnp.float32)
    return {"x": x, "edge_index": edge_index, "batch": batch, "votes": votes,
            "W_in": W_in, "b_in": b_in, "W_msg": W_msg, "b_msg": b_msg,
            "W_out": W_out, "b_out": b_out, "W_trunk": W_trunk, "b_trunk": b_trunk}

def reference(x, edge_index, batch, votes, W_in, b_in, W_msg, b_msg, W_out, b_out, W_trunk, b_trunk):
    # Node encoding on concat(features, votes)
    h = jax.nn.relu(jnp.concatenate([x, votes], axis=1) @ W_in + b_in)
    src = edge_index[0]
    dst = edge_index[1]
    # Message passing: gather from src, transform, mean-aggregate at dst
    msgs = h[src] @ W_msg + b_msg
    agg = jax.ops.segment_sum(msgs, dst, num_segments=N)
    deg = jax.ops.segment_sum(jnp.ones((E,), dtype=jnp.float32), dst, num_segments=N)
    agg = agg / jnp.maximum(deg, 1.0)[:, None]
    h2 = jax.nn.relu(h + agg)
    # Per-graph mean pooling
    pooled = jax.ops.segment_sum(h2, batch, num_segments=B)
    cnt = jax.ops.segment_sum(jnp.ones((N,), dtype=jnp.float32), batch, num_segments=B)
    pooled = pooled / jnp.maximum(cnt, 1.0)[:, None]
    enc = jax.nn.relu(pooled @ W_out + b_out)
    # Trunk: Linear(hidden_dim, 1)
    return enc @ W_trunk + b_trunk

if __name__ == "__main__":
    import jax
    _d = setup_inputs()
    print(jax.jit(kernel)(*tuple(_d.values())))

</pallas_src>

<mosaic_0001>
#map = affine_map<(d0, d1) -> (0, 0)>
module attributes {stable_mosaic.version = 14 : i64} {
  func.func @mp_body(%arg0: i32, %arg1: i32, %arg2: memref<10240x128xf32, #tpu.memory_space<hbm>>, %arg3: memref<10240x128xf32, #tpu.memory_space<hbm>>, %arg4: memref<1288x128xi32, #tpu.memory_space<hbm>>, %arg5: memref<1288x128xi32, #tpu.memory_space<hbm>>, %arg6: memref<640x128xf32, #tpu.memory_space<hbm>>, %arg7: memref<128x128xf32, #tpu.memory_space<hbm>>, %arg8: memref<10240x128xf32, #tpu.memory_space<hbm>>, %arg9: memref<10240x128xf32, #tpu.memory_space<hbm>>, %arg10: memref<10240x128xf32, #tpu.memory_space<hbm>>, %arg11: memref<10240x128xf32, #tpu.memory_space<hbm>>, %arg12: memref<8x128xi32, #tpu.memory_space<vmem>>, %arg13: memref<8x128xi32, #tpu.memory_space<vmem>>, %arg14: memref<8x128xi32, #tpu.memory_space<vmem>>, %arg15: memref<8x128xi32, #tpu.memory_space<vmem>>, %arg16: memref<128x128xf32, #tpu.memory_space<vmem>>, %arg17: memref<128x128xf32, #tpu.memory_space<vmem>>, %arg18: memref<10240x128xf32, #tpu.memory_space<vmem_shared>>, %arg19: memref<!tpu.dma_semaphore, #tpu.memory_space<semaphore_mem>>, %arg20: memref<!tpu.dma_semaphore, #tpu.memory_space<semaphore_mem>>, %arg21: memref<!tpu.dma_semaphore, #tpu.memory_space<semaphore_mem>>, %arg22: memref<!tpu.dma_semaphore, #tpu.memory_space<semaphore_mem>>, %arg23: memref<!tpu.dma_semaphore, #tpu.memory_space<semaphore_mem>>, %arg24: memref<!tpu.dma_semaphore, #tpu.memory_space<semaphore_mem>>) attributes {dimension_semantics = [#tpu.dimension_semantics<core_parallel>, #tpu.dimension_semantics<subcore_parallel>], iteration_bounds = array<i64: 2, 16>, scalar_prefetch = 0 : i64, scratch_operands = 13 : i64, tpu.core_type = #tpu.core_type<sc_vector_subcore>, window_params = [{transform_indices = #map}, {transform_indices = #map}, {transform_indices = #map}, {transform_indices = #map}, {transform_indices = #map}, {transform_indices = #map}, {transform_indices = #map}, {transform_indices = #map}, {transform_indices = #map}, {transform_indices = #map}]} {
    %mul3A = arith.constant 640 : i32
    %mul3A_0 = arith.muli %arg1, %mul3A : i32
    "tpu.region"() ({
      %run_scoped3A = tpu.sem_alloc : memref<!tpu.dma_semaphore, #tpu.memory_space<semaphore_mem>>
      %dma_start3A = arith.constant 0 : i32
      %dma_start3A_42 = tpu.memref_slice %arg18[%mul3A_0, %dma_start3A] : memref<10240x128xf32, #tpu.memory_space<vmem_shared>> -> memref<640x128xf32, #tpu.memory_space<vmem_shared>>
      tpu.enqueue_dma source(%arg6 : memref<640x128xf32, #tpu.memory_space<hbm>>) target(%dma_start3A_42 : memref<640x128xf32, #tpu.memory_space<vmem_shared>>) target_semaphore(%run_scoped3A : memref<!tpu.dma_semaphore, #tpu.memory_space<semaphore_mem>>)
      %dma_wait3A = arith.constant 0 : i32
      %dma_wait3A_43 = tpu.memref_slice %arg18[%mul3A_0, %dma_wait3A] : memref<10240x128xf32, #tpu.memory_space<vmem_shared>> -> memref<640x128xf32, #tpu.memory_space<vmem_shared>>
      tpu.wait_dma2 semaphore(%run_scoped3A : memref<!tpu.dma_semaphore, #tpu.memory_space<semaphore_mem>>) src(%arg6 : memref<640x128xf32, #tpu.memory_space<hbm>>) dst(%dma_wait3A_43 : memref<640x128xf32, #tpu.memory_space<vmem_shared>>)
      tpu.yield
    }) : () -> ()
    %barrier3A = arith.constant 0 : index
    tpu.barrier barrier_id(%barrier3A)
    %eq3A = arith.constant 0 : i32
    %eq3A_1 = arith.cmpi eq, %arg0, %eq3A : i32
    %convert_element_type3A = arith.extui %eq3A_1 : i1 to i32
    %cond3A = arith.constant 0 : i32
    %cond3A_2 = arith.cmpi ne, %convert_element_type3A, %cond3A : i32
    scf.if %cond3A_2 {
      %mul3A_42 = arith.constant 80 : i32
      %mul3A_43 = arith.muli %arg1, %mul3A_42 : i32
      "tpu.region"() ({
        %run_scoped3A = tpu.sem_alloc : memref<!tpu.dma_semaphore, #tpu.memory_space<semaphore_mem>>
        %dma_start3A = arith.constant 0 : i32
        %dma_start3A_49 = tpu.memref_slice %arg4[%mul3A_43, %dma_start3A] : memref<1288x128xi32, #tpu.memory_space<hbm>> -> memref<8x128xi32, #tpu.memory_space<hbm>>
        %dma_start3A_50 = arith.constant 0 : i32
        %dma_start3A_51 = tpu.memref_slice %arg4[%mul3A_43, %dma_start3A_50] : memref<1288x128xi32, #tpu.memory_space<hbm>> -> memref<8x128xi32, #tpu.memory_space<hbm>>
        tpu.enqueue_dma source(%dma_start3A_51 : memref<8x128xi32, #tpu.memory_space<hbm>>) target(%arg12 : memref<8x128xi32, #tpu.memory_space<vmem>>) target_semaphore(%run_scoped3A : memref<!tpu.dma_semaphore, #tpu.memory_space<semaphore_mem>>)
        %dma_wait3A = arith.constant 0 : i32
        %dma_wait3A_52 = tpu.memref_slice %arg4[%mul3A_43, %dma_wait3A] : memref<1288x128xi32, #tpu.memory_space<hbm>> -> memref<8x128xi32, #tpu.memory_space<hbm>>
        %dma_wait3A_53 = arith.constant 0 : i32
        %dma_wait3A_54 = tpu.memref_slice %arg4[%mul3A_43, %dma_wait3A_53] : memref<1288x128xi32, #tpu.memory_space<hbm>> -> memref<8x128xi32, #tpu.memory_space<hbm>>
        tpu.wait_dma2 semaphore(%run_scoped3A : memref<!tpu.dma_semaphore, #tpu.memory_space<semaphore_mem>>) src(%dma_wait3A_54 : memref<8x128xi32, #tpu.memory_space<hbm>>) dst(%arg12 : memref<8x128xi32, #tpu.memory_space<vmem>>)
        tpu.yield
      }) : () -> ()
      "tpu.region"() ({
        %run_scoped3A = tpu.sem_alloc : memref<!tpu.dma_semaphore, #tpu.memory_space<semaphore_mem>>
        %dma_start3A = arith.constant 0 : i32
        %dma_start3A_49 = tpu.memref_slice %arg5[%mul3A_43, %dma_start3A] : memref<1288x128xi32, #tpu.memory_space<hbm>> -> memref<8x128xi32, #tpu.memory_space<hbm>>
        %dma_start3A_50 = arith.constant 0 : i32
        %dma_start3A_51 = tpu.memref_slice %arg5[%mul3A_43, %dma_start3A_50] : memref<1288x128xi32, #tpu.memory_space<hbm>> -> memref<8x128xi32, #tpu.memory_space<hbm>>
        tpu.enqueue_dma source(%dma_start3A_51 : memref<8x128xi32, #tpu.memory_space<hbm>>) target(%arg14 : memref<8x128xi32, #tpu.memory_space<vmem>>) target_semaphore(%run_scoped3A : memref<!tpu.dma_semaphore, #tpu.memory_space<semaphore_mem>>)
        %dma_wait3A = arith.constant 0 : i32
        %dma_wait3A_52 = tpu.memref_slice %arg5[%mul3A_43, %dma_wait3A] : memref<1288x128xi32, #tpu.memory_space<hbm>> -> memref<8x128xi32, #tpu.memory_space<hbm>>
        %dma_wait3A_53 = arith.constant 0 : i32
        %dma_wait3A_54 = tpu.memref_slice %arg5[%mul3A_43, %dma_wait3A_53] : memref<1288x128xi32, #tpu.memory_space<hbm>> -> memref<8x128xi32, #tpu.memory_space<hbm>>
        tpu.wait_dma2 semaphore(%run_scoped3A : memref<!tpu.dma_semaphore, #tpu.memory_space<semaphore_mem>>) src(%dma_wait3A_54 : memref<8x128xi32, #tpu.memory_space<hbm>>) dst(%arg14 : memref<8x128xi32, #tpu.memory_space<vmem>>)
        tpu.yield
      }) : () -> ()
      %scan3A = arith.constant 0 : i32
      %scan3A_44 = arith.constant 0 : i32
      %scan3A_45 = arith.constant 5 : i32
      %scan3A_46 = arith.addi %scan3A_44, %scan3A_45 : i32
      %scan3A_47 = arith.constant 1 : i32
      scf.for %scan3A_49 = %scan3A_44 to %scan3A_46 step %scan3A_47  : i32 {
        %mul3A_50 = arith.constant 16 : i32
        %mul3A_51 = arith.muli %mul3A_50, %scan3A_49 : i32
        %add3A = arith.addi %mul3A_43, %mul3A_51 : i32
        %add3A_52 = arith.constant 8 : i32
        %add3A_53 = arith.addi %add3A, %add3A_52 : i32
        %dma_start3A = arith.constant 0 : i32
        %dma_start3A_54 = tpu.memref_slice %arg4[%add3A_53, %dma_start3A] : memref<1288x128xi32, #tpu.memory_space<hbm>> -> memref<8x128xi32, #tpu.memory_space<hbm>>
        %dma_start3A_55 = arith.constant 0 : i32
        %dma_start3A_56 = tpu.memref_slice %arg4[%add3A_53, %dma_start3A_55] : memref<1288x128xi32, #tpu.memory_space<hbm>> -> memref<8x128xi32, #tpu.memory_space<hbm>>
        tpu.enqueue_dma source(%dma_start3A_56 : memref<8x128xi32, #tpu.memory_space<hbm>>) target(%arg13 : memref<8x128xi32, #tpu.memory_space<vmem>>) target_semaphore(%arg24 : memref<!tpu.dma_semaphore, #tpu.memory_space<semaphore_mem>>)
        %add3A_57 = arith.constant 8 : i32
        %add3A_58 = arith.addi %add3A, %add3A_57 : i32
        %dma_start3A_59 = arith.constant 0 : i32
        %dma_start3A_60 = tpu.memref_slice %arg5[%add3A_58, %dma_start3A_59] : memref<1288x128xi32, #tpu.memory_space<hbm>> -> memref<8x128xi32, #tpu.memory_space<hbm>>
        %dma_start3A_61 = arith.constant 0 : i32
        %dma_start3A_62 = tpu.memref_slice %arg5[%add3A_58, %dma_start3A_61] : memref<1288x128xi32, #tpu.memory_space<hbm>> -> memref<8x128xi32, #tpu.memory_space<hbm>>
        tpu.enqueue_dma source(%dma_start3A_62 : memref<8x128xi32, #tpu.memory_space<hbm>>) target(%arg15 : memref<8x128xi32, #tpu.memory_space<vmem>>) target_semaphore(%arg24 : memref<!tpu.dma_semaphore, #tpu.memory_space<semaphore_mem>>)
        %dma_start3A_63 = arith.constant 0 : i32
        %dma_start3A_64 = arith.constant 0 : i32
        %dma_start3A_65 = tpu.memref_slice %arg12[%dma_start3A_63, %dma_start3A_64] : memref<8x128xi32, #tpu.memory_space<vmem>> -> memref<1x128xi32, #tpu.memory_space<vmem>>
        %dma_start3A_66 = tpu.memref_squeeze %dma_start3A_65 : memref<1x128xi32, #tpu.memory_space<vmem>> -> memref<128xi32, #tpu.memory_space<vmem>>
        %dma_start3A_67 = arith.constant 0 : i32
        %dma_start3A_68 = arith.constant 0 : i32
        %dma_start3A_69 = tpu.memref_slice %arg2[%dma_start3A_67, %dma_start3A_68] : memref<10240x128xf32, #tpu.memory_space<hbm>> -> memref<10240x128xf32, #tpu.memory_space<hbm>>
        tpu.enqueue_indirect_dma source(%dma_start3A_69 : memref<10240x128xf32, #tpu.memory_space<hbm>>) target(%arg16 : memref<128x128xf32, #tpu.memory_space<vmem>>) offsets(%dma_start3A_66 : memref<128xi32, #tpu.memory_space<vmem>>) semaphore(%arg19 : memref<!tpu.dma_semaphore, #tpu.memory_space<semaphore_mem>>)
        %dma_wait3A = arith.constant 0 : i32
        %dma_wait3A_70 = arith.constant 0 : i32
        %dma_wait3A_71 = tpu.memref_slice %arg12[%dma_wait3A, %dma_wait3A_70] : memref<8x128xi32, #tpu.memory_space<vmem>> -> memref<1x128xi32, #tpu.memory_space<vmem>>
        %dma_wait3A_72 = tpu.memref_squeeze %dma_wait3A_71 : memref<1x128xi32, #tpu.memory_space<vmem>> -> memref<128xi32, #tpu.memory_space<vmem>>
        %dma_wait3A_73 = arith.constant 0 : i32
        %dma_wait3A_74 = arith.constant 0 : i32
        %dma_wait3A_75 = tpu.memref_slice %arg2[%dma_wait3A_73, %dma_wait3A_74] : memref<10240x128xf32, #tpu.memory_space<hbm>> -> memref<10240x128xf32, #tpu.memory_space<hbm>>
        tpu.wait_indirect_dma semaphore(%arg19 : memref<!tpu.dma_semaphore, #tpu.memory_space<semaphore_mem>>) src(%dma_wait3A_75 : memref<10240x128xf32, #tpu.memory_space<hbm>>) dst(%arg16 : memref<128x128xf32, #tpu.memory_space<vmem>>)
        %dma_start3A_76 = arith.constant 0 : i32
        %dma_start3A_77 = arith.constant 0 : i32
        %dma_start3A_78 = tpu.memref_slice %arg14[%dma_start3A_76, %dma_start3A_77] : memref<8x128xi32, #tpu.memory_space<vmem>> -> memref<1x128xi32, #tpu.memory_space<vmem>>
        %dma_start3A_79 = tpu.memref_squeeze %dma_start3A_78 : memref<1x128xi32, #tpu.memory_space<vmem>> -> memref<128xi32, #tpu.memory_space<vmem>>
        %dma_start3A_80 = arith.constant 0 : i32
        %dma_start3A_81 = arith.constant 0 : i32
        %dma_start3A_82 = tpu.memref_slice %arg18[%dma_start3A_80, %dma_start3A_81] : memref<10240x128xf32, #tpu.memory_space<vmem_shared>> -> memref<10240x128xf32, #tpu.memory_space<vmem_shared>>
        tpu.enqueue_indirect_dma source(%arg16 : memref<128x128xf32, #tpu.memory_space<vmem>>) target(%dma_start3A_82 : memref<10240x128xf32, #tpu.memory_space<vmem_shared>>) offsets(%dma_start3A_79 : memref<128xi32, #tpu.memory_space<vmem>>) semaphore(%arg21 : memref<!tpu.dma_semaphore, #tpu.memory_space<semaphore_mem>>) {add = true}
        %dma_start3A_83 = arith.constant 1 : i32
        %dma_start3A_84 = arith.constant 0 : i32
        %dma_start3A_85 = tpu.memref_slice %arg12[%dma_start3A_83, %dma_start3A_84] : memref<8x128xi32, #tpu.memory_space<vmem>> -> memref<1x128xi32, #tpu.memory_space<vmem>>
        %dma_start3A_86 = tpu.memref_squeeze %dma_start3A_85 : memref<1x128xi32, #tpu.memory_space<vmem>> -> memref<128xi32, #tpu.memory_space<vmem>>
        %dma_start3A_87 = arith.constant 0 : i32
        %dma_start3A_88 = arith.constant 0 : i32
        %dma_start3A_89 = tpu.memref_slice %arg2[%dma_start3A_87, %dma_start3A_88] : memref<10240x128xf32, #tpu.memory_space<hbm>> -> memref<10240x128xf32, #tpu.memory_space<hbm>>
        tpu.enqueue_indirect_dma source(%dma_start3A_89 : memref<10240x128xf32, #tpu.memory_space<hbm>>) target(%arg17 : memref<128x128xf32, #tpu.memory_space<vmem>>) offsets(%dma_start3A_86 : memref<128xi32, #tpu.memory_space<vmem>>) semaphore(%arg20 : memref<!tpu.dma_semaphore, #tpu.memory_space<semaphore_mem>>)
        %dma_wait3A_90 = arith.constant 1 : i32
        %dma_wait3A_91 = arith.constant 0 : i32
        %dma_wait3A_92 = tpu.memref_slice %arg12[%dma_wait3A_90, %dma_wait3A_91] : memref<8x128xi32, #tpu.memory_space<vmem>> -> memref<1x128xi32, #tpu.memory_space<vmem>>
        %dma_wait3A_93 = tpu.memref_squeeze %dma_wait3A_92 : memref<1x128xi32, #tpu.memory_space<vmem>> -> memref<128xi32, #tpu.memory_space<vmem>>
        %dma_wait3A_94 = arith.constant 0 : i32
        %dma_wait3A_95 = arith.constant 0 : i32
        %dma_wait3A_96 = tpu.memref_slice %arg2[%dma_wait3A_94, %dma_wait3A_95] : memref<10240x128xf32, #tpu.memory_space<hbm>> -> memref<10240x128xf32, #tpu.memory_space<hbm>>
        tpu.wait_indirect_dma semaphore(%arg20 : memref<!tpu.dma_semaphore, #tpu.memory_space<semaphore_mem>>) src(%dma_wait3A_96 : memref<10240x128xf32, #tpu.memory_space<hbm>>) dst(%arg17 : memref<128x128xf32, #tpu.memory_space<vmem>>)
        %dma_start3A_97 = arith.constant 1 : i32
        %dma_start3A_98 = arith.constant 0 : i32
        %dma_start3A_99 = tpu.memref_slice %arg14[%dma_start3A_97, %dma_start3A_98] : memref<8x128xi32, #tpu.memory_space<vmem>> -> memref<1x128xi32, #tpu.memory_space<vmem>>
        %dma_start3A_100 = tpu.memref_squeeze %dma_start3A_99 : memref<1x128xi32, #tpu.memory_space<vmem>> -> memref<128xi32, #tpu.memory_space<vmem>>
        %dma_start3A_101 = arith.constant 0 : i32
        %dma_start3A_102 = arith.constant 0 : i32
        %dma_start3A_103 = tpu.memref_slice %arg18[%dma_start3A_101, %dma_start3A_102] : memref<10240x128xf32, #tpu.memory_space<vmem_shared>> -> memref<10240x128xf32, #tpu.memory_space<vmem_shared>>
        tpu.enqueue_indirect_dma source(%arg17 : memref<128x128xf32, #tpu.memory_space<vmem>>) target(%dma_start3A_103 : memref<10240x128xf32, #tpu.memory_space<vmem_shared>>) offsets(%dma_start3A_100 : memref<128xi32, #tpu.memory_space<vmem>>) semaphore(%arg22 : memref<!tpu.dma_semaphore, #tpu.memory_space<semaphore_mem>>) {add = true}
        %dma_wait3A_104 = arith.constant 0 : i32
        %dma_wait3A_105 = arith.constant 0 : i32
        %dma_wait3A_106 = tpu.memref_slice %arg14[%dma_wait3A_104, %dma_wait3A_105] : memref<8x128xi32, #tpu.memory_space<vmem>> -> memref<1x128xi32, #tpu.memory_space<vmem>>
        %dma_wait3A_107 = tpu.memref_squeeze %dma_wait3A_106 : memref<1x128xi32, #tpu.memory_space<vmem>> -> memref<128xi32, #tpu.memory_space<vmem>>
        %dma_wait3A_108 = arith.constant 0 : i32
        %dma_wait3A_109 = arith.constant 0 : i32
        %dma_wait3A_110 = tpu.memref_slice %arg18[%dma_wait3A_108, %dma_wait3A_109] : memref<10240x128xf32, #tpu.memory_space<vmem_shared>> -> memref<10240x128xf32, #tpu.memory_space<vmem_shared>>
        tpu.wait_indirect_dma semaphore(%arg21 : memref<!tpu.dma_semaphore, #tpu.memory_space<semaphore_mem>>) src(%arg16 : memref<128x128xf32, #tpu.memory_space<vmem>>) dst(%dma_wait3A_110 : memref<10240x128xf32, #tpu.memory_space<vmem_shared>>)
        %dma_start3A_111 = arith.constant 2 : i32
        %dma_start3A_112 = arith.constant 0 : i32
        %dma_start3A_113 = tpu.memref_slice %arg12[%dma_start3A_111, %dma_start3A_112] : memref<8x128xi32, #tpu.memory_space<vmem>> -> memref<1x128xi32, #tpu.memory_space<vmem>>
        %dma_start3A_114 = tpu.memref_squeeze %dma_start3A_113 : memref<1x128xi32, #tpu.memory_space<vmem>> -> memref<128xi32, #tpu.memory_space<vmem>>
        %dma_start3A_115 = arith.constant 0 : i32
        %dma_start3A_116 = arith.constant 0 : i32
        %dma_start3A_117 = tpu.memref_slice %arg2[%dma_start3A_115, %dma_start3A_116] : memref<10240x128xf32, #tpu.memory_space<hbm>> -> memref<10240x128xf32, #tpu.memory_space<hbm>>
        tpu.enqueue_indirect_dma source(%dma_start3A_117 : memref<10240x128xf32, #tpu.memory_space<hbm>>) target(%arg16 : memref<128x128xf32, #tpu.memory_space<vmem>>) offsets(%dma_start3A_114 : memref<128xi32, #tpu.memory_space<vmem>>) semaphore(%arg19 : memref<!tpu.dma_semaphore, #tpu.memory_space<semaphore_mem>>)
        %dma_wait3A_118 = arith.constant 2 : i32
        %dma_wait3A_119 = arith.constant 0 : i32
        %dma_wait3A_120 = tpu.memref_slice %arg12[%dma_wait3A_118, %dma_wait3A_119] : memref<8x128xi32, #tpu.memory_space<vmem>> -> memref<1x128xi32, #tpu.memory_space<vmem>>
        %dma_wait3A_121 = tpu.memref_squeeze %dma_wait3A_120 : memref<1x128xi32, #tpu.memory_space<vmem>> -> memref<128xi32, #tpu.memory_space<vmem>>
        %dma_wait3A_122 = arith.constant 0 : i32
        %dma_wait3A_123 = arith.constant 0 : i32
        %dma_wait3A_124 = tpu.memref_slice %arg2[%dma_wait3A_122, %dma_wait3A_123] : memref<10240x128xf32, #tpu.memory_space<hbm>> -> memref<10240x128xf32, #tpu.memory_space<hbm>>
        tpu.wait_indirect_dma semaphore(%arg19 : memref<!tpu.dma_semaphore, #tpu.memory_space<semaphore_mem>>) src(%dma_wait3A_124 : memref<10240x128xf32, #tpu.memory_space<hbm>>) dst(%arg16 : memref<128x128xf32, #tpu.memory_space<vmem>>)
        %dma_start3A_125 = arith.constant 2 : i32
        %dma_start3A_126 = arith.constant 0 : i32
        %dma_start3A_127 = tpu.memref_slice %arg14[%dma_start3A_125, %dma_start3A_126] : memref<8x128xi32, #tpu.memory_space<vmem>> -> memref<1x128xi32, #tpu.memory_space<vmem>>
        %dma_start3A_128 = tpu.memref_squeeze %dma_start3A_127 : memref<1x128xi32, #tpu.memory_space<vmem>> -> memref<128xi32, #tpu.memory_space<vmem>>
        %dma_start3A_129 = arith.constant 0 : i32
        %dma_start3A_130 = arith.constant 0 : i32
        %dma_start3A_131 = tpu.memref_slice %arg18[%dma_start3A_129, %dma_start3A_130] : memref<10240x128xf32, #tpu.memory_space<vmem_shared>> -> memref<10240x128xf32, #tpu.memory_space<vmem_shared>>
        tpu.enqueue_indirect_dma source(%arg16 : memref<128x128xf32, #tpu.memory_space<vmem>>) target(%dma_start3A_131 : memref<10240x128xf32, #tpu.memory_space<vmem_shared>>) offsets(%dma_start3A_128 : memref<128xi32, #tpu.memory_space<vmem>>) semaphore(%arg21 : memref<!tpu.dma_semaphore, #tpu.memory_space<semaphore_mem>>) {add = true}
        %dma_wait3A_132 = arith.constant 1 : i32
        %dma_wait3A_133 = arith.constant 0 : i32
        %dma_wait3A_134 = tpu.memref_slice %arg14[%dma_wait3A_132, %dma_wait3A_133] : memref<8x128xi32, #tpu.memory_space<vmem>> -> memref<1x128xi32, #tpu.memory_space<vmem>>
        %dma_wait3A_135 = tpu.memref_squeeze %dma_wait3A_134 : memref<1x128xi32, #tpu.memory_space<vmem>> -> memref<128xi32, #tpu.memory_space<vmem>>
        %dma_wait3A_136 = arith.constant 0 : i32
        %dma_wait3A_137 = arith.constant 0 : i32
        %dma_wait3A_138 = tpu.memref_slice %arg18[%dma_wait3A_136, %dma_wait3A_137] : memref<10240x128xf32, #tpu.memory_space<vmem_shared>> -> memref<10240x128xf32, #tpu.memory_space<vmem_shared>>
        tpu.wait_indirect_dma semaphore(%arg22 : memref<!tpu.dma_semaphore, #tpu.memory_space<semaphore_mem>>) src(%arg17 : memref<128x128xf32, #tpu.memory_space<vmem>>) dst(%dma_wait3A_138 : memref<10240x128xf32, #tpu.memory_space<vmem_shared>>)
        %dma_start3A_139 = arith.constant 3 : i32
        %dma_start3A_140 = arith.constant 0 : i32
        %dma_start3A_141 = tpu.memref_slice %arg12[%dma_start3A_139, %dma_start3A_140] : memref<8x128xi32, #tpu.memory_space<vmem>> -> memref<1x128xi32, #tpu.memory_space<vmem>>
        %dma_start3A_142 = tpu.memref_squeeze %dma_start3A_141 : memref<1x128xi32, #tpu.memory_space<vmem>> -> memref<128xi32, #tpu.memory_space<vmem>>
        %dma_start3A_143 = arith.constant 0 : i32
        %dma_start3A_144 = arith.constant 0 : i32
        %dma_start3A_145 = tpu.memref_slice %arg2[%dma_start3A_143, %dma_start3A_144] : memref<10240x128xf32, #tpu.memory_space<hbm>> -> memref<10240x128xf32, #tpu.memory_space<hbm>>
        tpu.enqueue_indirect_dma source(%dma_start3A_145 : memref<10240x128xf32, #tpu.memory_space<hbm>>) target(%arg17 : memref<128x128xf32, #tpu.memory_space<vmem>>) offsets(%dma_start3A_142 : memref<128xi32, #tpu.memory_space<vmem>>) semaphore(%arg20 : memref<!tpu.dma_semaphore, #tpu.memory_space<semaphore_mem>>)
        %dma_wait3A_146 = arith.constant 3 : i32
        %dma_wait3A_147 = arith.constant 0 : i32
        %dma_wait3A_148 = tpu.memref_slice %arg12[%dma_wait3A_146, %dma_wait3A_147] : memref<8x128xi32, #tpu.memory_space<vmem>> -> memref<1x128xi32, #tpu.memory_space<vmem>>
        %dma_wait3A_149 = tpu.memref_squeeze %dma_wait3A_148 : memref<1x128xi32, #tpu.memory_space<vmem>> -> memref<128xi32, #tpu.memory_space<vmem>>
        %dma_wait3A_150 = arith.constant 0 : i32
        %dma_wait3A_151 = arith.constant 0 : i32
        %dma_wait3A_152 = tpu.memref_slice %arg2[%dma_wait3A_150, %dma_wait3A_151] : memref<10240x128xf32, #tpu.memory_space<hbm>> -> memref<10240x128xf32, #tpu.memory_space<hbm>>
        tpu.wait_indirect_dma semaphore(%arg20 : memref<!tpu.dma_semaphore, #tpu.memory_space<semaphore_mem>>) src(%dma_wait3A_152 : memref<10240x128xf32, #tpu.memory_space<hbm>>) dst(%arg17 : memref<128x128xf32, #tpu.memory_space<vmem>>)
        %dma_start3A_153 = arith.constant 3 : i32
        %dma_start3A_154 = arith.constant 0 : i32
        %dma_start3A_155 = tpu.memref_slice %arg14[%dma_start3A_153, %dma_start3A_154] : memref<8x128xi32, #tpu.memory_space<vmem>> -> memref<1x128xi32, #tpu.memory_space<vmem>>
        %dma_start3A_156 = tpu.memref_squeeze %dma_start3A_155 : memref<1x128xi32, #tpu.memory_space<vmem>> -> memref<128xi32, #tpu.memory_space<vmem>>
        %dma_start3A_157 = arith.constant 0 : i32
        %dma_start3A_158 = arith.constant 0 : i32
        %dma_start3A_159 = tpu.memref_slice %arg18[%dma_start3A_157, %dma_start3A_158] : memref<10240x128xf32, #tpu.memory_space<vmem_shared>> -> memref<10240x128xf32, #tpu.memory_space<vmem_shared>>
        tpu.enqueue_indirect_dma source(%arg17 : memref<128x128xf32, #tpu.memory_space<vmem>>) target(%dma_start3A_159 : memref<10240x128xf32, #tpu.memory_space<vmem_shared>>) offsets(%dma_start3A_156 : memref<128xi32, #tpu.memory_space<vmem>>) semaphore(%arg22 : memref<!tpu.dma_semaphore, #tpu.memory_space<semaphore_mem>>) {add = true}
        %dma_wait3A_160 = arith.constant 2 : i32
        %dma_wait3A_161 = arith.constant 0 : i32
        %dma_wait3A_162 = tpu.memref_slice %arg14[%dma_wait3A_160, %dma_wait3A_161] : memref<8x128xi32, #tpu.memory_space<vmem>> -> memref<1x128xi32, #tpu.memory_space<vmem>>
        %dma_wait3A_163 = tpu.memref_squeeze %dma_wait3A_162 : memref<1x128xi32, #tpu.memory_space<vmem>> -> memref<128xi32, #tpu.memory_space<vmem>>
        %dma_wait3A_164 = arith.constant 0 : i32
        %dma_wait3A_165 = arith.constant 0 : i32
        %dma_wait3A_166 = tpu.memref_slice %arg18[%dma_wait3A_164, %dma_wait3A_165] : memref<10240x128xf32, #tpu.memory_space<vmem_shared>> -> memref<10240x128xf32, #tpu.memory_space<vmem_shared>>
        tpu.wait_indirect_dma semaphore(%arg21 : memref<!tpu.dma_semaphore, #tpu.memory_space<semaphore_mem>>) src(%arg16 : memref<128x128xf32, #tpu.memory_space<vmem>>) dst(%dma_wait3A_166 : memref<10240x128xf32, #tpu.memory_space<vmem_shared>>)
        %dma_start3A_167 = arith.constant 4 : i32
        %dma_start3A_168 = arith.constant 0 : i32
        %dma_start3A_169 = tpu.memref_slice %arg12[%dma_start3A_167, %dma_start3A_168] : memref<8x128xi32, #tpu.memory_space<vmem>> -> memref<1x128xi32, #tpu.memory_space<vmem>>
        %dma_start3A_170 = tpu.memref_squeeze %dma_start3A_169 : memref<1x128xi32, #tpu.memory_space<vmem>> -> memref<128xi32, #tpu.memory_space<vmem>>
        %dma_start3A_171 = arith.constant 0 : i32
        %dma_start3A_172 = arith.constant 0 : i32
        %dma_start3A_173 = tpu.memref_slice %arg2[%dma_start3A_171, %dma_start3A_172] : memref<10240x128xf32, #tpu.memory_space<hbm>> -> memref<10240x128xf32, #tpu.memory_space<hbm>>
        tpu.enqueue_indirect_dma source(%dma_start3A_173 : memref<10240x128xf32, #tpu.memory_space<hbm>>) target(%arg16 : memref<128x128xf32, #tpu.memory_space<vmem>>) offsets(%dma_start3A_170 : memref<128xi32, #tpu.memory_space<vmem>>) semaphore(%arg19 : memref<!tpu.dma_semaphore, #tpu.memory_space<semaphore_mem>>)
        %dma_wait3A_174 = arith.constant 4 : i32
        %dma_wait3A_175 = arith.constant 0 : i32
        %dma_wait3A_176 = tpu.memref_slice %arg12[%dma_wait3A_174, %dma_wait3A_175] : memref<8x128xi32, #tpu.memory_space<vmem>> -> memref<1x128xi32, #tpu.memory_space<vmem>>
        %dma_wait3A_177 = tpu.memref_squeeze %dma_wait3A_176 : memref<1x128xi32, #tpu.memory_space<vmem>> -> memref<128xi32, #tpu.memory_space<vmem>>
        %dma_wait3A_178 = arith.constant 0 : i32
        %dma_wait3A_179 = arith.constant 0 : i32
        %dma_wait3A_180 = tpu.memref_slice %arg2[%dma_wait3A_178, %dma_wait3A_179] : memref<10240x128xf32, #tpu.memory_space<hbm>> -> memref<10240x128xf32, #tpu.memory_space<hbm>>
        tpu.wait_indirect_dma semaphore(%arg19 : memref<!tpu.dma_semaphore, #tpu.memory_space<semaphore_mem>>) src(%dma_wait3A_180 : memref<10240x128xf32, #tpu.memory_space<hbm>>) dst(%arg16 : memref<128x128xf32, #tpu.memory_space<vmem>>)
        %dma_start3A_181 = arith.constant 4 : i32
        %dma_start3A_182 = arith.constant 0 : i32
        %dma_start3A_183 = tpu.memref_slice %arg14[%dma_start3A_181, %dma_start3A_182] : memref<8x128xi32, #tpu.memory_space<vmem>> -> memref<1x128xi32, #tpu.memory_space<vmem>>
        %dma_start3A_184 = tpu.memref_squeeze %dma_start3A_183 : memref<1x128xi32, #tpu.memory_space<vmem>> -> memref<128xi32, #tpu.memory_space<vmem>>
        %dma_start3A_185 = arith.constant 0 : i32
        %dma_start3A_186 = arith.constant 0 : i32
        %dma_start3A_187 = tpu.memref_slice %arg18[%dma_start3A_185, %dma_start3A_186] : memref<10240x128xf32, #tpu.memory_space<vmem_shared>> -> memref<10240x128xf32, #tpu.memory_space<vmem_shared>>
        tpu.enqueue_indirect_dma source(%arg16 : memref<128x128xf32, #tpu.memory_space<vmem>>) target(%dma_start3A_187 : memref<10240x128xf32, #tpu.memory_space<vmem_shared>>) offsets(%dma_start3A_184 : memref<128xi32, #tpu.memory_space<vmem>>) semaphore(%arg21 : memref<!tpu.dma_semaphore, #tpu.memory_space<semaphore_mem>>) {add = true}
        %dma_wait3A_188 = arith.constant 3 : i32
        %dma_wait3A_189 = arith.constant 0 : i32
        %dma_wait3A_190 = tpu.memref_slice %arg14[%dma_wait3A_188, %dma_wait3A_189] : memref<8x128xi32, #tpu.memory_space<vmem>> -> memref<1x128xi32, #tpu.memory_space<vmem>>
        %dma_wait3A_191 = tpu.memref_squeeze %dma_wait3A_190 : memref<1x128xi32, #tpu.memory_space<vmem>> -> memref<128xi32, #tpu.memory_space<vmem>>
        %dma_wait3A_192 = arith.constant 0 : i32
        %dma_wait3A_193 = arith.constant 0 : i32
        %dma_wait3A_194 = tpu.memref_slice %arg18[%dma_wait3A_192, %dma_wait3A_193] : memref<10240x128xf32, #tpu.memory_space<vmem_shared>> -> memref<10240x128xf32, #tpu.memory_space<vmem_shared>>
        tpu.wait_indirect_dma semaphore(%arg22 : memref<!tpu.dma_semaphore, #tpu.memory_space<semaphore_mem>>) src(%arg17 : memref<128x128xf32, #tpu.memory_space<vmem>>) dst(%dma_wait3A_194 : memref<10240x128xf32, #tpu.memory_space<vmem_shared>>)
        %dma_start3A_195 = arith.constant 5 : i32
        %dma_start3A_196 = arith.constant 0 : i32
        %dma_start3A_197 = tpu.memref_slice %arg12[%dma_start3A_195, %dma_start3A_196] : memref<8x128xi32, #tpu.memory_space<vmem>> -> memref<1x128xi32, #tpu.memory_space<vmem>>
        %dma_start3A_198 = tpu.memref_squeeze %dma_start3A_197 : memref<1x128xi32, #tpu.memory_space<vmem>> -> memref<128xi32, #tpu.memory_space<vmem>>
        %dma_start3A_199 = arith.constant 0 : i32
        %dma_start3A_200 = arith.constant 0 : i32
        %dma_start3A_201 = tpu.memref_slice %arg2[%dma_start3A_199, %dma_start3A_200] : memref<10240x128xf32, #tpu.memory_space<hbm>> -> memref<10240x128xf32, #tpu.memory_space<hbm>>
        tpu.enqueue_indirect_dma source(%dma_start3A_201 : memref<10240x128xf32, #tpu.memory_space<hbm>>) target(%arg17 : memref<128x128xf32, #tpu.memory_space<vmem>>) offsets(%dma_start3A_198 : memref<128xi32, #tpu.memory_space<vmem>>) semaphore(%arg20 : memref<!tpu.dma_semaphore, #tpu.memory_space<semaphore_mem>>)
        %dma_wait3A_202 = arith.constant 5 : i32
        %dma_wait3A_203 = arith.constant 0 : i32
        %dma_wait3A_204 = tpu.memref_slice %arg12[%dma_wait3A_202, %dma_wait3A_203] : memref<8x128xi32, #tpu.memory_space<vmem>> -> memref<1x128xi32, #tpu.memory_space<vmem>>
        %dma_wait3A_205 = tpu.memref_squeeze %dma_wait3A_204 : memref<1x128xi32, #tpu.memory_space<vmem>> -> memref<128xi32, #tpu.memory_space<vmem>>
        %dma_wait3A_206 = arith.constant 0 : i32
        %dma_wait3A_207 = arith.constant 0 : i32
        %dma_wait3A_208 = tpu.memref_slice %arg2[%dma_wait3A_206, %dma_wait3A_207] : memref<10240x128xf32, #tpu.memory_space<hbm>> -> memref<10240x128xf32, #tpu.memory_space<hbm>>
        tpu.wait_indirect_dma semaphore(%arg20 : memref<!tpu.dma_semaphore, #tpu.memory_space<semaphore_mem>>) src(%dma_wait3A_208 : memref<10240x128xf32, #tpu.memory_space<hbm>>) dst(%arg17 : memref<128x128xf32, #tpu.memory_space<vmem>>)
        %dma_start3A_209 = arith.constant 5 : i32
        %dma_start3A_210 = arith.constant 0 : i32
        %dma_start3A_211 = tpu.memref_slice %arg14[%dma_start3A_209, %dma_start3A_210] : memref<8x128xi32, #tpu.memory_space<vmem>> -> memref<1x128xi32, #tpu.memory_space<vmem>>
        %dma_start3A_212 = tpu.memref_squeeze %dma_start3A_211 : memref<1x128xi32, #tpu.memory_space<vmem>> -> memref<128xi32, #tpu.memory_space<vmem>>
        %dma_start3A_213 = arith.constant 0 : i32
        %dma_start3A_214 = arith.constant 0 : i32
        %dma_start3A_215 = tpu.memref_slice %arg18[%dma_start3A_213, %dma_start3A_214] : memref<10240x128xf32, #tpu.memory_space<vmem_shared>> -> memref<10240x128xf32, #tpu.memory_space<vmem_shared>>
        tpu.enqueue_indirect_dma source(%arg17 : memref<128x128xf32, #tpu.memory_space<vmem>>) target(%dma_start3A_215 : memref<10240x128xf32, #tpu.memory_space<vmem_shared>>) offsets(%dma_start3A_212 : memref<128xi32, #tpu.memory_space<vmem>>) semaphore(%arg22 : memref<!tpu.dma_semaphore, #tpu.memory_space<semaphore_mem>>) {add = true}
        %dma_wait3A_216 = arith.constant 4 : i32
        %dma_wait3A_217 = arith.constant 0 : i32
        %dma_wait3A_218 = tpu.memref_slice %arg14[%dma_wait3A_216, %dma_wait3A_217] : memref<8x128xi32, #tpu.memory_space<vmem>> -> memref<1x128xi32, #tpu.memory_space<vmem>>
        %dma_wait3A_219 = tpu.memref_squeeze %dma_wait3A_218 : memref<1x128xi32, #tpu.memory_space<vmem>> -> memref<128xi32, #tpu.memory_space<vmem>>
        %dma_wait3A_220 = arith.constant 0 : i32
        %dma_wait3A_221 = arith.constant 0 : i32
        %dma_wait3A_222 = tpu.memref_slice %arg18[%dma_wait3A_220, %dma_wait3A_221] : memref<10240x128xf32, #tpu.memory_space<vmem_shared>> -> memref<10240x128xf32, #tpu.memory_space<vmem_shared>>
        tpu.wait_indirect_dma semaphore(%arg21 : memref<!tpu.dma_semaphore, #tpu.memory_space<semaphore_mem>>) src(%arg16 : memref<128x128xf32, #tpu.memory_space<vmem>>) dst(%dma_wait3A_222 : memref<10240x128xf32, #tpu.memory_space<vmem_shared>>)
        %dma_start3A_223 = arith.constant 6 : i32
        %dma_start3A_224 = arith.constant 0 : i32
        %dma_start3A_225 = tpu.memref_slice %arg12[%dma_start3A_223, %dma_start3A_224] : memref<8x128xi32, #tpu.memory_space<vmem>> -> memref<1x128xi32, #tpu.memory_space<vmem>>
        %dma_start3A_226 = tpu.memref_squeeze %dma_start3A_225 : memref<1x128xi32, #tpu.memory_space<vmem>> -> memref<128xi32, #tpu.memory_space<vmem>>
        %dma_start3A_227 = arith.constant 0 : i32
        %dma_start3A_228 = arith.constant 0 : i32
        %dma_start3A_229 = tpu.memref_slice %arg2[%dma_start3A_227, %dma_start3A_228] : memref<10240x128xf32, #tpu.memory_space<hbm>> -> memref<10240x128xf32, #tpu.memory_space<hbm>>
        tpu.enqueue_indirect_dma source(%dma_start3A_229 : memref<10240x128xf32, #tpu.memory_space<hbm>>) target(%arg16 : memref<128x128xf32, #tpu.memory_space<vmem>>) offsets(%dma_start3A_226 : memref<128xi32, #tpu.memory_space<vmem>>) semaphore(%arg19 : memref<!tpu.dma_semaphore, #tpu.memory_space<semaphore_mem>>)
        %dma_wait3A_230 = arith.constant 6 : i32
        %dma_wait3A_231 = arith.constant 0 : i32
        %dma_wait3A_232 = tpu.memref_slice %arg12[%dma_wait3A_230, %dma_wait3A_231] : memref<8x128xi32, #tpu.memory_space<vmem>> -> memref<1x128xi32, #tpu.memory_space<vmem>>
        %dma_wait3A_233 = tpu.memref_squeeze %dma_wait3A_232 : memref<1x128xi32, #tpu.memory_space<vmem>> -> memref<128xi32, #tpu.memory_space<vmem>>
        %dma_wait3A_234 = arith.constant 0 : i32
        %dma_wait3A_235 = arith.constant 0 : i32
        %dma_wait3A_236 = tpu.memref_slice %arg2[%dma_wait3A_234, %dma_wait3A_235] : memref<10240x128xf32, #tpu.memory_space<hbm>> -> memref<10240x128xf32, #tpu.memory_space<hbm>>
        tpu.wait_indirect_dma semaphore(%arg19 : memref<!tpu.dma_semaphore, #tpu.memory_space<semaphore_mem>>) src(%dma_wait3A_236 : memref<10240x128xf32, #tpu.memory_space<hbm>>) dst(%arg16 : memref<128x128xf32, #tpu.memory_space<vmem>>)
        %dma_start3A_237 = arith.constant 6 : i32
        %dma_start3A_238 = arith.constant 0 : i32
        %dma_start3A_239 = tpu.memref_slice %arg14[%dma_start3A_237, %dma_start3A_238] : memref<8x128xi32, #tpu.memory_space<vmem>> -> memref<1x128xi32, #tpu.memory_space<vmem>>
        %dma_start3A_240 = tpu.memref_squeeze %dma_start3A_239 : memref<1x128xi32, #tpu.memory_space<vmem>> -> memref<128xi32, #tpu.memory_space<vmem>>
        %dma_start3A_241 = arith.constant 0 : i32
        %dma_start3A_242 = arith.constant 0 : i32
        %dma_start3A_243 = tpu.memref_slice %arg18[%dma_start3A_241, %dma_start3A_242] : memref<10240x128xf32, #tpu.memory_space<vmem_shared>> -> memref<10240x128xf32, #tpu.memory_space<vmem_shared>>
        tpu.enqueue_indirect_dma source(%arg16 : memref<128x128xf32, #tpu.memory_space<vmem>>) target(%dma_start3A_243 : memref<10240x128xf32, #tpu.memory_space<vmem_shared>>) offsets(%dma_start3A_240 : memref<128xi32, #tpu.memory_space<vmem>>) semaphore(%arg21 : memref<!tpu.dma_semaphore, #tpu.memory_space<semaphore_mem>>) {add = true}
        %dma_wait3A_244 = arith.constant 5 : i32
        %dma_wait3A_245 = arith.constant 0 : i32
        %dma_wait3A_246 = tpu.memref_slice %arg14[%dma_wait3A_244, %dma_wait3A_245] : memref<8x128xi32, #tpu.memory_space<vmem>> -> memref<1x128xi32, #tpu.memory_space<vmem>>
        %dma_wait3A_247 = tpu.memref_squeeze %dma_wait3A_246 : memref<1x128xi32, #tpu.memory_space<vmem>> -> memref<128xi32, #tpu.memory_space<vmem>>
        %dma_wait3A_248 = arith.constant 0 : i32
        %dma_wait3A_249 = arith.constant 0 : i32
        %dma_wait3A_250 = tpu.memref_slice %arg18[%dma_wait3A_248, %dma_wait3A_249] : memref<10240x128xf32, #tpu.memory_space<vmem_shared>> -> memref<10240x128xf32, #tpu.memory_space<vmem_shared>>
        tpu.wait_indirect_dma semaphore(%arg22 : memref<!tpu.dma_semaphore, #tpu.memory_space<semaphore_mem>>) src(%arg17 : memref<128x128xf32, #tpu.memory_space<vmem>>) dst(%dma_wait3A_250 : memref<10240x128xf32, #tpu.memory_space<vmem_shared>>)
        %dma_start3A_251 = arith.constant 7 : i32
        %dma_start3A_252 = arith.constant 0 : i32
        %dma_start3A_253 = tpu.memref_slice %arg12[%dma_start3A_251, %dma_start3A_252] : memref<8x128xi32, #tpu.memory_space<vmem>> -> memref<1x128xi32, #tpu.memory_space<vmem>>
        %dma_start3A_254 = tpu.memref_squeeze %dma_start3A_253 : memref<1x128xi32, #tpu.memory_space<vmem>> -> memref<128xi32, #tpu.memory_space<vmem>>
        %dma_start3A_255 = arith.constant 0 : i32
        %dma_start3A_256 = arith.constant 0 : i32
        %dma_start3A_257 = tpu.memref_slice %arg2[%dma_start3A_255, %dma_start3A_256] : memref<10240x128xf32, #tpu.memory_space<hbm>> -> memref<10240x128xf32, #tpu.memory_space<hbm>>
        tpu.enqueue_indirect_dma source(%dma_start3A_257 : memref<10240x128xf32, #tpu.memory_space<hbm>>) target(%arg17 : memref<128x128xf32, #tpu.memory_space<vmem>>) offsets(%dma_start3A_254 : memref<128xi32, #tpu.memory_space<vmem>>) semaphore(%arg20 : memref<!tpu.dma_semaphore, #tpu.memory_space<semaphore_mem>>)
        %dma_wait3A_258 = arith.constant 7 : i32
        %dma_wait3A_259 = arith.constant 0 : i32
        %dma_wait3A_260 = tpu.memref_slice %arg12[%dma_wait3A_258, %dma_wait3A_259] : memref<8x128xi32, #tpu.memory_space<vmem>> -> memref<1x128xi32, #tpu.memory_space<vmem>>
        %dma_wait3A_261 = tpu.memref_squeeze %dma_wait3A_260 : memref<1x128xi32, #tpu.memory_space<vmem>> -> memref<128xi32, #tpu.memory_space<vmem>>
        %dma_wait3A_262 = arith.constant 0 : i32
        %dma_wait3A_263 = arith.constant 0 : i32
        %dma_wait3A_264 = tpu.memref_slice %arg2[%dma_wait3A_262, %dma_wait3A_263] : memref<10240x128xf32, #tpu.memory_space<hbm>> -> memref<10240x128xf32, #tpu.memory_space<hbm>>
        tpu.wait_indirect_dma semaphore(%arg20 : memref<!tpu.dma_semaphore, #tpu.memory_space<semaphore_mem>>) src(%dma_wait3A_264 : memref<10240x128xf32, #tpu.memory_space<hbm>>) dst(%arg17 : memref<128x128xf32, #tpu.memory_space<vmem>>)
        %dma_start3A_265 = arith.constant 7 : i32
        %dma_start3A_266 = arith.constant 0 : i32
        %dma_start3A_267 = tpu.memref_slice %arg14[%dma_start3A_265, %dma_start3A_266] : memref<8x128xi32, #tpu.memory_space<vmem>> -> memref<1x128xi32, #tpu.memory_space<vmem>>
        %dma_start3A_268 = tpu.memref_squeeze %dma_start3A_267 : memref<1x128xi32, #tpu.memory_space<vmem>> -> memref<128xi32, #tpu.memory_space<vmem>>
        %dma_start3A_269 = arith.constant 0 : i32
        %dma_start3A_270 = arith.constant 0 : i32
        %dma_start3A_271 = tpu.memref_slice %arg18[%dma_start3A_269, %dma_start3A_270] : memref<10240x128xf32, #tpu.memory_space<vmem_shared>> -> memref<10240x128xf32, #tpu.memory_space<vmem_shared>>
        tpu.enqueue_indirect_dma source(%arg17 : memref<128x128xf32, #tpu.memory_space<vmem>>) target(%dma_start3A_271 : memref<10240x128xf32, #tpu.memory_space<vmem_shared>>) offsets(%dma_start3A_268 : memref<128xi32, #tpu.memory_space<vmem>>) semaphore(%arg22 : memref<!tpu.dma_semaphore, #tpu.memory_space<semaphore_mem>>) {add = true}
        %dma_wait3A_272 = arith.constant 6 : i32
        %dma_wait3A_273 = arith.constant 0 : i32
        %dma_wait3A_274 = tpu.memref_slice %arg14[%dma_wait3A_272, %dma_wait3A_273] : memref<8x128xi32, #tpu.memory_space<vmem>> -> memref<1x128xi32, #tpu.memory_space<vmem>>
        %dma_wait3A_275 = tpu.memref_squeeze %dma_wait3A_274 : memref<1x128xi32, #tpu.memory_space<vmem>> -> memref<128xi32, #tpu.memory_space<vmem>>
        %dma_wait3A_276 = arith.constant 0 : i32
        %dma_wait3A_277 = arith.constant 0 : i32
        %dma_wait3A_278 = tpu.memref_slice %arg18[%dma_wait3A_276, %dma_wait3A_277] : memref<10240x128xf32, #tpu.memory_space<vmem_shared>> -> memref<10240x128xf32, #tpu.memory_space<vmem_shared>>
        tpu.wait_indirect_dma semaphore(%arg21 : memref<!tpu.dma_semaphore, #tpu.memory_space<semaphore_mem>>) src(%arg16 : memref<128x128xf32, #tpu.memory_space<vmem>>) dst(%dma_wait3A_278 : memref<10240x128xf32, #tpu.memory_space<vmem_shared>>)
        %dma_wait3A_279 = arith.constant 7 : i32
        %dma_wait3A_280 = arith.constant 0 : i32
        %dma_wait3A_281 = tpu.memref_slice %arg14[%dma_wait3A_279, %dma_wait3A_280] : memref<8x128xi32, #tpu.memory_space<vmem>> -> memref<1x128xi32, #tpu.memory_space<vmem>>
        %dma_wait3A_282 = tpu.memref_squeeze %dma_wait3A_281 : memref<1x128xi32, #tpu.memory_space<vmem>> -> memref<128xi32, #tpu.memory_space<vmem>>
        %dma_wait3A_283 = arith.constant 0 : i32
        %dma_wait3A_284 = arith.constant 0 : i32
        %dma_wait3A_285 = tpu.memref_slice %arg18[%dma_wait3A_283, %dma_wait3A_284] : memref<10240x128xf32, #tpu.memory_space<vmem_shared>> -> memref<10240x128xf32, #tpu.memory_space<vmem_shared>>
        tpu.wait_indirect_dma semaphore(%arg22 : memref<!tpu.dma_semaphore, #tpu.memory_space<semaphore_mem>>) src(%arg17 : memref<128x128xf32, #tpu.memory_space<vmem>>) dst(%dma_wait3A_285 : memref<10240x128xf32, #tpu.memory_space<vmem_shared>>)
        %dma_wait3A_286 = arith.constant 0 : i32
        %dma_wait3A_287 = tpu.memref_slice %arg4[%add3A_53, %dma_wait3A_286] : memref<1288x128xi32, #tpu.memory_space<hbm>> -> memref<8x128xi32, #tpu.memory_space<hbm>>
        %dma_wait3A_288 = arith.constant 0 : i32
        %dma_wait3A_289 = tpu.memref_slice %arg4[%add3A_53, %dma_wait3A_288] : memref<1288x128xi32, #tpu.memory_space<hbm>> -> memref<8x128xi32, #tpu.memory_space<hbm>>
        tpu.wait_dma2 semaphore(%arg24 : memref<!tpu.dma_semaphore, #tpu.memory_space<semaphore_mem>>) src(%dma_wait3A_289 : memref<8x128xi32, #tpu.memory_space<hbm>>) dst(%arg13 : memref<8x128xi32, #tpu.memory_space<vmem>>)
        %dma_wait3A_290 = arith.constant 0 : i32
        %dma_wait3A_291 = tpu.memref_slice %arg5[%add3A_58, %dma_wait3A_290] : memref<1288x128xi32, #tpu.memory_space<hbm>> -> memref<8x128xi32, #tpu.memory_space<hbm>>
        %dma_wait3A_292 = arith.constant 0 : i32
        %dma_wait3A_293 = tpu.memref_slice %arg5[%add3A_58, %dma_wait3A_292] : memref<1288x128xi32, #tpu.memory_space<hbm>> -> memref<8x128xi32, #tpu.memory_space<hbm>>
        tpu.wait_dma2 semaphore(%arg24 : memref<!tpu.dma_semaphore, #tpu.memory_space<semaphore_mem>>) src(%dma_wait3A_293 : memref<8x128xi32, #tpu.memory_space<hbm>>) dst(%arg15 : memref<8x128xi32, #tpu.memory_space<vmem>>)
        %add3A_294 = arith.constant 16 : i32
        %add3A_295 = arith.addi %add3A, %add3A_294 : i32
        %dma_start3A_296 = arith.constant 0 : i32
        %dma_start3A_297 = tpu.memref_slice %arg4[%add3A_295, %dma_start3A_296] : memref<1288x128xi32, #tpu.memory_space<hbm>> -> memref<8x128xi32, #tpu.memory_space<hbm>>
        %dma_start3A_298 = arith.constant 0 : i32
        %dma_start3A_299 = tpu.memref_slice %arg4[%add3A_295, %dma_start3A_298] : memref<1288x128xi32, #tpu.memory_space<hbm>> -> memref<8x128xi32, #tpu.memory_space<hbm>>
        tpu.enqueue_dma source(%dma_start3A_299 : memref<8x128xi32, #tpu.memory_space<hbm>>) target(%arg12 : memref<8x128xi32, #tpu.memory_space<vmem>>) target_semaphore(%arg23 : memref<!tpu.dma_semaphore, #tpu.memory_space<semaphore_mem>>)
        %add3A_300 = arith.constant 16 : i32
        %add3A_301 = arith.addi %add3A, %add3A_300 : i32
        %dma_start3A_302 = arith.constant 0 : i32
        %dma_start3A_303 = tpu.memref_slice %arg5[%add3A_301, %dma_start3A_302] : memref<1288x128xi32, #tpu.memory_space<hbm>> -> memref<8x128xi32, #tpu.memory_space<hbm>>
        %dma_start3A_304 = arith.constant 0 : i32
        %dma_start3A_305 = tpu.memref_slice %arg5[%add3A_301, %dma_start3A_304] : memref<1288x128xi32, #tpu.memory_space<hbm>> -> memref<8x128xi32, #tpu.memory_space<hbm>>
        tpu.enqueue_dma source(%dma_start3A_305 : memref<8x128xi32, #tpu.memory_space<hbm>>) target(%arg14 : memref<8x128xi32, #tpu.memory_space<vmem>>) target_semaphore(%arg23 : memref<!tpu.dma_semaphore, #tpu.memory_space<semaphore_mem>>)
        %dma_start3A_306 = arith.constant 0 : i32
        %dma_start3A_307 = arith.constant 0 : i32
        %dma_start3A_308 = tpu.memref_slice %arg13[%dma_start3A_306, %dma_start3A_307] : memref<8x128xi32, #tpu.memory_space<vmem>> -> memref<1x128xi32, #tpu.memory_space<vmem>>
        %dma_start3A_309 = tpu.memref_squeeze %dma_start3A_308 : memref<1x128xi32, #tpu.memory_space<vmem>> -> memref<128xi32, #tpu.memory_space<vmem>>
        %dma_start3A_310 = arith.constant 0 : i32
        %dma_start3A_311 = arith.constant 0 : i32
        %dma_start3A_312 = tpu.memref_slice %arg2[%dma_start3A_310, %dma_start3A_311] : memref<10240x128xf32, #tpu.memory_space<hbm>> -> memref<10240x128xf32, #tpu.memory_space<hbm>>
        tpu.enqueue_indirect_dma source(%dma_start3A_312 : memref<10240x128xf32, #tpu.memory_space<hbm>>) target(%arg16 : memref<128x128xf32, #tpu.memory_space<vmem>>) offsets(%dma_start3A_309 : memref<128xi32, #tpu.memory_space<vmem>>) semaphore(%arg19 : memref<!tpu.dma_semaphore, #tpu.memory_space<semaphore_mem>>)
        %dma_wait3A_313 = arith.constant 0 : i32
        %dma_wait3A_314 = arith.constant 0 : i32
        %dma_wait3A_315 = tpu.memref_slice %arg13[%dma_wait3A_313, %dma_wait3A_314] : memref<8x128xi32, #tpu.memory_space<vmem>> -> memref<1x128xi32, #tpu.memory_space<vmem>>
        %dma_wait3A_316 = tpu.memref_squeeze %dma_wait3A_315 : memref<1x128xi32, #tpu.memory_space<vmem>> -> memref<128xi32, #tpu.memory_space<vmem>>
        %dma_wait3A_317 = arith.constant 0 : i32
        %dma_wait3A_318 = arith.constant 0 : i32
        %dma_wait3A_319 = tpu.memref_slice %arg2[%dma_wait3A_317, %dma_wait3A_318] : memref<10240x128xf32, #tpu.memory_space<hbm>> -> memref<10240x128xf32, #tpu.memory_space<hbm>>
        tpu.wait_indirect_dma semaphore(%arg19 : memref<!tpu.dma_semaphore, #tpu.memory_space<semaphore_mem>>) src(%dma_wait3A_319 : memref<10240x128xf32, #tpu.memory_space<hbm>>) dst(%arg16 : memref<128x128xf32, #tpu.memory_space<vmem>>)
        %dma_start3A_320 = arith.constant 0 : i32
        %dma_start3A_321 = arith.constant 0 : i32
        %dma_start3A_322 = tpu.memref_slice %arg15[%dma_start3A_320, %dma_start3A_321] : memref<8x128xi32, #tpu.memory_space<vmem>> -> memref<1x128xi32, #tpu.memory_space<vmem>>
        %dma_start3A_323 = tpu.memref_squeeze %dma_start3A_322 : memref<1x128xi32, #tpu.memory_space<vmem>> -> memref<128xi32, #tpu.memory_space<vmem>>
        %dma_start3A_324 = arith.constant 0 : i32
        %dma_start3A_325 = arith.constant 0 : i32
        %dma_start3A_326 = tpu.memref_slice %arg18[%dma_start3A_324, %dma_start3A_325] : memref<10240x128xf32, #tpu.memory_space<vmem_shared>> -> memref<10240x128xf32, #tpu.memory_space<vmem_shared>>
        tpu.enqueue_indirect_dma source(%arg16 : memref<128x128xf32, #tpu.memory_space<vmem>>) target(%dma_start3A_326 : memref<10240x128xf32, #tpu.memory_space<vmem_shared>>) offsets(%dma_start3A_323 : memref<128xi32, #tpu.memory_space<vmem>>) semaphore(%arg21 : memref<!tpu.dma_semaphore, #tpu.memory_space<semaphore_mem>>) {add = true}
        %dma_start3A_327 = arith.constant 1 : i32
        %dma_start3A_328 = arith.constant 0 : i32
        %dma_start3A_329 = tpu.memref_slice %arg13[%dma_start3A_327, %dma_start3A_328] : memref<8x128xi32, #tpu.memory_space<vmem>> -> memref<1x128xi32, #tpu.memory_space<vmem>>
        %dma_start3A_330 = tpu.memref_squeeze %dma_start3A_329 : memref<1x128xi32, #tpu.memory_space<vmem>> -> memref<128xi32, #tpu.memory_space<vmem>>
        %dma_start3A_331 = arith.constant 0 : i32
        %dma_start3A_332 = arith.constant 0 : i32
        %dma_start3A_333 = tpu.memref_slice %arg2[%dma_start3A_331, %dma_start3A_332] : memref<10240x128xf32, #tpu.memory_space<hbm>> -> memref<10240x128xf32, #tpu.memory_space<hbm>>
        tpu.enqueue_indirect_dma source(%dma_start3A_333 : memref<10240x128xf32, #tpu.memory_space<hbm>>) target(%arg17 : memref<128x128xf32, #tpu.memory_space<vmem>>) offsets(%dma_start3A_330 : memref<128xi32, #tpu.memory_space<vmem>>) semaphore(%arg20 : memref<!tpu.dma_semaphore, #tpu.memory_space<semaphore_mem>>)
        %dma_wait3A_334 = arith.constant 1 : i32
        %dma_wait3A_335 = arith.constant 0 : i32
        %dma_wait3A_336 = tpu.memref_slice %arg13[%dma_wait3A_334, %dma_wait3A_335] : memref<8x128xi32, #tpu.memory_space<vmem>> -> memref<1x128xi32, #tpu.memory_space<vmem>>
        %dma_wait3A_337 = tpu.memref_squeeze %dma_wait3A_336 : memref<1x128xi32, #tpu.memory_space<vmem>> -> memref<128xi32, #tpu.memory_space<vmem>>
        %dma_wait3A_338 = arith.constant 0 : i32
        %dma_wait3A_339 = arith.constant 0 : i32
        %dma_wait3A_340 = tpu.memref_slice %arg2[%dma_wait3A_338, %dma_wait3A_339] : memref<10240x128xf32, #tpu.memory_space<hbm>> -> memref<10240x128xf32, #tpu.memory_space<hbm>>
        tpu.wait_indirect_dma semaphore(%arg20 : memref<!tpu.dma_semaphore, #tpu.memory_space<semaphore_mem>>) src(%dma_wait3A_340 : memref<10240x128xf32, #tpu.memory_space<hbm>>) dst(%arg17 : memref<128x128xf32, #tpu.memory_space<vmem>>)
        %dma_start3A_341 = arith.constant 1 : i32
        %dma_start3A_342 = arith.constant 0 : i32
        %dma_start3A_343 = tpu.memref_slice %arg15[%dma_start3A_341, %dma_start3A_342] : memref<8x128xi32, #tpu.memory_space<vmem>> -> memref<1x128xi32, #tpu.memory_space<vmem>>
        %dma_start3A_344 = tpu.memref_squeeze %dma_start3A_343 : memref<1x128xi32, #tpu.memory_space<vmem>> -> memref<128xi32, #tpu.memory_space<vmem>>
        %dma_start3A_345 = arith.constant 0 : i32
        %dma_start3A_346 = arith.constant 0 : i32
        %dma_start3A_347 = tpu.memref_slice %arg18[%dma_start3A_345, %dma_start3A_346] : memref<10240x128xf32, #tpu.memory_space<vmem_shared>> -> memref<10240x128xf32, #tpu.memory_space<vmem_shared>>
        tpu.enqueue_indirect_dma source(%arg17 : memref<128x128xf32, #tpu.memory_space<vmem>>) target(%dma_start3A_347 : memref<10240x128xf32, #tpu.memory_space<vmem_shared>>) offsets(%dma_start3A_344 : memref<128xi32, #tpu.memory_space<vmem>>) semaphore(%arg22 : memref<!tpu.dma_semaphore, #tpu.memory_space<semaphore_mem>>) {add = true}
        %dma_wait3A_348 = arith.constant 0 : i32
        %dma_wait3A_349 = arith.constant 0 : i32
        %dma_wait3A_350 = tpu.memref_slice %arg15[%dma_wait3A_348, %dma_wait3A_349] : memref<8x128xi32, #tpu.memory_space<vmem>> -> memref<1x128xi32, #tpu.memory_space<vmem>>
        %dma_wait3A_351 = tpu.memref_squeeze %dma_wait3A_350 : memref<1x128xi32, #tpu.memory_space<vmem>> -> memref<128xi32, #tpu.memory_space<vmem>>
        %dma_wait3A_352 = arith.constant 0 : i32
        %dma_wait3A_353 = arith.constant 0 : i32
        %dma_wait3A_354 = tpu.memref_slice %arg18[%dma_wait3A_352, %dma_wait3A_353] : memref<10240x128xf32, #tpu.memory_space<vmem_shared>> -> memref<10240x128xf32, #tpu.memory_space<vmem_shared>>
        tpu.wait_indirect_dma semaphore(%arg21 : memref<!tpu.dma_semaphore, #tpu.memory_space<semaphore_mem>>) src(%arg16 : memref<128x128xf32, #tpu.memory_space<vmem>>) dst(%dma_wait3A_354 : memref<10240x128xf32, #tpu.memory_space<vmem_shared>>)
        %dma_start3A_355 = arith.constant 2 : i32
        %dma_start3A_356 = arith.constant 0 : i32
        %dma_start3A_357 = tpu.memref_slice %arg13[%dma_start3A_355, %dma_start3A_356] : memref<8x128xi32, #tpu.memory_space<vmem>> -> memref<1x128xi32, #tpu.memory_space<vmem>>
        %dma_start3A_358 = tpu.memref_squeeze %dma_start3A_357 : memref<1x128xi32, #tpu.memory_space<vmem>> -> memref<128xi32, #tpu.memory_space<vmem>>
        %dma_start3A_359 = arith.constant 0 : i32
        %dma_start3A_360 = arith.constant 0 : i32
        %dma_start3A_361 = tpu.memref_slice %arg2[%dma_start3A_359, %dma_start3A_360] : memref<10240x128xf32, #tpu.memory_space<hbm>> -> memref<10240x128xf32, #tpu.memory_space<hbm>>
        tpu.enqueue_indirect_dma source(%dma_start3A_361 : memref<10240x128xf32, #tpu.memory_space<hbm>>) target(%arg16 : memref<128x128xf32, #tpu.memory_space<vmem>>) offsets(%dma_start3A_358 : memref<128xi32, #tpu.memory_space<vmem>>) semaphore(%arg19 : memref<!tpu.dma_semaphore, #tpu.memory_space<semaphore_mem>>)
        %dma_wait3A_362 = arith.constant 2 : i32
        %dma_wait3A_363 = arith.constant 0 : i32
        %dma_wait3A_364 = tpu.memref_slice %arg13[%dma_wait3A_362, %dma_wait3A_363] : memref<8x128xi32, #tpu.memory_space<vmem>> -> memref<1x128xi32, #tpu.memory_space<vmem>>
        %dma_wait3A_365 = tpu.memref_squeeze %dma_wait3A_364 : memref<1x128xi32, #tpu.memory_space<vmem>> -> memref<128xi32, #tpu.memory_space<vmem>>
        %dma_wait3A_366 = arith.constant 0 : i32
        %dma_wait3A_367 = arith.constant 0 : i32
        %dma_wait3A_368 = tpu.memref_slice %arg2[%dma_wait3A_366, %dma_wait3A_367] : memref<10240x128xf32, #tpu.memory_space<hbm>> -> memref<10240x128xf32, #tpu.memory_space<hbm>>
        tpu.wait_indirect_dma semaphore(%arg19 : memref<!tpu.dma_semaphore, #tpu.memory_space<semaphore_mem>>) src(%dma_wait3A_368 : memref<10240x128xf32, #tpu.memory_space<hbm>>) dst(%arg16 : memref<128x128xf32, #tpu.memory_space<vmem>>)
        %dma_start3A_369 = arith.constant 2 : i32
        %dma_start3A_370 = arith.constant 0 : i32
        %dma_start3A_371 = tpu.memref_slice %arg15[%dma_start3A_369, %dma_start3A_370] : memref<8x128xi32, #tpu.memory_space<vmem>> -> memref<1x128xi32, #tpu.memory_space<vmem>>
        %dma_start3A_372 = tpu.memref_squeeze %dma_start3A_371 : memref<1x128xi32, #tpu.memory_space<vmem>> -> memref<128xi32, #tpu.memory_space<vmem>>
        %dma_start3A_373 = arith.constant 0 : i32
        %dma_start3A_374 = arith.constant 0 : i32
        %dma_start3A_375 = tpu.memref_slice %arg18[%dma_start3A_373, %dma_start3A_374] : memref<10240x128xf32, #tpu.memory_space<vmem_shared>> -> memref<10240x128xf32, #tpu.memory_space<vmem_shared>>
        tpu.enqueue_indirect_dma source(%arg16 : memref<128x128xf32, #tpu.memory_space<vmem>>) target(%dma_start3A_375 : memref<10240x128xf32, #tpu.memory_space<vmem_shared>>) offsets(%dma_start3A_372 : memref<128xi32, #tpu.memory_space<vmem>>) semaphore(%arg21 : memref<!tpu.dma_semaphore, #tpu.memory_space<semaphore_mem>>) {add = true}
        %dma_wait3A_376 = arith.constant 1 : i32
        %dma_wait3A_377 = arith.constant 0 : i32
        %dma_wait3A_378 = tpu.memref_slice %arg15[%dma_wait3A_376, %dma_wait3A_377] : memref<8x128xi32, #tpu.memory_space<vmem>> -> memref<1x128xi32, #tpu.memory_space<vmem>>
        %dma_wait3A_379 = tpu.memref_squeeze %dma_wait3A_378 : memref<1x128xi32, #tpu.memory_space<vmem>> -> memref<128xi32, #tpu.memory_space<vmem>>
        %dma_wait3A_380 = arith.constant 0 : i32
        %dma_wait3A_381 = arith.constant 0 : i32
        %dma_wait3A_382 = tpu.memref_slice %arg18[%dma_wait3A_380, %dma_wait3A_381] : memref<10240x128xf32, #tpu.memory_space<vmem_shared>> -> memref<10240x128xf32, #tpu.memory_space<vmem_shared>>
        tpu.wait_indirect_dma semaphore(%arg22 : memref<!tpu.dma_semaphore, #tpu.memory_space<semaphore_mem>>) src(%arg17 : memref<128x128xf32, #tpu.memory_space<vmem>>) dst(%dma_wait3A_382 : memref<10240x128xf32, #tpu.memory_space<vmem_shared>>)
        %dma_start3A_383 = arith.constant 3 : i32
        %dma_start3A_384 = arith.constant 0 : i32
        %dma_start3A_385 = tpu.memref_slice %arg13[%dma_start3A_383, %dma_start3A_384] : memref<8x128xi32, #tpu.memory_space<vmem>> -> memref<1x128xi32, #tpu.memory_space<vmem>>
        %dma_start3A_386 = tpu.memref_squeeze %dma_start3A_385 : memref<1x128xi32, #tpu.memory_space<vmem>> -> memref<128xi32, #tpu.memory_space<vmem>>
        %dma_start3A_387 = arith.constant 0 : i32
        %dma_start3A_388 = arith.constant 0 : i32
        %dma_start3A_389 = tpu.memref_slice %arg2[%dma_start3A_387, %dma_start3A_388] : memref<10240x128xf32, #tpu.memory_space<hbm>> -> memref<10240x128xf32, #tpu.memory_space<hbm>>
        tpu.enqueue_indirect_dma source(%dma_start3A_389 : memref<10240x128xf32, #tpu.memory_space<hbm>>) target(%arg17 : memref<128x128xf32, #tpu.memory_space<vmem>>) offsets(%dma_start3A_386 : memref<128xi32, #tpu.memory_space<vmem>>) semaphore(%arg20 : memref<!tpu.dma_semaphore, #tpu.memory_space<semaphore_mem>>)
        %dma_wait3A_390 = arith.constant 3 : i32
        %dma_wait3A_391 = arith.constant 0 : i32
        %dma_wait3A_392 = tpu.memref_slice %arg13[%dma_wait3A_390, %dma_wait3A_391] : memref<8x128xi32, #tpu.memory_space<vmem>> -> memref<1x128xi32, #tpu.memory_space<vmem>>
        %dma_wait3A_393 = tpu.memref_squeeze %dma_wait3A_392 : memref<1x128xi32, #tpu.memory_space<vmem>> -> memref<128xi32, #tpu.memory_space<vmem>>
        %dma_wait3A_394 = arith.constant 0 : i32
        %dma_wait3A_395 = arith.constant 0 : i32
        %dma_wait3A_396 = tpu.memref_slice %arg2[%dma_wait3A_394, %dma_wait3A_395] : memref<10240x128xf32, #tpu.memory_space<hbm>> -> memref<10240x128xf32, #tpu.memory_space<hbm>>
        tpu.wait_indirect_dma semaphore(%arg20 : memref<!tpu.dma_semaphore, #tpu.memory_space<semaphore_mem>>) src(%dma_wait3A_396 : memref<10240x128xf32, #tpu.memory_space<hbm>>) dst(%arg17 : memref<128x128xf32, #tpu.memory_space<vmem>>)
        %dma_start3A_397 = arith.constant 3 : i32
        %dma_start3A_398 = arith.constant 0 : i32
        %dma_start3A_399 = tpu.memref_slice %arg15[%dma_start3A_397, %dma_start3A_398] : memref<8x128xi32, #tpu.memory_space<vmem>> -> memref<1x128xi32, #tpu.memory_space<vmem>>
        %dma_start3A_400 = tpu.memref_squeeze %dma_start3A_399 : memref<1x128xi32, #tpu.memory_space<vmem>> -> memref<128xi32, #tpu.memory_space<vmem>>
        %dma_start3A_401 = arith.constant 0 : i32
        %dma_start3A_402 = arith.constant 0 : i32
        %dma_start3A_403 = tpu.memref_slice %arg18[%dma_start3A_401, %dma_start3A_402] : memref<10240x128xf32, #tpu.memory_space<vmem_shared>> -> memref<10240x128xf32, #tpu.memory_space<vmem_shared>>
        tpu.enqueue_indirect_dma source(%arg17 : memref<128x128xf32, #tpu.memory_space<vmem>>) target(%dma_start3A_403 : memref<10240x128xf32, #tpu.memory_space<vmem_shared>>) offsets(%dma_start3A_400 : memref<128xi32, #tpu.memory_space<vmem>>) semaphore(%arg22 : memref<!tpu.dma_semaphore, #tpu.memory_space<semaphore_mem>>) {add = true}
        %dma_wait3A_404 = arith.constant 2 : i32
        %dma_wait3A_405 = arith.constant 0 : i32
        %dma_wait3A_406 = tpu.memref_slice %arg15[%dma_wait3A_404, %dma_wait3A_405] : memref<8x128xi32, #tpu.memory_space<vmem>> -> memref<1x128xi32, #tpu.memory_space<vmem>>
        %dma_wait3A_407 = tpu.memref_squeeze %dma_wait3A_406 : memref<1x128xi32, #tpu.memory_space<vmem>> -> memref<128xi32, #tpu.memory_space<vmem>>
        %dma_wait3A_408 = arith.constant 0 : i32
        %dma_wait3A_409 = arith.constant 0 : i32
        %dma_wait3A_410 = tpu.memref_slice %arg18[%dma_wait3A_408, %dma_wait3A_409] : memref<10240x128xf32, #tpu.memory_space<vmem_shared>> -> memref<10240x128xf32, #tpu.memory_space<vmem_shared>>
        tpu.wait_indirect_dma semaphore(%arg21 : memref<!tpu.dma_semaphore, #tpu.memory_space<semaphore_mem>>) src(%arg16 : memref<128x128xf32, #tpu.memory_space<vmem>>) dst(%dma_wait3A_410 : memref<10240x128xf32, #tpu.memory_space<vmem_shared>>)
        %dma_start3A_411 = arith.constant 4 : i32
        %dma_start3A_412 = arith.constant 0 : i32
        %dma_start3A_413 = tpu.memref_slice %arg13[%dma_start3A_411, %dma_start3A_412] : memref<8x128xi32, #tpu.memory_space<vmem>> -> memref<1x128xi32, #tpu.memory_space<vmem>>
        %dma_start3A_414 = tpu.memref_squeeze %dma_start3A_413 : memref<1x128xi32, #tpu.memory_space<vmem>> -> memref<128xi32, #tpu.memory_space<vmem>>
        %dma_start3A_415 = arith.constant 0 : i32
        %dma_start3A_416 = arith.constant 0 : i32
        %dma_start3A_417 = tpu.memref_slice %arg2[%dma_start3A_415, %dma_start3A_416] : memref<10240x128xf32, #tpu.memory_space<hbm>> -> memref<10240x128xf32, #tpu.memory_space<hbm>>
        tpu.enqueue_indirect_dma source(%dma_start3A_417 : memref<10240x128xf32, #tpu.memory_space<hbm>>) target(%arg16 : memref<128x128xf32, #tpu.memory_space<vmem>>) offsets(%dma_start3A_414 : memref<128xi32, #tpu.memory_space<vmem>>) semaphore(%arg19 : memref<!tpu.dma_semaphore, #tpu.memory_space<semaphore_mem>>)
        %dma_wait3A_418 = arith.constant 4 : i32
        %dma_wait3A_419 = arith.constant 0 : i32
        %dma_wait3A_420 = tpu.memref_slice %arg13[%dma_wait3A_418, %dma_wait3A_419] : memref<8x128xi32, #tpu.memory_space<vmem>> -> memref<1x128xi32, #tpu.memory_space<vmem>>
        %dma_wait3A_421 = tpu.memref_squeeze %dma_wait3A_420 : memref<1x128xi32, #tpu.memory_space<vmem>> -> memref<128xi32, #tpu.memory_space<vmem>>
        %dma_wait3A_422 = arith.constant 0 : i32
        %dma_wait3A_423 = arith.constant 0 : i32
        %dma_wait3A_424 = tpu.memref_slice %arg2[%dma_wait3A_422, %dma_wait3A_423] : memref<10240x128xf32, #tpu.memory_space<hbm>> -> memref<10240x128xf32, #tpu.memory_space<hbm>>
        tpu.wait_indirect_dma semaphore(%arg19 : memref<!tpu.dma_semaphore, #tpu.memory_space<semaphore_mem>>) src(%dma_wait3A_424 : memref<10240x128xf32, #tpu.memory_space<hbm>>) dst(%arg16 : memref<128x128xf32, #tpu.memory_space<vmem>>)
        %dma_start3A_425 = arith.constant 4 : i32
        %dma_start3A_426 = arith.constant 0 : i32
        %dma_start3A_427 = tpu.memref_slice %arg15[%dma_start3A_425, %dma_start3A_426] : memref<8x128xi32, #tpu.memory_space<vmem>> -> memref<1x128xi32, #tpu.memory_space<vmem>>
        %dma_start3A_428 = tpu.memref_squeeze %dma_start3A_427 : memref<1x128xi32, #tpu.memory_space<vmem>> -> memref<128xi32, #tpu.memory_space<vmem>>
        %dma_start3A_429 = arith.constant 0 : i32
        %dma_start3A_430 = arith.constant 0 : i32
        %dma_start3A_431 = tpu.memref_slice %arg18[%dma_start3A_429, %dma_start3A_430] : memref<10240x128xf32, #tpu.memory_space<vmem_shared>> -> memref<10240x128xf32, #tpu.memory_space<vmem_shared>>
        tpu.enqueue_indirect_dma source(%arg16 : memref<128x128xf32, #tpu.memory_space<vmem>>) target(%dma_start3A_431 : memref<10240x128xf32, #tpu.memory_space<vmem_shared>>) offsets(%dma_start3A_428 : memref<128xi32, #tpu.memory_space<vmem>>) semaphore(%arg21 : memref<!tpu.dma_semaphore, #tpu.memory_space<semaphore_mem>>) {add = true}
        %dma_wait3A_432 = arith.constant 3 : i32
        %dma_wait3A_433 = arith.constant 0 : i32
        %dma_wait3A_434 = tpu.memref_slice %arg15[%dma_wait3A_432, %dma_wait3A_433] : memref<8x128xi32, #tpu.memory_space<vmem>> -> memref<1x128xi32, #tpu.memory_space<vmem>>
        %dma_wait3A_435 = tpu.memref_squeeze %dma_wait3A_434 : memref<1x128xi32, #tpu.memory_space<vmem>> -> memref<128xi32, #tpu.memory_space<vmem>>
        %dma_wait3A_436 = arith.constant 0 : i32
        %dma_wait3A_437 = arith.constant 0 : i32
        %dma_wait3A_438 = tpu.memref_slice %arg18[%dma_wait3A_436, %dma_wait3A_437] : memref<10240x128xf32, #tpu.memory_space<vmem_shared>> -> memref<10240x128xf32, #tpu.memory_space<vmem_shared>>
        tpu.wait_indirect_dma semaphore(%arg22 : memref<!tpu.dma_semaphore, #tpu.memory_space<semaphore_mem>>) src(%arg17 : memref<128x128xf32, #tpu.memory_space<vmem>>) dst(%dma_wait3A_438 : memref<10240x128xf32, #tpu.memory_space<vmem_shared>>)
        %dma_start3A_439 = arith.constant 5 : i32
        %dma_start3A_440 = arith.constant 0 : i32
        %dma_start3A_441 = tpu.memref_slice %arg13[%dma_start3A_439, %dma_start3A_440] : memref<8x128xi32, #tpu.memory_space<vmem>> -> memref<1x128xi32, #tpu.memory_space<vmem>>
        %dma_start3A_442 = tpu.memref_squeeze %dma_start3A_441 : memref<1x128xi32, #tpu.memory_space<vmem>> -> memref<128xi32, #tpu.memory_space<vmem>>
        %dma_start3A_443 = arith.constant 0 : i32
        %dma_start3A_444 = arith.constant 0 : i32
        %dma_start3A_445 = tpu.memref_slice %arg2[%dma_start3A_443, %dma_start3A_444] : memref<10240x128xf32, #tpu.memory_space<hbm>> -> memref<10240x128xf32, #tpu.memory_space<hbm>>
        tpu.enqueue_indirect_dma source(%dma_start3A_445 : memref<10240x128xf32, #tpu.memory_space<hbm>>) target(%arg17 : memref<128x128xf32, #tpu.memory_space<vmem>>) offsets(%dma_start3A_442 : memref<128xi32, #tpu.memory_space<vmem>>) semaphore(%arg20 : memref<!tpu.dma_semaphore, #tpu.memory_space<semaphore_mem>>)
        %dma_wait3A_446 = arith.constant 5 : i32
        %dma_wait3A_447 = arith.constant 0 : i32
        %dma_wait3A_448 = tpu.memref_slice %arg13[%dma_wait3A_446, %dma_wait3A_447] : memref<8x128xi32, #tpu.memory_space<vmem>> -> memref<1x128xi32, #tpu.memory_space<vmem>>
        %dma_wait3A_449 = tpu.memref_squeeze %dma_wait3A_448 : memref<1x128xi32, #tpu.memory_space<vmem>> -> memref<128xi32, #tpu.memory_space<vmem>>
        %dma_wait3A_450 = arith.constant 0 : i32
        %dma_wait3A_451 = arith.constant 0 : i32
        %dma_wait3A_452 = tpu.memref_slice %arg2[%dma_wait3A_450, %dma_wait3A_451] : memref<10240x128xf32, #tpu.memory_space<hbm>> -> memref<10240x128xf32, #tpu.memory_space<hbm>>
        tpu.wait_indirect_dma semaphore(%arg20 : memref<!tpu.dma_semaphore, #tpu.memory_space<semaphore_mem>>) src(%dma_wait3A_452 : memref<10240x128xf32, #tpu.memory_space<hbm>>) dst(%arg17 : memref<128x128xf32, #tpu.memory_space<vmem>>)
        %dma_start3A_453 = arith.constant 5 : i32
        %dma_start3A_454 = arith.constant 0 : i32
        %dma_start3A_455 = tpu.memref_slice %arg15[%dma_start3A_453, %dma_start3A_454] : memref<8x128xi32, #tpu.memory_space<vmem>> -> memref<1x128xi32, #tpu.memory_space<vmem>>
        %dma_start3A_456 = tpu.memref_squeeze %dma_start3A_455 : memref<1x128xi32, #tpu.memory_space<vmem>> -> memref<128xi32, #tpu.memory_space<vmem>>
        %dma_start3A_457 = arith.constant 0 : i32
        %dma_start3A_458 = arith.constant 0 : i32
        %dma_start3A_459 = tpu.memref_slice %arg18[%dma_start3A_457, %dma_start3A_458] : memref<10240x128xf32, #tpu.memory_space<vmem_shared>> -> memref<10240x128xf32, #tpu.memory_space<vmem_shared>>
        tpu.enqueue_indirect_dma source(%arg17 : memref<128x128xf32, #tpu.memory_space<vmem>>) target(%dma_start3A_459 : memref<10240x128xf32, #tpu.memory_space<vmem_shared>>) offsets(%dma_start3A_456 : memref<128xi32, #tpu.memory_space<vmem>>) semaphore(%arg22 : memref<!tpu.dma_semaphore, #tpu.memory_space<semaphore_mem>>) {add = true}
        %dma_wait3A_460 = arith.constant 4 : i32
        %dma_wait3A_461 = arith.constant 0 : i32
        %dma_wait3A_462 = tpu.memref_slice %arg15[%dma_wait3A_460, %dma_wait3A_461] : memref<8x128xi32, #tpu.memory_space<vmem>> -> memref<1x128xi32, #tpu.memory_space<vmem>>
        %dma_wait3A_463 = tpu.memref_squeeze %dma_wait3A_462 : memref<1x128xi32, #tpu.memory_space<vmem>> -> memref<128xi32, #tpu.memory_space<vmem>>
        %dma_wait3A_464 = arith.constant 0 : i32
        %dma_wait3A_465 = arith.constant 0 : i32
        %dma_wait3A_466 = tpu.memref_slice %arg18[%dma_wait3A_464, %dma_wait3A_465] : memref<10240x128xf32, #tpu.memory_space<vmem_shared>> -> memref<10240x128xf32, #tpu.memory_space<vmem_shared>>
        tpu.wait_indirect_dma semaphore(%arg21 : memref<!tpu.dma_semaphore, #tpu.memory_space<semaphore_mem>>) src(%arg16 : memref<128x128xf32, #tpu.memory_space<vmem>>) dst(%dma_wait3A_466 : memref<10240x128xf32, #tpu.memory_space<vmem_shared>>)
        %dma_start3A_467 = arith.constant 6 : i32
        %dma_start3A_468 = arith.constant 0 : i32
        %dma_start3A_469 = tpu.memref_slice %arg13[%dma_start3A_467, %dma_start3A_468] : memref<8x128xi32, #tpu.memory_space<vmem>> -> memref<1x128xi32, #tpu.memory_space<vmem>>
        %dma_start3A_470 = tpu.memref_squeeze %dma_start3A_469 : memref<1x128xi32, #tpu.memory_space<vmem>> -> memref<128xi32, #tpu.memory_space<vmem>>
        %dma_start3A_471 = arith.constant 0 : i32
        %dma_start3A_472 = arith.constant 0 : i32
        %dma_start3A_473 = tpu.memref_slice %arg2[%dma_start3A_471, %dma_start3A_472] : memref<10240x128xf32, #tpu.memory_space<hbm>> -> memref<10240x128xf32, #tpu.memory_space<hbm>>
        tpu.enqueue_indirect_dma source(%dma_start3A_473 : memref<10240x128xf32, #tpu.memory_space<hbm>>) target(%arg16 : memref<128x128xf32, #tpu.memory_space<vmem>>) offsets(%dma_start3A_470 : memref<128xi32, #tpu.memory_space<vmem>>) semaphore(%arg19 : memref<!tpu.dma_semaphore, #tpu.memory_space<semaphore_mem>>)
        %dma_wait3A_474 = arith.constant 6 : i32
        %dma_wait3A_475 = arith.constant 0 : i32
        %dma_wait3A_476 = tpu.memref_slice %arg13[%dma_wait3A_474, %dma_wait3A_475] : memref<8x128xi32, #tpu.memory_space<vmem>> -> memref<1x128xi32, #tpu.memory_space<vmem>>
        %dma_wait3A_477 = tpu.memref_squeeze %dma_wait3A_476 : memref<1x128xi32, #tpu.memory_space<vmem>> -> memref<128xi32, #tpu.memory_space<vmem>>
        %dma_wait3A_478 = arith.constant 0 : i32
        %dma_wait3A_479 = arith.constant 0 : i32
        %dma_wait3A_480 = tpu.memref_slice %arg2[%dma_wait3A_478, %dma_wait3A_479] : memref<10240x128xf32, #tpu.memory_space<hbm>> -> memref<10240x128xf32, #tpu.memory_space<hbm>>
        tpu.wait_indirect_dma semaphore(%arg19 : memref<!tpu.dma_semaphore, #tpu.memory_space<semaphore_mem>>) src(%dma_wait3A_480 : memref<10240x128xf32, #tpu.memory_space<hbm>>) dst(%arg16 : memref<128x128xf32, #tpu.memory_space<vmem>>)
        %dma_start3A_481 = arith.constant 6 : i32
        %dma_start3A_482 = arith.constant 0 : i32
        %dma_start3A_483 = tpu.memref_slice %arg15[%dma_start3A_481, %dma_start3A_482] : memref<8x128xi32, #tpu.memory_space<vmem>> -> memref<1x128xi32, #tpu.memory_space<vmem>>
        %dma_start3A_484 = tpu.memref_squeeze %dma_start3A_483 : memref<1x128xi32, #tpu.memory_space<vmem>> -> memref<128xi32, #tpu.memory_space<vmem>>
        %dma_start3A_485 = arith.constant 0 : i32
        %dma_start3A_486 = arith.constant 0 : i32
        %dma_start3A_487 = tpu.memref_slice %arg18[%dma_start3A_485, %dma_start3A_486] : memref<10240x128xf32, #tpu.memory_space<vmem_shared>> -> memref<10240x128xf32, #tpu.memory_space<vmem_shared>>
        tpu.enqueue_indirect_dma source(%arg16 : memref<128x128xf32, #tpu.memory_space<vmem>>) target(%dma_start3A_487 : memref<10240x128xf32, #tpu.memory_space<vmem_shared>>) offsets(%dma_start3A_484 : memref<128xi32, #tpu.memory_space<vmem>>) semaphore(%arg21 : memref<!tpu.dma_semaphore, #tpu.memory_space<semaphore_mem>>) {add = true}
        %dma_wait3A_488 = arith.constant 5 : i32
        %dma_wait3A_489 = arith.constant 0 : i32
        %dma_wait3A_490 = tpu.memref_slice %arg15[%dma_wait3A_488, %dma_wait3A_489] : memref<8x128xi32, #tpu.memory_space<vmem>> -> memref<1x128xi32, #tpu.memory_space<vmem>>
        %dma_wait3A_491 = tpu.memref_squeeze %dma_wait3A_490 : memref<1x128xi32, #tpu.memory_space<vmem>> -> memref<128xi32, #tpu.memory_space<vmem>>
        %dma_wait3A_492 = arith.constant 0 : i32
        %dma_wait3A_493 = arith.constant 0 : i32
        %dma_wait3A_494 = tpu.memref_slice %arg18[%dma_wait3A_492, %dma_wait3A_493] : memref<10240x128xf32, #tpu.memory_space<vmem_shared>> -> memref<10240x128xf32, #tpu.memory_space<vmem_shared>>
        tpu.wait_indirect_dma semaphore(%arg22 : memref<!tpu.dma_semaphore, #tpu.memory_space<semaphore_mem>>) src(%arg17 : memref<128x128xf32, #tpu.memory_space<vmem>>) dst(%dma_wait3A_494 : memref<10240x128xf32, #tpu.memory_space<vmem_shared>>)
        %dma_start3A_495 = arith.constant 7 : i32
        %dma_start3A_496 = arith.constant 0 : i32
        %dma_start3A_497 = tpu.memref_slice %arg13[%dma_start3A_495, %dma_start3A_496] : memref<8x128xi32, #tpu.memory_space<vmem>> -> memref<1x128xi32, #tpu.memory_space<vmem>>
        %dma_start3A_498 = tpu.memref_squeeze %dma_start3A_497 : memref<1x128xi32, #tpu.memory_space<vmem>> -> memref<128xi32, #tpu.memory_space<vmem>>
        %dma_start3A_499 = arith.constant 0 : i32
        %dma_start3A_500 = arith.constant 0 : i32
        %dma_start3A_501 = tpu.memref_slice %arg2[%dma_start3A_499, %dma_start3A_500] : memref<10240x128xf32, #tpu.memory_space<hbm>> -> memref<10240x128xf32, #tpu.memory_space<hbm>>
        tpu.enqueue_indirect_dma source(%dma_start3A_501 : memref<10240x128xf32, #tpu.memory_space<hbm>>) target(%arg17 : memref<128x128xf32, #tpu.memory_space<vmem>>) offsets(%dma_start3A_498 : memref<128xi32, #tpu.memory_space<vmem>>) semaphore(%arg20 : memref<!tpu.dma_semaphore, #tpu.memory_space<semaphore_mem>>)
        %dma_wait3A_502 = arith.constant 7 : i32
        %dma_wait3A_503 = arith.constant 0 : i32
        %dma_wait3A_504 = tpu.memref_slice %arg13[%dma_wait3A_502, %dma_wait3A_503] : memref<8x128xi32, #tpu.memory_space<vmem>> -> memref<1x128xi32, #tpu.memory_space<vmem>>
        %dma_wait3A_505 = tpu.memref_squeeze %dma_wait3A_504 : memref<1x128xi32, #tpu.memory_space<vmem>> -> memref<128xi32, #tpu.memory_space<vmem>>
        %dma_wait3A_506 = arith.constant 0 : i32
        %dma_wait3A_507 = arith.constant 0 : i32
        %dma_wait3A_508 = tpu.memref_slice %arg2[%dma_wait3A_506, %dma_wait3A_507] : memref<10240x128xf32, #tpu.memory_space<hbm>> -> memref<10240x128xf32, #tpu.memory_space<hbm>>
        tpu.wait_indirect_dma semaphore(%arg20 : memref<!tpu.dma_semaphore, #tpu.memory_space<semaphore_mem>>) src(%dma_wait3A_508 : memref<10240x128xf32, #tpu.memory_space<hbm>>) dst(%arg17 : memref<128x128xf32, #tpu.memory_space<vmem>>)
        %dma_start3A_509 = arith.constant 7 : i32
        %dma_start3A_510 = arith.constant 0 : i32
        %dma_start3A_511 = tpu.memref_slice %arg15[%dma_start3A_509, %dma_start3A_510] : memref<8x128xi32, #tpu.memory_space<vmem>> -> memref<1x128xi32, #tpu.memory_space<vmem>>
        %dma_start3A_512 = tpu.memref_squeeze %dma_start3A_511 : memref<1x128xi32, #tpu.memory_space<vmem>> -> memref<128xi32, #tpu.memory_space<vmem>>
        %dma_start3A_513 = arith.constant 0 : i32
        %dma_start3A_514 = arith.constant 0 : i32
        %dma_start3A_515 = tpu.memref_slice %arg18[%dma_start3A_513, %dma_start3A_514] : memref<10240x128xf32, #tpu.memory_space<vmem_shared>> -> memref<10240x128xf32, #tpu.memory_space<vmem_shared>>
        tpu.enqueue_indirect_dma source(%arg17 : memref<128x128xf32, #tpu.memory_space<vmem>>) target(%dma_start3A_515 : memref<10240x128xf32, #tpu.memory_space<vmem_shared>>) offsets(%dma_start3A_512 : memref<128xi32, #tpu.memory_space<vmem>>) semaphore(%arg22 : memref<!tpu.dma_semaphore, #tpu.memory_space<semaphore_mem>>) {add = true}
        %dma_wait3A_516 = arith.constant 6 : i32
        %dma_wait3A_517 = arith.constant 0 : i32
        %dma_wait3A_518 = tpu.memref_slice %arg15[%dma_wait3A_516, %dma_wait3A_517] : memref<8x128xi32, #tpu.memory_space<vmem>> -> memref<1x128xi32, #tpu.memory_space<vmem>>
        %dma_wait3A_519 = tpu.memref_squeeze %dma_wait3A_518 : memref<1x128xi32, #tpu.memory_space<vmem>> -> memref<128xi32, #tpu.memory_space<vmem>>
        %dma_wait3A_520 = arith.constant 0 : i32
        %dma_wait3A_521 = arith.constant 0 : i32
        %dma_wait3A_522 = tpu.memref_slice %arg18[%dma_wait3A_520, %dma_wait3A_521] : memref<10240x128xf32, #tpu.memory_space<vmem_shared>> -> memref<10240x128xf32, #tpu.memory_space<vmem_shared>>
        tpu.wait_indirect_dma semaphore(%arg21 : memref<!tpu.dma_semaphore, #tpu.memory_space<semaphore_mem>>) src(%arg16 : memref<128x128xf32, #tpu.memory_space<vmem>>) dst(%dma_wait3A_522 : memref<10240x128xf32, #tpu.memory_space<vmem_shared>>)
        %dma_wait3A_523 = arith.constant 7 : i32
        %dma_wait3A_524 = arith.constant 0 : i32
        %dma_wait3A_525 = tpu.memref_slice %arg15[%dma_wait3A_523, %dma_wait3A_524] : memref<8x128xi32, #tpu.memory_space<vmem>> -> memref<1x128xi32, #tpu.memory_space<vmem>>
        %dma_wait3A_526 = tpu.memref_squeeze %dma_wait3A_525 : memref<1x128xi32, #tpu.memory_space<vmem>> -> memref<128xi32, #tpu.memory_space<vmem>>
        %dma_wait3A_527 = arith.constant 0 : i32
        %dma_wait3A_528 = arith.constant 0 : i32
        %dma_wait3A_529 = tpu.memref_slice %arg18[%dma_wait3A_527, %dma_wait3A_528] : memref<10240x128xf32, #tpu.memory_space<vmem_shared>> -> memref<10240x128xf32, #tpu.memory_space<vmem_shared>>
        tpu.wait_indirect_dma semaphore(%arg22 : memref<!tpu.dma_semaphore, #tpu.memory_space<semaphore_mem>>) src(%arg17 : memref<128x128xf32, #tpu.memory_space<vmem>>) dst(%dma_wait3A_529 : memref<10240x128xf32, #tpu.memory_space<vmem_shared>>)
        %dma_wait3A_530 = arith.constant 0 : i32
        %dma_wait3A_531 = tpu.memref_slice %arg4[%add3A_295, %dma_wait3A_530] : memref<1288x128xi32, #tpu.memory_space<hbm>> -> memref<8x128xi32, #tpu.memory_space<hbm>>
        %dma_wait3A_532 = arith.constant 0 : i32
        %dma_wait3A_533 = tpu.memref_slice %arg4[%add3A_295, %dma_wait3A_532] : memref<1288x128xi32, #tpu.memory_space<hbm>> -> memref<8x128xi32, #tpu.memory_space<hbm>>
        tpu.wait_dma2 semaphore(%arg23 : memref<!tpu.dma_semaphore, #tpu.memory_space<semaphore_mem>>) src(%dma_wait3A_533 : memref<8x128xi32, #tpu.memory_space<hbm>>) dst(%arg12 : memref<8x128xi32, #tpu.memory_space<vmem>>)
        %dma_wait3A_534 = arith.constant 0 : i32
        %dma_wait3A_535 = tpu.memref_slice %arg5[%add3A_301, %dma_wait3A_534] : memref<1288x128xi32, #tpu.memory_space<hbm>> -> memref<8x128xi32, #tpu.memory_space<hbm>>
        %dma_wait3A_536 = arith.constant 0 : i32
        %dma_wait3A_537 = tpu.memref_slice %arg5[%add3A_301, %dma_wait3A_536] : memref<1288x128xi32, #tpu.memory_space<hbm>> -> memref<8x128xi32, #tpu.memory_space<hbm>>
        tpu.wait_dma2 semaphore(%arg23 : memref<!tpu.dma_semaphore, #tpu.memory_space<semaphore_mem>>) src(%dma_wait3A_537 : memref<8x128xi32, #tpu.memory_space<hbm>>) dst(%arg14 : memref<8x128xi32, #tpu.memory_space<vmem>>)
      }
      %scan3A_48 = arith.constant 5 : i32
    } else {
    }
    %eq3A_3 = arith.constant 1 : i32
    %eq3A_4 = arith.cmpi eq, %arg0, %eq3A_3 : i32
    %convert_element_type3A_5 = arith.extui %eq3A_4 : i1 to i32
    %cond3A_6 = arith.constant 0 : i32
    %cond3A_7 = arith.cmpi ne, %convert_element_type3A_5, %cond3A_6 : i32
    scf.if %cond3A_7 {
      %mul3A_42 = arith.constant 80 : i32
      %mul3A_43 = arith.muli %arg1, %mul3A_42 : i32
      "tpu.region"() ({
        %run_scoped3A = tpu.sem_alloc : memref<!tpu.dma_semaphore, #tpu.memory_space<semaphore_mem>>
        %dma_start3A = arith.constant 0 : i32
        %dma_start3A_49 = tpu.memref_slice %arg4[%mul3A_43, %dma_start3A] : memref<1288x128xi32, #tpu.memory_space<hbm>> -> memref<8x128xi32, #tpu.memory_space<hbm>>
        %dma_start3A_50 = arith.constant 0 : i32
        %dma_start3A_51 = tpu.memref_slice %arg4[%mul3A_43, %dma_start3A_50] : memref<1288x128xi32, #tpu.memory_space<hbm>> -> memref<8x128xi32, #tpu.memory_space<hbm>>
        tpu.enqueue_dma source(%dma_start3A_51 : memref<8x128xi32, #tpu.memory_space<hbm>>) target(%arg12 : memref<8x128xi32, #tpu.memory_space<vmem>>) target_semaphore(%run_scoped3A : memref<!tpu.dma_semaphore, #tpu.memory_space<semaphore_mem>>)
        %dma_wait3A = arith.constant 0 : i32
        %dma_wait3A_52 = tpu.memref_slice %arg4[%mul3A_43, %dma_wait3A] : memref<1288x128xi32, #tpu.memory_space<hbm>> -> memref<8x128xi32, #tpu.memory_space<hbm>>
        %dma_wait3A_53 = arith.constant 0 : i32
        %dma_wait3A_54 = tpu.memref_slice %arg4[%mul3A_43, %dma_wait3A_53] : memref<1288x128xi32, #tpu.memory_space<hbm>> -> memref<8x128xi32, #tpu.memory_space<hbm>>
        tpu.wait_dma2 semaphore(%run_scoped3A : memref<!tpu.dma_semaphore, #tpu.memory_space<semaphore_mem>>) src(%dma_wait3A_54 : memref<8x128xi32, #tpu.memory_space<hbm>>) dst(%arg12 : memref<8x128xi32, #tpu.memory_space<vmem>>)
        tpu.yield
      }) : () -> ()
      "tpu.region"() ({
        %run_scoped3A = tpu.sem_alloc : memref<!tpu.dma_semaphore, #tpu.memory_space<semaphore_mem>>
        %dma_start3A = arith.constant 0 : i32
        %dma_start3A_49 = tpu.memref_slice %arg5[%mul3A_43, %dma_start3A] : memref<1288x128xi32, #tpu.memory_space<hbm>> -> memref<8x128xi32, #tpu.memory_space<hbm>>
        %dma_start3A_50 = arith.constant 0 : i32
        %dma_start3A_51 = tpu.memref_slice %arg5[%mul3A_43, %dma_start3A_50] : memref<1288x128xi32, #tpu.memory_space<hbm>> -> memref<8x128xi32, #tpu.memory_space<hbm>>
        tpu.enqueue_dma source(%dma_start3A_51 : memref<8x128xi32, #tpu.memory_space<hbm>>) target(%arg14 : memref<8x128xi32, #tpu.memory_space<vmem>>) target_semaphore(%run_scoped3A : memref<!tpu.dma_semaphore, #tpu.memory_space<semaphore_mem>>)
        %dma_wait3A = arith.constant 0 : i32
        %dma_wait3A_52 = tpu.memref_slice %arg5[%mul3A_43, %dma_wait3A] : memref<1288x128xi32, #tpu.memory_space<hbm>> -> memref<8x128xi32, #tpu.memory_space<hbm>>
        %dma_wait3A_53 = arith.constant 0 : i32
        %dma_wait3A_54 = tpu.memref_slice %arg5[%mul3A_43, %dma_wait3A_53] : memref<1288x128xi32, #tpu.memory_space<hbm>> -> memref<8x128xi32, #tpu.memory_space<hbm>>
        tpu.wait_dma2 semaphore(%run_scoped3A : memref<!tpu.dma_semaphore, #tpu.memory_space<semaphore_mem>>) src(%dma_wait3A_54 : memref<8x128xi32, #tpu.memory_space<hbm>>) dst(%arg14 : memref<8x128xi32, #tpu.memory_space<vmem>>)
        tpu.yield
      }) : () -> ()
      %scan3A = arith.constant 0 : i32
      %scan3A_44 = arith.constant 0 : i32
      %scan3A_45 = arith.constant 5 : i32
      %scan3A_46 = arith.addi %scan3A_44, %scan3A_45 : i32
      %scan3A_47 = arith.constant 1 : i32
      scf.for %scan3A_49 = %scan3A_44 to %scan3A_46 step %scan3A_47  : i32 {
        %mul3A_50 = arith.constant 16 : i32
        %mul3A_51 = arith.muli %mul3A_50, %scan3A_49 : i32
        %add3A = arith.addi %mul3A_43, %mul3A_51 : i32
        %add3A_52 = arith.constant 8 : i32
        %add3A_53 = arith.addi %add3A, %add3A_52 : i32
        %dma_start3A = arith.constant 0 : i32
        %dma_start3A_54 = tpu.memref_slice %arg4[%add3A_53, %dma_start3A] : memref<1288x128xi32, #tpu.memory_space<hbm>> -> memref<8x128xi32, #tpu.memory_space<hbm>>
        %dma_start3A_55 = arith.constant 0 : i32
        %dma_start3A_56 = tpu.memref_slice %arg4[%add3A_53, %dma_start3A_55] : memref<1288x128xi32, #tpu.memory_space<hbm>> -> memref<8x128xi32, #tpu.memory_space<hbm>>
        tpu.enqueue_dma source(%dma_start3A_56 : memref<8x128xi32, #tpu.memory_space<hbm>>) target(%arg13 : memref<8x128xi32, #tpu.memory_space<vmem>>) target_semaphore(%arg24 : memref<!tpu.dma_semaphore, #tpu.memory_space<semaphore_mem>>)
        %add3A_57 = arith.constant 8 : i32
        %add3A_58 = arith.addi %add3A, %add3A_57 : i32
        %dma_start3A_59 = arith.constant 0 : i32
        %dma_start3A_60 = tpu.memref_slice %arg5[%add3A_58, %dma_start3A_59] : memref<1288x128xi32, #tpu.memory_space<hbm>> -> memref<8x128xi32, #tpu.memory_space<hbm>>
        %dma_start3A_61 = arith.constant 0 : i32
        %dma_start3A_62 = tpu.memref_slice %arg5[%add3A_58, %dma_start3A_61] : memref<1288x128xi32, #tpu.memory_space<hbm>> -> memref<8x128xi32, #tpu.memory_space<hbm>>
        tpu.enqueue_dma source(%dma_start3A_62 : memref<8x128xi32, #tpu.memory_space<hbm>>) target(%arg15 : memref<8x128xi32, #tpu.memory_space<vmem>>) target_semaphore(%arg24 : memref<!tpu.dma_semaphore, #tpu.memory_space<semaphore_mem>>)
        %dma_start3A_63 = arith.constant 0 : i32
        %dma_start3A_64 = arith.constant 0 : i32
        %dma_start3A_65 = tpu.memref_slice %arg12[%dma_start3A_63, %dma_start3A_64] : memref<8x128xi32, #tpu.memory_space<vmem>> -> memref<1x128xi32, #tpu.memory_space<vmem>>
        %dma_start3A_66 = tpu.memref_squeeze %dma_start3A_65 : memref<1x128xi32, #tpu.memory_space<vmem>> -> memref<128xi32, #tpu.memory_space<vmem>>
        %dma_start3A_67 = arith.constant 0 : i32
        %dma_start3A_68 = arith.constant 0 : i32
        %dma_start3A_69 = tpu.memref_slice %arg3[%dma_start3A_67, %dma_start3A_68] : memref<10240x128xf32, #tpu.memory_space<hbm>> -> memref<10240x128xf32, #tpu.memory_space<hbm>>
        tpu.enqueue_indirect_dma source(%dma_start3A_69 : memref<10240x128xf32, #tpu.memory_space<hbm>>) target(%arg16 : memref<128x128xf32, #tpu.memory_space<vmem>>) offsets(%dma_start3A_66 : memref<128xi32, #tpu.memory_space<vmem>>) semaphore(%arg19 : memref<!tpu.dma_semaphore, #tpu.memory_space<semaphore_mem>>)
        %dma_wait3A = arith.constant 0 : i32
        %dma_wait3A_70 = arith.constant 0 : i32
        %dma_wait3A_71 = tpu.memref_slice %arg12[%dma_wait3A, %dma_wait3A_70] : memref<8x128xi32, #tpu.memory_space<vmem>> -> memref<1x128xi32, #tpu.memory_space<vmem>>
        %dma_wait3A_72 = tpu.memref_squeeze %dma_wait3A_71 : memref<1x128xi32, #tpu.memory_space<vmem>> -> memref<128xi32, #tpu.memory_space<vmem>>
        %dma_wait3A_73 = arith.constant 0 : i32
        %dma_wait3A_74 = arith.constant 0 : i32
        %dma_wait3A_75 = tpu.memref_slice %arg3[%dma_wait3A_73, %dma_wait3A_74] : memref<10240x128xf32, #tpu.memory_space<hbm>> -> memref<10240x128xf32, #tpu.memory_space<hbm>>
        tpu.wait_indirect_dma semaphore(%arg19 : memref<!tpu.dma_semaphore, #tpu.memory_space<semaphore_mem>>) src(%dma_wait3A_75 : memref<10240x128xf32, #tpu.memory_space<hbm>>) dst(%arg16 : memref<128x128xf32, #tpu.memory_space<vmem>>)
        %dma_start3A_76 = arith.constant 0 : i32
        %dma_start3A_77 = arith.constant 0 : i32
        %dma_start3A_78 = tpu.memref_slice %arg14[%dma_start3A_76, %dma_start3A_77] : memref<8x128xi32, #tpu.memory_space<vmem>> -> memref<1x128xi32, #tpu.memory_space<vmem>>
        %dma_start3A_79 = tpu.memref_squeeze %dma_start3A_78 : memref<1x128xi32, #tpu.memory_space<vmem>> -> memref<128xi32, #tpu.memory_space<vmem>>
        %dma_start3A_80 = arith.constant 0 : i32
        %dma_start3A_81 = arith.constant 0 : i32
        %dma_start3A_82 = tpu.memref_slice %arg18[%dma_start3A_80, %dma_start3A_81] : memref<10240x128xf32, #tpu.memory_space<vmem_shared>> -> memref<10240x128xf32, #tpu.memory_space<vmem_shared>>
        tpu.enqueue_indirect_dma source(%arg16 : memref<128x128xf32, #tpu.memory_space<vmem>>) target(%dma_start3A_82 : memref<10240x128xf32, #tpu.memory_space<vmem_shared>>) offsets(%dma_start3A_79 : memref<128xi32, #tpu.memory_space<vmem>>) semaphore(%arg21 : memref<!tpu.dma_semaphore, #tpu.memory_space<semaphore_mem>>) {add = true}
        %dma_start3A_83 = arith.constant 1 : i32
        %dma_start3A_84 = arith.constant 0 : i32
        %dma_start3A_85 = tpu.memref_slice %arg12[%dma_start3A_83, %dma_start3A_84] : memref<8x128xi32, #tpu.memory_space<vmem>> -> memref<1x128xi32, #tpu.memory_space<vmem>>
        %dma_start3A_86 = tpu.memref_squeeze %dma_start3A_85 : memref<1x128xi32, #tpu.memory_space<vmem>> -> memref<128xi32, #tpu.memory_space<vmem>>
        %dma_start3A_87 = arith.constant 0 : i32
        %dma_start3A_88 = arith.constant 0 : i32
        %dma_start3A_89 = tpu.memref_slice %arg3[%dma_start3A_87, %dma_start3A_88] : memref<10240x128xf32, #tpu.memory_space<hbm>> -> memref<10240x128xf32, #tpu.memory_space<hbm>>
        tpu.enqueue_indirect_dma source(%dma_start3A_89 : memref<10240x128xf32, #tpu.memory_space<hbm>>) target(%arg17 : memref<128x128xf32, #tpu.memory_space<vmem>>) offsets(%dma_start3A_86 : memref<128xi32, #tpu.memory_space<vmem>>) semaphore(%arg20 : memref<!tpu.dma_semaphore, #tpu.memory_space<semaphore_mem>>)
        %dma_wait3A_90 = arith.constant 1 : i32
        %dma_wait3A_91 = arith.constant 0 : i32
        %dma_wait3A_92 = tpu.memref_slice %arg12[%dma_wait3A_90, %dma_wait3A_91] : memref<8x128xi32, #tpu.memory_space<vmem>> -> memref<1x128xi32, #tpu.memory_space<vmem>>
        %dma_wait3A_93 = tpu.memref_squeeze %dma_wait3A_92 : memref<1x128xi32, #tpu.memory_space<vmem>> -> memref<128xi32, #tpu.memory_space<vmem>>
        %dma_wait3A_94 = arith.constant 0 : i32
        %dma_wait3A_95 = arith.constant 0 : i32
        %dma_wait3A_96 = tpu.memref_slice %arg3[%dma_wait3A_94, %dma_wait3A_95] : memref<10240x128xf32, #tpu.memory_space<hbm>> -> memref<10240x128xf32, #tpu.memory_space<hbm>>
        tpu.wait_indirect_dma semaphore(%arg20 : memref<!tpu.dma_semaphore, #tpu.memory_space<semaphore_mem>>) src(%dma_wait3A_96 : memref<10240x128xf32, #tpu.memory_space<hbm>>) dst(%arg17 : memref<128x128xf32, #tpu.memory_space<vmem>>)
        %dma_start3A_97 = arith.constant 1 : i32
        %dma_start3A_98 = arith.constant 0 : i32
        %dma_start3A_99 = tpu.memref_slice %arg14[%dma_start3A_97, %dma_start3A_98] : memref<8x128xi32, #tpu.memory_space<vmem>> -> memref<1x128xi32, #tpu.memory_space<vmem>>
        %dma_start3A_100 = tpu.memref_squeeze %dma_start3A_99 : memref<1x128xi32, #tpu.memory_space<vmem>> -> memref<128xi32, #tpu.memory_space<vmem>>
        %dma_start3A_101 = arith.constant 0 : i32
        %dma_start3A_102 = arith.constant 0 : i32
        %dma_start3A_103 = tpu.memref_slice %arg18[%dma_start3A_101, %dma_start3A_102] : memref<10240x128xf32, #tpu.memory_space<vmem_shared>> -> memref<10240x128xf32, #tpu.memory_space<vmem_shared>>
        tpu.enqueue_indirect_dma source(%arg17 : memref<128x128xf32, #tpu.memory_space<vmem>>) target(%dma_start3A_103 : memref<10240x128xf32, #tpu.memory_space<vmem_shared>>) offsets(%dma_start3A_100 : memref<128xi32, #tpu.memory_space<vmem>>) semaphore(%arg22 : memref<!tpu.dma_semaphore, #tpu.memory_space<semaphore_mem>>) {add = true}
        %dma_wait3A_104 = arith.constant 0 : i32
        %dma_wait3A_105 = arith.constant 0 : i32
        %dma_wait3A_106 = tpu.memref_slice %arg14[%dma_wait3A_104, %dma_wait3A_105] : memref<8x128xi32, #tpu.memory_space<vmem>> -> memref<1x128xi32, #tpu.memory_space<vmem>>
        %dma_wait3A_107 = tpu.memref_squeeze %dma_wait3A_106 : memref<1x128xi32, #tpu.memory_space<vmem>> -> memref<128xi32, #tpu.memory_space<vmem>>
        %dma_wait3A_108 = arith.constant 0 : i32
        %dma_wait3A_109 = arith.constant 0 : i32
        %dma_wait3A_110 = tpu.memref_slice %arg18[%dma_wait3A_108, %dma_wait3A_109] : memref<10240x128xf32, #tpu.memory_space<vmem_shared>> -> memref<10240x128xf32, #tpu.memory_space<vmem_shared>>
        tpu.wait_indirect_dma semaphore(%arg21 : memref<!tpu.dma_semaphore, #tpu.memory_space<semaphore_mem>>) src(%arg16 : memref<128x128xf32, #tpu.memory_space<vmem>>) dst(%dma_wait3A_110 : memref<10240x128xf32, #tpu.memory_space<vmem_shared>>)
        %dma_start3A_111 = arith.constant 2 : i32
        %dma_start3A_112 = arith.constant 0 : i32
        %dma_start3A_113 = tpu.memref_slice %arg12[%dma_start3A_111, %dma_start3A_112] : memref<8x128xi32, #tpu.memory_space<vmem>> -> memref<1x128xi32, #tpu.memory_space<vmem>>
        %dma_start3A_114 = tpu.memref_squeeze %dma_start3A_113 : memref<1x128xi32, #tpu.memory_space<vmem>> -> memref<128xi32, #tpu.memory_space<vmem>>
        %dma_start3A_115 = arith.constant 0 : i32
        %dma_start3A_116 = arith.constant 0 : i32
        %dma_start3A_117 = tpu.memref_slice %arg3[%dma_start3A_115, %dma_start3A_116] : memref<10240x128xf32, #tpu.memory_space<hbm>> -> memref<10240x128xf32, #tpu.memory_space<hbm>>
        tpu.enqueue_indirect_dma source(%dma_start3A_117 : memref<10240x128xf32, #tpu.memory_space<hbm>>) target(%arg16 : memref<128x128xf32, #tpu.memory_space<vmem>>) offsets(%dma_start3A_114 : memref<128xi32, #tpu.memory_space<vmem>>) semaphore(%arg19 : memref<!tpu.dma_semaphore, #tpu.memory_space<semaphore_mem>>)
        %dma_wait3A_118 = arith.constant 2 : i32
        %dma_wait3A_119 = arith.constant 0 : i32
        %dma_wait3A_120 = tpu.memref_slice %arg12[%dma_wait3A_118, %dma_wait3A_119] : memref<8x128xi32, #tpu.memory_space<vmem>> -> memref<1x128xi32, #tpu.memory_space<vmem>>
        %dma_wait3A_121 = tpu.memref_squeeze %dma_wait3A_120 : memref<1x128xi32, #tpu.memory_space<vmem>> -> memref<128xi32, #tpu.memory_space<vmem>>
        %dma_wait3A_122 = arith.constant 0 : i32
        %dma_wait3A_123 = arith.constant 0 : i32
        %dma_wait3A_124 = tpu.memref_slice %arg3[%dma_wait3A_122, %dma_wait3A_123] : memref<10240x128xf32, #tpu.memory_space<hbm>> -> memref<10240x128xf32, #tpu.memory_space<hbm>>
        tpu.wait_indirect_dma semaphore(%arg19 : memref<!tpu.dma_semaphore, #tpu.memory_space<semaphore_mem>>) src(%dma_wait3A_124 : memref<10240x128xf32, #tpu.memory_space<hbm>>) dst(%arg16 : memref<128x128xf32, #tpu.memory_space<vmem>>)
        %dma_start3A_125 = arith.constant 2 : i32
        %dma_start3A_126 = arith.constant 0 : i32
        %dma_start3A_127 = tpu.memref_slice %arg14[%dma_start3A_125, %dma_start3A_126] : memref<8x128xi32, #tpu.memory_space<vmem>> -> memref<1x128xi32, #tpu.memory_space<vmem>>
        %dma_start3A_128 = tpu.memref_squeeze %dma_start3A_127 : memref<1x128xi32, #tpu.memory_space<vmem>> -> memref<128xi32, #tpu.memory_space<vmem>>
        %dma_start3A_129 = arith.constant 0 : i32
        %dma_start3A_130 = arith.constant 0 : i32
        %dma_start3A_131 = tpu.memref_slice %arg18[%dma_start3A_129, %dma_start3A_130] : memref<10240x128xf32, #tpu.memory_space<vmem_shared>> -> memref<10240x128xf32, #tpu.memory_space<vmem_shared>>
        tpu.enqueue_indirect_dma source(%arg16 : memref<128x128xf32, #tpu.memory_space<vmem>>) target(%dma_start3A_131 : memref<10240x128xf32, #tpu.memory_space<vmem_shared>>) offsets(%dma_start3A_128 : memref<128xi32, #tpu.memory_space<vmem>>) semaphore(%arg21 : memref<!tpu.dma_semaphore, #tpu.memory_space<semaphore_mem>>) {add = true}
        %dma_wait3A_132 = arith.constant 1 : i32
        %dma_wait3A_133 = arith.constant 0 : i32
        %dma_wait3A_134 = tpu.memref_slice %arg14[%dma_wait3A_132, %dma_wait3A_133] : memref<8x128xi32, #tpu.memory_space<vmem>> -> memref<1x128xi32, #tpu.memory_space<vmem>>
        %dma_wait3A_135 = tpu.memref_squeeze %dma_wait3A_134 : memref<1x128xi32, #tpu.memory_space<vmem>> -> memref<128xi32, #tpu.memory_space<vmem>>
        %dma_wait3A_136 = arith.constant 0 : i32
        %dma_wait3A_137 = arith.constant 0 : i32
        %dma_wait3A_138 = tpu.memref_slice %arg18[%dma_wait3A_136, %dma_wait3A_137] : memref<10240x128xf32, #tpu.memory_space<vmem_shared>> -> memref<10240x128xf32, #tpu.memory_space<vmem_shared>>
        tpu.wait_indirect_dma semaphore(%arg22 : memref<!tpu.dma_semaphore, #tpu.memory_space<semaphore_mem>>) src(%arg17 : memref<128x128xf32, #tpu.memory_space<vmem>>) dst(%dma_wait3A_138 : memref<10240x128xf32, #tpu.memory_space<vmem_shared>>)
        %dma_start3A_139 = arith.constant 3 : i32
        %dma_start3A_140 = arith.constant 0 : i32
        %dma_start3A_141 = tpu.memref_slice %arg12[%dma_start3A_139, %dma_start3A_140] : memref<8x128xi32, #tpu.memory_space<vmem>> -> memref<1x128xi32, #tpu.memory_space<vmem>>
        %dma_start3A_142 = tpu.memref_squeeze %dma_start3A_141 : memref<1x128xi32, #tpu.memory_space<vmem>> -> memref<128xi32, #tpu.memory_space<vmem>>
        %dma_start3A_143 = arith.constant 0 : i32
        %dma_start3A_144 = arith.constant 0 : i32
        %dma_start3A_145 = tpu.memref_slice %arg3[%dma_start3A_143, %dma_start3A_144] : memref<10240x128xf32, #tpu.memory_space<hbm>> -> memref<10240x128xf32, #tpu.memory_space<hbm>>
        tpu.enqueue_indirect_dma source(%dma_start3A_145 : memref<10240x128xf32, #tpu.memory_space<hbm>>) target(%arg17 : memref<128x128xf32, #tpu.memory_space<vmem>>) offsets(%dma_start3A_142 : memref<128xi32, #tpu.memory_space<vmem>>) semaphore(%arg20 : memref<!tpu.dma_semaphore, #tpu.memory_space<semaphore_mem>>)
        %dma_wait3A_146 = arith.constant 3 : i32
        %dma_wait3A_147 = arith.constant 0 : i32
        %dma_wait3A_148 = tpu.memref_slice %arg12[%dma_wait3A_146, %dma_wait3A_147] : memref<8x128xi32, #tpu.memory_space<vmem>> -> memref<1x128xi32, #tpu.memory_space<vmem>>
        %dma_wait3A_149 = tpu.memref_squeeze %dma_wait3A_148 : memref<1x128xi32, #tpu.memory_space<vmem>> -> memref<128xi32, #tpu.memory_space<vmem>>
        %dma_wait3A_150 = arith.constant 0 : i32
        %dma_wait3A_151 = arith.constant 0 : i32
        %dma_wait3A_152 = tpu.memref_slice %arg3[%dma_wait3A_150, %dma_wait3A_151] : memref<10240x128xf32, #tpu.memory_space<hbm>> -> memref<10240x128xf32, #tpu.memory_space<hbm>>
        tpu.wait_indirect_dma semaphore(%arg20 : memref<!tpu.dma_semaphore, #tpu.memory_space<semaphore_mem>>) src(%dma_wait3A_152 : memref<10240x128xf32, #tpu.memory_space<hbm>>) dst(%arg17 : memref<128x128xf32, #tpu.memory_space<vmem>>)
        %dma_start3A_153 = arith.constant 3 : i32
        %dma_start3A_154 = arith.constant 0 : i32
        %dma_start3A_155 = tpu.memref_slice %arg14[%dma_start3A_153, %dma_start3A_154] : memref<8x128xi32, #tpu.memory_space<vmem>> -> memref<1x128xi32, #tpu.memory_space<vmem>>
        %dma_start3A_156 = tpu.memref_squeeze %dma_start3A_155 : memref<1x128xi32, #tpu.memory_space<vmem>> -> memref<128xi32, #tpu.memory_space<vmem>>
        %dma_start3A_157 = arith.constant 0 : i32
        %dma_start3A_158 = arith.constant 0 : i32
        %dma_start3A_159 = tpu.memref_slice %arg18[%dma_start3A_157, %dma_start3A_158] : memref<10240x128xf32, #tpu.memory_space<vmem_shared>> -> memref<10240x128xf32, #tpu.memory_space<vmem_shared>>
        tpu.enqueue_indirect_dma source(%arg17 : memref<128x128xf32, #tpu.memory_space<vmem>>) target(%dma_start3A_159 : memref<10240x128xf32, #tpu.memory_space<vmem_shared>>) offsets(%dma_start3A_156 : memref<128xi32, #tpu.memory_space<vmem>>) semaphore(%arg22 : memref<!tpu.dma_semaphore, #tpu.memory_space<semaphore_mem>>) {add = true}
        %dma_wait3A_160 = arith.constant 2 : i32
        %dma_wait3A_161 = arith.constant 0 : i32
        %dma_wait3A_162 = tpu.memref_slice %arg14[%dma_wait3A_160, %dma_wait3A_161] : memref<8x128xi32, #tpu.memory_space<vmem>> -> memref<1x128xi32, #tpu.memory_space<vmem>>
        %dma_wait3A_163 = tpu.memref_squeeze %dma_wait3A_162 : memref<1x128xi32, #tpu.memory_space<vmem>> -> memref<128xi32, #tpu.memory_space<vmem>>
        %dma_wait3A_164 = arith.constant 0 : i32
        %dma_wait3A_165 = arith.constant 0 : i32
        %dma_wait3A_166 = tpu.memref_slice %arg18[%dma_wait3A_164, %dma_wait3A_165] : memref<10240x128xf32, #tpu.memory_space<vmem_shared>> -> memref<10240x128xf32, #tpu.memory_space<vmem_shared>>
        tpu.wait_indirect_dma semaphore(%arg21 : memref<!tpu.dma_semaphore, #tpu.memory_space<semaphore_mem>>) src(%arg16 : memref<128x128xf32, #tpu.memory_space<vmem>>) dst(%dma_wait3A_166 : memref<10240x128xf32, #tpu.memory_space<vmem_shared>>)
        %dma_start3A_167 = arith.constant 4 : i32
        %dma_start3A_168 = arith.constant 0 : i32
        %dma_start3A_169 = tpu.memref_slice %arg12[%dma_start3A_167, %dma_start3A_168] : memref<8x128xi32, #tpu.memory_space<vmem>> -> memref<1x128xi32, #tpu.memory_space<vmem>>
        %dma_start3A_170 = tpu.memref_squeeze %dma_start3A_169 : memref<1x128xi32, #tpu.memory_space<vmem>> -> memref<128xi32, #tpu.memory_space<vmem>>
        %dma_start3A_171 = arith.constant 0 : i32
        %dma_start3A_172 = arith.constant 0 : i32
        %dma_start3A_173 = tpu.memref_slice %arg3[%dma_start3A_171, %dma_start3A_172] : memref<10240x128xf32, #tpu.memory_space<hbm>> -> memref<10240x128xf32, #tpu.memory_space<hbm>>
        tpu.enqueue_indirect_dma source(%dma_start3A_173 : memref<10240x128xf32, #tpu.memory_space<hbm>>) target(%arg16 : memref<128x128xf32, #tpu.memory_space<vmem>>) offsets(%dma_start3A_170 : memref<128xi32, #tpu.memory_space<vmem>>) semaphore(%arg19 : memref<!tpu.dma_semaphore, #tpu.memory_space<semaphore_mem>>)
        %dma_wait3A_174 = arith.constant 4 : i32
        %dma_wait3A_175 = arith.constant 0 : i32
        %dma_wait3A_176 = tpu.memref_slice %arg12[%dma_wait3A_174, %dma_wait3A_175] : memref<8x128xi32, #tpu.memory_space<vmem>> -> memref<1x128xi32, #tpu.memory_space<vmem>>
        %dma_wait3A_177 = tpu.memref_squeeze %dma_wait3A_176 : memref<1x128xi32, #tpu.memory_space<vmem>> -> memref<128xi32, #tpu.memory_space<vmem>>
        %dma_wait3A_178 = arith.constant 0 : i32
        %dma_wait3A_179 = arith.constant 0 : i32
        %dma_wait3A_180 = tpu.memref_slice %arg3[%dma_wait3A_178, %dma_wait3A_179] : memref<10240x128xf32, #tpu.memory_space<hbm>> -> memref<10240x128xf32, #tpu.memory_space<hbm>>
        tpu.wait_indirect_dma semaphore(%arg19 : memref<!tpu.dma_semaphore, #tpu.memory_space<semaphore_mem>>) src(%dma_wait3A_180 : memref<10240x128xf32, #tpu.memory_space<hbm>>) dst(%arg16 : memref<128x128xf32, #tpu.memory_space<vmem>>)
        %dma_start3A_181 = arith.constant 4 : i32
        %dma_start3A_182 = arith.constant 0 : i32
        %dma_start3A_183 = tpu.memref_slice %arg14[%dma_start3A_181, %dma_start3A_182] : memref<8x128xi32, #tpu.memory_space<vmem>> -> memref<1x128xi32, #tpu.memory_space<vmem>>
        %dma_start3A_184 = tpu.memref_squeeze %dma_start3A_183 : memref<1x128xi32, #tpu.memory_space<vmem>> -> memref<128xi32, #tpu.memory_space<vmem>>
        %dma_start3A_185 = arith.constant 0 : i32
        %dma_start3A_186 = arith.constant 0 : i32
        %dma_start3A_187 = tpu.memref_slice %arg18[%dma_start3A_185, %dma_start3A_186] : memref<10240x128xf32, #tpu.memory_space<vmem_shared>> -> memref<10240x128xf32, #tpu.memory_space<vmem_shared>>
        tpu.enqueue_indirect_dma source(%arg16 : memref<128x128xf32, #tpu.memory_space<vmem>>) target(%dma_start3A_187 : memref<10240x128xf32, #tpu.memory_space<vmem_shared>>) offsets(%dma_start3A_184 : memref<128xi32, #tpu.memory_space<vmem>>) semaphore(%arg21 : memref<!tpu.dma_semaphore, #tpu.memory_space<semaphore_mem>>) {add = true}
        %dma_wait3A_188 = arith.constant 3 : i32
        %dma_wait3A_189 = arith.constant 0 : i32
        %dma_wait3A_190 = tpu.memref_slice %arg14[%dma_wait3A_188, %dma_wait3A_189] : memref<8x128xi32, #tpu.memory_space<vmem>> -> memref<1x128xi32, #tpu.memory_space<vmem>>
        %dma_wait3A_191 = tpu.memref_squeeze %dma_wait3A_190 : memref<1x128xi32, #tpu.memory_space<vmem>> -> memref<128xi32, #tpu.memory_space<vmem>>
        %dma_wait3A_192 = arith.constant 0 : i32
        %dma_wait3A_193 = arith.constant 0 : i32
        %dma_wait3A_194 = tpu.memref_slice %arg18[%dma_wait3A_192, %dma_wait3A_193] : memref<10240x128xf32, #tpu.memory_space<vmem_shared>> -> memref<10240x128xf32, #tpu.memory_space<vmem_shared>>
        tpu.wait_indirect_dma semaphore(%arg22 : memref<!tpu.dma_semaphore, #tpu.memory_space<semaphore_mem>>) src(%arg17 : memref<128x128xf32, #tpu.memory_space<vmem>>) dst(%dma_wait3A_194 : memref<10240x128xf32, #tpu.memory_space<vmem_shared>>)
        %dma_start3A_195 = arith.constant 5 : i32
        %dma_start3A_196 = arith.constant 0 : i32
        %dma_start3A_197 = tpu.memref_slice %arg12[%dma_start3A_195, %dma_start3A_196] : memref<8x128xi32, #tpu.memory_space<vmem>> -> memref<1x128xi32, #tpu.memory_space<vmem>>
        %dma_start3A_198 = tpu.memref_squeeze %dma_start3A_197 : memref<1x128xi32, #tpu.memory_space<vmem>> -> memref<128xi32, #tpu.memory_space<vmem>>
        %dma_start3A_199 = arith.constant 0 : i32
        %dma_start3A_200 = arith.constant 0 : i32
        %dma_start3A_201 = tpu.memref_slice %arg3[%dma_start3A_199, %dma_start3A_200] : memref<10240x128xf32, #tpu.memory_space<hbm>> -> memref<10240x128xf32, #tpu.memory_space<hbm>>
        tpu.enqueue_indirect_dma source(%dma_start3A_201 : memref<10240x128xf32, #tpu.memory_space<hbm>>) target(%arg17 : memref<128x128xf32, #tpu.memory_space<vmem>>) offsets(%dma_start3A_198 : memref<128xi32, #tpu.memory_space<vmem>>) semaphore(%arg20 : memref<!tpu.dma_semaphore, #tpu.memory_space<semaphore_mem>>)
        %dma_wait3A_202 = arith.constant 5 : i32
        %dma_wait3A_203 = arith.constant 0 : i32
        %dma_wait3A_204 = tpu.memref_slice %arg12[%dma_wait3A_202, %dma_wait3A_203] : memref<8x128xi32, #tpu.memory_space<vmem>> -> memref<1x128xi32, #tpu.memory_space<vmem>>
        %dma_wait3A_205 = tpu.memref_squeeze %dma_wait3A_204 : memref<1x128xi32, #tpu.memory_space<vmem>> -> memref<128xi32, #tpu.memory_space<vmem>>
        %dma_wait3A_206 = arith.constant 0 : i32
        %dma_wait3A_207 = arith.constant 0 : i32
        %dma_wait3A_208 = tpu.memref_slice %arg3[%dma_wait3A_206, %dma_wait3A_207] : memref<10240x128xf32, #tpu.memory_space<hbm>> -> memref<10240x128xf32, #tpu.memory_space<hbm>>
        tpu.wait_indirect_dma semaphore(%arg20 : memref<!tpu.dma_semaphore, #tpu.memory_space<semaphore_mem>>) src(%dma_wait3A_208 : memref<10240x128xf32, #tpu.memory_space<hbm>>) dst(%arg17 : memref<128x128xf32, #tpu.memory_space<vmem>>)
        %dma_start3A_209 = arith.constant 5 : i32
        %dma_start3A_210 = arith.constant 0 : i32
        %dma_start3A_211 = tpu.memref_slice %arg14[%dma_start3A_209, %dma_start3A_210] : memref<8x128xi32, #tpu.memory_space<vmem>> -> memref<1x128xi32, #tpu.memory_space<vmem>>
        %dma_start3A_212 = tpu.memref_squeeze %dma_start3A_211 : memref<1x128xi32, #tpu.memory_space<vmem>> -> memref<128xi32, #tpu.memory_space<vmem>>
        %dma_start3A_213 = arith.constant 0 : i32
        %dma_start3A_214 = arith.constant 0 : i32
        %dma_start3A_215 = tpu.memref_slice %arg18[%dma_start3A_213, %dma_start3A_214] : memref<10240x128xf32, #tpu.memory_space<vmem_shared>> -> memref<10240x128xf32, #tpu.memory_space<vmem_shared>>
        tpu.enqueue_indirect_dma source(%arg17 : memref<128x128xf32, #tpu.memory_space<vmem>>) target(%dma_start3A_215 : memref<10240x128xf32, #tpu.memory_space<vmem_shared>>) offsets(%dma_start3A_212 : memref<128xi32, #tpu.memory_space<vmem>>) semaphore(%arg22 : memref<!tpu.dma_semaphore, #tpu.memory_space<semaphore_mem>>) {add = true}
        %dma_wait3A_216 = arith.constant 4 : i32
        %dma_wait3A_217 = arith.constant 0 : i32
        %dma_wait3A_218 = tpu.memref_slice %arg14[%dma_wait3A_216, %dma_wait3A_217] : memref<8x128xi32, #tpu.memory_space<vmem>> -> memref<1x128xi32, #tpu.memory_space<vmem>>
        %dma_wait3A_219 = tpu.memref_squeeze %dma_wait3A_218 : memref<1x128xi32, #tpu.memory_space<vmem>> -> memref<128xi32, #tpu.memory_space<vmem>>
        %dma_wait3A_220 = arith.constant 0 : i32
        %dma_wait3A_221 = arith.constant 0 : i32
        %dma_wait3A_222 = tpu.memref_slice %arg18[%dma_wait3A_220, %dma_wait3A_221] : memref<10240x128xf32, #tpu.memory_space<vmem_shared>> -> memref<10240x128xf32, #tpu.memory_space<vmem_shared>>
        tpu.wait_indirect_dma semaphore(%arg21 : memref<!tpu.dma_semaphore, #tpu.memory_space<semaphore_mem>>) src(%arg16 : memref<128x128xf32, #tpu.memory_space<vmem>>) dst(%dma_wait3A_222 : memref<10240x128xf32, #tpu.memory_space<vmem_shared>>)
        %dma_start3A_223 = arith.constant 6 : i32
        %dma_start3A_224 = arith.constant 0 : i32
        %dma_start3A_225 = tpu.memref_slice %arg12[%dma_start3A_223, %dma_start3A_224] : memref<8x128xi32, #tpu.memory_space<vmem>> -> memref<1x128xi32, #tpu.memory_space<vmem>>
        %dma_start3A_226 = tpu.memref_squeeze %dma_start3A_225 : memref<1x128xi32, #tpu.memory_space<vmem>> -> memref<128xi32, #tpu.memory_space<vmem>>
        %dma_start3A_227 = arith.constant 0 : i32
        %dma_start3A_228 = arith.constant 0 : i32
        %dma_start3A_229 = tpu.memref_slice %arg3[%dma_start3A_227, %dma_start3A_228] : memref<10240x128xf32, #tpu.memory_space<hbm>> -> memref<10240x128xf32, #tpu.memory_space<hbm>>
        tpu.enqueue_indirect_dma source(%dma_start3A_229 : memref<10240x128xf32, #tpu.memory_space<hbm>>) target(%arg16 : memref<128x128xf32, #tpu.memory_space<vmem>>) offsets(%dma_start3A_226 : memref<128xi32, #tpu.memory_space<vmem>>) semaphore(%arg19 : memref<!tpu.dma_semaphore, #tpu.memory_space<semaphore_mem>>)
        %dma_wait3A_230 = arith.constant 6 : i32
        %dma_wait3A_231 = arith.constant 0 : i32
        %dma_wait3A_232 = tpu.memref_slice %arg12[%dma_wait3A_230, %dma_wait3A_231] : memref<8x128xi32, #tpu.memory_space<vmem>> -> memref<1x128xi32, #tpu.memory_space<vmem>>
        %dma_wait3A_233 = tpu.memref_squeeze %dma_wait3A_232 : memref<1x128xi32, #tpu.memory_space<vmem>> -> memref<128xi32, #tpu.memory_space<vmem>>
        %dma_wait3A_234 = arith.constant 0 : i32
        %dma_wait3A_235 = arith.constant 0 : i32
        %dma_wait3A_236 = tpu.memref_slice %arg3[%dma_wait3A_234, %dma_wait3A_235] : memref<10240x128xf32, #tpu.memory_space<hbm>> -> memref<10240x128xf32, #tpu.memory_space<hbm>>
        tpu.wait_indirect_dma semaphore(%arg19 : memref<!tpu.dma_semaphore, #tpu.memory_space<semaphore_mem>>) src(%dma_wait3A_236 : memref<10240x128xf32, #tpu.memory_space<hbm>>) dst(%arg16 : memref<128x128xf32, #tpu.memory_space<vmem>>)
        %dma_start3A_237 = arith.constant 6 : i32
        %dma_start3A_238 = arith.constant 0 : i32
        %dma_start3A_239 = tpu.memref_slice %arg14[%dma_start3A_237, %dma_start3A_238] : memref<8x128xi32, #tpu.memory_space<vmem>> -> memref<1x128xi32, #tpu.memory_space<vmem>>
        %dma_start3A_240 = tpu.memref_squeeze %dma_start3A_239 : memref<1x128xi32, #tpu.memory_space<vmem>> -> memref<128xi32, #tpu.memory_space<vmem>>
        %dma_start3A_241 = arith.constant 0 : i32
        %dma_start3A_242 = arith.constant 0 : i32
        %dma_start3A_243 = tpu.memref_slice %arg18[%dma_start3A_241, %dma_start3A_242] : memref<10240x128xf32, #tpu.memory_space<vmem_shared>> -> memref<10240x128xf32, #tpu.memory_space<vmem_shared>>
        tpu.enqueue_indirect_dma source(%arg16 : memref<128x128xf32, #tpu.memory_space<vmem>>) target(%dma_start3A_243 : memref<10240x128xf32, #tpu.memory_space<vmem_shared>>) offsets(%dma_start3A_240 : memref<128xi32, #tpu.memory_space<vmem>>) semaphore(%arg21 : memref<!tpu.dma_semaphore, #tpu.memory_space<semaphore_mem>>) {add = true}
        %dma_wait3A_244 = arith.constant 5 : i32
        %dma_wait3A_245 = arith.constant 0 : i32
        %dma_wait3A_246 = tpu.memref_slice %arg14[%dma_wait3A_244, %dma_wait3A_245] : memref<8x128xi32, #tpu.memory_space<vmem>> -> memref<1x128xi32, #tpu.memory_space<vmem>>
        %dma_wait3A_247 = tpu.memref_squeeze %dma_wait3A_246 : memref<1x128xi32, #tpu.memory_space<vmem>> -> memref<128xi32, #tpu.memory_space<vmem>>
        %dma_wait3A_248 = arith.constant 0 : i32
        %dma_wait3A_249 = arith.constant 0 : i32
        %dma_wait3A_250 = tpu.memref_slice %arg18[%dma_wait3A_248, %dma_wait3A_249] : memref<10240x128xf32, #tpu.memory_space<vmem_shared>> -> memref<10240x128xf32, #tpu.memory_space<vmem_shared>>
        tpu.wait_indirect_dma semaphore(%arg22 : memref<!tpu.dma_semaphore, #tpu.memory_space<semaphore_mem>>) src(%arg17 : memref<128x128xf32, #tpu.memory_space<vmem>>) dst(%dma_wait3A_250 : memref<10240x128xf32, #tpu.memory_space<vmem_shared>>)
        %dma_start3A_251 = arith.constant 7 : i32
        %dma_start3A_252 = arith.constant 0 : i32
        %dma_start3A_253 = tpu.memref_slice %arg12[%dma_start3A_251, %dma_start3A_252] : memref<8x128xi32, #tpu.memory_space<vmem>> -> memref<1x128xi32, #tpu.memory_space<vmem>>
        %dma_start3A_254 = tpu.memref_squeeze %dma_start3A_253 : memref<1x128xi32, #tpu.memory_space<vmem>> -> memref<128xi32, #tpu.memory_space<vmem>>
        %dma_start3A_255 = arith.constant 0 : i32
        %dma_start3A_256 = arith.constant 0 : i32
        %dma_start3A_257 = tpu.memref_slice %arg3[%dma_start3A_255, %dma_start3A_256] : memref<10240x128xf32, #tpu.memory_space<hbm>> -> memref<10240x128xf32, #tpu.memory_space<hbm>>
        tpu.enqueue_indirect_dma source(%dma_start3A_257 : memref<10240x128xf32, #tpu.memory_space<hbm>>) target(%arg17 : memref<128x128xf32, #tpu.memory_space<vmem>>) offsets(%dma_start3A_254 : memref<128xi32, #tpu.memory_space<vmem>>) semaphore(%arg20 : memref<!tpu.dma_semaphore, #tpu.memory_space<semaphore_mem>>)
        %dma_wait3A_258 = arith.constant 7 : i32
        %dma_wait3A_259 = arith.constant 0 : i32
        %dma_wait3A_260 = tpu.memref_slice %arg12[%dma_wait3A_258, %dma_wait3A_259] : memref<8x128xi32, #tpu.memory_space<vmem>> -> memref<1x128xi32, #tpu.memory_space<vmem>>
        %dma_wait3A_261 = tpu.memref_squeeze %dma_wait3A_260 : memref<1x128xi32, #tpu.memory_space<vmem>> -> memref<128xi32, #tpu.memory_space<vmem>>
        %dma_wait3A_262 = arith.constant 0 : i32
        %dma_wait3A_263 = arith.constant 0 : i32
        %dma_wait3A_264 = tpu.memref_slice %arg3[%dma_wait3A_262, %dma_wait3A_263] : memref<10240x128xf32, #tpu.memory_space<hbm>> -> memref<10240x128xf32, #tpu.memory_space<hbm>>
        tpu.wait_indirect_dma semaphore(%arg20 : memref<!tpu.dma_semaphore, #tpu.memory_space<semaphore_mem>>) src(%dma_wait3A_264 : memref<10240x128xf32, #tpu.memory_space<hbm>>) dst(%arg17 : memref<128x128xf32, #tpu.memory_space<vmem>>)
        %dma_start3A_265 = arith.constant 7 : i32
        %dma_start3A_266 = arith.constant 0 : i32
        %dma_start3A_267 = tpu.memref_slice %arg14[%dma_start3A_265, %dma_start3A_266] : memref<8x128xi32, #tpu.memory_space<vmem>> -> memref<1x128xi32, #tpu.memory_space<vmem>>
        %dma_start3A_268 = tpu.memref_squeeze %dma_start3A_267 : memref<1x128xi32, #tpu.memory_space<vmem>> -> memref<128xi32, #tpu.memory_space<vmem>>
        %dma_start3A_269 = arith.constant 0 : i32
        %dma_start3A_270 = arith.constant 0 : i32
        %dma_start3A_271 = tpu.memref_slice %arg18[%dma_start3A_269, %dma_start3A_270] : memref<10240x128xf32, #tpu.memory_space<vmem_shared>> -> memref<10240x128xf32, #tpu.memory_space<vmem_shared>>
        tpu.enqueue_indirect_dma source(%arg17 : memref<128x128xf32, #tpu.memory_space<vmem>>) target(%dma_start3A_271 : memref<10240x128xf32, #tpu.memory_space<vmem_shared>>) offsets(%dma_start3A_268 : memref<128xi32, #tpu.memory_space<vmem>>) semaphore(%arg22 : memref<!tpu.dma_semaphore, #tpu.memory_space<semaphore_mem>>) {add = true}
        %dma_wait3A_272 = arith.constant 6 : i32
        %dma_wait3A_273 = arith.constant 0 : i32
        %dma_wait3A_274 = tpu.memref_slice %arg14[%dma_wait3A_272, %dma_wait3A_273] : memref<8x128xi32, #tpu.memory_space<vmem>> -> memref<1x128xi32, #tpu.memory_space<vmem>>
        %dma_wait3A_275 = tpu.memref_squeeze %dma_wait3A_274 : memref<1x128xi32, #tpu.memory_space<vmem>> -> memref<128xi32, #tpu.memory_space<vmem>>
        %dma_wait3A_276 = arith.constant 0 : i32
        %dma_wait3A_277 = arith.constant 0 : i32
        %dma_wait3A_278 = tpu.memref_slice %arg18[%dma_wait3A_276, %dma_wait3A_277] : memref<10240x128xf32, #tpu.memory_space<vmem_shared>> -> memref<10240x128xf32, #tpu.memory_space<vmem_shared>>
        tpu.wait_indirect_dma semaphore(%arg21 : memref<!tpu.dma_semaphore, #tpu.memory_space<semaphore_mem>>) src(%arg16 : memref<128x128xf32, #tpu.memory_space<vmem>>) dst(%dma_wait3A_278 : memref<10240x128xf32, #tpu.memory_space<vmem_shared>>)
        %dma_wait3A_279 = arith.constant 7 : i32
        %dma_wait3A_280 = arith.constant 0 : i32
        %dma_wait3A_281 = tpu.memref_slice %arg14[%dma_wait3A_279, %dma_wait3A_280] : memref<8x128xi32, #tpu.memory_space<vmem>> -> memref<1x128xi32, #tpu.memory_space<vmem>>
        %dma_wait3A_282 = tpu.memref_squeeze %dma_wait3A_281 : memref<1x128xi32, #tpu.memory_space<vmem>> -> memref<128xi32, #tpu.memory_space<vmem>>
        %dma_wait3A_283 = arith.constant 0 : i32
        %dma_wait3A_284 = arith.constant 0 : i32
        %dma_wait3A_285 = tpu.memref_slice %arg18[%dma_wait3A_283, %dma_wait3A_284] : memref<10240x128xf32, #tpu.memory_space<vmem_shared>> -> memref<10240x128xf32, #tpu.memory_space<vmem_shared>>
        tpu.wait_indirect_dma semaphore(%arg22 : memref<!tpu.dma_semaphore, #tpu.memory_space<semaphore_mem>>) src(%arg17 : memref<128x128xf32, #tpu.memory_space<vmem>>) dst(%dma_wait3A_285 : memref<10240x128xf32, #tpu.memory_space<vmem_shared>>)
        %dma_wait3A_286 = arith.constant 0 : i32
        %dma_wait3A_287 = tpu.memref_slice %arg4[%add3A_53, %dma_wait3A_286] : memref<1288x128xi32, #tpu.memory_space<hbm>> -> memref<8x128xi32, #tpu.memory_space<hbm>>
        %dma_wait3A_288 = arith.constant 0 : i32
        %dma_wait3A_289 = tpu.memref_slice %arg4[%add3A_53, %dma_wait3A_288] : memref<1288x128xi32, #tpu.memory_space<hbm>> -> memref<8x128xi32, #tpu.memory_space<hbm>>
        tpu.wait_dma2 semaphore(%arg24 : memref<!tpu.dma_semaphore, #tpu.memory_space<semaphore_mem>>) src(%dma_wait3A_289 : memref<8x128xi32, #tpu.memory_space<hbm>>) dst(%arg13 : memref<8x128xi32, #tpu.memory_space<vmem>>)
        %dma_wait3A_290 = arith.constant 0 : i32
        %dma_wait3A_291 = tpu.memref_slice %arg5[%add3A_58, %dma_wait3A_290] : memref<1288x128xi32, #tpu.memory_space<hbm>> -> memref<8x128xi32, #tpu.memory_space<hbm>>
        %dma_wait3A_292 = arith.constant 0 : i32
        %dma_wait3A_293 = tpu.memref_slice %arg5[%add3A_58, %dma_wait3A_292] : memref<1288x128xi32, #tpu.memory_space<hbm>> -> memref<8x128xi32, #tpu.memory_space<hbm>>
        tpu.wait_dma2 semaphore(%arg24 : memref<!tpu.dma_semaphore, #tpu.memory_space<semaphore_mem>>) src(%dma_wait3A_293 : memref<8x128xi32, #tpu.memory_space<hbm>>) dst(%arg15 : memref<8x128xi32, #tpu.memory_space<vmem>>)
        %add3A_294 = arith.constant 16 : i32
        %add3A_295 = arith.addi %add3A, %add3A_294 : i32
        %dma_start3A_296 = arith.constant 0 : i32
        %dma_start3A_297 = tpu.memref_slice %arg4[%add3A_295, %dma_start3A_296] : memref<1288x128xi32, #tpu.memory_space<hbm>> -> memref<8x128xi32, #tpu.memory_space<hbm>>
        %dma_start3A_298 = arith.constant 0 : i32
        %dma_start3A_299 = tpu.memref_slice %arg4[%add3A_295, %dma_start3A_298] : memref<1288x128xi32, #tpu.memory_space<hbm>> -> memref<8x128xi32, #tpu.memory_space<hbm>>
        tpu.enqueue_dma source(%dma_start3A_299 : memref<8x128xi32, #tpu.memory_space<hbm>>) target(%arg12 : memref<8x128xi32, #tpu.memory_space<vmem>>) target_semaphore(%arg23 : memref<!tpu.dma_semaphore, #tpu.memory_space<semaphore_mem>>)
        %add3A_300 = arith.constant 16 : i32
        %add3A_301 = arith.addi %add3A, %add3A_300 : i32
        %dma_start3A_302 = arith.constant 0 : i32
        %dma_start3A_303 = tpu.memref_slice %arg5[%add3A_301, %dma_start3A_302] : memref<1288x128xi32, #tpu.memory_space<hbm>> -> memref<8x128xi32, #tpu.memory_space<hbm>>
        %dma_start3A_304 = arith.constant 0 : i32
        %dma_start3A_305 = tpu.memref_slice %arg5[%add3A_301, %dma_start3A_304] : memref<1288x128xi32, #tpu.memory_space<hbm>> -> memref<8x128xi32, #tpu.memory_space<hbm>>
        tpu.enqueue_dma source(%dma_start3A_305 : memref<8x128xi32, #tpu.memory_space<hbm>>) target(%arg14 : memref<8x128xi32, #tpu.memory_space<vmem>>) target_semaphore(%arg23 : memref<!tpu.dma_semaphore, #tpu.memory_space<semaphore_mem>>)
        %dma_start3A_306 = arith.constant 0 : i32
        %dma_start3A_307 = arith.constant 0 : i32
        %dma_start3A_308 = tpu.memref_slice %arg13[%dma_start3A_306, %dma_start3A_307] : memref<8x128xi32, #tpu.memory_space<vmem>> -> memref<1x128xi32, #tpu.memory_space<vmem>>
        %dma_start3A_309 = tpu.memref_squeeze %dma_start3A_308 : memref<1x128xi32, #tpu.memory_space<vmem>> -> memref<128xi32, #tpu.memory_space<vmem>>
        %dma_start3A_310 = arith.constant 0 : i32
        %dma_start3A_311 = arith.constant 0 : i32
        %dma_start3A_312 = tpu.memref_slice %arg3[%dma_start3A_310, %dma_start3A_311] : memref<10240x128xf32, #tpu.memory_space<hbm>> -> memref<10240x128xf32, #tpu.memory_space<hbm>>
        tpu.enqueue_indirect_dma source(%dma_start3A_312 : memref<10240x128xf32, #tpu.memory_space<hbm>>) target(%arg16 : memref<128x128xf32, #tpu.memory_space<vmem>>) offsets(%dma_start3A_309 : memref<128xi32, #tpu.memory_space<vmem>>) semaphore(%arg19 : memref<!tpu.dma_semaphore, #tpu.memory_space<semaphore_mem>>)
        %dma_wait3A_313 = arith.constant 0 : i32
        %dma_wait3A_314 = arith.constant 0 : i32
        %dma_wait3A_315 = tpu.memref_slice %arg13[%dma_wait3A_313, %dma_wait3A_314] : memref<8x128xi32, #tpu.memory_space<vmem>> -> memref<1x128xi32, #tpu.memory_space<vmem>>
        %dma_wait3A_316 = tpu.memref_squeeze %dma_wait3A_315 : memref<1x128xi32, #tpu.memory_space<vmem>> -> memref<128xi32, #tpu.memory_space<vmem>>
        %dma_wait3A_317 = arith.constant 0 : i32
        %dma_wait3A_318 = arith.constant 0 : i32
        %dma_wait3A_319 = tpu.memref_slice %arg3[%dma_wait3A_317, %dma_wait3A_318] : memref<10240x128xf32, #tpu.memory_space<hbm>> -> memref<10240x128xf32, #tpu.memory_space<hbm>>
        tpu.wait_indirect_dma semaphore(%arg19 : memref<!tpu.dma_semaphore, #tpu.memory_space<semaphore_mem>>) src(%dma_wait3A_319 : memref<10240x128xf32, #tpu.memory_space<hbm>>) dst(%arg16 : memref<128x128xf32, #tpu.memory_space<vmem>>)
        %dma_start3A_320 = arith.constant 0 : i32
        %dma_start3A_321 = arith.constant 0 : i32
        %dma_start3A_322 = tpu.memref_slice %arg15[%dma_start3A_320, %dma_start3A_321] : memref<8x128xi32, #tpu.memory_space<vmem>> -> memref<1x128xi32, #tpu.memory_space<vmem>>
        %dma_start3A_323 = tpu.memref_squeeze %dma_start3A_322 : memref<1x128xi32, #tpu.memory_space<vmem>> -> memref<128xi32, #tpu.memory_space<vmem>>
        %dma_start3A_324 = arith.constant 0 : i32
        %dma_start3A_325 = arith.constant 0 : i32
        %dma_start3A_326 = tpu.memref_slice %arg18[%dma_start3A_324, %dma_start3A_325] : memref<10240x128xf32, #tpu.memory_space<vmem_shared>> -> memref<10240x128xf32, #tpu.memory_space<vmem_shared>>
        tpu.enqueue_indirect_dma source(%arg16 : memref<128x128xf32, #tpu.memory_space<vmem>>) target(%dma_start3A_326 : memref<10240x128xf32, #tpu.memory_space<vmem_shared>>) offsets(%dma_start3A_323 : memref<128xi32, #tpu.memory_space<vmem>>) semaphore(%arg21 : memref<!tpu.dma_semaphore, #tpu.memory_space<semaphore_mem>>) {add = true}
        %dma_start3A_327 = arith.constant 1 : i32
        %dma_start3A_328 = arith.constant 0 : i32
        %dma_start3A_329 = tpu.memref_slice %arg13[%dma_start3A_327, %dma_start3A_328] : memref<8x128xi32, #tpu.memory_space<vmem>> -> memref<1x128xi32, #tpu.memory_space<vmem>>
        %dma_start3A_330 = tpu.memref_squeeze %dma_start3A_329 : memref<1x128xi32, #tpu.memory_space<vmem>> -> memref<128xi32, #tpu.memory_space<vmem>>
        %dma_start3A_331 = arith.constant 0 : i32
        %dma_start3A_332 = arith.constant 0 : i32
        %dma_start3A_333 = tpu.memref_slice %arg3[%dma_start3A_331, %dma_start3A_332] : memref<10240x128xf32, #tpu.memory_space<hbm>> -> memref<10240x128xf32, #tpu.memory_space<hbm>>
        tpu.enqueue_indirect_dma source(%dma_start3A_333 : memref<10240x128xf32, #tpu.memory_space<hbm>>) target(%arg17 : memref<128x128xf32, #tpu.memory_space<vmem>>) offsets(%dma_start3A_330 : memref<128xi32, #tpu.memory_space<vmem>>) semaphore(%arg20 : memref<!tpu.dma_semaphore, #tpu.memory_space<semaphore_mem>>)
        %dma_wait3A_334 = arith.constant 1 : i32
        %dma_wait3A_335 = arith.constant 0 : i32
        %dma_wait3A_336 = tpu.memref_slice %arg13[%dma_wait3A_334, %dma_wait3A_335] : memref<8x128xi32, #tpu.memory_space<vmem>> -> memref<1x128xi32, #tpu.memory_space<vmem>>
        %dma_wait3A_337 = tpu.memref_squeeze %dma_wait3A_336 : memref<1x128xi32, #tpu.memory_space<vmem>> -> memref<128xi32, #tpu.memory_space<vmem>>
        %dma_wait3A_338 = arith.constant 0 : i32
        %dma_wait3A_339 = arith.constant 0 : i32
        %dma_wait3A_340 = tpu.memref_slice %arg3[%dma_wait3A_338, %dma_wait3A_339] : memref<10240x128xf32, #tpu.memory_space<hbm>> -> memref<10240x128xf32, #tpu.memory_space<hbm>>
        tpu.wait_indirect_dma semaphore(%arg20 : memref<!tpu.dma_semaphore, #tpu.memory_space<semaphore_mem>>) src(%dma_wait3A_340 : memref<10240x128xf32, #tpu.memory_space<hbm>>) dst(%arg17 : memref<128x128xf32, #tpu.memory_space<vmem>>)
        %dma_start3A_341 = arith.constant 1 : i32
        %dma_start3A_342 = arith.constant 0 : i32
        %dma_start3A_343 = tpu.memref_slice %arg15[%dma_start3A_341, %dma_start3A_342] : memref<8x128xi32, #tpu.memory_space<vmem>> -> memref<1x128xi32, #tpu.memory_space<vmem>>
        %dma_start3A_344 = tpu.memref_squeeze %dma_start3A_343 : memref<1x128xi32, #tpu.memory_space<vmem>> -> memref<128xi32, #tpu.memory_space<vmem>>
        %dma_start3A_345 = arith.constant 0 : i32
        %dma_start3A_346 = arith.constant 0 : i32
        %dma_start3A_347 = tpu.memref_slice %arg18[%dma_start3A_345, %dma_start3A_346] : memref<10240x128xf32, #tpu.memory_space<vmem_shared>> -> memref<10240x128xf32, #tpu.memory_space<vmem_shared>>
        tpu.enqueue_indirect_dma source(%arg17 : memref<128x128xf32, #tpu.memory_space<vmem>>) target(%dma_start3A_347 : memref<10240x128xf32, #tpu.memory_space<vmem_shared>>) offsets(%dma_start3A_344 : memref<128xi32, #tpu.memory_space<vmem>>) semaphore(%arg22 : memref<!tpu.dma_semaphore, #tpu.memory_space<semaphore_mem>>) {add = true}
        %dma_wait3A_348 = arith.constant 0 : i32
        %dma_wait3A_349 = arith.constant 0 : i32
        %dma_wait3A_350 = tpu.memref_slice %arg15[%dma_wait3A_348, %dma_wait3A_349] : memref<8x128xi32, #tpu.memory_space<vmem>> -> memref<1x128xi32, #tpu.memory_space<vmem>>
        %dma_wait3A_351 = tpu.memref_squeeze %dma_wait3A_350 : memref<1x128xi32, #tpu.memory_space<vmem>> -> memref<128xi32, #tpu.memory_space<vmem>>
        %dma_wait3A_352 = arith.constant 0 : i32
        %dma_wait3A_353 = arith.constant 0 : i32
        %dma_wait3A_354 = tpu.memref_slice %arg18[%dma_wait3A_352, %dma_wait3A_353] : memref<10240x128xf32, #tpu.memory_space<vmem_shared>> -> memref<10240x128xf32, #tpu.memory_space<vmem_shared>>
        tpu.wait_indirect_dma semaphore(%arg21 : memref<!tpu.dma_semaphore, #tpu.memory_space<semaphore_mem>>) src(%arg16 : memref<128x128xf32, #tpu.memory_space<vmem>>) dst(%dma_wait3A_354 : memref<10240x128xf32, #tpu.memory_space<vmem_shared>>)
        %dma_start3A_355 = arith.constant 2 : i32
        %dma_start3A_356 = arith.constant 0 : i32
        %dma_start3A_357 = tpu.memref_slice %arg13[%dma_start3A_355, %dma_start3A_356] : memref<8x128xi32, #tpu.memory_space<vmem>> -> memref<1x128xi32, #tpu.memory_space<vmem>>
        %dma_start3A_358 = tpu.memref_squeeze %dma_start3A_357 : memref<1x128xi32, #tpu.memory_space<vmem>> -> memref<128xi32, #tpu.memory_space<vmem>>
        %dma_start3A_359 = arith.constant 0 : i32
        %dma_start3A_360 = arith.constant 0 : i32
        %dma_start3A_361 = tpu.memref_slice %arg3[%dma_start3A_359, %dma_start3A_360] : memref<10240x128xf32, #tpu.memory_space<hbm>> -> memref<10240x128xf32, #tpu.memory_space<hbm>>
        tpu.enqueue_indirect_dma source(%dma_start3A_361 : memref<10240x128xf32, #tpu.memory_space<hbm>>) target(%arg16 : memref<128x128xf32, #tpu.memory_space<vmem>>) offsets(%dma_start3A_358 : memref<128xi32, #tpu.memory_space<vmem>>) semaphore(%arg19 : memref<!tpu.dma_semaphore, #tpu.memory_space<semaphore_mem>>)
        %dma_wait3A_362 = arith.constant 2 : i32
        %dma_wait3A_363 = arith.constant 0 : i32
        %dma_wait3A_364 = tpu.memref_slice %arg13[%dma_wait3A_362, %dma_wait3A_363] : memref<8x128xi32, #tpu.memory_space<vmem>> -> memref<1x128xi32, #tpu.memory_space<vmem>>
        %dma_wait3A_365 = tpu.memref_squeeze %dma_wait3A_364 : memref<1x128xi32, #tpu.memory_space<vmem>> -> memref<128xi32, #tpu.memory_space<vmem>>
        %dma_wait3A_366 = arith.constant 0 : i32
        %dma_wait3A_367 = arith.constant 0 : i32
        %dma_wait3A_368 = tpu.memref_slice %arg3[%dma_wait3A_366, %dma_wait3A_367] : memref<10240x128xf32, #tpu.memory_space<hbm>> -> memref<10240x128xf32, #tpu.memory_space<hbm>>
        tpu.wait_indirect_dma semaphore(%arg19 : memref<!tpu.dma_semaphore, #tpu.memory_space<semaphore_mem>>) src(%dma_wait3A_368 : memref<10240x128xf32, #tpu.memory_space<hbm>>) dst(%arg16 : memref<128x128xf32, #tpu.memory_space<vmem>>)
        %dma_start3A_369 = arith.constant 2 : i32
        %dma_start3A_370 = arith.constant 0 : i32
        %dma_start3A_371 = tpu.memref_slice %arg15[%dma_start3A_369, %dma_start3A_370] : memref<8x128xi32, #tpu.memory_space<vmem>> -> memref<1x128xi32, #tpu.memory_space<vmem>>
        %dma_start3A_372 = tpu.memref_squeeze %dma_start3A_371 : memref<1x128xi32, #tpu.memory_space<vmem>> -> memref<128xi32, #tpu.memory_space<vmem>>
        %dma_start3A_373 = arith.constant 0 : i32
        %dma_start3A_374 = arith.constant 0 : i32
        %dma_start3A_375 = tpu.memref_slice %arg18[%dma_start3A_373, %dma_start3A_374] : memref<10240x128xf32, #tpu.memory_space<vmem_shared>> -> memref<10240x128xf32, #tpu.memory_space<vmem_shared>>
        tpu.enqueue_indirect_dma source(%arg16 : memref<128x128xf32, #tpu.memory_space<vmem>>) target(%dma_start3A_375 : memref<10240x128xf32, #tpu.memory_space<vmem_shared>>) offsets(%dma_start3A_372 : memref<128xi32, #tpu.memory_space<vmem>>) semaphore(%arg21 : memref<!tpu.dma_semaphore, #tpu.memory_space<semaphore_mem>>) {add = true}
        %dma_wait3A_376 = arith.constant 1 : i32
        %dma_wait3A_377 = arith.constant 0 : i32
        %dma_wait3A_378 = tpu.memref_slice %arg15[%dma_wait3A_376, %dma_wait3A_377] : memref<8x128xi32, #tpu.memory_space<vmem>> -> memref<1x128xi32, #tpu.memory_space<vmem>>
        %dma_wait3A_379 = tpu.memref_squeeze %dma_wait3A_378 : memref<1x128xi32, #tpu.memory_space<vmem>> -> memref<128xi32, #tpu.memory_space<vmem>>
        %dma_wait3A_380 = arith.constant 0 : i32
        %dma_wait3A_381 = arith.constant 0 : i32
        %dma_wait3A_382 = tpu.memref_slice %arg18[%dma_wait3A_380, %dma_wait3A_381] : memref<10240x128xf32, #tpu.memory_space<vmem_shared>> -> memref<10240x128xf32, #tpu.memory_space<vmem_shared>>
        tpu.wait_indirect_dma semaphore(%arg22 : memref<!tpu.dma_semaphore, #tpu.memory_space<semaphore_mem>>) src(%arg17 : memref<128x128xf32, #tpu.memory_space<vmem>>) dst(%dma_wait3A_382 : memref<10240x128xf32, #tpu.memory_space<vmem_shared>>)
        %dma_start3A_383 = arith.constant 3 : i32
        %dma_start3A_384 = arith.constant 0 : i32
        %dma_start3A_385 = tpu.memref_slice %arg13[%dma_start3A_383, %dma_start3A_384] : memref<8x128xi32, #tpu.memory_space<vmem>> -> memref<1x128xi32, #tpu.memory_space<vmem>>
        %dma_start3A_386 = tpu.memref_squeeze %dma_start3A_385 : memref<1x128xi32, #tpu.memory_space<vmem>> -> memref<128xi32, #tpu.memory_space<vmem>>
        %dma_start3A_387 = arith.constant 0 : i32
        %dma_start3A_388 = arith.constant 0 : i32
        %dma_start3A_389 = tpu.memref_slice %arg3[%dma_start3A_387, %dma_start3A_388] : memref<10240x128xf32, #tpu.memory_space<hbm>> -> memref<10240x128xf32, #tpu.memory_space<hbm>>
        tpu.enqueue_indirect_dma source(%dma_start3A_389 : memref<10240x128xf32, #tpu.memory_space<hbm>>) target(%arg17 : memref<128x128xf32, #tpu.memory_space<vmem>>) offsets(%dma_start3A_386 : memref<128xi32, #tpu.memory_space<vmem>>) semaphore(%arg20 : memref<!tpu.dma_semaphore, #tpu.memory_space<semaphore_mem>>)
        %dma_wait3A_390 = arith.constant 3 : i32
        %dma_wait3A_391 = arith.constant 0 : i32
        %dma_wait3A_392 = tpu.memref_slice %arg13[%dma_wait3A_390, %dma_wait3A_391] : memref<8x128xi32, #tpu.memory_space<vmem>> -> memref<1x128xi32, #tpu.memory_space<vmem>>
        %dma_wait3A_393 = tpu.memref_squeeze %dma_wait3A_392 : memref<1x128xi32, #tpu.memory_space<vmem>> -> memref<128xi32, #tpu.memory_space<vmem>>
        %dma_wait3A_394 = arith.constant 0 : i32
        %dma_wait3A_395 = arith.constant 0 : i32
        %dma_wait3A_396 = tpu.memref_slice %arg3[%dma_wait3A_394, %dma_wait3A_395] : memref<10240x128xf32, #tpu.memory_space<hbm>> -> memref<10240x128xf32, #tpu.memory_space<hbm>>
        tpu.wait_indirect_dma semaphore(%arg20 : memref<!tpu.dma_semaphore, #tpu.memory_space<semaphore_mem>>) src(%dma_wait3A_396 : memref<10240x128xf32, #tpu.memory_space<hbm>>) dst(%arg17 : memref<128x128xf32, #tpu.memory_space<vmem>>)
        %dma_start3A_397 = arith.constant 3 : i32
        %dma_start3A_398 = arith.constant 0 : i32
        %dma_start3A_399 = tpu.memref_slice %arg15[%dma_start3A_397, %dma_start3A_398] : memref<8x128xi32, #tpu.memory_space<vmem>> -> memref<1x128xi32, #tpu.memory_space<vmem>>
        %dma_start3A_400 = tpu.memref_squeeze %dma_start3A_399 : memref<1x128xi32, #tpu.memory_space<vmem>> -> memref<128xi32, #tpu.memory_space<vmem>>
        %dma_start3A_401 = arith.constant 0 : i32
        %dma_start3A_402 = arith.constant 0 : i32
        %dma_start3A_403 = tpu.memref_slice %arg18[%dma_start3A_401, %dma_start3A_402] : memref<10240x128xf32, #tpu.memory_space<vmem_shared>> -> memref<10240x128xf32, #tpu.memory_space<vmem_shared>>
        tpu.enqueue_indirect_dma source(%arg17 : memref<128x128xf32, #tpu.memory_space<vmem>>) target(%dma_start3A_403 : memref<10240x128xf32, #tpu.memory_space<vmem_shared>>) offsets(%dma_start3A_400 : memref<128xi32, #tpu.memory_space<vmem>>) semaphore(%arg22 : memref<!tpu.dma_semaphore, #tpu.memory_space<semaphore_mem>>) {add = true}
        %dma_wait3A_404 = arith.constant 2 : i32
        %dma_wait3A_405 = arith.constant 0 : i32
        %dma_wait3A_406 = tpu.memref_slice %arg15[%dma_wait3A_404, %dma_wait3A_405] : memref<8x128xi32, #tpu.memory_space<vmem>> -> memref<1x128xi32, #tpu.memory_space<vmem>>
        %dma_wait3A_407 = tpu.memref_squeeze %dma_wait3A_406 : memref<1x128xi32, #tpu.memory_space<vmem>> -> memref<128xi32, #tpu.memory_space<vmem>>
        %dma_wait3A_408 = arith.constant 0 : i32
        %dma_wait3A_409 = arith.constant 0 : i32
        %dma_wait3A_410 = tpu.memref_slice %arg18[%dma_wait3A_408, %dma_wait3A_409] : memref<10240x128xf32, #tpu.memory_space<vmem_shared>> -> memref<10240x128xf32, #tpu.memory_space<vmem_shared>>
        tpu.wait_indirect_dma semaphore(%arg21 : memref<!tpu.dma_semaphore, #tpu.memory_space<semaphore_mem>>) src(%arg16 : memref<128x128xf32, #tpu.memory_space<vmem>>) dst(%dma_wait3A_410 : memref<10240x128xf32, #tpu.memory_space<vmem_shared>>)
        %dma_start3A_411 = arith.constant 4 : i32
        %dma_start3A_412 = arith.constant 0 : i32
        %dma_start3A_413 = tpu.memref_slice %arg13[%dma_start3A_411, %dma_start3A_412] : memref<8x128xi32, #tpu.memory_space<vmem>> -> memref<1x128xi32, #tpu.memory_space<vmem>>
        %dma_start3A_414 = tpu.memref_squeeze %dma_start3A_413 : memref<1x128xi32, #tpu.memory_space<vmem>> -> memref<128xi32, #tpu.memory_space<vmem>>
        %dma_start3A_415 = arith.constant 0 : i32
        %dma_start3A_416 = arith.constant 0 : i32
        %dma_start3A_417 = tpu.memref_slice %arg3[%dma_start3A_415, %dma_start3A_416] : memref<10240x128xf32, #tpu.memory_space<hbm>> -> memref<10240x128xf32, #tpu.memory_space<hbm>>
        tpu.enqueue_indirect_dma source(%dma_start3A_417 : memref<10240x128xf32, #tpu.memory_space<hbm>>) target(%arg16 : memref<128x128xf32, #tpu.memory_space<vmem>>) offsets(%dma_start3A_414 : memref<128xi32, #tpu.memory_space<vmem>>) semaphore(%arg19 : memref<!tpu.dma_semaphore, #tpu.memory_space<semaphore_mem>>)
        %dma_wait3A_418 = arith.constant 4 : i32
        %dma_wait3A_419 = arith.constant 0 : i32
        %dma_wait3A_420 = tpu.memref_slice %arg13[%dma_wait3A_418, %dma_wait3A_419] : memref<8x128xi32, #tpu.memory_space<vmem>> -> memref<1x128xi32, #tpu.memory_space<vmem>>
        %dma_wait3A_421 = tpu.memref_squeeze %dma_wait3A_420 : memref<1x128xi32, #tpu.memory_space<vmem>> -> memref<128xi32, #tpu.memory_space<vmem>>
        %dma_wait3A_422 = arith.constant 0 : i32
        %dma_wait3A_423 = arith.constant 0 : i32
        %dma_wait3A_424 = tpu.memref_slice %arg3[%dma_wait3A_422, %dma_wait3A_423] : memref<10240x128xf32, #tpu.memory_space<hbm>> -> memref<10240x128xf32, #tpu.memory_space<hbm>>
        tpu.wait_indirect_dma semaphore(%arg19 : memref<!tpu.dma_semaphore, #tpu.memory_space<semaphore_mem>>) src(%dma_wait3A_424 : memref<10240x128xf32, #tpu.memory_space<hbm>>) dst(%arg16 : memref<128x128xf32, #tpu.memory_space<vmem>>)
        %dma_start3A_425 = arith.constant 4 : i32
        %dma_start3A_426 = arith.constant 0 : i32
        %dma_start3A_427 = tpu.memref_slice %arg15[%dma_start3A_425, %dma_start3A_426] : memref<8x128xi32, #tpu.memory_space<vmem>> -> memref<1x128xi32, #tpu.memory_space<vmem>>
        %dma_start3A_428 = tpu.memref_squeeze %dma_start3A_427 : memref<1x128xi32, #tpu.memory_space<vmem>> -> memref<128xi32, #tpu.memory_space<vmem>>
        %dma_start3A_429 = arith.constant 0 : i32
        %dma_start3A_430 = arith.constant 0 : i32
        %dma_start3A_431 = tpu.memref_slice %arg18[%dma_start3A_429, %dma_start3A_430] : memref<10240x128xf32, #tpu.memory_space<vmem_shared>> -> memref<10240x128xf32, #tpu.memory_space<vmem_shared>>
        tpu.enqueue_indirect_dma source(%arg16 : memref<128x128xf32, #tpu.memory_space<vmem>>) target(%dma_start3A_431 : memref<10240x128xf32, #tpu.memory_space<vmem_shared>>) offsets(%dma_start3A_428 : memref<128xi32, #tpu.memory_space<vmem>>) semaphore(%arg21 : memref<!tpu.dma_semaphore, #tpu.memory_space<semaphore_mem>>) {add = true}
        %dma_wait3A_432 = arith.constant 3 : i32
        %dma_wait3A_433 = arith.constant 0 : i32
        %dma_wait3A_434 = tpu.memref_slice %arg15[%dma_wait3A_432, %dma_wait3A_433] : memref<8x128xi32, #tpu.memory_space<vmem>> -> memref<1x128xi32, #tpu.memory_space<vmem>>
        %dma_wait3A_435 = tpu.memref_squeeze %dma_wait3A_434 : memref<1x128xi32, #tpu.memory_space<vmem>> -> memref<128xi32, #tpu.memory_space<vmem>>
        %dma_wait3A_436 = arith.constant 0 : i32
        %dma_wait3A_437 = arith.constant 0 : i32
        %dma_wait3A_438 = tpu.memref_slice %arg18[%dma_wait3A_436, %dma_wait3A_437] : memref<10240x128xf32, #tpu.memory_space<vmem_shared>> -> memref<10240x128xf32, #tpu.memory_space<vmem_shared>>
        tpu.wait_indirect_dma semaphore(%arg22 : memref<!tpu.dma_semaphore, #tpu.memory_space<semaphore_mem>>) src(%arg17 : memref<128x128xf32, #tpu.memory_space<vmem>>) dst(%dma_wait3A_438 : memref<10240x128xf32, #tpu.memory_space<vmem_shared>>)
        %dma_start3A_439 = arith.constant 5 : i32
        %dma_start3A_440 = arith.constant 0 : i32
        %dma_start3A_441 = tpu.memref_slice %arg13[%dma_start3A_439, %dma_start3A_440] : memref<8x128xi32, #tpu.memory_space<vmem>> -> memref<1x128xi32, #tpu.memory_space<vmem>>
        %dma_start3A_442 = tpu.memref_squeeze %dma_start3A_441 : memref<1x128xi32, #tpu.memory_space<vmem>> -> memref<128xi32, #tpu.memory_space<vmem>>
        %dma_start3A_443 = arith.constant 0 : i32
        %dma_start3A_444 = arith.constant 0 : i32
        %dma_start3A_445 = tpu.memref_slice %arg3[%dma_start3A_443, %dma_start3A_444] : memref<10240x128xf32, #tpu.memory_space<hbm>> -> memref<10240x128xf32, #tpu.memory_space<hbm>>
        tpu.enqueue_indirect_dma source(%dma_start3A_445 : memref<10240x128xf32, #tpu.memory_space<hbm>>) target(%arg17 : memref<128x128xf32, #tpu.memory_space<vmem>>) offsets(%dma_start3A_442 : memref<128xi32, #tpu.memory_space<vmem>>) semaphore(%arg20 : memref<!tpu.dma_semaphore, #tpu.memory_space<semaphore_mem>>)
        %dma_wait3A_446 = arith.constant 5 : i32
        %dma_wait3A_447 = arith.constant 0 : i32
        %dma_wait3A_448 = tpu.memref_slice %arg13[%dma_wait3A_446, %dma_wait3A_447] : memref<8x128xi32, #tpu.memory_space<vmem>> -> memref<1x128xi32, #tpu.memory_space<vmem>>
        %dma_wait3A_449 = tpu.memref_squeeze %dma_wait3A_448 : memref<1x128xi32, #tpu.memory_space<vmem>> -> memref<128xi32, #tpu.memory_space<vmem>>
        %dma_wait3A_450 = arith.constant 0 : i32
        %dma_wait3A_451 = arith.constant 0 : i32
        %dma_wait3A_452 = tpu.memref_slice %arg3[%dma_wait3A_450, %dma_wait3A_451] : memref<10240x128xf32, #tpu.memory_space<hbm>> -> memref<10240x128xf32, #tpu.memory_space<hbm>>
        tpu.wait_indirect_dma semaphore(%arg20 : memref<!tpu.dma_semaphore, #tpu.memory_space<semaphore_mem>>) src(%dma_wait3A_452 : memref<10240x128xf32, #tpu.memory_space<hbm>>) dst(%arg17 : memref<128x128xf32, #tpu.memory_space<vmem>>)
        %dma_start3A_453 = arith.constant 5 : i32
        %dma_start3A_454 = arith.constant 0 : i32
        %dma_start3A_455 = tpu.memref_slice %arg15[%dma_start3A_453, %dma_start3A_454] : memref<8x128xi32, #tpu.memory_space<vmem>> -> memref<1x128xi32, #tpu.memory_space<vmem>>
        %dma_start3A_456 = tpu.memref_squeeze %dma_start3A_455 : memref<1x128xi32, #tpu.memory_space<vmem>> -> memref<128xi32, #tpu.memory_space<vmem>>
        %dma_start3A_457 = arith.constant 0 : i32
        %dma_start3A_458 = arith.constant 0 : i32
        %dma_start3A_459 = tpu.memref_slice %arg18[%dma_start3A_457, %dma_start3A_458] : memref<10240x128xf32, #tpu.memory_space<vmem_shared>> -> memref<10240x128xf32, #tpu.memory_space<vmem_shared>>
        tpu.enqueue_indirect_dma source(%arg17 : memref<128x128xf32, #tpu.memory_space<vmem>>) target(%dma_start3A_459 : memref<10240x128xf32, #tpu.memory_space<vmem_shared>>) offsets(%dma_start3A_456 : memref<128xi32, #tpu.memory_space<vmem>>) semaphore(%arg22 : memref<!tpu.dma_semaphore, #tpu.memory_space<semaphore_mem>>) {add = true}
        %dma_wait3A_460 = arith.constant 4 : i32
        %dma_wait3A_461 = arith.constant 0 : i32
        %dma_wait3A_462 = tpu.memref_slice %arg15[%dma_wait3A_460, %dma_wait3A_461] : memref<8x128xi32, #tpu.memory_space<vmem>> -> memref<1x128xi32, #tpu.memory_space<vmem>>
        %dma_wait3A_463 = tpu.memref_squeeze %dma_wait3A_462 : memref<1x128xi32, #tpu.memory_space<vmem>> -> memref<128xi32, #tpu.memory_space<vmem>>
        %dma_wait3A_464 = arith.constant 0 : i32
        %dma_wait3A_465 = arith.constant 0 : i32
        %dma_wait3A_466 = tpu.memref_slice %arg18[%dma_wait3A_464, %dma_wait3A_465] : memref<10240x128xf32, #tpu.memory_space<vmem_shared>> -> memref<10240x128xf32, #tpu.memory_space<vmem_shared>>
        tpu.wait_indirect_dma semaphore(%arg21 : memref<!tpu.dma_semaphore, #tpu.memory_space<semaphore_mem>>) src(%arg16 : memref<128x128xf32, #tpu.memory_space<vmem>>) dst(%dma_wait3A_466 : memref<10240x128xf32, #tpu.memory_space<vmem_shared>>)
        %dma_start3A_467 = arith.constant 6 : i32
        %dma_start3A_468 = arith.constant 0 : i32
        %dma_start3A_469 = tpu.memref_slice %arg13[%dma_start3A_467, %dma_start3A_468] : memref<8x128xi32, #tpu.memory_space<vmem>> -> memref<1x128xi32, #tpu.memory_space<vmem>>
        %dma_start3A_470 = tpu.memref_squeeze %dma_start3A_469 : memref<1x128xi32, #tpu.memory_space<vmem>> -> memref<128xi32, #tpu.memory_space<vmem>>
        %dma_start3A_471 = arith.constant 0 : i32
        %dma_start3A_472 = arith.constant 0 : i32
        %dma_start3A_473 = tpu.memref_slice %arg3[%dma_start3A_471, %dma_start3A_472] : memref<10240x128xf32, #tpu.memory_space<hbm>> -> memref<10240x128xf32, #tpu.memory_space<hbm>>
        tpu.enqueue_indirect_dma source(%dma_start3A_473 : memref<10240x128xf32, #tpu.memory_space<hbm>>) target(%arg16 : memref<128x128xf32, #tpu.memory_space<vmem>>) offsets(%dma_start3A_470 : memref<128xi32, #tpu.memory_space<vmem>>) semaphore(%arg19 : memref<!tpu.dma_semaphore, #tpu.memory_space<semaphore_mem>>)
        %dma_wait3A_474 = arith.constant 6 : i32
        %dma_wait3A_475 = arith.constant 0 : i32
        %dma_wait3A_476 = tpu.memref_slice %arg13[%dma_wait3A_474, %dma_wait3A_475] : memref<8x128xi32, #tpu.memory_space<vmem>> -> memref<1x128xi32, #tpu.memory_space<vmem>>
        %dma_wait3A_477 = tpu.memref_squeeze %dma_wait3A_476 : memref<1x128xi32, #tpu.memory_space<vmem>> -> memref<128xi32, #tpu.memory_space<vmem>>
        %dma_wait3A_478 = arith.constant 0 : i32
        %dma_wait3A_479 = arith.constant 0 : i32
        %dma_wait3A_480 = tpu.memref_slice %arg3[%dma_wait3A_478, %dma_wait3A_479] : memref<10240x128xf32, #tpu.memory_space<hbm>> -> memref<10240x128xf32, #tpu.memory_space<hbm>>
        tpu.wait_indirect_dma semaphore(%arg19 : memref<!tpu.dma_semaphore, #tpu.memory_space<semaphore_mem>>) src(%dma_wait3A_480 : memref<10240x128xf32, #tpu.memory_space<hbm>>) dst(%arg16 : memref<128x128xf32, #tpu.memory_space<vmem>>)
        %dma_start3A_481 = arith.constant 6 : i32
        %dma_start3A_482 = arith.constant 0 : i32
        %dma_start3A_483 = tpu.memref_slice %arg15[%dma_start3A_481, %dma_start3A_482] : memref<8x128xi32, #tpu.memory_space<vmem>> -> memref<1x128xi32, #tpu.memory_space<vmem>>
        %dma_start3A_484 = tpu.memref_squeeze %dma_start3A_483 : memref<1x128xi32, #tpu.memory_space<vmem>> -> memref<128xi32, #tpu.memory_space<vmem>>
        %dma_start3A_485 = arith.constant 0 : i32
        %dma_start3A_486 = arith.constant 0 : i32
        %dma_start3A_487 = tpu.memref_slice %arg18[%dma_start3A_485, %dma_start3A_486] : memref<10240x128xf32, #tpu.memory_space<vmem_shared>> -> memref<10240x128xf32, #tpu.memory_space<vmem_shared>>
        tpu.enqueue_indirect_dma source(%arg16 : memref<128x128xf32, #tpu.memory_space<vmem>>) target(%dma_start3A_487 : memref<10240x128xf32, #tpu.memory_space<vmem_shared>>) offsets(%dma_start3A_484 : memref<128xi32, #tpu.memory_space<vmem>>) semaphore(%arg21 : memref<!tpu.dma_semaphore, #tpu.memory_space<semaphore_mem>>) {add = true}
        %dma_wait3A_488 = arith.constant 5 : i32
        %dma_wait3A_489 = arith.constant 0 : i32
        %dma_wait3A_490 = tpu.memref_slice %arg15[%dma_wait3A_488, %dma_wait3A_489] : memref<8x128xi32, #tpu.memory_space<vmem>> -> memref<1x128xi32, #tpu.memory_space<vmem>>
        %dma_wait3A_491 = tpu.memref_squeeze %dma_wait3A_490 : memref<1x128xi32, #tpu.memory_space<vmem>> -> memref<128xi32, #tpu.memory_space<vmem>>
        %dma_wait3A_492 = arith.constant 0 : i32
        %dma_wait3A_493 = arith.constant 0 : i32
        %dma_wait3A_494 = tpu.memref_slice %arg18[%dma_wait3A_492, %dma_wait3A_493] : memref<10240x128xf32, #tpu.memory_space<vmem_shared>> -> memref<10240x128xf32, #tpu.memory_space<vmem_shared>>
        tpu.wait_indirect_dma semaphore(%arg22 : memref<!tpu.dma_semaphore, #tpu.memory_space<semaphore_mem>>) src(%arg17 : memref<128x128xf32, #tpu.memory_space<vmem>>) dst(%dma_wait3A_494 : memref<10240x128xf32, #tpu.memory_space<vmem_shared>>)
        %dma_start3A_495 = arith.constant 7 : i32
        %dma_start3A_496 = arith.constant 0 : i32
        %dma_start3A_497 = tpu.memref_slice %arg13[%dma_start3A_495, %dma_start3A_496] : memref<8x128xi32, #tpu.memory_space<vmem>> -> memref<1x128xi32, #tpu.memory_space<vmem>>
        %dma_start3A_498 = tpu.memref_squeeze %dma_start3A_497 : memref<1x128xi32, #tpu.memory_space<vmem>> -> memref<128xi32, #tpu.memory_space<vmem>>
        %dma_start3A_499 = arith.constant 0 : i32
        %dma_start3A_500 = arith.constant 0 : i32
        %dma_start3A_501 = tpu.memref_slice %arg3[%dma_start3A_499, %dma_start3A_500] : memref<10240x128xf32, #tpu.memory_space<hbm>> -> memref<10240x128xf32, #tpu.memory_space<hbm>>
        tpu.enqueue_indirect_dma source(%dma_start3A_501 : memref<10240x128xf32, #tpu.memory_space<hbm>>) target(%arg17 : memref<128x128xf32, #tpu.memory_space<vmem>>) offsets(%dma_start3A_498 : memref<128xi32, #tpu.memory_space<vmem>>) semaphore(%arg20 : memref<!tpu.dma_semaphore, #tpu.memory_space<semaphore_mem>>)
        %dma_wait3A_502 = arith.constant 7 : i32
        %dma_wait3A_503 = arith.constant 0 : i32
        %dma_wait3A_504 = tpu.memref_slice %arg13[%dma_wait3A_502, %dma_wait3A_503] : memref<8x128xi32, #tpu.memory_space<vmem>> -> memref<1x128xi32, #tpu.memory_space<vmem>>
        %dma_wait3A_505 = tpu.memref_squeeze %dma_wait3A_504 : memref<1x128xi32, #tpu.memory_space<vmem>> -> memref<128xi32, #tpu.memory_space<vmem>>
        %dma_wait3A_506 = arith.constant 0 : i32
        %dma_wait3A_507 = arith.constant 0 : i32
        %dma_wait3A_508 = tpu.memref_slice %arg3[%dma_wait3A_506, %dma_wait3A_507] : memref<10240x128xf32, #tpu.memory_space<hbm>> -> memref<10240x128xf32, #tpu.memory_space<hbm>>
        tpu.wait_indirect_dma semaphore(%arg20 : memref<!tpu.dma_semaphore, #tpu.memory_space<semaphore_mem>>) src(%dma_wait3A_508 : memref<10240x128xf32, #tpu.memory_space<hbm>>) dst(%arg17 : memref<128x128xf32, #tpu.memory_space<vmem>>)
        %dma_start3A_509 = arith.constant 7 : i32
        %dma_start3A_510 = arith.constant 0 : i32
        %dma_start3A_511 = tpu.memref_slice %arg15[%dma_start3A_509, %dma_start3A_510] : memref<8x128xi32, #tpu.memory_space<vmem>> -> memref<1x128xi32, #tpu.memory_space<vmem>>
        %dma_start3A_512 = tpu.memref_squeeze %dma_start3A_511 : memref<1x128xi32, #tpu.memory_space<vmem>> -> memref<128xi32, #tpu.memory_space<vmem>>
        %dma_start3A_513 = arith.constant 0 : i32
        %dma_start3A_514 = arith.constant 0 : i32
        %dma_start3A_515 = tpu.memref_slice %arg18[%dma_start3A_513, %dma_start3A_514] : memref<10240x128xf32, #tpu.memory_space<vmem_shared>> -> memref<10240x128xf32, #tpu.memory_space<vmem_shared>>
        tpu.enqueue_indirect_dma source(%arg17 : memref<128x128xf32, #tpu.memory_space<vmem>>) target(%dma_start3A_515 : memref<10240x128xf32, #tpu.memory_space<vmem_shared>>) offsets(%dma_start3A_512 : memref<128xi32, #tpu.memory_space<vmem>>) semaphore(%arg22 : memref<!tpu.dma_semaphore, #tpu.memory_space<semaphore_mem>>) {add = true}
        %dma_wait3A_516 = arith.constant 6 : i32
        %dma_wait3A_517 = arith.constant 0 : i32
        %dma_wait3A_518 = tpu.memref_slice %arg15[%dma_wait3A_516, %dma_wait3A_517] : memref<8x128xi32, #tpu.memory_space<vmem>> -> memref<1x128xi32, #tpu.memory_space<vmem>>
        %dma_wait3A_519 = tpu.memref_squeeze %dma_wait3A_518 : memref<1x128xi32, #tpu.memory_space<vmem>> -> memref<128xi32, #tpu.memory_space<vmem>>
        %dma_wait3A_520 = arith.constant 0 : i32
        %dma_wait3A_521 = arith.constant 0 : i32
        %dma_wait3A_522 = tpu.memref_slice %arg18[%dma_wait3A_520, %dma_wait3A_521] : memref<10240x128xf32, #tpu.memory_space<vmem_shared>> -> memref<10240x128xf32, #tpu.memory_space<vmem_shared>>
        tpu.wait_indirect_dma semaphore(%arg21 : memref<!tpu.dma_semaphore, #tpu.memory_space<semaphore_mem>>) src(%arg16 : memref<128x128xf32, #tpu.memory_space<vmem>>) dst(%dma_wait3A_522 : memref<10240x128xf32, #tpu.memory_space<vmem_shared>>)
        %dma_wait3A_523 = arith.constant 7 : i32
        %dma_wait3A_524 = arith.constant 0 : i32
        %dma_wait3A_525 = tpu.memref_slice %arg15[%dma_wait3A_523, %dma_wait3A_524] : memref<8x128xi32, #tpu.memory_space<vmem>> -> memref<1x128xi32, #tpu.memory_space<vmem>>
        %dma_wait3A_526 = tpu.memref_squeeze %dma_wait3A_525 : memref<1x128xi32, #tpu.memory_space<vmem>> -> memref<128xi32, #tpu.memory_space<vmem>>
        %dma_wait3A_527 = arith.constant 0 : i32
        %dma_wait3A_528 = arith.constant 0 : i32
        %dma_wait3A_529 = tpu.memref_slice %arg18[%dma_wait3A_527, %dma_wait3A_528] : memref<10240x128xf32, #tpu.memory_space<vmem_shared>> -> memref<10240x128xf32, #tpu.memory_space<vmem_shared>>
        tpu.wait_indirect_dma semaphore(%arg22 : memref<!tpu.dma_semaphore, #tpu.memory_space<semaphore_mem>>) src(%arg17 : memref<128x128xf32, #tpu.memory_space<vmem>>) dst(%dma_wait3A_529 : memref<10240x128xf32, #tpu.memory_space<vmem_shared>>)
        %dma_wait3A_530 = arith.constant 0 : i32
        %dma_wait3A_531 = tpu.memref_slice %arg4[%add3A_295, %dma_wait3A_530] : memref<1288x128xi32, #tpu.memory_space<hbm>> -> memref<8x128xi32, #tpu.memory_space<hbm>>
        %dma_wait3A_532 = arith.constant 0 : i32
        %dma_wait3A_533 = tpu.memref_slice %arg4[%add3A_295, %dma_wait3A_532] : memref<1288x128xi32, #tpu.memory_space<hbm>> -> memref<8x128xi32, #tpu.memory_space<hbm>>
        tpu.wait_dma2 semaphore(%arg23 : memref<!tpu.dma_semaphore, #tpu.memory_space<semaphore_mem>>) src(%dma_wait3A_533 : memref<8x128xi32, #tpu.memory_space<hbm>>) dst(%arg12 : memref<8x128xi32, #tpu.memory_space<vmem>>)
        %dma_wait3A_534 = arith.constant 0 : i32
        %dma_wait3A_535 = tpu.memref_slice %arg5[%add3A_301, %dma_wait3A_534] : memref<1288x128xi32, #tpu.memory_space<hbm>> -> memref<8x128xi32, #tpu.memory_space<hbm>>
        %dma_wait3A_536 = arith.constant 0 : i32
        %dma_wait3A_537 = tpu.memref_slice %arg5[%add3A_301, %dma_wait3A_536] : memref<1288x128xi32, #tpu.memory_space<hbm>> -> memref<8x128xi32, #tpu.memory_space<hbm>>
        tpu.wait_dma2 semaphore(%arg23 : memref<!tpu.dma_semaphore, #tpu.memory_space<semaphore_mem>>) src(%dma_wait3A_537 : memref<8x128xi32, #tpu.memory_space<hbm>>) dst(%arg14 : memref<8x128xi32, #tpu.memory_space<vmem>>)
      }
      %scan3A_48 = arith.constant 5 : i32
    } else {
    }
    %barrier3A_8 = arith.constant 0 : index
    tpu.barrier barrier_id(%barrier3A_8)
    %eq3A_9 = arith.constant 0 : i32
    %eq3A_10 = arith.cmpi eq, %arg0, %eq3A_9 : i32
    %convert_element_type3A_11 = arith.extui %eq3A_10 : i1 to i32
    %cond3A_12 = arith.constant 0 : i32
    %cond3A_13 = arith.cmpi ne, %convert_element_type3A_11, %cond3A_12 : i32
    scf.if %cond3A_13 {
      "tpu.region"() ({
        %run_scoped3A = tpu.sem_alloc : memref<!tpu.dma_semaphore, #tpu.memory_space<semaphore_mem>>
        %dma_start3A = arith.constant 0 : i32
        %dma_start3A_42 = tpu.memref_slice %arg8[%mul3A_0, %dma_start3A] : memref<10240x128xf32, #tpu.memory_space<hbm>> -> memref<640x128xf32, #tpu.memory_space<hbm>>
        %dma_start3A_43 = arith.constant 0 : i32
        %dma_start3A_44 = tpu.memref_slice %arg18[%mul3A_0, %dma_start3A_43] : memref<10240x128xf32, #tpu.memory_space<vmem_shared>> -> memref<640x128xf32, #tpu.memory_space<vmem_shared>>
        tpu.enqueue_dma source(%dma_start3A_44 : memref<640x128xf32, #tpu.memory_space<vmem_shared>>) target(%dma_start3A_42 : memref<640x128xf32, #tpu.memory_space<hbm>>) target_semaphore(%run_scoped3A : memref<!tpu.dma_semaphore, #tpu.memory_space<semaphore_mem>>)
        %dma_wait3A = arith.constant 0 : i32
        %dma_wait3A_45 = tpu.memref_slice %arg8[%mul3A_0, %dma_wait3A] : memref<10240x128xf32, #tpu.memory_space<hbm>> -> memref<640x128xf32, #tpu.memory_space<hbm>>
        %dma_wait3A_46 = arith.constant 0 : i32
        %dma_wait3A_47 = tpu.memref_slice %arg18[%mul3A_0, %dma_wait3A_46] : memref<10240x128xf32, #tpu.memory_space<vmem_shared>> -> memref<640x128xf32, #tpu.memory_space<vmem_shared>>
        tpu.wait_dma2 semaphore(%run_scoped3A : memref<!tpu.dma_semaphore, #tpu.memory_space<semaphore_mem>>) src(%dma_wait3A_47 : memref<640x128xf32, #tpu.memory_space<vmem_shared>>) dst(%dma_wait3A_45 : memref<640x128xf32, #tpu.memory_space<hbm>>)
        tpu.yield
      }) : () -> ()
    } else {
    }
    %eq3A_14 = arith.constant 1 : i32
    %eq3A_15 = arith.cmpi eq, %arg0, %eq3A_14 : i32
    %convert_element_type3A_16 = arith.extui %eq3A_15 : i1 to i32
    %cond3A_17 = arith.constant 0 : i32
    %cond3A_18 = arith.cmpi ne, %convert_element_type3A_16, %cond3A_17 : i32
    scf.if %cond3A_18 {
      "tpu.region"() ({
        %run_scoped3A = tpu.sem_alloc : memref<!tpu.dma_semaphore, #tpu.memory_space<semaphore_mem>>
        %dma_start3A = arith.constant 0 : i32
        %dma_start3A_42 = tpu.memref_slice %arg9[%mul3A_0, %dma_start3A] : memref<10240x128xf32, #tpu.memory_space<hbm>> -> memref<640x128xf32, #tpu.memory_space<hbm>>
        %dma_start3A_43 = arith.constant 0 : i32
        %dma_start3A_44 = tpu.memref_slice %arg18[%mul3A_0, %dma_start3A_43] : memref<10240x128xf32, #tpu.memory_space<vmem_shared>> -> memref<640x128xf32, #tpu.memory_space<vmem_shared>>
        tpu.enqueue_dma source(%dma_start3A_44 : memref<640x128xf32, #tpu.memory_space<vmem_shared>>) target(%dma_start3A_42 : memref<640x128xf32, #tpu.memory_space<hbm>>) target_semaphore(%run_scoped3A : memref<!tpu.dma_semaphore, #tpu.memory_space<semaphore_mem>>)
        %dma_wait3A = arith.constant 0 : i32
        %dma_wait3A_45 = tpu.memref_slice %arg9[%mul3A_0, %dma_wait3A] : memref<10240x128xf32, #tpu.memory_space<hbm>> -> memref<640x128xf32, #tpu.memory_space<hbm>>
        %dma_wait3A_46 = arith.constant 0 : i32
        %dma_wait3A_47 = tpu.memref_slice %arg18[%mul3A_0, %dma_wait3A_46] : memref<10240x128xf32, #tpu.memory_space<vmem_shared>> -> memref<640x128xf32, #tpu.memory_space<vmem_shared>>
        tpu.wait_dma2 semaphore(%run_scoped3A : memref<!tpu.dma_semaphore, #tpu.memory_space<semaphore_mem>>) src(%dma_wait3A_47 : memref<640x128xf32, #tpu.memory_space<vmem_shared>>) dst(%dma_wait3A_45 : memref<640x128xf32, #tpu.memory_space<hbm>>)
        tpu.yield
      }) : () -> ()
    } else {
    }
    %barrier3A_19 = arith.constant 0 : index
    tpu.barrier barrier_id(%barrier3A_19)
    "tpu.region"() ({
      %run_scoped3A = tpu.sem_alloc : memref<!tpu.dma_semaphore, #tpu.memory_space<semaphore_mem>>
      %dma_start3A = arith.constant 0 : i32
      %dma_start3A_42 = tpu.memref_slice %arg18[%mul3A_0, %dma_start3A] : memref<10240x128xf32, #tpu.memory_space<vmem_shared>> -> memref<640x128xf32, #tpu.memory_space<vmem_shared>>
      tpu.enqueue_dma source(%arg6 : memref<640x128xf32, #tpu.memory_space<hbm>>) target(%dma_start3A_42 : memref<640x128xf32, #tpu.memory_space<vmem_shared>>) target_semaphore(%run_scoped3A : memref<!tpu.dma_semaphore, #tpu.memory_space<semaphore_mem>>)
      %dma_wait3A = arith.constant 0 : i32
      %dma_wait3A_43 = tpu.memref_slice %arg18[%mul3A_0, %dma_wait3A] : memref<10240x128xf32, #tpu.memory_space<vmem_shared>> -> memref<640x128xf32, #tpu.memory_space<vmem_shared>>
      tpu.wait_dma2 semaphore(%run_scoped3A : memref<!tpu.dma_semaphore, #tpu.memory_space<semaphore_mem>>) src(%arg6 : memref<640x128xf32, #tpu.memory_space<hbm>>) dst(%dma_wait3A_43 : memref<640x128xf32, #tpu.memory_space<vmem_shared>>)
      tpu.yield
    }) : () -> ()
    "tpu.region"() ({
      %run_scoped3A = tpu.sem_alloc : memref<!tpu.dma_semaphore, #tpu.memory_space<semaphore_mem>>
      tpu.enqueue_dma source(%arg7 : memref<128x128xf32, #tpu.memory_space<hbm>>) target(%arg16 : memref<128x128xf32, #tpu.memory_space<vmem>>) target_semaphore(%run_scoped3A : memref<!tpu.dma_semaphore, #tpu.memory_space<semaphore_mem>>)
      tpu.wait_dma2 semaphore(%run_scoped3A : memref<!tpu.dma_semaphore, #tpu.memory_space<semaphore_mem>>) src(%arg7 : memref<128x128xf32, #tpu.memory_space<hbm>>) dst(%arg16 : memref<128x128xf32, #tpu.memory_space<vmem>>)
      tpu.yield
    }) : () -> ()
    %barrier3A_20 = arith.constant 0 : index
    tpu.barrier barrier_id(%barrier3A_20)
    %eq3A_21 = arith.constant 0 : i32
    %eq3A_22 = arith.cmpi eq, %arg0, %eq3A_21 : i32
    %convert_element_type3A_23 = arith.extui %eq3A_22 : i1 to i32
    %cond3A_24 = arith.constant 0 : i32
    %cond3A_25 = arith.cmpi ne, %convert_element_type3A_23, %cond3A_24 : i32
    scf.if %cond3A_25 {
      %mul3A_42 = arith.constant 40 : i32
      %mul3A_43 = arith.muli %arg1, %mul3A_42 : i32
      %add3A = arith.constant 0 : i32
      %add3A_44 = arith.addi %add3A, %mul3A_43 : i32
      "tpu.region"() ({
        %run_scoped3A = tpu.sem_alloc : memref<!tpu.dma_semaphore, #tpu.memory_space<semaphore_mem>>
        %dma_start3A_160 = arith.constant 0 : i32
        %dma_start3A_161 = tpu.memref_slice %arg5[%add3A_44, %dma_start3A_160] : memref<1288x128xi32, #tpu.memory_space<hbm>> -> memref<8x128xi32, #tpu.memory_space<hbm>>
        %dma_start3A_162 = arith.constant 0 : i32
        %dma_start3A_163 = tpu.memref_slice %arg5[%add3A_44, %dma_start3A_162] : memref<1288x128xi32, #tpu.memory_space<hbm>> -> memref<8x128xi32, #tpu.memory_space<hbm>>
        tpu.enqueue_dma source(%dma_start3A_163 : memref<8x128xi32, #tpu.memory_space<hbm>>) target(%arg14 : memref<8x128xi32, #tpu.memory_space<vmem>>) target_semaphore(%run_scoped3A : memref<!tpu.dma_semaphore, #tpu.memory_space<semaphore_mem>>)
        %dma_wait3A_164 = arith.constant 0 : i32
        %dma_wait3A_165 = tpu.memref_slice %arg5[%add3A_44, %dma_wait3A_164] : memref<1288x128xi32, #tpu.memory_space<hbm>> -> memref<8x128xi32, #tpu.memory_space<hbm>>
        %dma_wait3A_166 = arith.constant 0 : i32
        %dma_wait3A_167 = tpu.memref_slice %arg5[%add3A_44, %dma_wait3A_166] : memref<1288x128xi32, #tpu.memory_space<hbm>> -> memref<8x128xi32, #tpu.memory_space<hbm>>
        tpu.wait_dma2 semaphore(%run_scoped3A : memref<!tpu.dma_semaphore, #tpu.memory_space<semaphore_mem>>) src(%dma_wait3A_167 : memref<8x128xi32, #tpu.memory_space<hbm>>) dst(%arg14 : memref<8x128xi32, #tpu.memory_space<vmem>>)
        tpu.yield
      }) : () -> ()
      %scan3A = arith.constant 0 : i32
      %scan3A_45 = arith.constant 0 : i32
      %scan3A_46 = arith.constant 2 : i32
      %scan3A_47 = arith.addi %scan3A_45, %scan3A_46 : i32
      %scan3A_48 = arith.constant 1 : i32
      scf.for %scan3A_160 = %scan3A_45 to %scan3A_47 step %scan3A_48  : i32 {
        %mul3A_161 = arith.constant 16 : i32
        %mul3A_162 = arith.muli %mul3A_161, %scan3A_160 : i32
        %add3A_163 = arith.addi %add3A_44, %mul3A_162 : i32
        %add3A_164 = arith.constant 8 : i32
        %add3A_165 = arith.addi %add3A_163, %add3A_164 : i32
        %dma_start3A_166 = arith.constant 0 : i32
        %dma_start3A_167 = tpu.memref_slice %arg5[%add3A_165, %dma_start3A_166] : memref<1288x128xi32, #tpu.memory_space<hbm>> -> memref<8x128xi32, #tpu.memory_space<hbm>>
        %dma_start3A_168 = arith.constant 0 : i32
        %dma_start3A_169 = tpu.memref_slice %arg5[%add3A_165, %dma_start3A_168] : memref<1288x128xi32, #tpu.memory_space<hbm>> -> memref<8x128xi32, #tpu.memory_space<hbm>>
        tpu.enqueue_dma source(%dma_start3A_169 : memref<8x128xi32, #tpu.memory_space<hbm>>) target(%arg15 : memref<8x128xi32, #tpu.memory_space<vmem>>) target_semaphore(%arg24 : memref<!tpu.dma_semaphore, #tpu.memory_space<semaphore_mem>>)
        %dma_start3A_170 = arith.constant 0 : i32
        %dma_start3A_171 = arith.constant 0 : i32
        %dma_start3A_172 = tpu.memref_slice %arg14[%dma_start3A_170, %dma_start3A_171] : memref<8x128xi32, #tpu.memory_space<vmem>> -> memref<1x128xi32, #tpu.memory_space<vmem>>
        %dma_start3A_173 = tpu.memref_squeeze %dma_start3A_172 : memref<1x128xi32, #tpu.memory_space<vmem>> -> memref<128xi32, #tpu.memory_space<vmem>>
        %dma_start3A_174 = arith.constant 0 : i32
        %dma_start3A_175 = arith.constant 0 : i32
        %dma_start3A_176 = tpu.memref_slice %arg18[%dma_start3A_174, %dma_start3A_175] : memref<10240x128xf32, #tpu.memory_space<vmem_shared>> -> memref<10240x128xf32, #tpu.memory_space<vmem_shared>>
        tpu.enqueue_indirect_dma source(%arg16 : memref<128x128xf32, #tpu.memory_space<vmem>>) target(%dma_start3A_176 : memref<10240x128xf32, #tpu.memory_space<vmem_shared>>) offsets(%dma_start3A_173 : memref<128xi32, #tpu.memory_space<vmem>>) semaphore(%arg21 : memref<!tpu.dma_semaphore, #tpu.memory_space<semaphore_mem>>) {add = true}
        %dma_start3A_177 = arith.constant 1 : i32
        %dma_start3A_178 = arith.constant 0 : i32
        %dma_start3A_179 = tpu.memref_slice %arg14[%dma_start3A_177, %dma_start3A_178] : memref<8x128xi32, #tpu.memory_space<vmem>> -> memref<1x128xi32, #tpu.memory_space<vmem>>
        %dma_start3A_180 = tpu.memref_squeeze %dma_start3A_179 : memref<1x128xi32, #tpu.memory_space<vmem>> -> memref<128xi32, #tpu.memory_space<vmem>>
        %dma_start3A_181 = arith.constant 0 : i32
        %dma_start3A_182 = arith.constant 0 : i32
        %dma_start3A_183 = tpu.memref_slice %arg18[%dma_start3A_181, %dma_start3A_182] : memref<10240x128xf32, #tpu.memory_space<vmem_shared>> -> memref<10240x128xf32, #tpu.memory_space<vmem_shared>>
        tpu.enqueue_indirect_dma source(%arg16 : memref<128x128xf32, #tpu.memory_space<vmem>>) target(%dma_start3A_183 : memref<10240x128xf32, #tpu.memory_space<vmem_shared>>) offsets(%dma_start3A_180 : memref<128xi32, #tpu.memory_space<vmem>>) semaphore(%arg22 : memref<!tpu.dma_semaphore, #tpu.memory_space<semaphore_mem>>) {add = true}
        %dma_start3A_184 = arith.constant 2 : i32
        %dma_start3A_185 = arith.constant 0 : i32
        %dma_start3A_186 = tpu.memref_slice %arg14[%dma_start3A_184, %dma_start3A_185] : memref<8x128xi32, #tpu.memory_space<vmem>> -> memref<1x128xi32, #tpu.memory_space<vmem>>
        %dma_start3A_187 = tpu.memref_squeeze %dma_start3A_186 : memref<1x128xi32, #tpu.memory_space<vmem>> -> memref<128xi32, #tpu.memory_space<vmem>>
        %dma_start3A_188 = arith.constant 0 : i32
        %dma_start3A_189 = arith.constant 0 : i32
        %dma_start3A_190 = tpu.memref_slice %arg18[%dma_start3A_188, %dma_start3A_189] : memref<10240x128xf32, #tpu.memory_space<vmem_shared>> -> memref<10240x128xf32, #tpu.memory_space<vmem_shared>>
        tpu.enqueue_indirect_dma source(%arg16 : memref<128x128xf32, #tpu.memory_space<vmem>>) target(%dma_start3A_190 : memref<10240x128xf32, #tpu.memory_space<vmem_shared>>) offsets(%dma_start3A_187 : memref<128xi32, #tpu.memory_space<vmem>>) semaphore(%arg21 : memref<!tpu.dma_semaphore, #tpu.memory_space<semaphore_mem>>) {add = true}
        %dma_start3A_191 = arith.constant 3 : i32
        %dma_start3A_192 = arith.constant 0 : i32
        %dma_start3A_193 = tpu.memref_slice %arg14[%dma_start3A_191, %dma_start3A_192] : memref<8x128xi32, #tpu.memory_space<vmem>> -> memref<1x128xi32, #tpu.memory_space<vmem>>
        %dma_start3A_194 = tpu.memref_squeeze %dma_start3A_193 : memref<1x128xi32, #tpu.memory_space<vmem>> -> memref<128xi32, #tpu.memory_space<vmem>>
        %dma_start3A_195 = arith.constant 0 : i32
        %dma_start3A_196 = arith.constant 0 : i32
        %dma_start3A_197 = tpu.memref_slice %arg18[%dma_start3A_195, %dma_start3A_196] : memref<10240x128xf32, #tpu.memory_space<vmem_shared>> -> memref<10240x128xf32, #tpu.memory_space<vmem_shared>>
        tpu.enqueue_indirect_dma source(%arg16 : memref<128x128xf32, #tpu.memory_space<vmem>>) target(%dma_start3A_197 : memref<10240x128xf32, #tpu.memory_space<vmem_shared>>) offsets(%dma_start3A_194 : memref<128xi32, #tpu.memory_space<vmem>>) semaphore(%arg22 : memref<!tpu.dma_semaphore, #tpu.memory_space<semaphore_mem>>) {add = true}
        %dma_start3A_198 = arith.constant 4 : i32
        %dma_start3A_199 = arith.constant 0 : i32
        %dma_start3A_200 = tpu.memref_slice %arg14[%dma_start3A_198, %dma_start3A_199] : memref<8x128xi32, #tpu.memory_space<vmem>> -> memref<1x128xi32, #tpu.memory_space<vmem>>
        %dma_start3A_201 = tpu.memref_squeeze %dma_start3A_200 : memref<1x128xi32, #tpu.memory_space<vmem>> -> memref<128xi32, #tpu.memory_space<vmem>>
        %dma_start3A_202 = arith.constant 0 : i32
        %dma_start3A_203 = arith.constant 0 : i32
        %dma_start3A_204 = tpu.memref_slice %arg18[%dma_start3A_202, %dma_start3A_203] : memref<10240x128xf32, #tpu.memory_space<vmem_shared>> -> memref<10240x128xf32, #tpu.memory_space<vmem_shared>>
        tpu.enqueue_indirect_dma source(%arg16 : memref<128x128xf32, #tpu.memory_space<vmem>>) target(%dma_start3A_204 : memref<10240x128xf32, #tpu.memory_space<vmem_shared>>) offsets(%dma_start3A_201 : memref<128xi32, #tpu.memory_space<vmem>>) semaphore(%arg21 : memref<!tpu.dma_semaphore, #tpu.memory_space<semaphore_mem>>) {add = true}
        %dma_start3A_205 = arith.constant 5 : i32
        %dma_start3A_206 = arith.constant 0 : i32
        %dma_start3A_207 = tpu.memref_slice %arg14[%dma_start3A_205, %dma_start3A_206] : memref<8x128xi32, #tpu.memory_space<vmem>> -> memref<1x128xi32, #tpu.memory_space<vmem>>
        %dma_start3A_208 = tpu.memref_squeeze %dma_start3A_207 : memref<1x128xi32, #tpu.memory_space<vmem>> -> memref<128xi32, #tpu.memory_space<vmem>>
        %dma_start3A_209 = arith.constant 0 : i32
        %dma_start3A_210 = arith.constant 0 : i32
        %dma_start3A_211 = tpu.memref_slice %arg18[%dma_start3A_209, %dma_start3A_210] : memref<10240x128xf32, #tpu.memory_space<vmem_shared>> -> memref<10240x128xf32, #tpu.memory_space<vmem_shared>>
        tpu.enqueue_indirect_dma source(%arg16 : memref<128x128xf32, #tpu.memory_space<vmem>>) target(%dma_start3A_211 : memref<10240x128xf32, #tpu.memory_space<vmem_shared>>) offsets(%dma_start3A_208 : memref<128xi32, #tpu.memory_space<vmem>>) semaphore(%arg22 : memref<!tpu.dma_semaphore, #tpu.memory_space<semaphore_mem>>) {add = true}
        %dma_start3A_212 = arith.constant 6 : i32
        %dma_start3A_213 = arith.constant 0 : i32
        %dma_start3A_214 = tpu.memref_slice %arg14[%dma_start3A_212, %dma_start3A_213] : memref<8x128xi32, #tpu.memory_space<vmem>> -> memref<1x128xi32, #tpu.memory_space<vmem>>
        %dma_start3A_215 = tpu.memref_squeeze %dma_start3A_214 : memref<1x128xi32, #tpu.memory_space<vmem>> -> memref<128xi32, #tpu.memory_space<vmem>>
        %dma_start3A_216 = arith.constant 0 : i32
        %dma_start3A_217 = arith.constant 0 : i32
        %dma_start3A_218 = tpu.memref_slice %arg18[%dma_start3A_216, %dma_start3A_217] : memref<10240x128xf32, #tpu.memory_space<vmem_shared>> -> memref<10240x128xf32, #tpu.memory_space<vmem_shared>>
        tpu.enqueue_indirect_dma source(%arg16 : memref<128x128xf32, #tpu.memory_space<vmem>>) target(%dma_start3A_218 : memref<10240x128xf32, #tpu.memory_space<vmem_shared>>) offsets(%dma_start3A_215 : memref<128xi32, #tpu.memory_space<vmem>>) semaphore(%arg21 : memref<!tpu.dma_semaphore, #tpu.memory_space<semaphore_mem>>) {add = true}
        %dma_start3A_219 = arith.constant 7 : i32
        %dma_start3A_220 = arith.constant 0 : i32
        %dma_start3A_221 = tpu.memref_slice %arg14[%dma_start3A_219, %dma_start3A_220] : memref<8x128xi32, #tpu.memory_space<vmem>> -> memref<1x128xi32, #tpu.memory_space<vmem>>
        %dma_start3A_222 = tpu.memref_squeeze %dma_start3A_221 : memref<1x128xi32, #tpu.memory_space<vmem>> -> memref<128xi32, #tpu.memory_space<vmem>>
        %dma_start3A_223 = arith.constant 0 : i32
        %dma_start3A_224 = arith.constant 0 : i32
        %dma_start3A_225 = tpu.memref_slice %arg18[%dma_start3A_223, %dma_start3A_224] : memref<10240x128xf32, #tpu.memory_space<vmem_shared>> -> memref<10240x128xf32, #tpu.memory_space<vmem_shared>>
        tpu.enqueue_indirect_dma source(%arg16 : memref<128x128xf32, #tpu.memory_space<vmem>>) target(%dma_start3A_225 : memref<10240x128xf32, #tpu.memory_space<vmem_shared>>) offsets(%dma_start3A_222 : memref<128xi32, #tpu.memory_space<vmem>>) semaphore(%arg22 : memref<!tpu.dma_semaphore, #tpu.memory_space<semaphore_mem>>) {add = true}
        %dma_wait3A_226 = arith.constant 0 : i32
        %dma_wait3A_227 = arith.constant 0 : i32
        %dma_wait3A_228 = tpu.memref_slice %arg14[%dma_wait3A_226, %dma_wait3A_227] : memref<8x128xi32, #tpu.memory_space<vmem>> -> memref<1x128xi32, #tpu.memory_space<vmem>>
        %dma_wait3A_229 = tpu.memref_squeeze %dma_wait3A_228 : memref<1x128xi32, #tpu.memory_space<vmem>> -> memref<128xi32, #tpu.memory_space<vmem>>
        %dma_wait3A_230 = arith.constant 0 : i32
        %dma_wait3A_231 = arith.constant 0 : i32
        %dma_wait3A_232 = tpu.memref_slice %arg18[%dma_wait3A_230, %dma_wait3A_231] : memref<10240x128xf32, #tpu.memory_space<vmem_shared>> -> memref<10240x128xf32, #tpu.memory_space<vmem_shared>>
        tpu.wait_indirect_dma semaphore(%arg21 : memref<!tpu.dma_semaphore, #tpu.memory_space<semaphore_mem>>) src(%arg16 : memref<128x128xf32, #tpu.memory_space<vmem>>) dst(%dma_wait3A_232 : memref<10240x128xf32, #tpu.memory_space<vmem_shared>>)
        %dma_wait3A_233 = arith.constant 1 : i32
        %dma_wait3A_234 = arith.constant 0 : i32
        %dma_wait3A_235 = tpu.memref_slice %arg14[%dma_wait3A_233, %dma_wait3A_234] : memref<8x128xi32, #tpu.memory_space<vmem>> -> memref<1x128xi32, #tpu.memory_space<vmem>>
        %dma_wait3A_236 = tpu.memref_squeeze %dma_wait3A_235 : memref<1x128xi32, #tpu.memory_space<vmem>> -> memref<128xi32, #tpu.memory_space<vmem>>
        %dma_wait3A_237 = arith.constant 0 : i32
        %dma_wait3A_238 = arith.constant 0 : i32
        %dma_wait3A_239 = tpu.memref_slice %arg18[%dma_wait3A_237, %dma_wait3A_238] : memref<10240x128xf32, #tpu.memory_space<vmem_shared>> -> memref<10240x128xf32, #tpu.memory_space<vmem_shared>>
        tpu.wait_indirect_dma semaphore(%arg22 : memref<!tpu.dma_semaphore, #tpu.memory_space<semaphore_mem>>) src(%arg16 : memref<128x128xf32, #tpu.memory_space<vmem>>) dst(%dma_wait3A_239 : memref<10240x128xf32, #tpu.memory_space<vmem_shared>>)
        %dma_wait3A_240 = arith.constant 2 : i32
        %dma_wait3A_241 = arith.constant 0 : i32
        %dma_wait3A_242 = tpu.memref_slice %arg14[%dma_wait3A_240, %dma_wait3A_241] : memref<8x128xi32, #tpu.memory_space<vmem>> -> memref<1x128xi32, #tpu.memory_space<vmem>>
        %dma_wait3A_243 = tpu.memref_squeeze %dma_wait3A_242 : memref<1x128xi32, #tpu.memory_space<vmem>> -> memref<128xi32, #tpu.memory_space<vmem>>
        %dma_wait3A_244 = arith.constant 0 : i32
        %dma_wait3A_245 = arith.constant 0 : i32
        %dma_wait3A_246 = tpu.memref_slice %arg18[%dma_wait3A_244, %dma_wait3A_245] : memref<10240x128xf32, #tpu.memory_space<vmem_shared>> -> memref<10240x128xf32, #tpu.memory_space<vmem_shared>>
        tpu.wait_indirect_dma semaphore(%arg21 : memref<!tpu.dma_semaphore, #tpu.memory_space<semaphore_mem>>) src(%arg16 : memref<128x128xf32, #tpu.memory_space<vmem>>) dst(%dma_wait3A_246 : memref<10240x128xf32, #tpu.memory_space<vmem_shared>>)
        %dma_wait3A_247 = arith.constant 3 : i32
        %dma_wait3A_248 = arith.constant 0 : i32
        %dma_wait3A_249 = tpu.memref_slice %arg14[%dma_wait3A_247, %dma_wait3A_248] : memref<8x128xi32, #tpu.memory_space<vmem>> -> memref<1x128xi32, #tpu.memory_space<vmem>>
        %dma_wait3A_250 = tpu.memref_squeeze %dma_wait3A_249 : memref<1x128xi32, #tpu.memory_space<vmem>> -> memref<128xi32, #tpu.memory_space<vmem>>
        %dma_wait3A_251 = arith.constant 0 : i32
        %dma_wait3A_252 = arith.constant 0 : i32
        %dma_wait3A_253 = tpu.memref_slice %arg18[%dma_wait3A_251, %dma_wait3A_252] : memref<10240x128xf32, #tpu.memory_space<vmem_shared>> -> memref<10240x128xf32, #tpu.memory_space<vmem_shared>>
        tpu.wait_indirect_dma semaphore(%arg22 : memref<!tpu.dma_semaphore, #tpu.memory_space<semaphore_mem>>) src(%arg16 : memref<128x128xf32, #tpu.memory_space<vmem>>) dst(%dma_wait3A_253 : memref<10240x128xf32, #tpu.memory_space<vmem_shared>>)
        %dma_wait3A_254 = arith.constant 4 : i32
        %dma_wait3A_255 = arith.constant 0 : i32
        %dma_wait3A_256 = tpu.memref_slice %arg14[%dma_wait3A_254, %dma_wait3A_255] : memref<8x128xi32, #tpu.memory_space<vmem>> -> memref<1x128xi32, #tpu.memory_space<vmem>>
        %dma_wait3A_257 = tpu.memref_squeeze %dma_wait3A_256 : memref<1x128xi32, #tpu.memory_space<vmem>> -> memref<128xi32, #tpu.memory_space<vmem>>
        %dma_wait3A_258 = arith.constant 0 : i32
        %dma_wait3A_259 = arith.constant 0 : i32
        %dma_wait3A_260 = tpu.memref_slice %arg18[%dma_wait3A_258, %dma_wait3A_259] : memref<10240x128xf32, #tpu.memory_space<vmem_shared>> -> memref<10240x128xf32, #tpu.memory_space<vmem_shared>>
        tpu.wait_indirect_dma semaphore(%arg21 : memref<!tpu.dma_semaphore, #tpu.memory_space<semaphore_mem>>) src(%arg16 : memref<128x128xf32, #tpu.memory_space<vmem>>) dst(%dma_wait3A_260 : memref<10240x128xf32, #tpu.memory_space<vmem_shared>>)
        %dma_wait3A_261 = arith.constant 5 : i32
        %dma_wait3A_262 = arith.constant 0 : i32
        %dma_wait3A_263 = tpu.memref_slice %arg14[%dma_wait3A_261, %dma_wait3A_262] : memref<8x128xi32, #tpu.memory_space<vmem>> -> memref<1x128xi32, #tpu.memory_space<vmem>>
        %dma_wait3A_264 = tpu.memref_squeeze %dma_wait3A_263 : memref<1x128xi32, #tpu.memory_space<vmem>> -> memref<128xi32, #tpu.memory_space<vmem>>
        %dma_wait3A_265 = arith.constant 0 : i32
        %dma_wait3A_266 = arith.constant 0 : i32
        %dma_wait3A_267 = tpu.memref_slice %arg18[%dma_wait3A_265, %dma_wait3A_266] : memref<10240x128xf32, #tpu.memory_space<vmem_shared>> -> memref<10240x128xf32, #tpu.memory_space<vmem_shared>>
        tpu.wait_indirect_dma semaphore(%arg22 : memref<!tpu.dma_semaphore, #tpu.memory_space<semaphore_mem>>) src(%arg16 : memref<128x128xf32, #tpu.memory_space<vmem>>) dst(%dma_wait3A_267 : memref<10240x128xf32, #tpu.memory_space<vmem_shared>>)
        %dma_wait3A_268 = arith.constant 6 : i32
        %dma_wait3A_269 = arith.constant 0 : i32
        %dma_wait3A_270 = tpu.memref_slice %arg14[%dma_wait3A_268, %dma_wait3A_269] : memref<8x128xi32, #tpu.memory_space<vmem>> -> memref<1x128xi32, #tpu.memory_space<vmem>>
        %dma_wait3A_271 = tpu.memref_squeeze %dma_wait3A_270 : memref<1x128xi32, #tpu.memory_space<vmem>> -> memref<128xi32, #tpu.memory_space<vmem>>
        %dma_wait3A_272 = arith.constant 0 : i32
        %dma_wait3A_273 = arith.constant 0 : i32
        %dma_wait3A_274 = tpu.memref_slice %arg18[%dma_wait3A_272, %dma_wait3A_273] : memref<10240x128xf32, #tpu.memory_space<vmem_shared>> -> memref<10240x128xf32, #tpu.memory_space<vmem_shared>>
        tpu.wait_indirect_dma semaphore(%arg21 : memref<!tpu.dma_semaphore, #tpu.memory_space<semaphore_mem>>) src(%arg16 : memref<128x128xf32, #tpu.memory_space<vmem>>) dst(%dma_wait3A_274 : memref<10240x128xf32, #tpu.memory_space<vmem_shared>>)
        %dma_wait3A_275 = arith.constant 7 : i32
        %dma_wait3A_276 = arith.constant 0 : i32
        %dma_wait3A_277 = tpu.memref_slice %arg14[%dma_wait3A_275, %dma_wait3A_276] : memref<8x128xi32, #tpu.memory_space<vmem>> -> memref<1x128xi32, #tpu.memory_space<vmem>>
        %dma_wait3A_278 = tpu.memref_squeeze %dma_wait3A_277 : memref<1x128xi32, #tpu.memory_space<vmem>> -> memref<128xi32, #tpu.memory_space<vmem>>
        %dma_wait3A_279 = arith.constant 0 : i32
        %dma_wait3A_280 = arith.constant 0 : i32
        %dma_wait3A_281 = tpu.memref_slice %arg18[%dma_wait3A_279, %dma_wait3A_280] : memref<10240x128xf32, #tpu.memory_space<vmem_shared>> -> memref<10240x128xf32, #tpu.memory_space<vmem_shared>>
        tpu.wait_indirect_dma semaphore(%arg22 : memref<!tpu.dma_semaphore, #tpu.memory_space<semaphore_mem>>) src(%arg16 : memref<128x128xf32, #tpu.memory_space<vmem>>) dst(%dma_wait3A_281 : memref<10240x128xf32, #tpu.memory_space<vmem_shared>>)
        %dma_wait3A_282 = arith.constant 0 : i32
        %dma_wait3A_283 = tpu.memref_slice %arg5[%add3A_165, %dma_wait3A_282] : memref<1288x128xi32, #tpu.memory_space<hbm>> -> memref<8x128xi32, #tpu.memory_space<hbm>>
        %dma_wait3A_284 = arith.constant 0 : i32
        %dma_wait3A_285 = tpu.memref_slice %arg5[%add3A_165, %dma_wait3A_284] : memref<1288x128xi32, #tpu.memory_space<hbm>> -> memref<8x128xi32, #tpu.memory_space<hbm>>
        tpu.wait_dma2 semaphore(%arg24 : memref<!tpu.dma_semaphore, #tpu.memory_space<semaphore_mem>>) src(%dma_wait3A_285 : memref<8x128xi32, #tpu.memory_space<hbm>>) dst(%arg15 : memref<8x128xi32, #tpu.memory_space<vmem>>)
        %add3A_286 = arith.constant 16 : i32
        %add3A_287 = arith.addi %add3A_163, %add3A_286 : i32
        %dma_start3A_288 = arith.constant 0 : i32
        %dma_start3A_289 = tpu.memref_slice %arg5[%add3A_287, %dma_start3A_288] : memref<1288x128xi32, #tpu.memory_space<hbm>> -> memref<8x128xi32, #tpu.memory_space<hbm>>
        %dma_start3A_290 = arith.constant 0 : i32
        %dma_start3A_291 = tpu.memref_slice %arg5[%add3A_287, %dma_start3A_290] : memref<1288x128xi32, #tpu.memory_space<hbm>> -> memref<8x128xi32, #tpu.memory_space<hbm>>
        tpu.enqueue_dma source(%dma_start3A_291 : memref<8x128xi32, #tpu.memory_space<hbm>>) target(%arg14 : memref<8x128xi32, #tpu.memory_space<vmem>>) target_semaphore(%arg23 : memref<!tpu.dma_semaphore, #tpu.memory_space<semaphore_mem>>)
        %dma_start3A_292 = arith.constant 0 : i32
        %dma_start3A_293 = arith.constant 0 : i32
        %dma_start3A_294 = tpu.memref_slice %arg15[%dma_start3A_292, %dma_start3A_293] : memref<8x128xi32, #tpu.memory_space<vmem>> -> memref<1x128xi32, #tpu.memory_space<vmem>>
        %dma_start3A_295 = tpu.memref_squeeze %dma_start3A_294 : memref<1x128xi32, #tpu.memory_space<vmem>> -> memref<128xi32, #tpu.memory_space<vmem>>
        %dma_start3A_296 = arith.constant 0 : i32
        %dma_start3A_297 = arith.constant 0 : i32
        %dma_start3A_298 = tpu.memref_slice %arg18[%dma_start3A_296, %dma_start3A_297] : memref<10240x128xf32, #tpu.memory_space<vmem_shared>> -> memref<10240x128xf32, #tpu.memory_space<vmem_shared>>
        tpu.enqueue_indirect_dma source(%arg16 : memref<128x128xf32, #tpu.memory_space<vmem>>) target(%dma_start3A_298 : memref<10240x128xf32, #tpu.memory_space<vmem_shared>>) offsets(%dma_start3A_295 : memref<128xi32, #tpu.memory_space<vmem>>) semaphore(%arg21 : memref<!tpu.dma_semaphore, #tpu.memory_space<semaphore_mem>>) {add = true}
        %dma_start3A_299 = arith.constant 1 : i32
        %dma_start3A_300 = arith.constant 0 : i32
        %dma_start3A_301 = tpu.memref_slice %arg15[%dma_start3A_299, %dma_start3A_300] : memref<8x128xi32, #tpu.memory_space<vmem>> -> memref<1x128xi32, #tpu.memory_space<vmem>>
        %dma_start3A_302 = tpu.memref_squeeze %dma_start3A_301 : memref<1x128xi32, #tpu.memory_space<vmem>> -> memref<128xi32, #tpu.memory_space<vmem>>
        %dma_start3A_303 = arith.constant 0 : i32
        %dma_start3A_304 = arith.constant 0 : i32
        %dma_start3A_305 = tpu.memref_slice %arg18[%dma_start3A_303, %dma_start3A_304] : memref<10240x128xf32, #tpu.memory_space<vmem_shared>> -> memref<10240x128xf32, #tpu.memory_space<vmem_shared>>
        tpu.enqueue_indirect_dma source(%arg16 : memref<128x128xf32, #tpu.memory_space<vmem>>) target(%dma_start3A_305 : memref<10240x128xf32, #tpu.memory_space<vmem_shared>>) offsets(%dma_start3A_302 : memref<128xi32, #tpu.memory_space<vmem>>) semaphore(%arg22 : memref<!tpu.dma_semaphore, #tpu.memory_space<semaphore_mem>>) {add = true}
        %dma_start3A_306 = arith.constant 2 : i32
        %dma_start3A_307 = arith.constant 0 : i32
        %dma_start3A_308 = tpu.memref_slice %arg15[%dma_start3A_306, %dma_start3A_307] : memref<8x128xi32, #tpu.memory_space<vmem>> -> memref<1x128xi32, #tpu.memory_space<vmem>>
        %dma_start3A_309 = tpu.memref_squeeze %dma_start3A_308 : memref<1x128xi32, #tpu.memory_space<vmem>> -> memref<128xi32, #tpu.memory_space<vmem>>
        %dma_start3A_310 = arith.constant 0 : i32
        %dma_start3A_311 = arith.constant 0 : i32
        %dma_start3A_312 = tpu.memref_slice %arg18[%dma_start3A_310, %dma_start3A_311] : memref<10240x128xf32, #tpu.memory_space<vmem_shared>> -> memref<10240x128xf32, #tpu.memory_space<vmem_shared>>
        tpu.enqueue_indirect_dma source(%arg16 : memref<128x128xf32, #tpu.memory_space<vmem>>) target(%dma_start3A_312 : memref<10240x128xf32, #tpu.memory_space<vmem_shared>>) offsets(%dma_start3A_309 : memref<128xi32, #tpu.memory_space<vmem>>) semaphore(%arg21 : memref<!tpu.dma_semaphore, #tpu.memory_space<semaphore_mem>>) {add = true}
        %dma_start3A_313 = arith.constant 3 : i32
        %dma_start3A_314 = arith.constant 0 : i32
        %dma_start3A_315 = tpu.memref_slice %arg15[%dma_start3A_313, %dma_start3A_314] : memref<8x128xi32, #tpu.memory_space<vmem>> -> memref<1x128xi32, #tpu.memory_space<vmem>>
        %dma_start3A_316 = tpu.memref_squeeze %dma_start3A_315 : memref<1x128xi32, #tpu.memory_space<vmem>> -> memref<128xi32, #tpu.memory_space<vmem>>
        %dma_start3A_317 = arith.constant 0 : i32
        %dma_start3A_318 = arith.constant 0 : i32
        %dma_start3A_319 = tpu.memref_slice %arg18[%dma_start3A_317, %dma_start3A_318] : memref<10240x128xf32, #tpu.memory_space<vmem_shared>> -> memref<10240x128xf32, #tpu.memory_space<vmem_shared>>
        tpu.enqueue_indirect_dma source(%arg16 : memref<128x128xf32, #tpu.memory_space<vmem>>) target(%dma_start3A_319 : memref<10240x128xf32, #tpu.memory_space<vmem_shared>>) offsets(%dma_start3A_316 : memref<128xi32, #tpu.memory_space<vmem>>) semaphore(%arg22 : memref<!tpu.dma_semaphore, #tpu.memory_space<semaphore_mem>>) {add = true}
        %dma_start3A_320 = arith.constant 4 : i32
        %dma_start3A_321 = arith.constant 0 : i32
        %dma_start3A_322 = tpu.memref_slice %arg15[%dma_start3A_320, %dma_start3A_321] : memref<8x128xi32, #tpu.memory_space<vmem>> -> memref<1x128xi32, #tpu.memory_space<vmem>>
        %dma_start3A_323 = tpu.memref_squeeze %dma_start3A_322 : memref<1x128xi32, #tpu.memory_space<vmem>> -> memref<128xi32, #tpu.memory_space<vmem>>
        %dma_start3A_324 = arith.constant 0 : i32
        %dma_start3A_325 = arith.constant 0 : i32
        %dma_start3A_326 = tpu.memref_slice %arg18[%dma_start3A_324, %dma_start3A_325] : memref<10240x128xf32, #tpu.memory_space<vmem_shared>> -> memref<10240x128xf32, #tpu.memory_space<vmem_shared>>
        tpu.enqueue_indirect_dma source(%arg16 : memref<128x128xf32, #tpu.memory_space<vmem>>) target(%dma_start3A_326 : memref<10240x128xf32, #tpu.memory_space<vmem_shared>>) offsets(%dma_start3A_323 : memref<128xi32, #tpu.memory_space<vmem>>) semaphore(%arg21 : memref<!tpu.dma_semaphore, #tpu.memory_space<semaphore_mem>>) {add = true}
        %dma_start3A_327 = arith.constant 5 : i32
        %dma_start3A_328 = arith.constant 0 : i32
        %dma_start3A_329 = tpu.memref_slice %arg15[%dma_start3A_327, %dma_start3A_328] : memref<8x128xi32, #tpu.memory_space<vmem>> -> memref<1x128xi32, #tpu.memory_space<vmem>>
        %dma_start3A_330 = tpu.memref_squeeze %dma_start3A_329 : memref<1x128xi32, #tpu.memory_space<vmem>> -> memref<128xi32, #tpu.memory_space<vmem>>
        %dma_start3A_331 = arith.constant 0 : i32
        %dma_start3A_332 = arith.constant 0 : i32
        %dma_start3A_333 = tpu.memref_slice %arg18[%dma_start3A_331, %dma_start3A_332] : memref<10240x128xf32, #tpu.memory_space<vmem_shared>> -> memref<10240x128xf32, #tpu.memory_space<vmem_shared>>
        tpu.enqueue_indirect_dma source(%arg16 : memref<128x128xf32, #tpu.memory_space<vmem>>) target(%dma_start3A_333 : memref<10240x128xf32, #tpu.memory_space<vmem_shared>>) offsets(%dma_start3A_330 : memref<128xi32, #tpu.memory_space<vmem>>) semaphore(%arg22 : memref<!tpu.dma_semaphore, #tpu.memory_space<semaphore_mem>>) {add = true}
        %dma_start3A_334 = arith.constant 6 : i32
        %dma_start3A_335 = arith.constant 0 : i32
        %dma_start3A_336 = tpu.memref_slice %arg15[%dma_start3A_334, %dma_start3A_335] : memref<8x128xi32, #tpu.memory_space<vmem>> -> memref<1x128xi32, #tpu.memory_space<vmem>>
        %dma_start3A_337 = tpu.memref_squeeze %dma_start3A_336 : memref<1x128xi32, #tpu.memory_space<vmem>> -> memref<128xi32, #tpu.memory_space<vmem>>
        %dma_start3A_338 = arith.constant 0 : i32
        %dma_start3A_339 = arith.constant 0 : i32
        %dma_start3A_340 = tpu.memref_slice %arg18[%dma_start3A_338, %dma_start3A_339] : memref<10240x128xf32, #tpu.memory_space<vmem_shared>> -> memref<10240x128xf32, #tpu.memory_space<vmem_shared>>
        tpu.enqueue_indirect_dma source(%arg16 : memref<128x128xf32, #tpu.memory_space<vmem>>) target(%dma_start3A_340 : memref<10240x128xf32, #tpu.memory_space<vmem_shared>>) offsets(%dma_start3A_337 : memref<128xi32, #tpu.memory_space<vmem>>) semaphore(%arg21 : memref<!tpu.dma_semaphore, #tpu.memory_space<semaphore_mem>>) {add = true}
        %dma_start3A_341 = arith.constant 7 : i32
        %dma_start3A_342 = arith.constant 0 : i32
        %dma_start3A_343 = tpu.memref_slice %arg15[%dma_start3A_341, %dma_start3A_342] : memref<8x128xi32, #tpu.memory_space<vmem>> -> memref<1x128xi32, #tpu.memory_space<vmem>>
        %dma_start3A_344 = tpu.memref_squeeze %dma_start3A_343 : memref<1x128xi32, #tpu.memory_space<vmem>> -> memref<128xi32, #tpu.memory_space<vmem>>
        %dma_start3A_345 = arith.constant 0 : i32
        %dma_start3A_346 = arith.constant 0 : i32
        %dma_start3A_347 = tpu.memref_slice %arg18[%dma_start3A_345, %dma_start3A_346] : memref<10240x128xf32, #tpu.memory_space<vmem_shared>> -> memref<10240x128xf32, #tpu.memory_space<vmem_shared>>
        tpu.enqueue_indirect_dma source(%arg16 : memref<128x128xf32, #tpu.memory_space<vmem>>) target(%dma_start3A_347 : memref<10240x128xf32, #tpu.memory_space<vmem_shared>>) offsets(%dma_start3A_344 : memref<128xi32, #tpu.memory_space<vmem>>) semaphore(%arg22 : memref<!tpu.dma_semaphore, #tpu.memory_space<semaphore_mem>>) {add = true}
        %dma_wait3A_348 = arith.constant 0 : i32
        %dma_wait3A_349 = arith.constant 0 : i32
        %dma_wait3A_350 = tpu.memref_slice %arg15[%dma_wait3A_348, %dma_wait3A_349] : memref<8x128xi32, #tpu.memory_space<vmem>> -> memref<1x128xi32, #tpu.memory_space<vmem>>
        %dma_wait3A_351 = tpu.memref_squeeze %dma_wait3A_350 : memref<1x128xi32, #tpu.memory_space<vmem>> -> memref<128xi32, #tpu.memory_space<vmem>>
        %dma_wait3A_352 = arith.constant 0 : i32
        %dma_wait3A_353 = arith.constant 0 : i32
        %dma_wait3A_354 = tpu.memref_slice %arg18[%dma_wait3A_352, %dma_wait3A_353] : memref<10240x128xf32, #tpu.memory_space<vmem_shared>> -> memref<10240x128xf32, #tpu.memory_space<vmem_shared>>
        tpu.wait_indirect_dma semaphore(%arg21 : memref<!tpu.dma_semaphore, #tpu.memory_space<semaphore_mem>>) src(%arg16 : memref<128x128xf32, #tpu.memory_space<vmem>>) dst(%dma_wait3A_354 : memref<10240x128xf32, #tpu.memory_space<vmem_shared>>)
        %dma_wait3A_355 = arith.constant 1 : i32
        %dma_wait3A_356 = arith.constant 0 : i32
        %dma_wait3A_357 = tpu.memref_slice %arg15[%dma_wait3A_355, %dma_wait3A_356] : memref<8x128xi32, #tpu.memory_space<vmem>> -> memref<1x128xi32, #tpu.memory_space<vmem>>
        %dma_wait3A_358 = tpu.memref_squeeze %dma_wait3A_357 : memref<1x128xi32, #tpu.memory_space<vmem>> -> memref<128xi32, #tpu.memory_space<vmem>>
        %dma_wait3A_359 = arith.constant 0 : i32
        %dma_wait3A_360 = arith.constant 0 : i32
        %dma_wait3A_361 = tpu.memref_slice %arg18[%dma_wait3A_359, %dma_wait3A_360] : memref<10240x128xf32, #tpu.memory_space<vmem_shared>> -> memref<10240x128xf32, #tpu.memory_space<vmem_shared>>
        tpu.wait_indirect_dma semaphore(%arg22 : memref<!tpu.dma_semaphore, #tpu.memory_space<semaphore_mem>>) src(%arg16 : memref<128x128xf32, #tpu.memory_space<vmem>>) dst(%dma_wait3A_361 : memref<10240x128xf32, #tpu.memory_space<vmem_shared>>)
        %dma_wait3A_362 = arith.constant 2 : i32
        %dma_wait3A_363 = arith.constant 0 : i32
        %dma_wait3A_364 = tpu.memref_slice %arg15[%dma_wait3A_362, %dma_wait3A_363] : memref<8x128xi32, #tpu.memory_space<vmem>> -> memref<1x128xi32, #tpu.memory_space<vmem>>
        %dma_wait3A_365 = tpu.memref_squeeze %dma_wait3A_364 : memref<1x128xi32, #tpu.memory_space<vmem>> -> memref<128xi32, #tpu.memory_space<vmem>>
        %dma_wait3A_366 = arith.constant 0 : i32
        %dma_wait3A_367 = arith.constant 0 : i32
        %dma_wait3A_368 = tpu.memref_slice %arg18[%dma_wait3A_366, %dma_wait3A_367] : memref<10240x128xf32, #tpu.memory_space<vmem_shared>> -> memref<10240x128xf32, #tpu.memory_space<vmem_shared>>
        tpu.wait_indirect_dma semaphore(%arg21 : memref<!tpu.dma_semaphore, #tpu.memory_space<semaphore_mem>>) src(%arg16 : memref<128x128xf32, #tpu.memory_space<vmem>>) dst(%dma_wait3A_368 : memref<10240x128xf32, #tpu.memory_space<vmem_shared>>)
        %dma_wait3A_369 = arith.constant 3 : i32
        %dma_wait3A_370 = arith.constant 0 : i32
        %dma_wait3A_371 = tpu.memref_slice %arg15[%dma_wait3A_369, %dma_wait3A_370] : memref<8x128xi32, #tpu.memory_space<vmem>> -> memref<1x128xi32, #tpu.memory_space<vmem>>
        %dma_wait3A_372 = tpu.memref_squeeze %dma_wait3A_371 : memref<1x128xi32, #tpu.memory_space<vmem>> -> memref<128xi32, #tpu.memory_space<vmem>>
        %dma_wait3A_373 = arith.constant 0 : i32
        %dma_wait3A_374 = arith.constant 0 : i32
        %dma_wait3A_375 = tpu.memref_slice %arg18[%dma_wait3A_373, %dma_wait3A_374] : memref<10240x128xf32, #tpu.memory_space<vmem_shared>> -> memref<10240x128xf32, #tpu.memory_space<vmem_shared>>
        tpu.wait_indirect_dma semaphore(%arg22 : memref<!tpu.dma_semaphore, #tpu.memory_space<semaphore_mem>>) src(%arg16 : memref<128x128xf32, #tpu.memory_space<vmem>>) dst(%dma_wait3A_375 : memref<10240x128xf32, #tpu.memory_space<vmem_shared>>)
        %dma_wait3A_376 = arith.constant 4 : i32
        %dma_wait3A_377 = arith.constant 0 : i32
        %dma_wait3A_378 = tpu.memref_slice %arg15[%dma_wait3A_376, %dma_wait3A_377] : memref<8x128xi32, #tpu.memory_space<vmem>> -> memref<1x128xi32, #tpu.memory_space<vmem>>
        %dma_wait3A_379 = tpu.memref_squeeze %dma_wait3A_378 : memref<1x128xi32, #tpu.memory_space<vmem>> -> memref<128xi32, #tpu.memory_space<vmem>>
        %dma_wait3A_380 = arith.constant 0 : i32
        %dma_wait3A_381 = arith.constant 0 : i32
        %dma_wait3A_382 = tpu.memref_slice %arg18[%dma_wait3A_380, %dma_wait3A_381] : memref<10240x128xf32, #tpu.memory_space<vmem_shared>> -> memref<10240x128xf32, #tpu.memory_space<vmem_shared>>
        tpu.wait_indirect_dma semaphore(%arg21 : memref<!tpu.dma_semaphore, #tpu.memory_space<semaphore_mem>>) src(%arg16 : memref<128x128xf32, #tpu.memory_space<vmem>>) dst(%dma_wait3A_382 : memref<10240x128xf32, #tpu.memory_space<vmem_shared>>)
        %dma_wait3A_383 = arith.constant 5 : i32
        %dma_wait3A_384 = arith.constant 0 : i32
        %dma_wait3A_385 = tpu.memref_slice %arg15[%dma_wait3A_383, %dma_wait3A_384] : memref<8x128xi32, #tpu.memory_space<vmem>> -> memref<1x128xi32, #tpu.memory_space<vmem>>
        %dma_wait3A_386 = tpu.memref_squeeze %dma_wait3A_385 : memref<1x128xi32, #tpu.memory_space<vmem>> -> memref<128xi32, #tpu.memory_space<vmem>>
        %dma_wait3A_387 = arith.constant 0 : i32
        %dma_wait3A_388 = arith.constant 0 : i32
        %dma_wait3A_389 = tpu.memref_slice %arg18[%dma_wait3A_387, %dma_wait3A_388] : memref<10240x128xf32, #tpu.memory_space<vmem_shared>> -> memref<10240x128xf32, #tpu.memory_space<vmem_shared>>
        tpu.wait_indirect_dma semaphore(%arg22 : memref<!tpu.dma_semaphore, #tpu.memory_space<semaphore_mem>>) src(%arg16 : memref<128x128xf32, #tpu.memory_space<vmem>>) dst(%dma_wait3A_389 : memref<10240x128xf32, #tpu.memory_space<vmem_shared>>)
        %dma_wait3A_390 = arith.constant 6 : i32
        %dma_wait3A_391 = arith.constant 0 : i32
        %dma_wait3A_392 = tpu.memref_slice %arg15[%dma_wait3A_390, %dma_wait3A_391] : memref<8x128xi32, #tpu.memory_space<vmem>> -> memref<1x128xi32, #tpu.memory_space<vmem>>
        %dma_wait3A_393 = tpu.memref_squeeze %dma_wait3A_392 : memref<1x128xi32, #tpu.memory_space<vmem>> -> memref<128xi32, #tpu.memory_space<vmem>>
        %dma_wait3A_394 = arith.constant 0 : i32
        %dma_wait3A_395 = arith.constant 0 : i32
        %dma_wait3A_396 = tpu.memref_slice %arg18[%dma_wait3A_394, %dma_wait3A_395] : memref<10240x128xf32, #tpu.memory_space<vmem_shared>> -> memref<10240x128xf32, #tpu.memory_space<vmem_shared>>
        tpu.wait_indirect_dma semaphore(%arg21 : memref<!tpu.dma_semaphore, #tpu.memory_space<semaphore_mem>>) src(%arg16 : memref<128x128xf32, #tpu.memory_space<vmem>>) dst(%dma_wait3A_396 : memref<10240x128xf32, #tpu.memory_space<vmem_shared>>)
        %dma_wait3A_397 = arith.constant 7 : i32
        %dma_wait3A_398 = arith.constant 0 : i32
        %dma_wait3A_399 = tpu.memref_slice %arg15[%dma_wait3A_397, %dma_wait3A_398] : memref<8x128xi32, #tpu.memory_space<vmem>> -> memref<1x128xi32, #tpu.memory_space<vmem>>
        %dma_wait3A_400 = tpu.memref_squeeze %dma_wait3A_399 : memref<1x128xi32, #tpu.memory_space<vmem>> -> memref<128xi32, #tpu.memory_space<vmem>>
        %dma_wait3A_401 = arith.constant 0 : i32
        %dma_wait3A_402 = arith.constant 0 : i32
        %dma_wait3A_403 = tpu.memref_slice %arg18[%dma_wait3A_401, %dma_wait3A_402] : memref<10240x128xf32, #tpu.memory_space<vmem_shared>> -> memref<10240x128xf32, #tpu.memory_space<vmem_shared>>
        tpu.wait_indirect_dma semaphore(%arg22 : memref<!tpu.dma_semaphore, #tpu.memory_space<semaphore_mem>>) src(%arg16 : memref<128x128xf32, #tpu.memory_space<vmem>>) dst(%dma_wait3A_403 : memref<10240x128xf32, #tpu.memory_space<vmem_shared>>)
        %dma_wait3A_404 = arith.constant 0 : i32
        %dma_wait3A_405 = tpu.memref_slice %arg5[%add3A_287, %dma_wait3A_404] : memref<1288x128xi32, #tpu.memory_space<hbm>> -> memref<8x128xi32, #tpu.memory_space<hbm>>
        %dma_wait3A_406 = arith.constant 0 : i32
        %dma_wait3A_407 = tpu.memref_slice %arg5[%add3A_287, %dma_wait3A_406] : memref<1288x128xi32, #tpu.memory_space<hbm>> -> memref<8x128xi32, #tpu.memory_space<hbm>>
        tpu.wait_dma2 semaphore(%arg23 : memref<!tpu.dma_semaphore, #tpu.memory_space<semaphore_mem>>) src(%dma_wait3A_407 : memref<8x128xi32, #tpu.memory_space<hbm>>) dst(%arg14 : memref<8x128xi32, #tpu.memory_space<vmem>>)
      }
      %scan3A_49 = arith.constant 2 : i32
      %dma_start3A = arith.constant 0 : i32
      %dma_start3A_50 = arith.constant 0 : i32
      %dma_start3A_51 = tpu.memref_slice %arg14[%dma_start3A, %dma_start3A_50] : memref<8x128xi32, #tpu.memory_space<vmem>> -> memref<1x128xi32, #tpu.memory_space<vmem>>
      %dma_start3A_52 = tpu.memref_squeeze %dma_start3A_51 : memref<1x128xi32, #tpu.memory_space<vmem>> -> memref<128xi32, #tpu.memory_space<vmem>>
      %dma_start3A_53 = arith.constant 0 : i32
      %dma_start3A_54 = arith.constant 0 : i32
      %dma_start3A_55 = tpu.memref_slice %arg18[%dma_start3A_53, %dma_start3A_54] : memref<10240x128xf32, #tpu.memory_space<vmem_shared>> -> memref<10240x128xf32, #tpu.memory_space<vmem_shared>>
      tpu.enqueue_indirect_dma source(%arg16 : memref<128x128xf32, #tpu.memory_space<vmem>>) target(%dma_start3A_55 : memref<10240x128xf32, #tpu.memory_space<vmem_shared>>) offsets(%dma_start3A_52 : memref<128xi32, #tpu.memory_space<vmem>>) semaphore(%arg21 : memref<!tpu.dma_semaphore, #tpu.memory_space<semaphore_mem>>) {add = true}
      %dma_start3A_56 = arith.constant 1 : i32
      %dma_start3A_57 = arith.constant 0 : i32
      %dma_start3A_58 = tpu.memref_slice %arg14[%dma_start3A_56, %dma_start3A_57] : memref<8x128xi32, #tpu.memory_space<vmem>> -> memref<1x128xi32, #tpu.memory_space<vmem>>
      %dma_start3A_59 = tpu.memref_squeeze %dma_start3A_58 : memref<1x128xi32, #tpu.memory_space<vmem>> -> memref<128xi32, #tpu.memory_space<vmem>>
      %dma_start3A_60 = arith.constant 0 : i32
      %dma_start3A_61 = arith.constant 0 : i32
      %dma_start3A_62 = tpu.memref_slice %arg18[%dma_start3A_60, %dma_start3A_61] : memref<10240x128xf32, #tpu.memory_space<vmem_shared>> -> memref<10240x128xf32, #tpu.memory_space<vmem_shared>>
      tpu.enqueue_indirect_dma source(%arg16 : memref<128x128xf32, #tpu.memory_space<vmem>>) target(%dma_start3A_62 : memref<10240x128xf32, #tpu.memory_space<vmem_shared>>) offsets(%dma_start3A_59 : memref<128xi32, #tpu.memory_space<vmem>>) semaphore(%arg22 : memref<!tpu.dma_semaphore, #tpu.memory_space<semaphore_mem>>) {add = true}
      %dma_start3A_63 = arith.constant 2 : i32
      %dma_start3A_64 = arith.constant 0 : i32
      %dma_start3A_65 = tpu.memref_slice %arg14[%dma_start3A_63, %dma_start3A_64] : memref<8x128xi32, #tpu.memory_space<vmem>> -> memref<1x128xi32, #tpu.memory_space<vmem>>
      %dma_start3A_66 = tpu.memref_squeeze %dma_start3A_65 : memref<1x128xi32, #tpu.memory_space<vmem>> -> memref<128xi32, #tpu.memory_space<vmem>>
      %dma_start3A_67 = arith.constant 0 : i32
      %dma_start3A_68 = arith.constant 0 : i32
      %dma_start3A_69 = tpu.memref_slice %arg18[%dma_start3A_67, %dma_start3A_68] : memref<10240x128xf32, #tpu.memory_space<vmem_shared>> -> memref<10240x128xf32, #tpu.memory_space<vmem_shared>>
      tpu.enqueue_indirect_dma source(%arg16 : memref<128x128xf32, #tpu.memory_space<vmem>>) target(%dma_start3A_69 : memref<10240x128xf32, #tpu.memory_space<vmem_shared>>) offsets(%dma_start3A_66 : memref<128xi32, #tpu.memory_space<vmem>>) semaphore(%arg21 : memref<!tpu.dma_semaphore, #tpu.memory_space<semaphore_mem>>) {add = true}
      %dma_start3A_70 = arith.constant 3 : i32
      %dma_start3A_71 = arith.constant 0 : i32
      %dma_start3A_72 = tpu.memref_slice %arg14[%dma_start3A_70, %dma_start3A_71] : memref<8x128xi32, #tpu.memory_space<vmem>> -> memref<1x128xi32, #tpu.memory_space<vmem>>
      %dma_start3A_73 = tpu.memref_squeeze %dma_start3A_72 : memref<1x128xi32, #tpu.memory_space<vmem>> -> memref<128xi32, #tpu.memory_space<vmem>>
      %dma_start3A_74 = arith.constant 0 : i32
      %dma_start3A_75 = arith.constant 0 : i32
      %dma_start3A_76 = tpu.memref_slice %arg18[%dma_start3A_74, %dma_start3A_75] : memref<10240x128xf32, #tpu.memory_space<vmem_shared>> -> memref<10240x128xf32, #tpu.memory_space<vmem_shared>>
      tpu.enqueue_indirect_dma source(%arg16 : memref<128x128xf32, #tpu.memory_space<vmem>>) target(%dma_start3A_76 : memref<10240x128xf32, #tpu.memory_space<vmem_shared>>) offsets(%dma_start3A_73 : memref<128xi32, #tpu.memory_space<vmem>>) semaphore(%arg22 : memref<!tpu.dma_semaphore, #tpu.memory_space<semaphore_mem>>) {add = true}
      %dma_start3A_77 = arith.constant 4 : i32
      %dma_start3A_78 = arith.constant 0 : i32
      %dma_start3A_79 = tpu.memref_slice %arg14[%dma_start3A_77, %dma_start3A_78] : memref<8x128xi32, #tpu.memory_space<vmem>> -> memref<1x128xi32, #tpu.memory_space<vmem>>
      %dma_start3A_80 = tpu.memref_squeeze %dma_start3A_79 : memref<1x128xi32, #tpu.memory_space<vmem>> -> memref<128xi32, #tpu.memory_space<vmem>>
      %dma_start3A_81 = arith.constant 0 : i32
      %dma_start3A_82 = arith.constant 0 : i32
      %dma_start3A_83 = tpu.memref_slice %arg18[%dma_start3A_81, %dma_start3A_82] : memref<10240x128xf32, #tpu.memory_space<vmem_shared>> -> memref<10240x128xf32, #tpu.memory_space<vmem_shared>>
      tpu.enqueue_indirect_dma source(%arg16 : memref<128x128xf32, #tpu.memory_space<vmem>>) target(%dma_start3A_83 : memref<10240x128xf32, #tpu.memory_space<vmem_shared>>) offsets(%dma_start3A_80 : memref<128xi32, #tpu.memory_space<vmem>>) semaphore(%arg21 : memref<!tpu.dma_semaphore, #tpu.memory_space<semaphore_mem>>) {add = true}
      %dma_start3A_84 = arith.constant 5 : i32
      %dma_start3A_85 = arith.constant 0 : i32
      %dma_start3A_86 = tpu.memref_slice %arg14[%dma_start3A_84, %dma_start3A_85] : memref<8x128xi32, #tpu.memory_space<vmem>> -> memref<1x128xi32, #tpu.memory_space<vmem>>
      %dma_start3A_87 = tpu.memref_squeeze %dma_start3A_86 : memref<1x128xi32, #tpu.memory_space<vmem>> -> memref<128xi32, #tpu.memory_space<vmem>>
      %dma_start3A_88 = arith.constant 0 : i32
      %dma_start3A_89 = arith.constant 0 : i32
      %dma_start3A_90 = tpu.memref_slice %arg18[%dma_start3A_88, %dma_start3A_89] : memref<10240x128xf32, #tpu.memory_space<vmem_shared>> -> memref<10240x128xf32, #tpu.memory_space<vmem_shared>>
      tpu.enqueue_indirect_dma source(%arg16 : memref<128x128xf32, #tpu.memory_space<vmem>>) target(%dma_start3A_90 : memref<10240x128xf32, #tpu.memory_space<vmem_shared>>) offsets(%dma_start3A_87 : memref<128xi32, #tpu.memory_space<vmem>>) semaphore(%arg22 : memref<!tpu.dma_semaphore, #tpu.memory_space<semaphore_mem>>) {add = true}
      %dma_start3A_91 = arith.constant 6 : i32
      %dma_start3A_92 = arith.constant 0 : i32
      %dma_start3A_93 = tpu.memref_slice %arg14[%dma_start3A_91, %dma_start3A_92] : memref<8x128xi32, #tpu.memory_space<vmem>> -> memref<1x128xi32, #tpu.memory_space<vmem>>
      %dma_start3A_94 = tpu.memref_squeeze %dma_start3A_93 : memref<1x128xi32, #tpu.memory_space<vmem>> -> memref<128xi32, #tpu.memory_space<vmem>>
      %dma_start3A_95 = arith.constant 0 : i32
      %dma_start3A_96 = arith.constant 0 : i32
      %dma_start3A_97 = tpu.memref_slice %arg18[%dma_start3A_95, %dma_start3A_96] : memref<10240x128xf32, #tpu.memory_space<vmem_shared>> -> memref<10240x128xf32, #tpu.memory_space<vmem_shared>>
      tpu.enqueue_indirect_dma source(%arg16 : memref<128x128xf32, #tpu.memory_space<vmem>>) target(%dma_start3A_97 : memref<10240x128xf32, #tpu.memory_space<vmem_shared>>) offsets(%dma_start3A_94 : memref<128xi32, #tpu.memory_space<vmem>>) semaphore(%arg21 : memref<!tpu.dma_semaphore, #tpu.memory_space<semaphore_mem>>) {add = true}
      %dma_start3A_98 = arith.constant 7 : i32
      %dma_start3A_99 = arith.constant 0 : i32
      %dma_start3A_100 = tpu.memref_slice %arg14[%dma_start3A_98, %dma_start3A_99] : memref<8x128xi32, #tpu.memory_space<vmem>> -> memref<1x128xi32, #tpu.memory_space<vmem>>
      %dma_start3A_101 = tpu.memref_squeeze %dma_start3A_100 : memref<1x128xi32, #tpu.memory_space<vmem>> -> memref<128xi32, #tpu.memory_space<vmem>>
      %dma_start3A_102 = arith.constant 0 : i32
      %dma_start3A_103 = arith.constant 0 : i32
      %dma_start3A_104 = tpu.memref_slice %arg18[%dma_start3A_102, %dma_start3A_103] : memref<10240x128xf32, #tpu.memory_space<vmem_shared>> -> memref<10240x128xf32, #tpu.memory_space<vmem_shared>>
      tpu.enqueue_indirect_dma source(%arg16 : memref<128x128xf32, #tpu.memory_space<vmem>>) target(%dma_start3A_104 : memref<10240x128xf32, #tpu.memory_space<vmem_shared>>) offsets(%dma_start3A_101 : memref<128xi32, #tpu.memory_space<vmem>>) semaphore(%arg22 : memref<!tpu.dma_semaphore, #tpu.memory_space<semaphore_mem>>) {add = true}
      %dma_wait3A = arith.constant 0 : i32
      %dma_wait3A_105 = arith.constant 0 : i32
      %dma_wait3A_106 = tpu.memref_slice %arg14[%dma_wait3A, %dma_wait3A_105] : memref<8x128xi32, #tpu.memory_space<vmem>> -> memref<1x128xi32, #tpu.memory_space<vmem>>
      %dma_wait3A_107 = tpu.memref_squeeze %dma_wait3A_106 : memref<1x128xi32, #tpu.memory_space<vmem>> -> memref<128xi32, #tpu.memory_space<vmem>>
      %dma_wait3A_108 = arith.constant 0 : i32
      %dma_wait3A_109 = arith.constant 0 : i32
      %dma_wait3A_110 = tpu.memref_slice %arg18[%dma_wait3A_108, %dma_wait3A_109] : memref<10240x128xf32, #tpu.memory_space<vmem_shared>> -> memref<10240x128xf32, #tpu.memory_space<vmem_shared>>
      tpu.wait_indirect_dma semaphore(%arg21 : memref<!tpu.dma_semaphore, #tpu.memory_space<semaphore_mem>>) src(%arg16 : memref<128x128xf32, #tpu.memory_space<vmem>>) dst(%dma_wait3A_110 : memref<10240x128xf32, #tpu.memory_space<vmem_shared>>)
      %dma_wait3A_111 = arith.constant 1 : i32
      %dma_wait3A_112 = arith.constant 0 : i32
      %dma_wait3A_113 = tpu.memref_slice %arg14[%dma_wait3A_111, %dma_wait3A_112] : memref<8x128xi32, #tpu.memory_space<vmem>> -> memref<1x128xi32, #tpu.memory_space<vmem>>
      %dma_wait3A_114 = tpu.memref_squeeze %dma_wait3A_113 : memref<1x128xi32, #tpu.memory_space<vmem>> -> memref<128xi32, #tpu.memory_space<vmem>>
      %dma_wait3A_115 = arith.constant 0 : i32
      %dma_wait3A_116 = arith.constant 0 : i32
      %dma_wait3A_117 = tpu.memref_slice %arg18[%dma_wait3A_115, %dma_wait3A_116] : memref<10240x128xf32, #tpu.memory_space<vmem_shared>> -> memref<10240x128xf32, #tpu.memory_space<vmem_shared>>
      tpu.wait_indirect_dma semaphore(%arg22 : memref<!tpu.dma_semaphore, #tpu.memory_space<semaphore_mem>>) src(%arg16 : memref<128x128xf32, #tpu.memory_space<vmem>>) dst(%dma_wait3A_117 : memref<10240x128xf32, #tpu.memory_space<vmem_shared>>)
      %dma_wait3A_118 = arith.constant 2 : i32
      %dma_wait3A_119 = arith.constant 0 : i32
      %dma_wait3A_120 = tpu.memref_slice %arg14[%dma_wait3A_118, %dma_wait3A_119] : memref<8x128xi32, #tpu.memory_space<vmem>> -> memref<1x128xi32, #tpu.memory_space<vmem>>
      %dma_wait3A_121 = tpu.memref_squeeze %dma_wait3A_120 : memref<1x128xi32, #tpu.memory_space<vmem>> -> memref<128xi32, #tpu.memory_space<vmem>>
      %dma_wait3A_122 = arith.constant 0 : i32
      %dma_wait3A_123 = arith.constant 0 : i32
      %dma_wait3A_124 = tpu.memref_slice %arg18[%dma_wait3A_122, %dma_wait3A_123] : memref<10240x128xf32, #tpu.memory_space<vmem_shared>> -> memref<10240x128xf32, #tpu.memory_space<vmem_shared>>
      tpu.wait_indirect_dma semaphore(%arg21 : memref<!tpu.dma_semaphore, #tpu.memory_space<semaphore_mem>>) src(%arg16 : memref<128x128xf32, #tpu.memory_space<vmem>>) dst(%dma_wait3A_124 : memref<10240x128xf32, #tpu.memory_space<vmem_shared>>)
      %dma_wait3A_125 = arith.constant 3 : i32
      %dma_wait3A_126 = arith.constant 0 : i32
      %dma_wait3A_127 = tpu.memref_slice %arg14[%dma_wait3A_125, %dma_wait3A_126] : memref<8x128xi32, #tpu.memory_space<vmem>> -> memref<1x128xi32, #tpu.memory_space<vmem>>
      %dma_wait3A_128 = tpu.memref_squeeze %dma_wait3A_127 : memref<1x128xi32, #tpu.memory_space<vmem>> -> memref<128xi32, #tpu.memory_space<vmem>>
      %dma_wait3A_129 = arith.constant 0 : i32
      %dma_wait3A_130 = arith.constant 0 : i32
      %dma_wait3A_131 = tpu.memref_slice %arg18[%dma_wait3A_129, %dma_wait3A_130] : memref<10240x128xf32, #tpu.memory_space<vmem_shared>> -> memref<10240x128xf32, #tpu.memory_space<vmem_shared>>
      tpu.wait_indirect_dma semaphore(%arg22 : memref<!tpu.dma_semaphore, #tpu.memory_space<semaphore_mem>>) src(%arg16 : memref<128x128xf32, #tpu.memory_space<vmem>>) dst(%dma_wait3A_131 : memref<10240x128xf32, #tpu.memory_space<vmem_shared>>)
      %dma_wait3A_132 = arith.constant 4 : i32
      %dma_wait3A_133 = arith.constant 0 : i32
      %dma_wait3A_134 = tpu.memref_slice %arg14[%dma_wait3A_132, %dma_wait3A_133] : memref<8x128xi32, #tpu.memory_space<vmem>> -> memref<1x128xi32, #tpu.memory_space<vmem>>
      %dma_wait3A_135 = tpu.memref_squeeze %dma_wait3A_134 : memref<1x128xi32, #tpu.memory_space<vmem>> -> memref<128xi32, #tpu.memory_space<vmem>>
      %dma_wait3A_136 = arith.constant 0 : i32
      %dma_wait3A_137 = arith.constant 0 : i32
      %dma_wait3A_138 = tpu.memref_slice %arg18[%dma_wait3A_136, %dma_wait3A_137] : memref<10240x128xf32, #tpu.memory_space<vmem_shared>> -> memref<10240x128xf32, #tpu.memory_space<vmem_shared>>
      tpu.wait_indirect_dma semaphore(%arg21 : memref<!tpu.dma_semaphore, #tpu.memory_space<semaphore_mem>>) src(%arg16 : memref<128x128xf32, #tpu.memory_space<vmem>>) dst(%dma_wait3A_138 : memref<10240x128xf32, #tpu.memory_space<vmem_shared>>)
      %dma_wait3A_139 = arith.constant 5 : i32
      %dma_wait3A_140 = arith.constant 0 : i32
      %dma_wait3A_141 = tpu.memref_slice %arg14[%dma_wait3A_139, %dma_wait3A_140] : memref<8x128xi32, #tpu.memory_space<vmem>> -> memref<1x128xi32, #tpu.memory_space<vmem>>
      %dma_wait3A_142 = tpu.memref_squeeze %dma_wait3A_141 : memref<1x128xi32, #tpu.memory_space<vmem>> -> memref<128xi32, #tpu.memory_space<vmem>>
      %dma_wait3A_143 = arith.constant 0 : i32
      %dma_wait3A_144 = arith.constant 0 : i32
      %dma_wait3A_145 = tpu.memref_slice %arg18[%dma_wait3A_143, %dma_wait3A_144] : memref<10240x128xf32, #tpu.memory_space<vmem_shared>> -> memref<10240x128xf32, #tpu.memory_space<vmem_shared>>
      tpu.wait_indirect_dma semaphore(%arg22 : memref<!tpu.dma_semaphore, #tpu.memory_space<semaphore_mem>>) src(%arg16 : memref<128x128xf32, #tpu.memory_space<vmem>>) dst(%dma_wait3A_145 : memref<10240x128xf32, #tpu.memory_space<vmem_shared>>)
      %dma_wait3A_146 = arith.constant 6 : i32
      %dma_wait3A_147 = arith.constant 0 : i32
      %dma_wait3A_148 = tpu.memref_slice %arg14[%dma_wait3A_146, %dma_wait3A_147] : memref<8x128xi32, #tpu.memory_space<vmem>> -> memref<1x128xi32, #tpu.memory_space<vmem>>
      %dma_wait3A_149 = tpu.memref_squeeze %dma_wait3A_148 : memref<1x128xi32, #tpu.memory_space<vmem>> -> memref<128xi32, #tpu.memory_space<vmem>>
      %dma_wait3A_150 = arith.constant 0 : i32
      %dma_wait3A_151 = arith.constant 0 : i32
      %dma_wait3A_152 = tpu.memref_slice %arg18[%dma_wait3A_150, %dma_wait3A_151] : memref<10240x128xf32, #tpu.memory_space<vmem_shared>> -> memref<10240x128xf32, #tpu.memory_space<vmem_shared>>
      tpu.wait_indirect_dma semaphore(%arg21 : memref<!tpu.dma_semaphore, #tpu.memory_space<semaphore_mem>>) src(%arg16 : memref<128x128xf32, #tpu.memory_space<vmem>>) dst(%dma_wait3A_152 : memref<10240x128xf32, #tpu.memory_space<vmem_shared>>)
      %dma_wait3A_153 = arith.constant 7 : i32
      %dma_wait3A_154 = arith.constant 0 : i32
      %dma_wait3A_155 = tpu.memref_slice %arg14[%dma_wait3A_153, %dma_wait3A_154] : memref<8x128xi32, #tpu.memory_space<vmem>> -> memref<1x128xi32, #tpu.memory_space<vmem>>
      %dma_wait3A_156 = tpu.memref_squeeze %dma_wait3A_155 : memref<1x128xi32, #tpu.memory_space<vmem>> -> memref<128xi32, #tpu.memory_space<vmem>>
      %dma_wait3A_157 = arith.constant 0 : i32
      %dma_wait3A_158 = arith.constant 0 : i32
      %dma_wait3A_159 = tpu.memref_slice %arg18[%dma_wait3A_157, %dma_wait3A_158] : memref<10240x128xf32, #tpu.memory_space<vmem_shared>> -> memref<10240x128xf32, #tpu.memory_space<vmem_shared>>
      tpu.wait_indirect_dma semaphore(%arg22 : memref<!tpu.dma_semaphore, #tpu.memory_space<semaphore_mem>>) src(%arg16 : memref<128x128xf32, #tpu.memory_space<vmem>>) dst(%dma_wait3A_159 : memref<10240x128xf32, #tpu.memory_space<vmem_shared>>)
    } else {
    }
    %eq3A_26 = arith.constant 1 : i32
    %eq3A_27 = arith.cmpi eq, %arg0, %eq3A_26 : i32
    %convert_element_type3A_28 = arith.extui %eq3A_27 : i1 to i32
    %cond3A_29 = arith.constant 0 : i32
    %cond3A_30 = arith.cmpi ne, %convert_element_type3A_28, %cond3A_29 : i32
    scf.if %cond3A_30 {
      %mul3A_42 = arith.constant 40 : i32
      %mul3A_43 = arith.muli %arg1, %mul3A_42 : i32
      %add3A = arith.constant 640 : i32
      %add3A_44 = arith.addi %add3A, %mul3A_43 : i32
      "tpu.region"() ({
        %run_scoped3A = tpu.sem_alloc : memref<!tpu.dma_semaphore, #tpu.memory_space<semaphore_mem>>
        %dma_start3A_160 = arith.constant 0 : i32
        %dma_start3A_161 = tpu.memref_slice %arg5[%add3A_44, %dma_start3A_160] : memref<1288x128xi32, #tpu.memory_space<hbm>> -> memref<8x128xi32, #tpu.memory_space<hbm>>
        %dma_start3A_162 = arith.constant 0 : i32
        %dma_start3A_163 = tpu.memref_slice %arg5[%add3A_44, %dma_start3A_162] : memref<1288x128xi32, #tpu.memory_space<hbm>> -> memref<8x128xi32, #tpu.memory_space<hbm>>
        tpu.enqueue_dma source(%dma_start3A_163 : memref<8x128xi32, #tpu.memory_space<hbm>>) target(%arg14 : memref<8x128xi32, #tpu.memory_space<vmem>>) target_semaphore(%run_scoped3A : memref<!tpu.dma_semaphore, #tpu.memory_space<semaphore_mem>>)
        %dma_wait3A_164 = arith.constant 0 : i32
        %dma_wait3A_165 = tpu.memref_slice %arg5[%add3A_44, %dma_wait3A_164] : memref<1288x128xi32, #tpu.memory_space<hbm>> -> memref<8x128xi32, #tpu.memory_space<hbm>>
        %dma_wait3A_166 = arith.constant 0 : i32
        %dma_wait3A_167 = tpu.memref_slice %arg5[%add3A_44, %dma_wait3A_166] : memref<1288x128xi32, #tpu.memory_space<hbm>> -> memref<8x128xi32, #tpu.memory_space<hbm>>
        tpu.wait_dma2 semaphore(%run_scoped3A : memref<!tpu.dma_semaphore, #tpu.memory_space<semaphore_mem>>) src(%dma_wait3A_167 : memref<8x128xi32, #tpu.memory_space<hbm>>) dst(%arg14 : memref<8x128xi32, #tpu.memory_space<vmem>>)
        tpu.yield
      }) : () -> ()
      %scan3A = arith.constant 0 : i32
      %scan3A_45 = arith.constant 0 : i32
      %scan3A_46 = arith.constant 2 : i32
      %scan3A_47 = arith.addi %scan3A_45, %scan3A_46 : i32
      %scan3A_48 = arith.constant 1 : i32
      scf.for %scan3A_160 = %scan3A_45 to %scan3A_47 step %scan3A_48  : i32 {
        %mul3A_161 = arith.constant 16 : i32
        %mul3A_162 = arith.muli %mul3A_161, %scan3A_160 : i32
        %add3A_163 = arith.addi %add3A_44, %mul3A_162 : i32
        %add3A_164 = arith.constant 8 : i32
        %add3A_165 = arith.addi %add3A_163, %add3A_164 : i32
        %dma_start3A_166 = arith.constant 0 : i32
        %dma_start3A_167 = tpu.memref_slice %arg5[%add3A_165, %dma_start3A_166] : memref<1288x128xi32, #tpu.memory_space<hbm>> -> memref<8x128xi32, #tpu.memory_space<hbm>>
        %dma_start3A_168 = arith.constant 0 : i32
        %dma_start3A_169 = tpu.memref_slice %arg5[%add3A_165, %dma_start3A_168] : memref<1288x128xi32, #tpu.memory_space<hbm>> -> memref<8x128xi32, #tpu.memory_space<hbm>>
        tpu.enqueue_dma source(%dma_start3A_169 : memref<8x128xi32, #tpu.memory_space<hbm>>) target(%arg15 : memref<8x128xi32, #tpu.memory_space<vmem>>) target_semaphore(%arg24 : memref<!tpu.dma_semaphore, #tpu.memory_space<semaphore_mem>>)
        %dma_start3A_170 = arith.constant 0 : i32
        %dma_start3A_171 = arith.constant 0 : i32
        %dma_start3A_172 = tpu.memref_slice %arg14[%dma_start3A_170, %dma_start3A_171] : memref<8x128xi32, #tpu.memory_space<vmem>> -> memref<1x128xi32, #tpu.memory_space<vmem>>
        %dma_start3A_173 = tpu.memref_squeeze %dma_start3A_172 : memref<1x128xi32, #tpu.memory_space<vmem>> -> memref<128xi32, #tpu.memory_space<vmem>>
        %dma_start3A_174 = arith.constant 0 : i32
        %dma_start3A_175 = arith.constant 0 : i32
        %dma_start3A_176 = tpu.memref_slice %arg18[%dma_start3A_174, %dma_start3A_175] : memref<10240x128xf32, #tpu.memory_space<vmem_shared>> -> memref<10240x128xf32, #tpu.memory_space<vmem_shared>>
        tpu.enqueue_indirect_dma source(%arg16 : memref<128x128xf32, #tpu.memory_space<vmem>>) target(%dma_start3A_176 : memref<10240x128xf32, #tpu.memory_space<vmem_shared>>) offsets(%dma_start3A_173 : memref<128xi32, #tpu.memory_space<vmem>>) semaphore(%arg21 : memref<!tpu.dma_semaphore, #tpu.memory_space<semaphore_mem>>) {add = true}
        %dma_start3A_177 = arith.constant 1 : i32
        %dma_start3A_178 = arith.constant 0 : i32
        %dma_start3A_179 = tpu.memref_slice %arg14[%dma_start3A_177, %dma_start3A_178] : memref<8x128xi32, #tpu.memory_space<vmem>> -> memref<1x128xi32, #tpu.memory_space<vmem>>
        %dma_start3A_180 = tpu.memref_squeeze %dma_start3A_179 : memref<1x128xi32, #tpu.memory_space<vmem>> -> memref<128xi32, #tpu.memory_space<vmem>>
        %dma_start3A_181 = arith.constant 0 : i32
        %dma_start3A_182 = arith.constant 0 : i32
        %dma_start3A_183 = tpu.memref_slice %arg18[%dma_start3A_181, %dma_start3A_182] : memref<10240x128xf32, #tpu.memory_space<vmem_shared>> -> memref<10240x128xf32, #tpu.memory_space<vmem_shared>>
        tpu.enqueue_indirect_dma source(%arg16 : memref<128x128xf32, #tpu.memory_space<vmem>>) target(%dma_start3A_183 : memref<10240x128xf32, #tpu.memory_space<vmem_shared>>) offsets(%dma_start3A_180 : memref<128xi32, #tpu.memory_space<vmem>>) semaphore(%arg22 : memref<!tpu.dma_semaphore, #tpu.memory_space<semaphore_mem>>) {add = true}
        %dma_start3A_184 = arith.constant 2 : i32
        %dma_start3A_185 = arith.constant 0 : i32
        %dma_start3A_186 = tpu.memref_slice %arg14[%dma_start3A_184, %dma_start3A_185] : memref<8x128xi32, #tpu.memory_space<vmem>> -> memref<1x128xi32, #tpu.memory_space<vmem>>
        %dma_start3A_187 = tpu.memref_squeeze %dma_start3A_186 : memref<1x128xi32, #tpu.memory_space<vmem>> -> memref<128xi32, #tpu.memory_space<vmem>>
        %dma_start3A_188 = arith.constant 0 : i32
        %dma_start3A_189 = arith.constant 0 : i32
        %dma_start3A_190 = tpu.memref_slice %arg18[%dma_start3A_188, %dma_start3A_189] : memref<10240x128xf32, #tpu.memory_space<vmem_shared>> -> memref<10240x128xf32, #tpu.memory_space<vmem_shared>>
        tpu.enqueue_indirect_dma source(%arg16 : memref<128x128xf32, #tpu.memory_space<vmem>>) target(%dma_start3A_190 : memref<10240x128xf32, #tpu.memory_space<vmem_shared>>) offsets(%dma_start3A_187 : memref<128xi32, #tpu.memory_space<vmem>>) semaphore(%arg21 : memref<!tpu.dma_semaphore, #tpu.memory_space<semaphore_mem>>) {add = true}
        %dma_start3A_191 = arith.constant 3 : i32
        %dma_start3A_192 = arith.constant 0 : i32
        %dma_start3A_193 = tpu.memref_slice %arg14[%dma_start3A_191, %dma_start3A_192] : memref<8x128xi32, #tpu.memory_space<vmem>> -> memref<1x128xi32, #tpu.memory_space<vmem>>
        %dma_start3A_194 = tpu.memref_squeeze %dma_start3A_193 : memref<1x128xi32, #tpu.memory_space<vmem>> -> memref<128xi32, #tpu.memory_space<vmem>>
        %dma_start3A_195 = arith.constant 0 : i32
        %dma_start3A_196 = arith.constant 0 : i32
        %dma_start3A_197 = tpu.memref_slice %arg18[%dma_start3A_195, %dma_start3A_196] : memref<10240x128xf32, #tpu.memory_space<vmem_shared>> -> memref<10240x128xf32, #tpu.memory_space<vmem_shared>>
        tpu.enqueue_indirect_dma source(%arg16 : memref<128x128xf32, #tpu.memory_space<vmem>>) target(%dma_start3A_197 : memref<10240x128xf32, #tpu.memory_space<vmem_shared>>) offsets(%dma_start3A_194 : memref<128xi32, #tpu.memory_space<vmem>>) semaphore(%arg22 : memref<!tpu.dma_semaphore, #tpu.memory_space<semaphore_mem>>) {add = true}
        %dma_start3A_198 = arith.constant 4 : i32
        %dma_start3A_199 = arith.constant 0 : i32
        %dma_start3A_200 = tpu.memref_slice %arg14[%dma_start3A_198, %dma_start3A_199] : memref<8x128xi32, #tpu.memory_space<vmem>> -> memref<1x128xi32, #tpu.memory_space<vmem>>
        %dma_start3A_201 = tpu.memref_squeeze %dma_start3A_200 : memref<1x128xi32, #tpu.memory_space<vmem>> -> memref<128xi32, #tpu.memory_space<vmem>>
        %dma_start3A_202 = arith.constant 0 : i32
        %dma_start3A_203 = arith.constant 0 : i32
        %dma_start3A_204 = tpu.memref_slice %arg18[%dma_start3A_202, %dma_start3A_203] : memref<10240x128xf32, #tpu.memory_space<vmem_shared>> -> memref<10240x128xf32, #tpu.memory_space<vmem_shared>>
        tpu.enqueue_indirect_dma source(%arg16 : memref<128x128xf32, #tpu.memory_space<vmem>>) target(%dma_start3A_204 : memref<10240x128xf32, #tpu.memory_space<vmem_shared>>) offsets(%dma_start3A_201 : memref<128xi32, #tpu.memory_space<vmem>>) semaphore(%arg21 : memref<!tpu.dma_semaphore, #tpu.memory_space<semaphore_mem>>) {add = true}
        %dma_start3A_205 = arith.constant 5 : i32
        %dma_start3A_206 = arith.constant 0 : i32
        %dma_start3A_207 = tpu.memref_slice %arg14[%dma_start3A_205, %dma_start3A_206] : memref<8x128xi32, #tpu.memory_space<vmem>> -> memref<1x128xi32, #tpu.memory_space<vmem>>
        %dma_start3A_208 = tpu.memref_squeeze %dma_start3A_207 : memref<1x128xi32, #tpu.memory_space<vmem>> -> memref<128xi32, #tpu.memory_space<vmem>>
        %dma_start3A_209 = arith.constant 0 : i32
        %dma_start3A_210 = arith.constant 0 : i32
        %dma_start3A_211 = tpu.memref_slice %arg18[%dma_start3A_209, %dma_start3A_210] : memref<10240x128xf32, #tpu.memory_space<vmem_shared>> -> memref<10240x128xf32, #tpu.memory_space<vmem_shared>>
        tpu.enqueue_indirect_dma source(%arg16 : memref<128x128xf32, #tpu.memory_space<vmem>>) target(%dma_start3A_211 : memref<10240x128xf32, #tpu.memory_space<vmem_shared>>) offsets(%dma_start3A_208 : memref<128xi32, #tpu.memory_space<vmem>>) semaphore(%arg22 : memref<!tpu.dma_semaphore, #tpu.memory_space<semaphore_mem>>) {add = true}
        %dma_start3A_212 = arith.constant 6 : i32
        %dma_start3A_213 = arith.constant 0 : i32
        %dma_start3A_214 = tpu.memref_slice %arg14[%dma_start3A_212, %dma_start3A_213] : memref<8x128xi32, #tpu.memory_space<vmem>> -> memref<1x128xi32, #tpu.memory_space<vmem>>
        %dma_start3A_215 = tpu.memref_squeeze %dma_start3A_214 : memref<1x128xi32, #tpu.memory_space<vmem>> -> memref<128xi32, #tpu.memory_space<vmem>>
        %dma_start3A_216 = arith.constant 0 : i32
        %dma_start3A_217 = arith.constant 0 : i32
        %dma_start3A_218 = tpu.memref_slice %arg18[%dma_start3A_216, %dma_start3A_217] : memref<10240x128xf32, #tpu.memory_space<vmem_shared>> -> memref<10240x128xf32, #tpu.memory_space<vmem_shared>>
        tpu.enqueue_indirect_dma source(%arg16 : memref<128x128xf32, #tpu.memory_space<vmem>>) target(%dma_start3A_218 : memref<10240x128xf32, #tpu.memory_space<vmem_shared>>) offsets(%dma_start3A_215 : memref<128xi32, #tpu.memory_space<vmem>>) semaphore(%arg21 : memref<!tpu.dma_semaphore, #tpu.memory_space<semaphore_mem>>) {add = true}
        %dma_start3A_219 = arith.constant 7 : i32
        %dma_start3A_220 = arith.constant 0 : i32
        %dma_start3A_221 = tpu.memref_slice %arg14[%dma_start3A_219, %dma_start3A_220] : memref<8x128xi32, #tpu.memory_space<vmem>> -> memref<1x128xi32, #tpu.memory_space<vmem>>
        %dma_start3A_222 = tpu.memref_squeeze %dma_start3A_221 : memref<1x128xi32, #tpu.memory_space<vmem>> -> memref<128xi32, #tpu.memory_space<vmem>>
        %dma_start3A_223 = arith.constant 0 : i32
        %dma_start3A_224 = arith.constant 0 : i32
        %dma_start3A_225 = tpu.memref_slice %arg18[%dma_start3A_223, %dma_start3A_224] : memref<10240x128xf32, #tpu.memory_space<vmem_shared>> -> memref<10240x128xf32, #tpu.memory_space<vmem_shared>>
        tpu.enqueue_indirect_dma source(%arg16 : memref<128x128xf32, #tpu.memory_space<vmem>>) target(%dma_start3A_225 : memref<10240x128xf32, #tpu.memory_space<vmem_shared>>) offsets(%dma_start3A_222 : memref<128xi32, #tpu.memory_space<vmem>>) semaphore(%arg22 : memref<!tpu.dma_semaphore, #tpu.memory_space<semaphore_mem>>) {add = true}
        %dma_wait3A_226 = arith.constant 0 : i32
        %dma_wait3A_227 = arith.constant 0 : i32
        %dma_wait3A_228 = tpu.memref_slice %arg14[%dma_wait3A_226, %dma_wait3A_227] : memref<8x128xi32, #tpu.memory_space<vmem>> -> memref<1x128xi32, #tpu.memory_space<vmem>>
        %dma_wait3A_229 = tpu.memref_squeeze %dma_wait3A_228 : memref<1x128xi32, #tpu.memory_space<vmem>> -> memref<128xi32, #tpu.memory_space<vmem>>
        %dma_wait3A_230 = arith.constant 0 : i32
        %dma_wait3A_231 = arith.constant 0 : i32
        %dma_wait3A_232 = tpu.memref_slice %arg18[%dma_wait3A_230, %dma_wait3A_231] : memref<10240x128xf32, #tpu.memory_space<vmem_shared>> -> memref<10240x128xf32, #tpu.memory_space<vmem_shared>>
        tpu.wait_indirect_dma semaphore(%arg21 : memref<!tpu.dma_semaphore, #tpu.memory_space<semaphore_mem>>) src(%arg16 : memref<128x128xf32, #tpu.memory_space<vmem>>) dst(%dma_wait3A_232 : memref<10240x128xf32, #tpu.memory_space<vmem_shared>>)
        %dma_wait3A_233 = arith.constant 1 : i32
        %dma_wait3A_234 = arith.constant 0 : i32
        %dma_wait3A_235 = tpu.memref_slice %arg14[%dma_wait3A_233, %dma_wait3A_234] : memref<8x128xi32, #tpu.memory_space<vmem>> -> memref<1x128xi32, #tpu.memory_space<vmem>>
        %dma_wait3A_236 = tpu.memref_squeeze %dma_wait3A_235 : memref<1x128xi32, #tpu.memory_space<vmem>> -> memref<128xi32, #tpu.memory_space<vmem>>
        %dma_wait3A_237 = arith.constant 0 : i32
        %dma_wait3A_238 = arith.constant 0 : i32
        %dma_wait3A_239 = tpu.memref_slice %arg18[%dma_wait3A_237, %dma_wait3A_238] : memref<10240x128xf32, #tpu.memory_space<vmem_shared>> -> memref<10240x128xf32, #tpu.memory_space<vmem_shared>>
        tpu.wait_indirect_dma semaphore(%arg22 : memref<!tpu.dma_semaphore, #tpu.memory_space<semaphore_mem>>) src(%arg16 : memref<128x128xf32, #tpu.memory_space<vmem>>) dst(%dma_wait3A_239 : memref<10240x128xf32, #tpu.memory_space<vmem_shared>>)
        %dma_wait3A_240 = arith.constant 2 : i32
        %dma_wait3A_241 = arith.constant 0 : i32
        %dma_wait3A_242 = tpu.memref_slice %arg14[%dma_wait3A_240, %dma_wait3A_241] : memref<8x128xi32, #tpu.memory_space<vmem>> -> memref<1x128xi32, #tpu.memory_space<vmem>>
        %dma_wait3A_243 = tpu.memref_squeeze %dma_wait3A_242 : memref<1x128xi32, #tpu.memory_space<vmem>> -> memref<128xi32, #tpu.memory_space<vmem>>
        %dma_wait3A_244 = arith.constant 0 : i32
        %dma_wait3A_245 = arith.constant 0 : i32
        %dma_wait3A_246 = tpu.memref_slice %arg18[%dma_wait3A_244, %dma_wait3A_245] : memref<10240x128xf32, #tpu.memory_space<vmem_shared>> -> memref<10240x128xf32, #tpu.memory_space<vmem_shared>>
        tpu.wait_indirect_dma semaphore(%arg21 : memref<!tpu.dma_semaphore, #tpu.memory_space<semaphore_mem>>) src(%arg16 : memref<128x128xf32, #tpu.memory_space<vmem>>) dst(%dma_wait3A_246 : memref<10240x128xf32, #tpu.memory_space<vmem_shared>>)
        %dma_wait3A_247 = arith.constant 3 : i32
        %dma_wait3A_248 = arith.constant 0 : i32
        %dma_wait3A_249 = tpu.memref_slice %arg14[%dma_wait3A_247, %dma_wait3A_248] : memref<8x128xi32, #tpu.memory_space<vmem>> -> memref<1x128xi32, #tpu.memory_space<vmem>>
        %dma_wait3A_250 = tpu.memref_squeeze %dma_wait3A_249 : memref<1x128xi32, #tpu.memory_space<vmem>> -> memref<128xi32, #tpu.memory_space<vmem>>
        %dma_wait3A_251 = arith.constant 0 : i32
        %dma_wait3A_252 = arith.constant 0 : i32
        %dma_wait3A_253 = tpu.memref_slice %arg18[%dma_wait3A_251, %dma_wait3A_252] : memref<10240x128xf32, #tpu.memory_space<vmem_shared>> -> memref<10240x128xf32, #tpu.memory_space<vmem_shared>>
        tpu.wait_indirect_dma semaphore(%arg22 : memref<!tpu.dma_semaphore, #tpu.memory_space<semaphore_mem>>) src(%arg16 : memref<128x128xf32, #tpu.memory_space<vmem>>) dst(%dma_wait3A_253 : memref<10240x128xf32, #tpu.memory_space<vmem_shared>>)
        %dma_wait3A_254 = arith.constant 4 : i32
        %dma_wait3A_255 = arith.constant 0 : i32
        %dma_wait3A_256 = tpu.memref_slice %arg14[%dma_wait3A_254, %dma_wait3A_255] : memref<8x128xi32, #tpu.memory_space<vmem>> -> memref<1x128xi32, #tpu.memory_space<vmem>>
        %dma_wait3A_257 = tpu.memref_squeeze %dma_wait3A_256 : memref<1x128xi32, #tpu.memory_space<vmem>> -> memref<128xi32, #tpu.memory_space<vmem>>
        %dma_wait3A_258 = arith.constant 0 : i32
        %dma_wait3A_259 = arith.constant 0 : i32
        %dma_wait3A_260 = tpu.memref_slice %arg18[%dma_wait3A_258, %dma_wait3A_259] : memref<10240x128xf32, #tpu.memory_space<vmem_shared>> -> memref<10240x128xf32, #tpu.memory_space<vmem_shared>>
        tpu.wait_indirect_dma semaphore(%arg21 : memref<!tpu.dma_semaphore, #tpu.memory_space<semaphore_mem>>) src(%arg16 : memref<128x128xf32, #tpu.memory_space<vmem>>) dst(%dma_wait3A_260 : memref<10240x128xf32, #tpu.memory_space<vmem_shared>>)
        %dma_wait3A_261 = arith.constant 5 : i32
        %dma_wait3A_262 = arith.constant 0 : i32
        %dma_wait3A_263 = tpu.memref_slice %arg14[%dma_wait3A_261, %dma_wait3A_262] : memref<8x128xi32, #tpu.memory_space<vmem>> -> memref<1x128xi32, #tpu.memory_space<vmem>>
        %dma_wait3A_264 = tpu.memref_squeeze %dma_wait3A_263 : memref<1x128xi32, #tpu.memory_space<vmem>> -> memref<128xi32, #tpu.memory_space<vmem>>
        %dma_wait3A_265 = arith.constant 0 : i32
        %dma_wait3A_266 = arith.constant 0 : i32
        %dma_wait3A_267 = tpu.memref_slice %arg18[%dma_wait3A_265, %dma_wait3A_266] : memref<10240x128xf32, #tpu.memory_space<vmem_shared>> -> memref<10240x128xf32, #tpu.memory_space<vmem_shared>>
        tpu.wait_indirect_dma semaphore(%arg22 : memref<!tpu.dma_semaphore, #tpu.memory_space<semaphore_mem>>) src(%arg16 : memref<128x128xf32, #tpu.memory_space<vmem>>) dst(%dma_wait3A_267 : memref<10240x128xf32, #tpu.memory_space<vmem_shared>>)
        %dma_wait3A_268 = arith.constant 6 : i32
        %dma_wait3A_269 = arith.constant 0 : i32
        %dma_wait3A_270 = tpu.memref_slice %arg14[%dma_wait3A_268, %dma_wait3A_269] : memref<8x128xi32, #tpu.memory_space<vmem>> -> memref<1x128xi32, #tpu.memory_space<vmem>>
        %dma_wait3A_271 = tpu.memref_squeeze %dma_wait3A_270 : memref<1x128xi32, #tpu.memory_space<vmem>> -> memref<128xi32, #tpu.memory_space<vmem>>
        %dma_wait3A_272 = arith.constant 0 : i32
        %dma_wait3A_273 = arith.constant 0 : i32
        %dma_wait3A_274 = tpu.memref_slice %arg18[%dma_wait3A_272, %dma_wait3A_273] : memref<10240x128xf32, #tpu.memory_space<vmem_shared>> -> memref<10240x128xf32, #tpu.memory_space<vmem_shared>>
        tpu.wait_indirect_dma semaphore(%arg21 : memref<!tpu.dma_semaphore, #tpu.memory_space<semaphore_mem>>) src(%arg16 : memref<128x128xf32, #tpu.memory_space<vmem>>) dst(%dma_wait3A_274 : memref<10240x128xf32, #tpu.memory_space<vmem_shared>>)
        %dma_wait3A_275 = arith.constant 7 : i32
        %dma_wait3A_276 = arith.constant 0 : i32
        %dma_wait3A_277 = tpu.memref_slice %arg14[%dma_wait3A_275, %dma_wait3A_276] : memref<8x128xi32, #tpu.memory_space<vmem>> -> memref<1x128xi32, #tpu.memory_space<vmem>>
        %dma_wait3A_278 = tpu.memref_squeeze %dma_wait3A_277 : memref<1x128xi32, #tpu.memory_space<vmem>> -> memref<128xi32, #tpu.memory_space<vmem>>
        %dma_wait3A_279 = arith.constant 0 : i32
        %dma_wait3A_280 = arith.constant 0 : i32
        %dma_wait3A_281 = tpu.memref_slice %arg18[%dma_wait3A_279, %dma_wait3A_280] : memref<10240x128xf32, #tpu.memory_space<vmem_shared>> -> memref<10240x128xf32, #tpu.memory_space<vmem_shared>>
        tpu.wait_indirect_dma semaphore(%arg22 : memref<!tpu.dma_semaphore, #tpu.memory_space<semaphore_mem>>) src(%arg16 : memref<128x128xf32, #tpu.memory_space<vmem>>) dst(%dma_wait3A_281 : memref<10240x128xf32, #tpu.memory_space<vmem_shared>>)
        %dma_wait3A_282 = arith.constant 0 : i32
        %dma_wait3A_283 = tpu.memref_slice %arg5[%add3A_165, %dma_wait3A_282] : memref<1288x128xi32, #tpu.memory_space<hbm>> -> memref<8x128xi32, #tpu.memory_space<hbm>>
        %dma_wait3A_284 = arith.constant 0 : i32
        %dma_wait3A_285 = tpu.memref_slice %arg5[%add3A_165, %dma_wait3A_284] : memref<1288x128xi32, #tpu.memory_space<hbm>> -> memref<8x128xi32, #tpu.memory_space<hbm>>
        tpu.wait_dma2 semaphore(%arg24 : memref<!tpu.dma_semaphore, #tpu.memory_space<semaphore_mem>>) src(%dma_wait3A_285 : memref<8x128xi32, #tpu.memory_space<hbm>>) dst(%arg15 : memref<8x128xi32, #tpu.memory_space<vmem>>)
        %add3A_286 = arith.constant 16 : i32
        %add3A_287 = arith.addi %add3A_163, %add3A_286 : i32
        %dma_start3A_288 = arith.constant 0 : i32
        %dma_start3A_289 = tpu.memref_slice %arg5[%add3A_287, %dma_start3A_288] : memref<1288x128xi32, #tpu.memory_space<hbm>> -> memref<8x128xi32, #tpu.memory_space<hbm>>
        %dma_start3A_290 = arith.constant 0 : i32
        %dma_start3A_291 = tpu.memref_slice %arg5[%add3A_287, %dma_start3A_290] : memref<1288x128xi32, #tpu.memory_space<hbm>> -> memref<8x128xi32, #tpu.memory_space<hbm>>
        tpu.enqueue_dma source(%dma_start3A_291 : memref<8x128xi32, #tpu.memory_space<hbm>>) target(%arg14 : memref<8x128xi32, #tpu.memory_space<vmem>>) target_semaphore(%arg23 : memref<!tpu.dma_semaphore, #tpu.memory_space<semaphore_mem>>)
        %dma_start3A_292 = arith.constant 0 : i32
        %dma_start3A_293 = arith.constant 0 : i32
        %dma_start3A_294 = tpu.memref_slice %arg15[%dma_start3A_292, %dma_start3A_293] : memref<8x128xi32, #tpu.memory_space<vmem>> -> memref<1x128xi32, #tpu.memory_space<vmem>>
        %dma_start3A_295 = tpu.memref_squeeze %dma_start3A_294 : memref<1x128xi32, #tpu.memory_space<vmem>> -> memref<128xi32, #tpu.memory_space<vmem>>
        %dma_start3A_296 = arith.constant 0 : i32
        %dma_start3A_297 = arith.constant 0 : i32
        %dma_start3A_298 = tpu.memref_slice %arg18[%dma_start3A_296, %dma_start3A_297] : memref<10240x128xf32, #tpu.memory_space<vmem_shared>> -> memref<10240x128xf32, #tpu.memory_space<vmem_shared>>
        tpu.enqueue_indirect_dma source(%arg16 : memref<128x128xf32, #tpu.memory_space<vmem>>) target(%dma_start3A_298 : memref<10240x128xf32, #tpu.memory_space<vmem_shared>>) offsets(%dma_start3A_295 : memref<128xi32, #tpu.memory_space<vmem>>) semaphore(%arg21 : memref<!tpu.dma_semaphore, #tpu.memory_space<semaphore_mem>>) {add = true}
        %dma_start3A_299 = arith.constant 1 : i32
        %dma_start3A_300 = arith.constant 0 : i32
        %dma_start3A_301 = tpu.memref_slice %arg15[%dma_start3A_299, %dma_start3A_300] : memref<8x128xi32, #tpu.memory_space<vmem>> -> memref<1x128xi32, #tpu.memory_space<vmem>>
        %dma_start3A_302 = tpu.memref_squeeze %dma_start3A_301 : memref<1x128xi32, #tpu.memory_space<vmem>> -> memref<128xi32, #tpu.memory_space<vmem>>
        %dma_start3A_303 = arith.constant 0 : i32
        %dma_start3A_304 = arith.constant 0 : i32
        %dma_start3A_305 = tpu.memref_slice %arg18[%dma_start3A_303, %dma_start3A_304] : memref<10240x128xf32, #tpu.memory_space<vmem_shared>> -> memref<10240x128xf32, #tpu.memory_space<vmem_shared>>
        tpu.enqueue_indirect_dma source(%arg16 : memref<128x128xf32, #tpu.memory_space<vmem>>) target(%dma_start3A_305 : memref<10240x128xf32, #tpu.memory_space<vmem_shared>>) offsets(%dma_start3A_302 : memref<128xi32, #tpu.memory_space<vmem>>) semaphore(%arg22 : memref<!tpu.dma_semaphore, #tpu.memory_space<semaphore_mem>>) {add = true}
        %dma_start3A_306 = arith.constant 2 : i32
        %dma_start3A_307 = arith.constant 0 : i32
        %dma_start3A_308 = tpu.memref_slice %arg15[%dma_start3A_306, %dma_start3A_307] : memref<8x128xi32, #tpu.memory_space<vmem>> -> memref<1x128xi32, #tpu.memory_space<vmem>>
        %dma_start3A_309 = tpu.memref_squeeze %dma_start3A_308 : memref<1x128xi32, #tpu.memory_space<vmem>> -> memref<128xi32, #tpu.memory_space<vmem>>
        %dma_start3A_310 = arith.constant 0 : i32
        %dma_start3A_311 = arith.constant 0 : i32
        %dma_start3A_312 = tpu.memref_slice %arg18[%dma_start3A_310, %dma_start3A_311] : memref<10240x128xf32, #tpu.memory_space<vmem_shared>> -> memref<10240x128xf32, #tpu.memory_space<vmem_shared>>
        tpu.enqueue_indirect_dma source(%arg16 : memref<128x128xf32, #tpu.memory_space<vmem>>) target(%dma_start3A_312 : memref<10240x128xf32, #tpu.memory_space<vmem_shared>>) offsets(%dma_start3A_309 : memref<128xi32, #tpu.memory_space<vmem>>) semaphore(%arg21 : memref<!tpu.dma_semaphore, #tpu.memory_space<semaphore_mem>>) {add = true}
        %dma_start3A_313 = arith.constant 3 : i32
        %dma_start3A_314 = arith.constant 0 : i32
        %dma_start3A_315 = tpu.memref_slice %arg15[%dma_start3A_313, %dma_start3A_314] : memref<8x128xi32, #tpu.memory_space<vmem>> -> memref<1x128xi32, #tpu.memory_space<vmem>>
        %dma_start3A_316 = tpu.memref_squeeze %dma_start3A_315 : memref<1x128xi32, #tpu.memory_space<vmem>> -> memref<128xi32, #tpu.memory_space<vmem>>
        %dma_start3A_317 = arith.constant 0 : i32
        %dma_start3A_318 = arith.constant 0 : i32
        %dma_start3A_319 = tpu.memref_slice %arg18[%dma_start3A_317, %dma_start3A_318] : memref<10240x128xf32, #tpu.memory_space<vmem_shared>> -> memref<10240x128xf32, #tpu.memory_space<vmem_shared>>
        tpu.enqueue_indirect_dma source(%arg16 : memref<128x128xf32, #tpu.memory_space<vmem>>) target(%dma_start3A_319 : memref<10240x128xf32, #tpu.memory_space<vmem_shared>>) offsets(%dma_start3A_316 : memref<128xi32, #tpu.memory_space<vmem>>) semaphore(%arg22 : memref<!tpu.dma_semaphore, #tpu.memory_space<semaphore_mem>>) {add = true}
        %dma_start3A_320 = arith.constant 4 : i32
        %dma_start3A_321 = arith.constant 0 : i32
        %dma_start3A_322 = tpu.memref_slice %arg15[%dma_start3A_320, %dma_start3A_321] : memref<8x128xi32, #tpu.memory_space<vmem>> -> memref<1x128xi32, #tpu.memory_space<vmem>>
        %dma_start3A_323 = tpu.memref_squeeze %dma_start3A_322 : memref<1x128xi32, #tpu.memory_space<vmem>> -> memref<128xi32, #tpu.memory_space<vmem>>
        %dma_start3A_324 = arith.constant 0 : i32
        %dma_start3A_325 = arith.constant 0 : i32
        %dma_start3A_326 = tpu.memref_slice %arg18[%dma_start3A_324, %dma_start3A_325] : memref<10240x128xf32, #tpu.memory_space<vmem_shared>> -> memref<10240x128xf32, #tpu.memory_space<vmem_shared>>
        tpu.enqueue_indirect_dma source(%arg16 : memref<128x128xf32, #tpu.memory_space<vmem>>) target(%dma_start3A_326 : memref<10240x128xf32, #tpu.memory_space<vmem_shared>>) offsets(%dma_start3A_323 : memref<128xi32, #tpu.memory_space<vmem>>) semaphore(%arg21 : memref<!tpu.dma_semaphore, #tpu.memory_space<semaphore_mem>>) {add = true}
        %dma_start3A_327 = arith.constant 5 : i32
        %dma_start3A_328 = arith.constant 0 : i32
        %dma_start3A_329 = tpu.memref_slice %arg15[%dma_start3A_327, %dma_start3A_328] : memref<8x128xi32, #tpu.memory_space<vmem>> -> memref<1x128xi32, #tpu.memory_space<vmem>>
        %dma_start3A_330 = tpu.memref_squeeze %dma_start3A_329 : memref<1x128xi32, #tpu.memory_space<vmem>> -> memref<128xi32, #tpu.memory_space<vmem>>
        %dma_start3A_331 = arith.constant 0 : i32
        %dma_start3A_332 = arith.constant 0 : i32
        %dma_start3A_333 = tpu.memref_slice %arg18[%dma_start3A_331, %dma_start3A_332] : memref<10240x128xf32, #tpu.memory_space<vmem_shared>> -> memref<10240x128xf32, #tpu.memory_space<vmem_shared>>
        tpu.enqueue_indirect_dma source(%arg16 : memref<128x128xf32, #tpu.memory_space<vmem>>) target(%dma_start3A_333 : memref<10240x128xf32, #tpu.memory_space<vmem_shared>>) offsets(%dma_start3A_330 : memref<128xi32, #tpu.memory_space<vmem>>) semaphore(%arg22 : memref<!tpu.dma_semaphore, #tpu.memory_space<semaphore_mem>>) {add = true}
        %dma_start3A_334 = arith.constant 6 : i32
        %dma_start3A_335 = arith.constant 0 : i32
        %dma_start3A_336 = tpu.memref_slice %arg15[%dma_start3A_334, %dma_start3A_335] : memref<8x128xi32, #tpu.memory_space<vmem>> -> memref<1x128xi32, #tpu.memory_space<vmem>>
        %dma_start3A_337 = tpu.memref_squeeze %dma_start3A_336 : memref<1x128xi32, #tpu.memory_space<vmem>> -> memref<128xi32, #tpu.memory_space<vmem>>
        %dma_start3A_338 = arith.constant 0 : i32
        %dma_start3A_339 = arith.constant 0 : i32
        %dma_start3A_340 = tpu.memref_slice %arg18[%dma_start3A_338, %dma_start3A_339] : memref<10240x128xf32, #tpu.memory_space<vmem_shared>> -> memref<10240x128xf32, #tpu.memory_space<vmem_shared>>
        tpu.enqueue_indirect_dma source(%arg16 : memref<128x128xf32, #tpu.memory_space<vmem>>) target(%dma_start3A_340 : memref<10240x128xf32, #tpu.memory_space<vmem_shared>>) offsets(%dma_start3A_337 : memref<128xi32, #tpu.memory_space<vmem>>) semaphore(%arg21 : memref<!tpu.dma_semaphore, #tpu.memory_space<semaphore_mem>>) {add = true}
        %dma_start3A_341 = arith.constant 7 : i32
        %dma_start3A_342 = arith.constant 0 : i32
        %dma_start3A_343 = tpu.memref_slice %arg15[%dma_start3A_341, %dma_start3A_342] : memref<8x128xi32, #tpu.memory_space<vmem>> -> memref<1x128xi32, #tpu.memory_space<vmem>>
        %dma_start3A_344 = tpu.memref_squeeze %dma_start3A_343 : memref<1x128xi32, #tpu.memory_space<vmem>> -> memref<128xi32, #tpu.memory_space<vmem>>
        %dma_start3A_345 = arith.constant 0 : i32
        %dma_start3A_346 = arith.constant 0 : i32
        %dma_start3A_347 = tpu.memref_slice %arg18[%dma_start3A_345, %dma_start3A_346] : memref<10240x128xf32, #tpu.memory_space<vmem_shared>> -> memref<10240x128xf32, #tpu.memory_space<vmem_shared>>
        tpu.enqueue_indirect_dma source(%arg16 : memref<128x128xf32, #tpu.memory_space<vmem>>) target(%dma_start3A_347 : memref<10240x128xf32, #tpu.memory_space<vmem_shared>>) offsets(%dma_start3A_344 : memref<128xi32, #tpu.memory_space<vmem>>) semaphore(%arg22 : memref<!tpu.dma_semaphore, #tpu.memory_space<semaphore_mem>>) {add = true}
        %dma_wait3A_348 = arith.constant 0 : i32
        %dma_wait3A_349 = arith.constant 0 : i32
        %dma_wait3A_350 = tpu.memref_slice %arg15[%dma_wait3A_348, %dma_wait3A_349] : memref<8x128xi32, #tpu.memory_space<vmem>> -> memref<1x128xi32, #tpu.memory_space<vmem>>
        %dma_wait3A_351 = tpu.memref_squeeze %dma_wait3A_350 : memref<1x128xi32, #tpu.memory_space<vmem>> -> memref<128xi32, #tpu.memory_space<vmem>>
        %dma_wait3A_352 = arith.constant 0 : i32
        %dma_wait3A_353 = arith.constant 0 : i32
        %dma_wait3A_354 = tpu.memref_slice %arg18[%dma_wait3A_352, %dma_wait3A_353] : memref<10240x128xf32, #tpu.memory_space<vmem_shared>> -> memref<10240x128xf32, #tpu.memory_space<vmem_shared>>
        tpu.wait_indirect_dma semaphore(%arg21 : memref<!tpu.dma_semaphore, #tpu.memory_space<semaphore_mem>>) src(%arg16 : memref<128x128xf32, #tpu.memory_space<vmem>>) dst(%dma_wait3A_354 : memref<10240x128xf32, #tpu.memory_space<vmem_shared>>)
        %dma_wait3A_355 = arith.constant 1 : i32
        %dma_wait3A_356 = arith.constant 0 : i32
        %dma_wait3A_357 = tpu.memref_slice %arg15[%dma_wait3A_355, %dma_wait3A_356] : memref<8x128xi32, #tpu.memory_space<vmem>> -> memref<1x128xi32, #tpu.memory_space<vmem>>
        %dma_wait3A_358 = tpu.memref_squeeze %dma_wait3A_357 : memref<1x128xi32, #tpu.memory_space<vmem>> -> memref<128xi32, #tpu.memory_space<vmem>>
        %dma_wait3A_359 = arith.constant 0 : i32
        %dma_wait3A_360 = arith.constant 0 : i32
        %dma_wait3A_361 = tpu.memref_slice %arg18[%dma_wait3A_359, %dma_wait3A_360] : memref<10240x128xf32, #tpu.memory_space<vmem_shared>> -> memref<10240x128xf32, #tpu.memory_space<vmem_shared>>
        tpu.wait_indirect_dma semaphore(%arg22 : memref<!tpu.dma_semaphore, #tpu.memory_space<semaphore_mem>>) src(%arg16 : memref<128x128xf32, #tpu.memory_space<vmem>>) dst(%dma_wait3A_361 : memref<10240x128xf32, #tpu.memory_space<vmem_shared>>)
        %dma_wait3A_362 = arith.constant 2 : i32
        %dma_wait3A_363 = arith.constant 0 : i32
        %dma_wait3A_364 = tpu.memref_slice %arg15[%dma_wait3A_362, %dma_wait3A_363] : memref<8x128xi32, #tpu.memory_space<vmem>> -> memref<1x128xi32, #tpu.memory_space<vmem>>
        %dma_wait3A_365 = tpu.memref_squeeze %dma_wait3A_364 : memref<1x128xi32, #tpu.memory_space<vmem>> -> memref<128xi32, #tpu.memory_space<vmem>>
        %dma_wait3A_366 = arith.constant 0 : i32
        %dma_wait3A_367 = arith.constant 0 : i32
        %dma_wait3A_368 = tpu.memref_slice %arg18[%dma_wait3A_366, %dma_wait3A_367] : memref<10240x128xf32, #tpu.memory_space<vmem_shared>> -> memref<10240x128xf32, #tpu.memory_space<vmem_shared>>
        tpu.wait_indirect_dma semaphore(%arg21 : memref<!tpu.dma_semaphore, #tpu.memory_space<semaphore_mem>>) src(%arg16 : memref<128x128xf32, #tpu.memory_space<vmem>>) dst(%dma_wait3A_368 : memref<10240x128xf32, #tpu.memory_space<vmem_shared>>)
        %dma_wait3A_369 = arith.constant 3 : i32
        %dma_wait3A_370 = arith.constant 0 : i32
        %dma_wait3A_371 = tpu.memref_slice %arg15[%dma_wait3A_369, %dma_wait3A_370] : memref<8x128xi32, #tpu.memory_space<vmem>> -> memref<1x128xi32, #tpu.memory_space<vmem>>
        %dma_wait3A_372 = tpu.memref_squeeze %dma_wait3A_371 : memref<1x128xi32, #tpu.memory_space<vmem>> -> memref<128xi32, #tpu.memory_space<vmem>>
        %dma_wait3A_373 = arith.constant 0 : i32
        %dma_wait3A_374 = arith.constant 0 : i32
        %dma_wait3A_375 = tpu.memref_slice %arg18[%dma_wait3A_373, %dma_wait3A_374] : memref<10240x128xf32, #tpu.memory_space<vmem_shared>> -> memref<10240x128xf32, #tpu.memory_space<vmem_shared>>
        tpu.wait_indirect_dma semaphore(%arg22 : memref<!tpu.dma_semaphore, #tpu.memory_space<semaphore_mem>>) src(%arg16 : memref<128x128xf32, #tpu.memory_space<vmem>>) dst(%dma_wait3A_375 : memref<10240x128xf32, #tpu.memory_space<vmem_shared>>)
        %dma_wait3A_376 = arith.constant 4 : i32
        %dma_wait3A_377 = arith.constant 0 : i32
        %dma_wait3A_378 = tpu.memref_slice %arg15[%dma_wait3A_376, %dma_wait3A_377] : memref<8x128xi32, #tpu.memory_space<vmem>> -> memref<1x128xi32, #tpu.memory_space<vmem>>
        %dma_wait3A_379 = tpu.memref_squeeze %dma_wait3A_378 : memref<1x128xi32, #tpu.memory_space<vmem>> -> memref<128xi32, #tpu.memory_space<vmem>>
        %dma_wait3A_380 = arith.constant 0 : i32
        %dma_wait3A_381 = arith.constant 0 : i32
        %dma_wait3A_382 = tpu.memref_slice %arg18[%dma_wait3A_380, %dma_wait3A_381] : memref<10240x128xf32, #tpu.memory_space<vmem_shared>> -> memref<10240x128xf32, #tpu.memory_space<vmem_shared>>
        tpu.wait_indirect_dma semaphore(%arg21 : memref<!tpu.dma_semaphore, #tpu.memory_space<semaphore_mem>>) src(%arg16 : memref<128x128xf32, #tpu.memory_space<vmem>>) dst(%dma_wait3A_382 : memref<10240x128xf32, #tpu.memory_space<vmem_shared>>)
        %dma_wait3A_383 = arith.constant 5 : i32
        %dma_wait3A_384 = arith.constant 0 : i32
        %dma_wait3A_385 = tpu.memref_slice %arg15[%dma_wait3A_383, %dma_wait3A_384] : memref<8x128xi32, #tpu.memory_space<vmem>> -> memref<1x128xi32, #tpu.memory_space<vmem>>
        %dma_wait3A_386 = tpu.memref_squeeze %dma_wait3A_385 : memref<1x128xi32, #tpu.memory_space<vmem>> -> memref<128xi32, #tpu.memory_space<vmem>>
        %dma_wait3A_387 = arith.constant 0 : i32
        %dma_wait3A_388 = arith.constant 0 : i32
        %dma_wait3A_389 = tpu.memref_slice %arg18[%dma_wait3A_387, %dma_wait3A_388] : memref<10240x128xf32, #tpu.memory_space<vmem_shared>> -> memref<10240x128xf32, #tpu.memory_space<vmem_shared>>
        tpu.wait_indirect_dma semaphore(%arg22 : memref<!tpu.dma_semaphore, #tpu.memory_space<semaphore_mem>>) src(%arg16 : memref<128x128xf32, #tpu.memory_space<vmem>>) dst(%dma_wait3A_389 : memref<10240x128xf32, #tpu.memory_space<vmem_shared>>)
        %dma_wait3A_390 = arith.constant 6 : i32
        %dma_wait3A_391 = arith.constant 0 : i32
        %dma_wait3A_392 = tpu.memref_slice %arg15[%dma_wait3A_390, %dma_wait3A_391] : memref<8x128xi32, #tpu.memory_space<vmem>> -> memref<1x128xi32, #tpu.memory_space<vmem>>
        %dma_wait3A_393 = tpu.memref_squeeze %dma_wait3A_392 : memref<1x128xi32, #tpu.memory_space<vmem>> -> memref<128xi32, #tpu.memory_space<vmem>>
        %dma_wait3A_394 = arith.constant 0 : i32
        %dma_wait3A_395 = arith.constant 0 : i32
        %dma_wait3A_396 = tpu.memref_slice %arg18[%dma_wait3A_394, %dma_wait3A_395] : memref<10240x128xf32, #tpu.memory_space<vmem_shared>> -> memref<10240x128xf32, #tpu.memory_space<vmem_shared>>
        tpu.wait_indirect_dma semaphore(%arg21 : memref<!tpu.dma_semaphore, #tpu.memory_space<semaphore_mem>>) src(%arg16 : memref<128x128xf32, #tpu.memory_space<vmem>>) dst(%dma_wait3A_396 : memref<10240x128xf32, #tpu.memory_space<vmem_shared>>)
        %dma_wait3A_397 = arith.constant 7 : i32
        %dma_wait3A_398 = arith.constant 0 : i32
        %dma_wait3A_399 = tpu.memref_slice %arg15[%dma_wait3A_397, %dma_wait3A_398] : memref<8x128xi32, #tpu.memory_space<vmem>> -> memref<1x128xi32, #tpu.memory_space<vmem>>
        %dma_wait3A_400 = tpu.memref_squeeze %dma_wait3A_399 : memref<1x128xi32, #tpu.memory_space<vmem>> -> memref<128xi32, #tpu.memory_space<vmem>>
        %dma_wait3A_401 = arith.constant 0 : i32
        %dma_wait3A_402 = arith.constant 0 : i32
        %dma_wait3A_403 = tpu.memref_slice %arg18[%dma_wait3A_401, %dma_wait3A_402] : memref<10240x128xf32, #tpu.memory_space<vmem_shared>> -> memref<10240x128xf32, #tpu.memory_space<vmem_shared>>
        tpu.wait_indirect_dma semaphore(%arg22 : memref<!tpu.dma_semaphore, #tpu.memory_space<semaphore_mem>>) src(%arg16 : memref<128x128xf32, #tpu.memory_space<vmem>>) dst(%dma_wait3A_403 : memref<10240x128xf32, #tpu.memory_space<vmem_shared>>)
        %dma_wait3A_404 = arith.constant 0 : i32
        %dma_wait3A_405 = tpu.memref_slice %arg5[%add3A_287, %dma_wait3A_404] : memref<1288x128xi32, #tpu.memory_space<hbm>> -> memref<8x128xi32, #tpu.memory_space<hbm>>
        %dma_wait3A_406 = arith.constant 0 : i32
        %dma_wait3A_407 = tpu.memref_slice %arg5[%add3A_287, %dma_wait3A_406] : memref<1288x128xi32, #tpu.memory_space<hbm>> -> memref<8x128xi32, #tpu.memory_space<hbm>>
        tpu.wait_dma2 semaphore(%arg23 : memref<!tpu.dma_semaphore, #tpu.memory_space<semaphore_mem>>) src(%dma_wait3A_407 : memref<8x128xi32, #tpu.memory_space<hbm>>) dst(%arg14 : memref<8x128xi32, #tpu.memory_space<vmem>>)
      }
      %scan3A_49 = arith.constant 2 : i32
      %dma_start3A = arith.constant 0 : i32
      %dma_start3A_50 = arith.constant 0 : i32
      %dma_start3A_51 = tpu.memref_slice %arg14[%dma_start3A, %dma_start3A_50] : memref<8x128xi32, #tpu.memory_space<vmem>> -> memref<1x128xi32, #tpu.memory_space<vmem>>
      %dma_start3A_52 = tpu.memref_squeeze %dma_start3A_51 : memref<1x128xi32, #tpu.memory_space<vmem>> -> memref<128xi32, #tpu.memory_space<vmem>>
      %dma_start3A_53 = arith.constant 0 : i32
      %dma_start3A_54 = arith.constant 0 : i32
      %dma_start3A_55 = tpu.memref_slice %arg18[%dma_start3A_53, %dma_start3A_54] : memref<10240x128xf32, #tpu.memory_space<vmem_shared>> -> memref<10240x128xf32, #tpu.memory_space<vmem_shared>>
      tpu.enqueue_indirect_dma source(%arg16 : memref<128x128xf32, #tpu.memory_space<vmem>>) target(%dma_start3A_55 : memref<10240x128xf32, #tpu.memory_space<vmem_shared>>) offsets(%dma_start3A_52 : memref<128xi32, #tpu.memory_space<vmem>>) semaphore(%arg21 : memref<!tpu.dma_semaphore, #tpu.memory_space<semaphore_mem>>) {add = true}
      %dma_start3A_56 = arith.constant 1 : i32
      %dma_start3A_57 = arith.constant 0 : i32
      %dma_start3A_58 = tpu.memref_slice %arg14[%dma_start3A_56, %dma_start3A_57] : memref<8x128xi32, #tpu.memory_space<vmem>> -> memref<1x128xi32, #tpu.memory_space<vmem>>
      %dma_start3A_59 = tpu.memref_squeeze %dma_start3A_58 : memref<1x128xi32, #tpu.memory_space<vmem>> -> memref<128xi32, #tpu.memory_space<vmem>>
      %dma_start3A_60 = arith.constant 0 : i32
      %dma_start3A_61 = arith.constant 0 : i32
      %dma_start3A_62 = tpu.memref_slice %arg18[%dma_start3A_60, %dma_start3A_61] : memref<10240x128xf32, #tpu.memory_space<vmem_shared>> -> memref<10240x128xf32, #tpu.memory_space<vmem_shared>>
      tpu.enqueue_indirect_dma source(%arg16 : memref<128x128xf32, #tpu.memory_space<vmem>>) target(%dma_start3A_62 : memref<10240x128xf32, #tpu.memory_space<vmem_shared>>) offsets(%dma_start3A_59 : memref<128xi32, #tpu.memory_space<vmem>>) semaphore(%arg22 : memref<!tpu.dma_semaphore, #tpu.memory_space<semaphore_mem>>) {add = true}
      %dma_start3A_63 = arith.constant 2 : i32
      %dma_start3A_64 = arith.constant 0 : i32
      %dma_start3A_65 = tpu.memref_slice %arg14[%dma_start3A_63, %dma_start3A_64] : memref<8x128xi32, #tpu.memory_space<vmem>> -> memref<1x128xi32, #tpu.memory_space<vmem>>
      %dma_start3A_66 = tpu.memref_squeeze %dma_start3A_65 : memref<1x128xi32, #tpu.memory_space<vmem>> -> memref<128xi32, #tpu.memory_space<vmem>>
      %dma_start3A_67 = arith.constant 0 : i32
      %dma_start3A_68 = arith.constant 0 : i32
      %dma_start3A_69 = tpu.memref_slice %arg18[%dma_start3A_67, %dma_start3A_68] : memref<10240x128xf32, #tpu.memory_space<vmem_shared>> -> memref<10240x128xf32, #tpu.memory_space<vmem_shared>>
      tpu.enqueue_indirect_dma source(%arg16 : memref<128x128xf32, #tpu.memory_space<vmem>>) target(%dma_start3A_69 : memref<10240x128xf32, #tpu.memory_space<vmem_shared>>) offsets(%dma_start3A_66 : memref<128xi32, #tpu.memory_space<vmem>>) semaphore(%arg21 : memref<!tpu.dma_semaphore, #tpu.memory_space<semaphore_mem>>) {add = true}
      %dma_start3A_70 = arith.constant 3 : i32
      %dma_start3A_71 = arith.constant 0 : i32
      %dma_start3A_72 = tpu.memref_slice %arg14[%dma_start3A_70, %dma_start3A_71] : memref<8x128xi32, #tpu.memory_space<vmem>> -> memref<1x128xi32, #tpu.memory_space<vmem>>
      %dma_start3A_73 = tpu.memref_squeeze %dma_start3A_72 : memref<1x128xi32, #tpu.memory_space<vmem>> -> memref<128xi32, #tpu.memory_space<vmem>>
      %dma_start3A_74 = arith.constant 0 : i32
      %dma_start3A_75 = arith.constant 0 : i32
      %dma_start3A_76 = tpu.memref_slice %arg18[%dma_start3A_74, %dma_start3A_75] : memref<10240x128xf32, #tpu.memory_space<vmem_shared>> -> memref<10240x128xf32, #tpu.memory_space<vmem_shared>>
      tpu.enqueue_indirect_dma source(%arg16 : memref<128x128xf32, #tpu.memory_space<vmem>>) target(%dma_start3A_76 : memref<10240x128xf32, #tpu.memory_space<vmem_shared>>) offsets(%dma_start3A_73 : memref<128xi32, #tpu.memory_space<vmem>>) semaphore(%arg22 : memref<!tpu.dma_semaphore, #tpu.memory_space<semaphore_mem>>) {add = true}
      %dma_start3A_77 = arith.constant 4 : i32
      %dma_start3A_78 = arith.constant 0 : i32
      %dma_start3A_79 = tpu.memref_slice %arg14[%dma_start3A_77, %dma_start3A_78] : memref<8x128xi32, #tpu.memory_space<vmem>> -> memref<1x128xi32, #tpu.memory_space<vmem>>
      %dma_start3A_80 = tpu.memref_squeeze %dma_start3A_79 : memref<1x128xi32, #tpu.memory_space<vmem>> -> memref<128xi32, #tpu.memory_space<vmem>>
      %dma_start3A_81 = arith.constant 0 : i32
      %dma_start3A_82 = arith.constant 0 : i32
      %dma_start3A_83 = tpu.memref_slice %arg18[%dma_start3A_81, %dma_start3A_82] : memref<10240x128xf32, #tpu.memory_space<vmem_shared>> -> memref<10240x128xf32, #tpu.memory_space<vmem_shared>>
      tpu.enqueue_indirect_dma source(%arg16 : memref<128x128xf32, #tpu.memory_space<vmem>>) target(%dma_start3A_83 : memref<10240x128xf32, #tpu.memory_space<vmem_shared>>) offsets(%dma_start3A_80 : memref<128xi32, #tpu.memory_space<vmem>>) semaphore(%arg21 : memref<!tpu.dma_semaphore, #tpu.memory_space<semaphore_mem>>) {add = true}
      %dma_start3A_84 = arith.constant 5 : i32
      %dma_start3A_85 = arith.constant 0 : i32
      %dma_start3A_86 = tpu.memref_slice %arg14[%dma_start3A_84, %dma_start3A_85] : memref<8x128xi32, #tpu.memory_space<vmem>> -> memref<1x128xi32, #tpu.memory_space<vmem>>
      %dma_start3A_87 = tpu.memref_squeeze %dma_start3A_86 : memref<1x128xi32, #tpu.memory_space<vmem>> -> memref<128xi32, #tpu.memory_space<vmem>>
      %dma_start3A_88 = arith.constant 0 : i32
      %dma_start3A_89 = arith.constant 0 : i32
      %dma_start3A_90 = tpu.memref_slice %arg18[%dma_start3A_88, %dma_start3A_89] : memref<10240x128xf32, #tpu.memory_space<vmem_shared>> -> memref<10240x128xf32, #tpu.memory_space<vmem_shared>>
      tpu.enqueue_indirect_dma source(%arg16 : memref<128x128xf32, #tpu.memory_space<vmem>>) target(%dma_start3A_90 : memref<10240x128xf32, #tpu.memory_space<vmem_shared>>) offsets(%dma_start3A_87 : memref<128xi32, #tpu.memory_space<vmem>>) semaphore(%arg22 : memref<!tpu.dma_semaphore, #tpu.memory_space<semaphore_mem>>) {add = true}
      %dma_start3A_91 = arith.constant 6 : i32
      %dma_start3A_92 = arith.constant 0 : i32
      %dma_start3A_93 = tpu.memref_slice %arg14[%dma_start3A_91, %dma_start3A_92] : memref<8x128xi32, #tpu.memory_space<vmem>> -> memref<1x128xi32, #tpu.memory_space<vmem>>
      %dma_start3A_94 = tpu.memref_squeeze %dma_start3A_93 : memref<1x128xi32, #tpu.memory_space<vmem>> -> memref<128xi32, #tpu.memory_space<vmem>>
      %dma_start3A_95 = arith.constant 0 : i32
      %dma_start3A_96 = arith.constant 0 : i32
      %dma_start3A_97 = tpu.memref_slice %arg18[%dma_start3A_95, %dma_start3A_96] : memref<10240x128xf32, #tpu.memory_space<vmem_shared>> -> memref<10240x128xf32, #tpu.memory_space<vmem_shared>>
      tpu.enqueue_indirect_dma source(%arg16 : memref<128x128xf32, #tpu.memory_space<vmem>>) target(%dma_start3A_97 : memref<10240x128xf32, #tpu.memory_space<vmem_shared>>) offsets(%dma_start3A_94 : memref<128xi32, #tpu.memory_space<vmem>>) semaphore(%arg21 : memref<!tpu.dma_semaphore, #tpu.memory_space<semaphore_mem>>) {add = true}
      %dma_start3A_98 = arith.constant 7 : i32
      %dma_start3A_99 = arith.constant 0 : i32
      %dma_start3A_100 = tpu.memref_slice %arg14[%dma_start3A_98, %dma_start3A_99] : memref<8x128xi32, #tpu.memory_space<vmem>> -> memref<1x128xi32, #tpu.memory_space<vmem>>
      %dma_start3A_101 = tpu.memref_squeeze %dma_start3A_100 : memref<1x128xi32, #tpu.memory_space<vmem>> -> memref<128xi32, #tpu.memory_space<vmem>>
      %dma_start3A_102 = arith.constant 0 : i32
      %dma_start3A_103 = arith.constant 0 : i32
      %dma_start3A_104 = tpu.memref_slice %arg18[%dma_start3A_102, %dma_start3A_103] : memref<10240x128xf32, #tpu.memory_space<vmem_shared>> -> memref<10240x128xf32, #tpu.memory_space<vmem_shared>>
      tpu.enqueue_indirect_dma source(%arg16 : memref<128x128xf32, #tpu.memory_space<vmem>>) target(%dma_start3A_104 : memref<10240x128xf32, #tpu.memory_space<vmem_shared>>) offsets(%dma_start3A_101 : memref<128xi32, #tpu.memory_space<vmem>>) semaphore(%arg22 : memref<!tpu.dma_semaphore, #tpu.memory_space<semaphore_mem>>) {add = true}
      %dma_wait3A = arith.constant 0 : i32
      %dma_wait3A_105 = arith.constant 0 : i32
      %dma_wait3A_106 = tpu.memref_slice %arg14[%dma_wait3A, %dma_wait3A_105] : memref<8x128xi32, #tpu.memory_space<vmem>> -> memref<1x128xi32, #tpu.memory_space<vmem>>
      %dma_wait3A_107 = tpu.memref_squeeze %dma_wait3A_106 : memref<1x128xi32, #tpu.memory_space<vmem>> -> memref<128xi32, #tpu.memory_space<vmem>>
      %dma_wait3A_108 = arith.constant 0 : i32
      %dma_wait3A_109 = arith.constant 0 : i32
      %dma_wait3A_110 = tpu.memref_slice %arg18[%dma_wait3A_108, %dma_wait3A_109] : memref<10240x128xf32, #tpu.memory_space<vmem_shared>> -> memref<10240x128xf32, #tpu.memory_space<vmem_shared>>
      tpu.wait_indirect_dma semaphore(%arg21 : memref<!tpu.dma_semaphore, #tpu.memory_space<semaphore_mem>>) src(%arg16 : memref<128x128xf32, #tpu.memory_space<vmem>>) dst(%dma_wait3A_110 : memref<10240x128xf32, #tpu.memory_space<vmem_shared>>)
      %dma_wait3A_111 = arith.constant 1 : i32
      %dma_wait3A_112 = arith.constant 0 : i32
      %dma_wait3A_113 = tpu.memref_slice %arg14[%dma_wait3A_111, %dma_wait3A_112] : memref<8x128xi32, #tpu.memory_space<vmem>> -> memref<1x128xi32, #tpu.memory_space<vmem>>
      %dma_wait3A_114 = tpu.memref_squeeze %dma_wait3A_113 : memref<1x128xi32, #tpu.memory_space<vmem>> -> memref<128xi32, #tpu.memory_space<vmem>>
      %dma_wait3A_115 = arith.constant 0 : i32
      %dma_wait3A_116 = arith.constant 0 : i32
      %dma_wait3A_117 = tpu.memref_slice %arg18[%dma_wait3A_115, %dma_wait3A_116] : memref<10240x128xf32, #tpu.memory_space<vmem_shared>> -> memref<10240x128xf32, #tpu.memory_space<vmem_shared>>
      tpu.wait_indirect_dma semaphore(%arg22 : memref<!tpu.dma_semaphore, #tpu.memory_space<semaphore_mem>>) src(%arg16 : memref<128x128xf32, #tpu.memory_space<vmem>>) dst(%dma_wait3A_117 : memref<10240x128xf32, #tpu.memory_space<vmem_shared>>)
      %dma_wait3A_118 = arith.constant 2 : i32
      %dma_wait3A_119 = arith.constant 0 : i32
      %dma_wait3A_120 = tpu.memref_slice %arg14[%dma_wait3A_118, %dma_wait3A_119] : memref<8x128xi32, #tpu.memory_space<vmem>> -> memref<1x128xi32, #tpu.memory_space<vmem>>
      %dma_wait3A_121 = tpu.memref_squeeze %dma_wait3A_120 : memref<1x128xi32, #tpu.memory_space<vmem>> -> memref<128xi32, #tpu.memory_space<vmem>>
      %dma_wait3A_122 = arith.constant 0 : i32
      %dma_wait3A_123 = arith.constant 0 : i32
      %dma_wait3A_124 = tpu.memref_slice %arg18[%dma_wait3A_122, %dma_wait3A_123] : memref<10240x128xf32, #tpu.memory_space<vmem_shared>> -> memref<10240x128xf32, #tpu.memory_space<vmem_shared>>
      tpu.wait_indirect_dma semaphore(%arg21 : memref<!tpu.dma_semaphore, #tpu.memory_space<semaphore_mem>>) src(%arg16 : memref<128x128xf32, #tpu.memory_space<vmem>>) dst(%dma_wait3A_124 : memref<10240x128xf32, #tpu.memory_space<vmem_shared>>)
      %dma_wait3A_125 = arith.constant 3 : i32
      %dma_wait3A_126 = arith.constant 0 : i32
      %dma_wait3A_127 = tpu.memref_slice %arg14[%dma_wait3A_125, %dma_wait3A_126] : memref<8x128xi32, #tpu.memory_space<vmem>> -> memref<1x128xi32, #tpu.memory_space<vmem>>
      %dma_wait3A_128 = tpu.memref_squeeze %dma_wait3A_127 : memref<1x128xi32, #tpu.memory_space<vmem>> -> memref<128xi32, #tpu.memory_space<vmem>>
      %dma_wait3A_129 = arith.constant 0 : i32
      %dma_wait3A_130 = arith.constant 0 : i32
      %dma_wait3A_131 = tpu.memref_slice %arg18[%dma_wait3A_129, %dma_wait3A_130] : memref<10240x128xf32, #tpu.memory_space<vmem_shared>> -> memref<10240x128xf32, #tpu.memory_space<vmem_shared>>
      tpu.wait_indirect_dma semaphore(%arg22 : memref<!tpu.dma_semaphore, #tpu.memory_space<semaphore_mem>>) src(%arg16 : memref<128x128xf32, #tpu.memory_space<vmem>>) dst(%dma_wait3A_131 : memref<10240x128xf32, #tpu.memory_space<vmem_shared>>)
      %dma_wait3A_132 = arith.constant 4 : i32
      %dma_wait3A_133 = arith.constant 0 : i32
      %dma_wait3A_134 = tpu.memref_slice %arg14[%dma_wait3A_132, %dma_wait3A_133] : memref<8x128xi32, #tpu.memory_space<vmem>> -> memref<1x128xi32, #tpu.memory_space<vmem>>
      %dma_wait3A_135 = tpu.memref_squeeze %dma_wait3A_134 : memref<1x128xi32, #tpu.memory_space<vmem>> -> memref<128xi32, #tpu.memory_space<vmem>>
      %dma_wait3A_136 = arith.constant 0 : i32
      %dma_wait3A_137 = arith.constant 0 : i32
      %dma_wait3A_138 = tpu.memref_slice %arg18[%dma_wait3A_136, %dma_wait3A_137] : memref<10240x128xf32, #tpu.memory_space<vmem_shared>> -> memref<10240x128xf32, #tpu.memory_space<vmem_shared>>
      tpu.wait_indirect_dma semaphore(%arg21 : memref<!tpu.dma_semaphore, #tpu.memory_space<semaphore_mem>>) src(%arg16 : memref<128x128xf32, #tpu.memory_space<vmem>>) dst(%dma_wait3A_138 : memref<10240x128xf32, #tpu.memory_space<vmem_shared>>)
      %dma_wait3A_139 = arith.constant 5 : i32
      %dma_wait3A_140 = arith.constant 0 : i32
      %dma_wait3A_141 = tpu.memref_slice %arg14[%dma_wait3A_139, %dma_wait3A_140] : memref<8x128xi32, #tpu.memory_space<vmem>> -> memref<1x128xi32, #tpu.memory_space<vmem>>
      %dma_wait3A_142 = tpu.memref_squeeze %dma_wait3A_141 : memref<1x128xi32, #tpu.memory_space<vmem>> -> memref<128xi32, #tpu.memory_space<vmem>>
      %dma_wait3A_143 = arith.constant 0 : i32
      %dma_wait3A_144 = arith.constant 0 : i32
      %dma_wait3A_145 = tpu.memref_slice %arg18[%dma_wait3A_143, %dma_wait3A_144] : memref<10240x128xf32, #tpu.memory_space<vmem_shared>> -> memref<10240x128xf32, #tpu.memory_space<vmem_shared>>
      tpu.wait_indirect_dma semaphore(%arg22 : memref<!tpu.dma_semaphore, #tpu.memory_space<semaphore_mem>>) src(%arg16 : memref<128x128xf32, #tpu.memory_space<vmem>>) dst(%dma_wait3A_145 : memref<10240x128xf32, #tpu.memory_space<vmem_shared>>)
      %dma_wait3A_146 = arith.constant 6 : i32
      %dma_wait3A_147 = arith.constant 0 : i32
      %dma_wait3A_148 = tpu.memref_slice %arg14[%dma_wait3A_146, %dma_wait3A_147] : memref<8x128xi32, #tpu.memory_space<vmem>> -> memref<1x128xi32, #tpu.memory_space<vmem>>
      %dma_wait3A_149 = tpu.memref_squeeze %dma_wait3A_148 : memref<1x128xi32, #tpu.memory_space<vmem>> -> memref<128xi32, #tpu.memory_space<vmem>>
      %dma_wait3A_150 = arith.constant 0 : i32
      %dma_wait3A_151 = arith.constant 0 : i32
      %dma_wait3A_152 = tpu.memref_slice %arg18[%dma_wait3A_150, %dma_wait3A_151] : memref<10240x128xf32, #tpu.memory_space<vmem_shared>> -> memref<10240x128xf32, #tpu.memory_space<vmem_shared>>
      tpu.wait_indirect_dma semaphore(%arg21 : memref<!tpu.dma_semaphore, #tpu.memory_space<semaphore_mem>>) src(%arg16 : memref<128x128xf32, #tpu.memory_space<vmem>>) dst(%dma_wait3A_152 : memref<10240x128xf32, #tpu.memory_space<vmem_shared>>)
      %dma_wait3A_153 = arith.constant 7 : i32
      %dma_wait3A_154 = arith.constant 0 : i32
      %dma_wait3A_155 = tpu.memref_slice %arg14[%dma_wait3A_153, %dma_wait3A_154] : memref<8x128xi32, #tpu.memory_space<vmem>> -> memref<1x128xi32, #tpu.memory_space<vmem>>
      %dma_wait3A_156 = tpu.memref_squeeze %dma_wait3A_155 : memref<1x128xi32, #tpu.memory_space<vmem>> -> memref<128xi32, #tpu.memory_space<vmem>>
      %dma_wait3A_157 = arith.constant 0 : i32
      %dma_wait3A_158 = arith.constant 0 : i32
      %dma_wait3A_159 = tpu.memref_slice %arg18[%dma_wait3A_157, %dma_wait3A_158] : memref<10240x128xf32, #tpu.memory_space<vmem_shared>> -> memref<10240x128xf32, #tpu.memory_space<vmem_shared>>
      tpu.wait_indirect_dma semaphore(%arg22 : memref<!tpu.dma_semaphore, #tpu.memory_space<semaphore_mem>>) src(%arg16 : memref<128x128xf32, #tpu.memory_space<vmem>>) dst(%dma_wait3A_159 : memref<10240x128xf32, #tpu.memory_space<vmem_shared>>)
    } else {
    }
    %barrier3A_31 = arith.constant 0 : index
    tpu.barrier barrier_id(%barrier3A_31)
    %eq3A_32 = arith.constant 0 : i32
    %eq3A_33 = arith.cmpi eq, %arg0, %eq3A_32 : i32
    %convert_element_type3A_34 = arith.extui %eq3A_33 : i1 to i32
    %cond3A_35 = arith.constant 0 : i32
    %cond3A_36 = arith.cmpi ne, %convert_element_type3A_34, %cond3A_35 : i32
    scf.if %cond3A_36 {
      "tpu.region"() ({
        %run_scoped3A = tpu.sem_alloc : memref<!tpu.dma_semaphore, #tpu.memory_space<semaphore_mem>>
        %dma_start3A = arith.constant 0 : i32
        %dma_start3A_42 = tpu.memref_slice %arg10[%mul3A_0, %dma_start3A] : memref<10240x128xf32, #tpu.memory_space<hbm>> -> memref<640x128xf32, #tpu.memory_space<hbm>>
        %dma_start3A_43 = arith.constant 0 : i32
        %dma_start3A_44 = tpu.memref_slice %arg18[%mul3A_0, %dma_start3A_43] : memref<10240x128xf32, #tpu.memory_space<vmem_shared>> -> memref<640x128xf32, #tpu.memory_space<vmem_shared>>
        tpu.enqueue_dma source(%dma_start3A_44 : memref<640x128xf32, #tpu.memory_space<vmem_shared>>) target(%dma_start3A_42 : memref<640x128xf32, #tpu.memory_space<hbm>>) target_semaphore(%run_scoped3A : memref<!tpu.dma_semaphore, #tpu.memory_space<semaphore_mem>>)
        %dma_wait3A = arith.constant 0 : i32
        %dma_wait3A_45 = tpu.memref_slice %arg10[%mul3A_0, %dma_wait3A] : memref<10240x128xf32, #tpu.memory_space<hbm>> -> memref<640x128xf32, #tpu.memory_space<hbm>>
        %dma_wait3A_46 = arith.constant 0 : i32
        %dma_wait3A_47 = tpu.memref_slice %arg18[%mul3A_0, %dma_wait3A_46] : memref<10240x128xf32, #tpu.memory_space<vmem_shared>> -> memref<640x128xf32, #tpu.memory_space<vmem_shared>>
        tpu.wait_dma2 semaphore(%run_scoped3A : memref<!tpu.dma_semaphore, #tpu.memory_space<semaphore_mem>>) src(%dma_wait3A_47 : memref<640x128xf32, #tpu.memory_space<vmem_shared>>) dst(%dma_wait3A_45 : memref<640x128xf32, #tpu.memory_space<hbm>>)
        tpu.yield
      }) : () -> ()
    } else {
    }
    %eq3A_37 = arith.constant 1 : i32
    %eq3A_38 = arith.cmpi eq, %arg0, %eq3A_37 : i32
    %convert_element_type3A_39 = arith.extui %eq3A_38 : i1 to i32
    %cond3A_40 = arith.constant 0 : i32
    %cond3A_41 = arith.cmpi ne, %convert_element_type3A_39, %cond3A_40 : i32
    scf.if %cond3A_41 {
      "tpu.region"() ({
        %run_scoped3A = tpu.sem_alloc : memref<!tpu.dma_semaphore, #tpu.memory_space<semaphore_mem>>
        %dma_start3A = arith.constant 0 : i32
        %dma_start3A_42 = tpu.memref_slice %arg11[%mul3A_0, %dma_start3A] : memref<10240x128xf32, #tpu.memory_space<hbm>> -> memref<640x128xf32, #tpu.memory_space<hbm>>
        %dma_start3A_43 = arith.constant 0 : i32
        %dma_start3A_44 = tpu.memref_slice %arg18[%mul3A_0, %dma_start3A_43] : memref<10240x128xf32, #tpu.memory_space<vmem_shared>> -> memref<640x128xf32, #tpu.memory_space<vmem_shared>>
        tpu.enqueue_dma source(%dma_start3A_44 : memref<640x128xf32, #tpu.memory_space<vmem_shared>>) target(%dma_start3A_42 : memref<640x128xf32, #tpu.memory_space<hbm>>) target_semaphore(%run_scoped3A : memref<!tpu.dma_semaphore, #tpu.memory_space<semaphore_mem>>)
        %dma_wait3A = arith.constant 0 : i32
        %dma_wait3A_45 = tpu.memref_slice %arg11[%mul3A_0, %dma_wait3A] : memref<10240x128xf32, #tpu.memory_space<hbm>> -> memref<640x128xf32, #tpu.memory_space<hbm>>
        %dma_wait3A_46 = arith.constant 0 : i32
        %dma_wait3A_47 = tpu.memref_slice %arg18[%mul3A_0, %dma_wait3A_46] : memref<10240x128xf32, #tpu.memory_space<vmem_shared>> -> memref<640x128xf32, #tpu.memory_space<vmem_shared>>
        tpu.wait_dma2 semaphore(%run_scoped3A : memref<!tpu.dma_semaphore, #tpu.memory_space<semaphore_mem>>) src(%dma_wait3A_47 : memref<640x128xf32, #tpu.memory_space<vmem_shared>>) dst(%dma_wait3A_45 : memref<640x128xf32, #tpu.memory_space<hbm>>)
        tpu.yield
      }) : () -> ()
    } else {
    }
    return
  }
}

module attributes {stable_mosaic.version = 14 : i64} {
  func.func @_encode_body(%arg0: i32, %arg1: memref<512x384xf32, #tpu.memory_space<vmem>>, %arg2: memref<384x256xf32, #tpu.memory_space<vmem>>, %arg3: memref<1x256xf32, #tpu.memory_space<vmem>>, %arg4: memref<512x128xf32, #tpu.memory_space<vmem>>, %arg5: memref<512x128xf32, #tpu.memory_space<vmem>>) attributes {dimension_semantics = [#tpu.dimension_semantics<arbitrary>], iteration_bounds = array<i64: 20>, scalar_prefetch = 0 : i64, scratch_operands = 0 : i64, tpu.core_type = #tpu.core_type<tc>, window_params = [{transform_indices = @transform_0, window_bounds = array<i64: 512, 384>}, {pipeline_mode = #tpu.pipeline_mode<synchronous>, transform_indices = @transform_1, window_bounds = array<i64: 384, 256>}, {pipeline_mode = #tpu.pipeline_mode<synchronous>, transform_indices = @transform_2, window_bounds = array<i64: 1, 256>}, {transform_indices = @transform_3, window_bounds = array<i64: 512, 128>}, {transform_indices = @transform_4, window_bounds = array<i64: 512, 128>}]} {
    %get3A = arith.constant 0 : index
    %get3A_0 = arith.constant 0 : index
    %get3A_1 = vector.load %arg1[%get3A, %get3A_0] : memref<512x384xf32, #tpu.memory_space<vmem>>, vector<512x384xf32>
    %get3A_2 = arith.constant 0 : index
    %get3A_3 = arith.constant 0 : index
    %get3A_4 = vector.load %arg2[%get3A_2, %get3A_3] : memref<384x256xf32, #tpu.memory_space<vmem>>, vector<384x256xf32>
    %dot_general3A = arith.constant dense<0.000000e+00> : vector<512x256xf32>
    %dot_general3A_5 = tpu.matmul %get3A_1, %get3A_4, %dot_general3A {dimension_numbers = #tpu.dot_dimension_numbers<[1], [0], [0], [1], [0, 0, 1, 1], [], []>, transpose_lhs_hint = false} : vector<512x384xf32>, vector<384x256xf32>, vector<512x256xf32> -> vector<512x256xf32>
    %get3A_6 = arith.constant 0 : index
    %get3A_7 = arith.constant 0 : index
    %get3A_8 = vector.load %arg3[%get3A_6, %get3A_7] : memref<1x256xf32, #tpu.memory_space<vmem>>, vector<1x256xf32>
    %add3A = vector.broadcast %get3A_8 : vector<1x256xf32> to vector<512x256xf32>
    %add3A_9 = arith.addf %dot_general3A_5, %add3A : vector<512x256xf32>
    %max3A = arith.constant 0.000000e+00 : f32
    %max3A_10 = vector.broadcast %max3A : f32 to vector<512x256xf32>
    %max3A_11 = arith.maximumf %add3A_9, %max3A_10 : vector<512x256xf32>
    %slice3A = vector.extract_strided_slice %max3A_11 {offsets = [0, 0], sizes = [512, 128], strides = [1, 1]} : vector<512x256xf32> to vector<512x128xf32>
    %swap3A = arith.constant 0 : index
    %swap3A_12 = arith.constant 0 : index
    %swap3A_13 = vector.load %arg4[%swap3A, %swap3A_12] : memref<512x128xf32, #tpu.memory_space<vmem>>, vector<512x128xf32>
    tpu.vector_store %arg4[%swap3A, %swap3A_12], %slice3A {strides = array<i32>} : memref<512x128xf32, #tpu.memory_space<vmem>>, vector<512x128xf32>,
    %slice3A_14 = vector.extract_strided_slice %max3A_11 {offsets = [0, 128], sizes = [512, 128], strides = [1, 1]} : vector<512x256xf32> to vector<512x128xf32>
    %swap3A_15 = arith.constant 0 : index
    %swap3A_16 = arith.constant 0 : index
    %swap3A_17 = vector.load %arg5[%swap3A_15, %swap3A_16] : memref<512x128xf32, #tpu.memory_space<vmem>>, vector<512x128xf32>
    tpu.vector_store %arg5[%swap3A_15, %swap3A_16], %slice3A_14 {strides = array<i32>} : memref<512x128xf32, #tpu.memory_space<vmem>>, vector<512x128xf32>,
    return
  }
  func.func @transform_0(%arg0: i32) -> (i32, i32) {
    %c0_i32 = arith.constant 0 : i32
    %c0_i32_0 = arith.constant 0 : i32
    return %arg0, %c0_i32 : i32, i32
  }
  func.func @transform_1(%arg0: i32) -> (i32, i32) {
    %c0_i32 = arith.constant 0 : i32
    %c0_i32_0 = arith.constant 0 : i32
    %c0_i32_1 = arith.constant 0 : i32
    return %c0_i32, %c0_i32_0 : i32, i32
  }
  func.func @transform_2(%arg0: i32) -> (i32, i32) {
    %c0_i32 = arith.constant 0 : i32
    %c0_i32_0 = arith.constant 0 : i32
    %c0_i32_1 = arith.constant 0 : i32
    return %c0_i32, %c0_i32_0 : i32, i32
  }
  func.func @transform_3(%arg0: i32) -> (i32, i32) {
    %c0_i32 = arith.constant 0 : i32
    %c0_i32_0 = arith.constant 0 : i32
    return %arg0, %c0_i32 : i32, i32
  }
  func.func @transform_4(%arg0: i32) -> (i32, i32) {
    %c0_i32 = arith.constant 0 : i32
    %c0_i32_0 = arith.constant 0 : i32
    return %arg0, %c0_i32 : i32, i32
  }
}

module attributes {stable_mosaic.version = 14 : i64} {
  func.func @_final_body(%arg0: i32, %arg1: memref<512x128xf32, #tpu.memory_space<vmem>>, %arg2: memref<512x128xf32, #tpu.memory_space<vmem>>, %arg3: memref<512x128xf32, #tpu.memory_space<vmem>>, %arg4: memref<512x128xf32, #tpu.memory_space<vmem>>, %arg5: memref<512x128xf32, #tpu.memory_space<vmem>>, %arg6: memref<512x128xf32, #tpu.memory_space<vmem>>, %arg7: memref<1x1x512xi32, #tpu.memory_space<vmem>>, %arg8: memref<256x256xf32, #tpu.memory_space<vmem>>, %arg9: memref<1x256xf32, #tpu.memory_space<vmem>>, %arg10: memref<256x256xf32, #tpu.memory_space<vmem>>, %arg11: memref<1x256xf32, #tpu.memory_space<vmem>>, %arg12: memref<256x128xf32, #tpu.memory_space<vmem>>, %arg13: memref<1x128xf32, #tpu.memory_space<vmem>>, %arg14: memref<64x128xf32, #tpu.memory_space<vmem>>, %arg15: memref<64x256xf32, #tpu.memory_space<vmem>>, %arg16: memref<64x128xf32, #tpu.memory_space<vmem>>) attributes {dimension_semantics = [#tpu.dimension_semantics<arbitrary>], iteration_bounds = array<i64: 20>, scalar_prefetch = 0 : i64, scratch_operands = 2 : i64, tpu.core_type = #tpu.core_type<tc>, window_params = [{transform_indices = @transform_0, window_bounds = array<i64: 512, 128>}, {transform_indices = @transform_1, window_bounds = array<i64: 512, 128>}, {transform_indices = @transform_2, window_bounds = array<i64: 512, 128>}, {transform_indices = @transform_3, window_bounds = array<i64: 512, 128>}, {transform_indices = @transform_4, window_bounds = array<i64: 512, 128>}, {transform_indices = @transform_5, window_bounds = array<i64: 512, 128>}, {transform_indices = @transform_6, window_bounds = array<i64: 1, 1, 512>}, {pipeline_mode = #tpu.pipeline_mode<synchronous>, transform_indices = @transform_7, window_bounds = array<i64: 256, 256>}, {pipeline_mode = #tpu.pipeline_mode<synchronous>, transform_indices = @transform_8, window_bounds = array<i64: 1, 256>}, {pipeline_mode = #tpu.pipeline_mode<synchronous>, transform_indices = @transform_9, window_bounds = array<i64: 256, 256>}, {pipeline_mode = #tpu.pipeline_mode<synchronous>, transform_indices = @transform_10, window_bounds = array<i64: 1, 256>}, {pipeline_mode = #tpu.pipeline_mode<synchronous>, transform_indices = @transform_11, window_bounds = array<i64: 256, 128>}, {pipeline_mode = #tpu.pipeline_mode<synchronous>, transform_indices = @transform_12, window_bounds = array<i64: 1, 128>}, {pipeline_mode = #tpu.pipeline_mode<synchronous>, transform_indices = @transform_13, window_bounds = array<i64: 64, 128>}]} {
    %eq3A = arith.constant 0 : i32
    %eq3A_0 = arith.cmpi eq, %arg0, %eq3A : i32
    %convert_element_type3A = arith.extui %eq3A_0 : i1 to i32
    %cond3A = arith.constant 0 : i32
    %cond3A_1 = arith.cmpi ne, %convert_element_type3A, %cond3A : i32
    scf.if %cond3A_1 {
      %broadcast_in_dim3A_69 = arith.constant 0.000000e+00 : f32
      %broadcast_in_dim3A_70 = vector.broadcast %broadcast_in_dim3A_69 : f32 to vector<64x256xf32>
      %swap3A_71 = arith.constant 0 : index
      %swap3A_72 = arith.constant 0 : index
      %swap3A_73 = vector.load %arg15[%swap3A_71, %swap3A_72] : memref<64x256xf32, #tpu.memory_space<vmem>>, vector<64x256xf32>
      tpu.vector_store %arg15[%swap3A_71, %swap3A_72], %broadcast_in_dim3A_70 {strides = array<i32>} : memref<64x256xf32, #tpu.memory_space<vmem>>, vector<64x256xf32>,
      %broadcast_in_dim3A_74 = arith.constant 0.000000e+00 : f32
      %broadcast_in_dim3A_75 = vector.broadcast %broadcast_in_dim3A_74 : f32 to vector<64x128xf32>
      %swap3A_76 = arith.constant 0 : index
      %swap3A_77 = arith.constant 0 : index
      %swap3A_78 = vector.load %arg16[%swap3A_76, %swap3A_77] : memref<64x128xf32, #tpu.memory_space<vmem>>, vector<64x128xf32>
      tpu.vector_store %arg16[%swap3A_76, %swap3A_77], %broadcast_in_dim3A_75 {strides = array<i32>} : memref<64x128xf32, #tpu.memory_space<vmem>>, vector<64x128xf32>,
    } else {
    }
    %get3A = arith.constant 0 : index
    %get3A_2 = arith.constant 0 : index
    %get3A_3 = vector.load %arg1[%get3A, %get3A_2] : memref<512x128xf32, #tpu.memory_space<vmem>>, vector<512x128xf32>
    %get3A_4 = arith.constant 0 : index
    %get3A_5 = arith.constant 0 : index
    %get3A_6 = vector.load %arg2[%get3A_4, %get3A_5] : memref<512x128xf32, #tpu.memory_space<vmem>>, vector<512x128xf32>
    %concatenate3A = tpu.concatenate %get3A_3, %get3A_6 in 1 : vector<512x128xf32>, vector<512x128xf32> -> vector<512x256xf32>
    %get3A_7 = arith.constant 0 : index
    %get3A_8 = arith.constant 0 : index
    %get3A_9 = vector.load %arg3[%get3A_7, %get3A_8] : memref<512x128xf32, #tpu.memory_space<vmem>>, vector<512x128xf32>
    %get3A_10 = arith.constant 0 : index
    %get3A_11 = arith.constant 0 : index
    %get3A_12 = vector.load %arg4[%get3A_10, %get3A_11] : memref<512x128xf32, #tpu.memory_space<vmem>>, vector<512x128xf32>
    %concatenate3A_13 = tpu.concatenate %get3A_9, %get3A_12 in 1 : vector<512x128xf32>, vector<512x128xf32> -> vector<512x256xf32>
    %get3A_14 = arith.constant 0 : index
    %get3A_15 = arith.constant 0 : index
    %get3A_16 = vector.load %arg5[%get3A_14, %get3A_15] : memref<512x128xf32, #tpu.memory_space<vmem>>, vector<512x128xf32>
    %get3A_17 = arith.constant 0 : index
    %get3A_18 = arith.constant 0 : index
    %get3A_19 = vector.load %arg6[%get3A_17, %get3A_18] : memref<512x128xf32, #tpu.memory_space<vmem>>, vector<512x128xf32>
    %add3A = arith.addf %get3A_16, %get3A_19 : vector<512x128xf32>
    %slice3A = vector.extract_strided_slice %add3A {offsets = [0, 0], sizes = [512, 1], strides = [1, 1]} : vector<512x128xf32> to vector<512x1xf32>
    %get3A_20 = arith.constant 0 : index
    %get3A_21 = arith.constant 0 : index
    %get3A_22 = vector.load %arg8[%get3A_20, %get3A_21] : memref<256x256xf32, #tpu.memory_space<vmem>>, vector<256x256xf32>
    %dot_general3A = arith.constant dense<0.000000e+00> : vector<512x256xf32>
    %dot_general3A_23 = tpu.matmul %concatenate3A_13, %get3A_22, %dot_general3A {dimension_numbers = #tpu.dot_dimension_numbers<[1], [0], [0], [1], [0, 0, 1, 1], [], []>, precision = #tpu.contract_precision<fp32>, transpose_lhs_hint = false} : vector<512x256xf32>, vector<256x256xf32>, vector<512x256xf32> -> vector<512x256xf32>
    %get3A_24 = arith.constant 0 : index
    %get3A_25 = arith.constant 0 : index
    %get3A_26 = vector.load %arg9[%get3A_24, %get3A_25] : memref<1x256xf32, #tpu.memory_space<vmem>>, vector<1x256xf32>
    %mul3A = vector.broadcast %slice3A : vector<512x1xf32> to vector<512x256xf32>
    %mul3A_27 = vector.broadcast %get3A_26 : vector<1x256xf32> to vector<512x256xf32>
    %mul3A_28 = arith.mulf %mul3A, %mul3A_27 : vector<512x256xf32>
    %add3A_29 = arith.addf %dot_general3A_23, %mul3A_28 : vector<512x256xf32>
    %max3A = arith.constant 1.000000e+00 : f32
    %max3A_30 = vector.broadcast %max3A : f32 to vector<512x1xf32>
    %max3A_31 = arith.maximumf %slice3A, %max3A_30 : vector<512x1xf32>
    %div3A = vector.broadcast %max3A_31 : vector<512x1xf32> to vector<512x256xf32>
    %div3A_32 = arith.divf %add3A_29, %div3A : vector<512x256xf32>
    %add3A_33 = arith.addf %concatenate3A, %div3A_32 : vector<512x256xf32>
    %max3A_34 = arith.constant 0.000000e+00 : f32
    %max3A_35 = vector.broadcast %max3A_34 : f32 to vector<512x256xf32>
    %max3A_36 = arith.maximumf %add3A_33, %max3A_35 : vector<512x256xf32>
    %get3A_37 = arith.constant 0 : index
    %get3A_38 = arith.constant 0 : index
    %get3A_39 = arith.constant 0 : index
    %get3A_40 = vector.load %arg7[%get3A_37, %get3A_38, %get3A_39] : memref<1x1x512xi32, #tpu.memory_space<vmem>>, vector<1x1x512xi32>
    %get3A_41 = vector.shape_cast %get3A_40 : vector<1x1x512xi32> to vector<512xi32>
    %broadcast_in_dim3A = vector.shape_cast %get3A_41 : vector<512xi32> to vector<1x512xi32>
    %iota3A = tpu.iota {dimensions = array<i32: 0>} : vector<64x512xi32>
    %eq3A_42 = vector.broadcast %broadcast_in_dim3A : vector<1x512xi32> to vector<64x512xi32>
    %eq3A_43 = arith.cmpi eq, %eq3A_42, %iota3A : vector<64x512xi32>
    %convert_element_type3A_44 = arith.extui %eq3A_43 : vector<64x512xi1> to vector<64x512xi32>
    %convert_element_type3A_45 = arith.sitofp %convert_element_type3A_44 : vector<64x512xi32> to vector<64x512xf32>
    %get3A_46 = arith.constant 0 : index
    %get3A_47 = arith.constant 0 : index
    %get3A_48 = vector.load %arg15[%get3A_46, %get3A_47] : memref<64x256xf32, #tpu.memory_space<vmem>>, vector<64x256xf32>
    %dot_general3A_49 = arith.constant dense<0.000000e+00> : vector<64x256xf32>
    %dot_general3A_50 = tpu.matmul %convert_element_type3A_45, %max3A_36, %dot_general3A_49 {dimension_numbers = #tpu.dot_dimension_numbers<[1], [0], [0], [1], [0, 0, 1, 1], [], []>, precision = #tpu.contract_precision<fp32>, transpose_lhs_hint = false} : vector<64x512xf32>, vector<512x256xf32>, vector<64x256xf32> -> vector<64x256xf32>
    %add3A_51 = arith.addf %get3A_48, %dot_general3A_50 : vector<64x256xf32>
    %swap3A = arith.constant 0 : index
    %swap3A_52 = arith.constant 0 : index
    %swap3A_53 = vector.load %arg15[%swap3A, %swap3A_52] : memref<64x256xf32, #tpu.memory_space<vmem>>, vector<64x256xf32>
    tpu.vector_store %arg15[%swap3A, %swap3A_52], %add3A_51 {strides = array<i32>} : memref<64x256xf32, #tpu.memory_space<vmem>>, vector<64x256xf32>,
    %get3A_54 = arith.constant 0 : index
    %get3A_55 = arith.constant 0 : index
    %get3A_56 = vector.load %arg16[%get3A_54, %get3A_55] : memref<64x128xf32, #tpu.memory_space<vmem>>, vector<64x128xf32>
    %reduce_sum3A = arith.constant dense<0.000000e+00> : vector<64xf32>
    %reduce_sum3A_57 = vector.multi_reduction <add>, %convert_element_type3A_45, %reduce_sum3A [1] : vector<64x512xf32> to vector<64xf32>
    %broadcast_in_dim3A_58 = vector.shape_cast %reduce_sum3A_57 : vector<64xf32> to vector<64x1xf32>
    %add3A_59 = vector.broadcast %broadcast_in_dim3A_58 : vector<64x1xf32> to vector<64x128xf32>
    %add3A_60 = arith.addf %get3A_56, %add3A_59 : vector<64x128xf32>
    %swap3A_61 = arith.constant 0 : index
    %swap3A_62 = arith.constant 0 : index
    %swap3A_63 = vector.load %arg16[%swap3A_61, %swap3A_62] : memref<64x128xf32, #tpu.memory_space<vmem>>, vector<64x128xf32>
    tpu.vector_store %arg16[%swap3A_61, %swap3A_62], %add3A_60 {strides = array<i32>} : memref<64x128xf32, #tpu.memory_space<vmem>>, vector<64x128xf32>,
    %eq3A_64 = arith.constant 19 : i32
    %eq3A_65 = arith.cmpi eq, %arg0, %eq3A_64 : i32
    %convert_element_type3A_66 = arith.extui %eq3A_65 : i1 to i32
    %cond3A_67 = arith.constant 0 : i32
    %cond3A_68 = arith.cmpi ne, %convert_element_type3A_66, %cond3A_67 : i32
    scf.if %cond3A_68 {
      %get3A_69 = arith.constant 0 : index
      %get3A_70 = arith.constant 0 : index
      %get3A_71 = vector.load %arg16[%get3A_69, %get3A_70] : memref<64x128xf32, #tpu.memory_space<vmem>>, vector<64x128xf32>
      %reduce_max3A = arith.constant dense<0xFF800000> : vector<64xf32>
      %reduce_max3A_72 = vector.multi_reduction <maximumf>, %get3A_71, %reduce_max3A [1] : vector<64x128xf32> to vector<64xf32>
      %broadcast_in_dim3A_73 = vector.shape_cast %reduce_max3A_72 : vector<64xf32> to vector<64x1xf32>
      %get3A_74 = arith.constant 0 : index
      %get3A_75 = arith.constant 0 : index
      %get3A_76 = vector.load %arg15[%get3A_74, %get3A_75] : memref<64x256xf32, #tpu.memory_space<vmem>>, vector<64x256xf32>
      %max3A_77 = arith.constant 1.000000e+00 : f32
      %max3A_78 = vector.broadcast %max3A_77 : f32 to vector<64x1xf32>
      %max3A_79 = arith.maximumf %broadcast_in_dim3A_73, %max3A_78 : vector<64x1xf32>
      %div3A_80 = vector.broadcast %max3A_79 : vector<64x1xf32> to vector<64x256xf32>
      %div3A_81 = arith.divf %get3A_76, %div3A_80 : vector<64x256xf32>
      %get3A_82 = arith.constant 0 : index
      %get3A_83 = arith.constant 0 : index
      %get3A_84 = vector.load %arg10[%get3A_82, %get3A_83] : memref<256x256xf32, #tpu.memory_space<vmem>>, vector<256x256xf32>
      %dot_general3A_85 = arith.constant dense<0.000000e+00> : vector<64x256xf32>
      %dot_general3A_86 = tpu.matmul %div3A_81, %get3A_84, %dot_general3A_85 {dimension_numbers = #tpu.dot_dimension_numbers<[1], [0], [0], [1], [0, 0, 1, 1], [], []>, transpose_lhs_hint = false} : vector<64x256xf32>, vector<256x256xf32>, vector<64x256xf32> -> vector<64x256xf32>
      %get3A_87 = arith.constant 0 : index
      %get3A_88 = arith.constant 0 : index
      %get3A_89 = vector.load %arg11[%get3A_87, %get3A_88] : memref<1x256xf32, #tpu.memory_space<vmem>>, vector<1x256xf32>
      %add3A_90 = vector.broadcast %get3A_89 : vector<1x256xf32> to vector<64x256xf32>
      %add3A_91 = arith.addf %dot_general3A_86, %add3A_90 : vector<64x256xf32>
      %max3A_92 = arith.constant 0.000000e+00 : f32
      %max3A_93 = vector.broadcast %max3A_92 : f32 to vector<64x256xf32>
      %max3A_94 = arith.maximumf %add3A_91, %max3A_93 : vector<64x256xf32>
      %get3A_95 = arith.constant 0 : index
      %get3A_96 = arith.constant 0 : index
      %get3A_97 = vector.load %arg12[%get3A_95, %get3A_96] : memref<256x128xf32, #tpu.memory_space<vmem>>, vector<256x128xf32>
      %dot_general3A_98 = arith.constant dense<0.000000e+00> : vector<64x128xf32>
      %dot_general3A_99 = tpu.matmul %max3A_94, %get3A_97, %dot_general3A_98 {dimension_numbers = #tpu.dot_dimension_numbers<[1], [0], [0], [1], [0, 0, 1, 1], [], []>, transpose_lhs_hint = false} : vector<64x256xf32>, vector<256x128xf32>, vector<64x128xf32> -> vector<64x128xf32>
      %get3A_100 = arith.constant 0 : index
      %get3A_101 = arith.constant 0 : index
      %get3A_102 = vector.load %arg13[%get3A_100, %get3A_101] : memref<1x128xf32, #tpu.memory_space<vmem>>, vector<1x128xf32>
      %add3A_103 = vector.broadcast %get3A_102 : vector<1x128xf32> to vector<64x128xf32>
      %add3A_104 = arith.addf %dot_general3A_99, %add3A_103 : vector<64x128xf32>
      %swap3A_105 = arith.constant 0 : index
      %swap3A_106 = arith.constant 0 : index
      %swap3A_107 = vector.load %arg14[%swap3A_105, %swap3A_106] : memref<64x128xf32, #tpu.memory_space<vmem>>, vector<64x128xf32>
      tpu.vector_store %arg14[%swap3A_105, %swap3A_106], %add3A_104 {strides = array<i32>} : memref<64x128xf32, #tpu.memory_space<vmem>>, vector<64x128xf32>,
    } else {
    }
    return
  }
  func.func @transform_0(%arg0: i32) -> (i32, i32) {
    %c0_i32 = arith.constant 0 : i32
    %c0_i32_0 = arith.constant 0 : i32
    return %arg0, %c0_i32 : i32, i32
  }
  func.func @transform_1(%arg0: i32) -> (i32, i32) {
    %c0_i32 = arith.constant 0 : i32
    %c0_i32_0 = arith.constant 0 : i32
    return %arg0, %c0_i32 : i32, i32
  }
  func.func @transform_2(%arg0: i32) -> (i32, i32) {
    %c0_i32 = arith.constant 0 : i32
    %c0_i32_0 = arith.constant 0 : i32
    return %arg0, %c0_i32 : i32, i32
  }
  func.func @transform_3(%arg0: i32) -> (i32, i32) {
    %c0_i32 = arith.constant 0 : i32
    %c0_i32_0 = arith.constant 0 : i32
    return %arg0, %c0_i32 : i32, i32
  }
  func.func @transform_4(%arg0: i32) -> (i32, i32) {
    %c0_i32 = arith.constant 0 : i32
    %c0_i32_0 = arith.constant 0 : i32
    return %arg0, %c0_i32 : i32, i32
  }
  func.func @transform_5(%arg0: i32) -> (i32, i32) {
    %c0_i32 = arith.constant 0 : i32
    %c0_i32_0 = arith.constant 0 : i32
    return %arg0, %c0_i32 : i32, i32
  }
  func.func @transform_6(%arg0: i32) -> (i32, i32, i32) {
    %c0_i32 = arith.constant 0 : i32
    %c0_i32_0 = arith.constant 0 : i32
    %c0_i32_1 = arith.constant 0 : i32
    return %arg0, %c0_i32, %c0_i32_0 : i32, i32, i32
  }
  func.func @transform_7(%arg0: i32) -> (i32, i32) {
    %c0_i32 = arith.constant 0 : i32
    %c0_i32_0 = arith.constant 0 : i32
    %c0_i32_1 = arith.constant 0 : i32
    return %c0_i32, %c0_i32_0 : i32, i32
  }
  func.func @transform_8(%arg0: i32) -> (i32, i32) {
    %c0_i32 = arith.constant 0 : i32
    %c0_i32_0 = arith.constant 0 : i32
    %c0_i32_1 = arith.constant 0 : i32
    return %c0_i32, %c0_i32_0 : i32, i32
  }
  func.func @transform_9(%arg0: i32) -> (i32, i32) {
    %c0_i32 = arith.constant 0 : i32
    %c0_i32_0 = arith.constant 0 : i32
    %c0_i32_1 = arith.constant 0 : i32
    return %c0_i32, %c0_i32_0 : i32, i32
  }
  func.func @transform_10(%arg0: i32) -> (i32, i32) {
    %c0_i32 = arith.constant 0 : i32
    %c0_i32_0 = arith.constant 0 : i32
    %c0_i32_1 = arith.constant 0 : i32
    return %c0_i32, %c0_i32_0 : i32, i32
  }
  func.func @transform_11(%arg0: i32) -> (i32, i32) {
    %c0_i32 = arith.constant 0 : i32
    %c0_i32_0 = arith.constant 0 : i32
    %c0_i32_1 = arith.constant 0 : i32
    return %c0_i32, %c0_i32_0 : i32, i32
  }
  func.func @transform_12(%arg0: i32) -> (i32, i32) {
    %c0_i32 = arith.constant 0 : i32
    %c0_i32_0 = arith.constant 0 : i32
    %c0_i32_1 = arith.constant 0 : i32
    return %c0_i32, %c0_i32_0 : i32, i32
  }
  func.func @transform_13(%arg0: i32) -> (i32, i32) {
    %c0_i32 = arith.constant 0 : i32
    %c0_i32_0 = arith.constant 0 : i32
    %c0_i32_1 = arith.constant 0 : i32
    return %c0_i32, %c0_i32_0 : i32, i32
  }
}

</mosaic_0001>

<sc_bundles>
// kernel: kernel.5.cloned.1.call-start
scs
__scs_entry_jumppad:
0x0: {  	(pc) =	sbr.rel $0x88, $3  }
0x1: {  	(tag) =	ssettag $0x0;
	lr =	simm.s32 $0x1  }
0x2: {  	[smem:$0x3F95] =	sst lr;
	_ =	strace $0xD0000000  }
0x3: {  	_ = 	snop  }
0x4: {  	_ = 	snop  }
0x5: {  	_ = 	snop  }
0x6: {  	_ = 	snop  }
0x7: {  	_ = 	snop  }
__scs_overlays_trampoline_lowered:
0x8: {  	[smem:$0x3FA4] =	sst s0  }
0x9: {  	[smem:$0x3FA5] =	sst s1  }
0xa: {  	[smem:$0x3FA6] =	sst s2  }
0xb: {  	[smem:$0x3FA7] =	sst s3  }
0xc: {  	[smem:$0x3FA8] =	sst s4  }
0xd: {  	[smem:$0x3FA9] =	sst s5  }
0xe: {  	[smem:$0x3FAA] =	sst s6  }
0xf: {  	[smem:$0x3FAB] =	sst s7  }
0x10: {  	[smem:$0x3FAC] =	sst s8  }
0x11: {  	[smem:$0x3FAD] =	sst s9;
	s0 =	simm.s32 @!p0 $0x0  }
0x12: {  	s1 =	sld [smem:$0x3F93];
	s0 =	simm.s32 @p0 $0x1  }
0x13: {  	[smem:$0x3FAE] =	sst s0;
	s0 =	simm.s32 @!p1 $0x0  }
0x14: {  	s2 =	sld [smem:$0x3F92];
	s0 =	simm.s32 @p1 $0x1  }
0x15: {  	[smem:$0x3FAF] =	sst s0;
	s0 =	simm.s32 @!p2 $0x0  }
0x16: {  	s3 =	sld [smem:$0x3FDB];
	s0 =	simm.s32 @p2 $0x1  }
0x17: {  	s4 =	simm.s32 $0x1BF5;
	[smem:$0x3FB1] =	sst s0  }
0x18: {  	s0 =	sld [smem:$0x3F94];
	_ =	swait.ge [sflag:s4], $0x0  }
0x19: {  	s7 =	sld [smem:$0x3F95]  }
0x1a: {  	s8 =	sadd.s32 $0xFFFFE003, lr  }
0x1b: {  	s9 =	sadd.s32 $0xFFFFFEF7, lr;
	s5 =	simm.s32 $0xFFFFFFFF;
	p2 =	slt.u32 s8, $0xFFFFF086  }
0x1c: {  	p1 =	slt.u32 s9, $0xF7A;
	s5 =	simm.s32 @!p2 $0x0  }
0x1d: {  	s5 =	simm.s32 @p1 $0x1;
	p0 =	seq.s32 s7, s2  }
0x1e: {  	s7 =	smul.u32 @!p0 $0xF7A, s2;
	p2 =	seq.s32 @!p0 s5, $0x0  }
0x1f: {  	s9 =	smul.u32 $0xF7A, s1;
	s8 =	simm.s32 @!p0 $0x1BF5;
	p2 =	por !p2, p0  }
0x20: {  	[sflag:s8] =	ssyncset.s32 @!p0 $0xFFFFF086;
	s6 =	sadd.s32 @!p0 s3, s7;
	s7 =	simm.s32 @!p0 $0x108  }
0x21: {  	s3 =	sadd.s32 s3, s9;
	s6 =	sadd.s32 @!p0 $0x88, s6;
	s7 =	simm.s32 @p2 $0x1082  }
0x22: {  	[simem:s7], [sflag:s8] =	dma.local @!p0 [hbm:s6], $0xF7A  }
0x23: {  	s9 =	sor.u32 $0xD0000000, s2;
	s6 =	simm.s32 $0x108;
	_ =	swait.ge @!p0 [sflag:s8], $0x0  }
0x24: {  	s3 =	sadd.s32 $0x88, s3;
	s6 =	simm.s32 @!p1 $0x1082;
	[sflag:s4] =	ssyncset.s32 $0xFFFFF086  }
0x25: {  	[simem:s6], [sflag:s4] =	dma.local [hbm:s3], $0xF7A  }
0x26: {  	[smem:$0x3F95] =	sst s1;
	(tag) =	ssettag s2;
	_ =	strace s9  }
0x27: {  	s1 =	sld [smem:$0x3FA5]  }
0x28: {  	s2 =	sld [smem:$0x3FA6]  }
0x29: {  	s4 =	sld [smem:$0x3FA8]  }
0x2a: {  	p0 =	seq.s32 s5, $0x0;
	s5 =	sld [smem:$0x3FA9]  }
0x2b: {  	s6 =	sld [smem:$0x3FAA]  }
0x2c: {  	s7 =	sld [smem:$0x3FAB]  }
0x2d: {  	s3 =	simm.s32 $0x108;
	s8 =	sld [smem:$0x3FAC]  }
0x2e: {  	s3 =	simm.s32 @!p0 $0x1082;
	s9 =	sld [smem:$0x3FAD]  }
0x2f: {  	lr =	sadd.s32 s0, s3;
	s0 =	sld [smem:$0x3FA4]  }
0x30: {  	s3 =	sld [smem:$0x3FA7]  }
0x31: {  	[smem:$0x3FB0] =	sst s10  }
0x32: {  	s10 =	sld [smem:$0x3FAE];
	_ =	sdelay $0x3  }
0x33: {  	p0 =	seq.s32 s10, $0x1;
	s10 =	sld [smem:$0x3FB0];
	_ =	sdelay $0x3  }
0x34: {  	[smem:$0x3FB0] =	sst s10  }
0x35: {  	s10 =	sld [smem:$0x3FAF];
	_ =	sdelay $0x3  }
0x36: {  	p1 =	seq.s32 s10, $0x1;
	s10 =	sld [smem:$0x3FB0];
	_ =	sdelay $0x3  }
0x37: {  	[smem:$0x3FB0] =	sst s10  }
0x38: {  	s10 =	sld [smem:$0x3FB1]  }
0x39: {  	_ = 	snop;
	(pc) =	sbr.ind lr, $3  }
0x3a: {  	_ = 	snop  }
0x3b: {  	_ = 	snop  }
0x3c: {  	p2 =	seq.s32 s10, $0x1;
	s10 =	sld [smem:$0x3FB0]  }
0x3d: {  	_ =	shalt  }
0x3e: {  	_ =	shalt  }
0x3f: {  	_ =	shalt  }
0x40: {  	_ =	shalt  }
0x41: {  	_ =	shalt  }
0x42: {  	_ =	shalt  }
0x43: {  	_ =	shalt  }
0x44: {  	_ =	shalt  }
0x45: {  	_ =	shalt  }
0x46: {  	_ =	shalt  }
0x47: {  	_ =	shalt  }
0x48: {  	_ =	shalt  }
0x49: {  	_ =	shalt  }
0x4a: {  	_ =	shalt  }
0x4b: {  	_ =	shalt  }
0x4c: {  	_ =	shalt  }
0x4d: {  	_ =	shalt  }
0x4e: {  	_ =	shalt  }
0x4f: {  	_ =	shalt  }
0x50: {  	_ =	shalt  }
0x51: {  	_ =	shalt  }
0x52: {  	_ =	shalt  }
0x53: {  	_ =	shalt  }
0x54: {  	_ =	shalt  }
0x55: {  	_ =	shalt  }
0x56: {  	_ =	shalt  }
0x57: {  	_ =	shalt  }
0x58: {  	_ =	shalt  }
0x59: {  	_ =	shalt  }
0x5a: {  	_ =	shalt  }
0x5b: {  	_ =	shalt  }
0x5c: {  	_ =	shalt  }
0x5d: {  	_ =	shalt  }
0x5e: {  	_ =	shalt  }
0x5f: {  	_ =	shalt  }
0x60: {  	_ =	shalt  }
0x61: {  	_ =	shalt  }
0x62: {  	_ =	shalt  }
0x63: {  	_ =	shalt  }
0x64: {  	_ =	shalt  }
0x65: {  	_ =	shalt  }
0x66: {  	_ =	shalt  }
0x67: {  	_ =	shalt  }
0x68: {  	_ =	shalt  }
0x69: {  	_ =	shalt  }
0x6a: {  	_ =	shalt  }
0x6b: {  	_ =	shalt  }
0x6c: {  	_ =	shalt  }
0x6d: {  	_ =	shalt  }
0x6e: {  	_ =	shalt  }
0x6f: {  	_ =	shalt  }
0x70: {  	_ =	shalt  }
0x71: {  	_ =	shalt  }
0x72: {  	_ =	shalt  }
0x73: {  	_ =	shalt  }
0x74: {  	_ =	shalt  }
0x75: {  	_ =	shalt  }
0x76: {  	_ =	shalt  }
0x77: {  	_ =	shalt  }
0x78: {  	_ =	shalt  }
0x79: {  	_ =	shalt  }
0x7a: {  	_ =	shalt  }
0x7b: {  	_ =	shalt  }
0x7c: {  	_ =	shalt  }
0x7d: {  	_ =	shalt  }
0x7e: {  	_ =	shalt  }
0x7f: {  	_ =	shalt  }
0x80: {  	_ =	shalt  }
0x81: {  	_ =	shalt  }
0x82: {  	_ =	shalt  }
0x83: {  	_ =	shalt  }
0x84: {  	_ =	shalt  }
0x85: {  	_ =	shalt  }
0x86: {  	_ =	shalt  }
0x87: {  	_ =	shalt  }
.Lfunc_end0:
.L_simem_size_0:
called_computation_lowered:
.L_overlay_start_0:
0x88: {  	s2 =	sld [smem:$0x3FD9]  }
0x89: {  	s3 =	sld [smem:$0x3FFE];
	_ =	sdelay $0x1  }
0x8a: {  	s1 =	srdreg.scid  }
0x8b: {  	s0 =	sand.u32 $0x1, s1  }
0x8c: {  	s16 =	sshll.u32 s0, $0xA;
	s2 =	sadd.s32 s3, s2  }
0x8d: {  	s2 =	sadd.s32 s2, s16  }
0x8e: {  	[smem:$0x3FBC] =	sst s2  }
0x8f: {  	_ = 	snop  }
0x90: {  	(tm) =	ssettm $0x1  }
0x91: {  	s17 =	sld [smem:$0x3FFB];
	_ =	sdelay $0x3  }
0x92: {  	_ =	strace s17  }
0x93: {  	s2 =	sld [smem:$0x3FFC];
	_ =	sdelay $0x3  }
0x94: {  	_ =	strace s2  }
0x95: {  	s2 =	sld [smem:$0x3FFD];
	_ =	sdelay $0x3  }
0x96: {  	_ =	strace s2  }
0x97: {  	_ =	strace $0x8FFFFFFF  }
0x98: {  	s18 =	sld [smem:$0x3FDB];
	_ =	sdelay $0x1  }
0x99: {  	s19 =	simm.s32 $_scs_section_size  }
0x9a: {  	s4 =	simm.s32 $_size__tile_overlayer_lowered;
	s5 =	simm.s32 $_tile_overlayer_lowered  }
0x9b: {  	s22 =	simm.s32 $0x1BFF;
	s21 =	sshll.u32 s5, $0x1;
	s2 =	sadd.s32 s19, s18  }
0x9c: {  	s6 =	simm.s32 $0x0;
	s20 =	sshll.u32 s4, $0x1;
	s4 =	sadd.s32 s21, s2  }
0x9d: {  	[timem:s6], [sflag:s22] =	dma.local [hbm:s4], s20  }
0x9e: {  	_ =	swait.ge [sflag:s22], s20  }
0x9f: {  	s3 =	ssub.s32 $0x0, s20;
	[sflag:s22] =	ssyncset.done $0x0  }
0xa0: {  	[sflag:s22] =	ssyncadd.s32 s3;
	_ =	sdelay $0x1  }
0xa1: {  	s23 =	simm.s32 $0x1B8B  }
0xa2: {  	_ =	swait.ge [sflag:s23], $0x1  }
0xa3: {  	[sflag:s23] =	ssyncset.done $0x0  }
0xa4: {  	s25 =	simm.s32 $0x1B8E;
	s24 =	sld [smem:$0x3FFE];
	[sflag:s23] =	ssyncadd.s32 $0xFFFFFFFF  }
0xa5: {  	s26 =	simm.s32 $execute0_lowered;
	[smem:$0x3FD2] =	sst s25  }
0xa6: {  	s4 =	sshll.u32 s26, $0x1;
	_ =	strace $0x80000046;
	[dreg:$0x1] =	wrdreg $0xFFFFFFFF  }
0xa7: {  	s28 =	simm.s32 $_size_execute0_lowered;
	s2 =	sadd.s32 s2, s4;
	[dreg:$0x0] =	wrdreg $0x0  }
0xa8: {  	s4 =	sshll.u32 s28, $0x1;
	[dreg:$0x2] =	wrdreg s2  }
0xa9: {  	[dreg:$0x3] =	wrdreg s4  }
0xaa: {  	[dreg:$0x4] =	wrdreg $0xC0  }
0xab: {  	_ =	task [dreg:s6], $0x5FFFF  }
0xac: {  	[dreg:$0x1] =	wrdreg $0xFFFFFFFF  }
0xad: {  	[dreg:$0x0] =	wrdreg $0x60  }
0xae: {  	[dreg:$0x2] =	wrdreg s24  }
0xaf: {  	[dreg:$0x3] =	wrdreg $0x90000  }
0xb0: {  	[dreg:$0x4] =	wrdreg $0x9  }
0xb1: {  	_ =	task.clear_ibuf [dreg:s6], $0x5FFFF;
	_ =	strace $0x90000046  }
0xb2: {  	s29 =	simm.s32 $0x9;
	_ =	strace $0x80000048  }
0xb3: {  	_ =	swait.ge [sflag:s29], $0x1  }
0xb4: {  	[sflag:s29] =	ssyncadd.s32 $0xFFFFFFFF  }
0xb5: {  	_ =	strace $0x90000048  }
0xb6: {  	_ =	sfence  }
0xb7: {  	s30 =	sld [smem:$0x0];
	_ =	sdelay $0x2  }
0xb8: {  	s31 =	sshll.u32 s1, $0xD;
	s1 =	sshrl.u32 s1, $0x2  }
0xb9: {  	s3 =	sand.u32 $0x4000, s31;
	s1 =	sadd.s32 s1, s30  }
0xba: {  	s0 =	sor.u32 s3, s0;
	s1 =	sshll.u32 s1, $0x11  }
0xbb: {  	s0 =	sor.u32 s1, s0  }
0xbc: {  	s0 =	sadd.s32 $0x8F2B, s0  }
0xbd: {  	[sflag:s0] =	ssyncadd.remote.s32 $0x1  }
0xbe: {  	_ =	sfence.sel $0xFFFF  }
0xbf: {  	[dreg:$0x0] =	wrdreg $0xFFFFFFFF;
	(pc) =	sbr.abs _section_cstart, $3  }
0xc0: {  	[dreg:$0x1] =	wrdreg $0xFFFFFFFF  }
0xc1: {  	_ =	task.clear_ibuf [dreg:s6], $0x2FFFF;
	_ =	strace $0x9FFFFFFF  }
0xc2: {  	(tm) =	ssettm $0x7FFFFFFF  }
0xc3: {  	_ =	shalt  }
tec
execute0_lowered:
.L_overlay_start_1:
0x0: {  	(tag) =	ssettag $0x1  }
0x1: {  	s0 =	rddreg [dreg:$0x0]  }
0x2: {  	s2 =	rddreg [dreg:$0x1]  }
0x3: {  	s3 =	simm.s32 $0x0;
	s12 =	stileid.u32;
	s7 =	srdreg.scid  }
0x4: {  	s28 =	simm.s32 $0xC00;
	s29 =	simm.s32 $0x80;
	s30 =	simm.s32 $0x1000  }
0x5: {  	s31 =	simm.s32 $0x1;
	[smem:$0x7FF] =	sst s3;
	s1 =	smul.u32 $0x500, s12  }
0x6: {  	s4 =	sadd.s32 $0xD200, s0;
	s5 =	sadd.s32 $0x35200, s0;
	s8 =	sadd.s32 $0x2E00, s0  }
0x7: {  	s9 =	sadd.s32 $0x5D200, s0;
	s7 =	sand.u32 $0x1, s7;
	s16 =	sadd.s32 $0x5FA00, s0  }
0x8: {  	s17 =	sadd.s32 $0x60200, s0;
	_ =	strace $0x80000047;
	[dreg:$0x3] =	wrdreg s9  }
0x9: {  	s10 =	sadd.s32 $0x88200, s0;
	s11 =	smul.u32 $0x50000, s12;
	[dreg:$0x4] =	wrdreg s16  }
0xa: {  	s14 =	sadd.s32 $0xB0200, s0;
	s20 =	sadd.s32 $0xD8200, s0;
	[dreg:$0x5] =	wrdreg s17  }
0xb: {  	s22 =	sshll.u32 s12, $0x6;
	s13 =	smul.u32 $0x280, s12;
	[dreg:$0x6] =	wrdreg s10  }
0xc: {  	s23 =	smul.u32 $0x2800, s12;
	s12 =	simm.s32 $0xB80;
	[dreg:$0x7] =	wrdreg s14  }
0xd: {  	s18 =	ssub.s32 $0x2, s7;
	[dreg:$0x8] =	wrdreg s20;
	s16 =	sor.u32 $0x1C07, s22  }
0xe: {  	p0 =	sne.s32 s7, $0x0;
	s7 =	simm.s32 $0x7;
	s17 =	simm.s32 $0x100  }
0xf: {  	s22 =	simm.s32 $0x980;
	s20 =	simm.s32 $0xA00;
	s6 =	sadd.s32 s1, s0  }
0x10: {  	s19 =	sshrl.u32 s18, $0x1;
	s21 =	sshrl.u32 s11, $0x2;
	s15 =	sadd.s32 s8, s1  }
0x11: {  	[dreg:$0xb] =	wrdreg s23;
	s24 =	sadd.s32 $0x2800, s13;
	s11 =	simm.s32 $0xA80  }
0x12: {  	s23 =	simm.s32 $0x0;
	[dreg:$0xa] =	wrdreg s16;
	s9 =	ssub.s32 s18, s19  }
0x13: {  	s10 =	sadd.s32 s21, s2;
	s14 =	sadd.s32 $0x8000, s6;
	s6 =	smov.u32 s13  }
0x14: {  	[dreg:$0xc] =	wrdreg s24;
	s1 =	sadd.s32 s8, s24;
	s13 =	sadd.s32 $0x2E80, s0  }
0x15: {  	s24 =	sadd.s32 $0x2F00, s0;
	s0 =	simm.s32 $0x5000;
	[dreg:$0xd] =	wrdreg s1  }
0x16: {  	s18 =	simm.s32 $0x3;
	s19 =	simm.s32 $0x6;
	[dreg:$0x9] =	wrdreg s6  }
.Ltmp0:
0x17: {  	s25 =	sadd.s32 s8, s6;
	[dreg:$0xe] =	wrdreg s13;
	(pc) =	sbr.rel .LBB2_1-.Ltmp0, $4  }
0x18: {  	s26 =	smax.u32 s9, $0x1;
	s21 =	sshrl.u32 s10, $0x3;
	[dreg:$0xf] =	wrdreg s24  }
0x19: {  	s1 =	simm.s32 $0x2;
	s10 =	simm.s32 $0x4;
	[dreg:$0x10] =	wrdreg s25  }
0x1a: {  	s9 =	simm.s32 $0x380;
	s8 =	simm.s32 $0x5;
	[dreg:$0x11] =	wrdreg s26  }
0x1b: {  	s25 =	simm.s32 $0x800;
	s26 =	simm.s32 $0x400;
	[dreg:$0x12] =	wrdreg s21  }
.LBB2_15:
0x1c: {  	[spmem:s2] =	stream.indirect.scatter.add.f32 [tilespmem:s30], [sflag:$0x3], $0x80, s25, s29, $0xb8;
	[tilespmem:$0x1D000] =	vst v63  }
0x1d: {  	_ = 	snop  }
0x1e: {  	[spmem:s2] =	stream.indirect.scatter.add.f32 [tilespmem:s30], [sflag:$0x4], $0x80, s7, s29, $0xb8;
	[tilespmem:$0x1D000] =	vst v63  }
0x1f: {  	_ = 	snop  }
0x20: {  	[spmem:s2] =	stream.indirect.scatter.add.f32 [tilespmem:s30], [sflag:$0x3], $0x80, s9, s29, $0xb8;
	[tilespmem:$0x1D000] =	vst v63  }
0x21: {  	_ = 	snop  }
0x22: {  	[spmem:s2] =	stream.indirect.scatter.add.f32 [tilespmem:s30], [sflag:$0x4], $0x80, s22, s29, $0xb8;
	[tilespmem:$0x1D000] =	vst v63  }
0x23: {  	_ = 	snop  }
0x24: {  	[spmem:s2] =	stream.indirect.scatter.add.f32 [tilespmem:s30], [sflag:$0x3], $0x80, s20, s29, $0xb8;
	[tilespmem:$0x1D000] =	vst v63  }
0x25: {  	_ = 	snop  }
0x26: {  	[spmem:s2] =	stream.indirect.scatter.add.f32 [tilespmem:s30], [sflag:$0x4], $0x80, s11, s29, $0xb8;
	[tilespmem:$0x1D000] =	vst v63  }
0x27: {  	_ = 	snop  }
0x28: {  	[spmem:s2] =	stream.indirect.scatter.add.f32 [tilespmem:s30], [sflag:$0x3], $0x80, s12, s29, $0xb8;
	[tilespmem:$0x1D000] =	vst v63  }
0x29: {  	s12 =	simm.s32 $0xB80  }
0x2a: {  	[spmem:s2] =	stream.indirect.scatter.add.f32 [tilespmem:s30], [sflag:$0x4], $0x80, s12, s29, $0xb8;
	[tilespmem:$0x1D000] =	vst v63  }
0x2b: {  	_ =	swait.ge [sflag:s18], $0x4000  }
0x2c: {  	[sflag:s18] =	ssyncset.done $0x0  }
0x2d: {  	[sflag:s18] =	ssyncadd.s32 $0xFFFFC000  }
0x2e: {  	_ =	swait.ge [sflag:s10], $0x4000  }
0x2f: {  	[sflag:s10] =	ssyncset.done $0x0  }
0x30: {  	[sflag:s10] =	ssyncadd.s32 $0xFFFFC000  }
0x31: {  	_ =	swait.ge [sflag:s18], $0x4000  }
0x32: {  	[sflag:s18] =	ssyncset.done $0x0  }
0x33: {  	[sflag:s18] =	ssyncadd.s32 $0xFFFFC000  }
0x34: {  	_ =	swait.ge [sflag:s10], $0x4000  }
0x35: {  	[sflag:s10] =	ssyncset.done $0x0  }
0x36: {  	[sflag:s10] =	ssyncadd.s32 $0xFFFFC000  }
0x37: {  	_ =	swait.ge [sflag:s18], $0x4000  }
0x38: {  	[sflag:s18] =	ssyncset.done $0x0  }
0x39: {  	[sflag:s18] =	ssyncadd.s32 $0xFFFFC000  }
0x3a: {  	_ =	swait.ge [sflag:s10], $0x4000  }
0x3b: {  	[sflag:s10] =	ssyncset.done $0x0  }
0x3c: {  	[sflag:s10] =	ssyncadd.s32 $0xFFFFC000  }
0x3d: {  	_ =	swait.ge [sflag:s18], $0x4000  }
0x3e: {  	[sflag:s18] =	ssyncset.done $0x0  }
0x3f: {  	[sflag:s18] =	ssyncadd.s32 $0xFFFFC000  }
0x40: {  	_ =	swait.ge [sflag:s10], $0x4000  }
0x41: {  	[sflag:s10] =	ssyncset.done $0x0  }
0x42: {  	[sflag:s10] =	ssyncadd.s32 $0xFFFFC000  }
0x43: {  	s16 =	rddreg [dreg:$0xb];
	[bflag:$0x0] =	sbarrier.arrive $0xFFFF  }
0x44: {  	s7 =	simm.s32 $0x7;
	s6 =	sadd.s32 s6, s16;
	s16 =	rddreg [dreg:$0xa]  }
0x45: {  	[hbm:s6], [sflag:s16] =	dma.local [spmem:s21], $0x2800  }
0x46: {  	_ =	swait.ge [sflag:s7], $0x2800  }
0x47: {  	s23 =	sadd.s32 $0x1, s23;
	s24 =	rddreg [dreg:$0x11]  }
0x48: {  	p1 =	sne.s32 s23, s24  }
.Ltmp1:
0x49: {  	_ = 	snop;
	(pc) =	sbr.rel @!p1 .LBB2_16-.Ltmp1, $3  }
0x4a: {  	_ =	sdelay $0x1  }
0x4b: {  	[sflag:s7] =	ssyncset.done $0x0  }
0x4c: {  	s9 =	simm.s32 $0x380;
	[sflag:s7] =	ssyncadd.s32 $0xFFFFD800  }
.LBB2_1:
0x4d: {  	[dreg:$0x13] =	wrdreg s23  }
0x4e: {  	s6 =	rddreg [dreg:$0x3]  }
0x4f: {  	[spmem:s21], [sflag:s16] =	dma.local [hbm:s6], $0x2800  }
0x50: {  	_ =	swait.ge [sflag:s7], $0x2800  }
0x51: {  	[sflag:s7] =	ssyncset.done $0x0  }
0x52: {  	[sflag:s7] =	ssyncadd.s32 $0xFFFFD800  }
0x53: {  	[bflag:$0x0] =	sbarrier.arrive $0xFFFF  }
0x54: {  	[tilespmem:s3], [sflag:$0x7] =	stream.linear.gather [hbm4b:s14+s3], $0x400, $0x38;
	[tilespmem:$0x1D000] =	vst v63  }
0x55: {  	_ =	swait.ge [sflag:s7], $0x400  }
0x56: {  	[sflag:s7] =	ssyncset.done $0x0  }
.Ltmp2:
0x57: {  	[sflag:s7] =	ssyncadd.s32 $0xFFFFFC00;
	(pc) =	sbr.rel @p0 .LBB2_5-.Ltmp2, $4  }
0x58: {  	[tilespmem:s25], [sflag:$0x7] =	stream.linear.gather [hbm4b:s15+s3], $0x400, $0x38;
	[tilespmem:$0x1D000] =	vst v63  }
0x59: {  	_ =	swait.ge [sflag:s7], $0x400  }
0x5a: {  	s6 =	sadd.s32 $0xFFFFFB00, s14;
	[sflag:s7] =	ssyncset.done $0x0  }
0x5b: {  	s13 =	sadd.s32 $0x580, s6;
	[sflag:s7] =	ssyncadd.s32 $0xFFFFFC00;
	s7 =	sadd.s32 $0xFFFFFB00, s15  }
0x5c: {  	[tilespmem:s26], [sflag:$0x6] =	stream.linear.gather [hbm4b:s13+s3], $0x400, $0x38;
	[tilespmem:$0x1D000] =	vst v63  }
0x5d: {  	s16 =	sadd.s32 $0x580, s7  }
0x5e: {  	[tilespmem:s28], [sflag:$0x6] =	stream.linear.gather [hbm4b:s16+s3], $0x400, $0x38;
	[tilespmem:$0x1D000] =	vst v63  }
0x5f: {  	_ = 	snop  }
0x60: {  	[tilespmem:s30], [sflag:$0x1] =	stream.indirect.gather [hbm4b:s4+s29], $0x80, s3, s29, $0xb8;
	[tilespmem:$0x1D000] =	vst v63  }
0x61: {  	_ =	swait.ge [sflag:s31], $0x4000  }
0x62: {  	[sflag:s31] =	ssyncset.done $0x0  }
0x63: {  	[sflag:s31] =	ssyncadd.s32 $0xFFFFC000  }
0x64: {  	[spmem:s2] =	stream.indirect.scatter.add.f32 [tilespmem:s30], [sflag:$0x3], $0x80, s25, s29, $0xb8;
	[tilespmem:$0x1D000] =	vst v63  }
0x65: {  	_ = 	snop  }
0x66: {  	[tilespmem:s0], [sflag:$0x2] =	stream.indirect.gather [hbm4b:s4+s29], $0x80, s29, s29, $0xb8;
	[tilespmem:$0x1D000] =	vst v63  }
0x67: {  	_ =	swait.ge [sflag:s1], $0x4000  }
0x68: {  	[sflag:s1] =	ssyncset.done $0x0  }
0x69: {  	s21 =	simm.s32 $0x880;
	[sflag:s1] =	ssyncadd.s32 $0xFFFFC000  }
0x6a: {  	[spmem:s2] =	stream.indirect.scatter.add.f32 [tilespmem:s0], [sflag:$0x4], $0x80, s21, s29, $0xb8;
	[tilespmem:$0x1D000] =	vst v63  }
0x6b: {  	_ =	swait.ge [sflag:s18], $0x4000  }
0x6c: {  	[sflag:s18] =	ssyncset.done $0x0  }
0x6d: {  	[sflag:s18] =	ssyncadd.s32 $0xFFFFC000  }
0x6e: {  	[tilespmem:s30], [sflag:$0x1] =	stream.indirect.gather [hbm4b:s4+s29], $0x80, s17, s29, $0xb8;
	[tilespmem:$0x1D000] =	vst v63  }
0x6f: {  	_ =	swait.ge [sflag:s31], $0x4000  }
0x70: {  	[sflag:s31] =	ssyncset.done $0x0  }
0x71: {  	s23 =	simm.s32 $0x900;
	[sflag:s31] =	ssyncadd.s32 $0xFFFFC000  }
0x72: {  	[spmem:s2] =	stream.indirect.scatter.add.f32 [tilespmem:s30], [sflag:$0x3], $0x80, s23, s29, $0xb8;
	[tilespmem:$0x1D000] =	vst v63  }
0x73: {  	_ =	swait.ge [sflag:s10], $0x4000  }
0x74: {  	[sflag:s10] =	ssyncset.done $0x0  }
0x75: {  	s24 =	simm.s32 $0x180;
	[sflag:s10] =	ssyncadd.s32 $0xFFFFC000  }
0x76: {  	[tilespmem:s0], [sflag:$0x2] =	stream.indirect.gather [hbm4b:s4+s29], $0x80, s24, s29, $0xb8;
	[tilespmem:$0x1D000] =	vst v63  }
0x77: {  	_ =	swait.ge [sflag:s1], $0x4000  }
0x78: {  	[sflag:s1] =	ssyncset.done $0x0  }
0x79: {  	[sflag:s1] =	ssyncadd.s32 $0xFFFFC000  }
0x7a: {  	[spmem:s2] =	stream.indirect.scatter.add.f32 [tilespmem:s0], [sflag:$0x4], $0x80, s22, s29, $0xb8;
	[tilespmem:$0x1D000] =	vst v63  }
0x7b: {  	_ =	swait.ge [sflag:s18], $0x4000  }
0x7c: {  	[sflag:s18] =	ssyncset.done $0x0  }
0x7d: {  	s16 =	simm.s32 $0x200;
	[sflag:s18] =	ssyncadd.s32 $0xFFFFC000  }
0x7e: {  	[tilespmem:s30], [sflag:$0x1] =	stream.indirect.gather [hbm4b:s4+s29], $0x80, s16, s29, $0xb8;
	[tilespmem:$0x1D000] =	vst v63  }
0x7f: {  	_ =	swait.ge [sflag:s31], $0x4000  }
0x80: {  	[sflag:s31] =	ssyncset.done $0x0  }
0x81: {  	[sflag:s31] =	ssyncadd.s32 $0xFFFFC000  }
0x82: {  	[spmem:s2] =	stream.indirect.scatter.add.f32 [tilespmem:s30], [sflag:$0x3], $0x80, s20, s29, $0xb8;
	[tilespmem:$0x1D000] =	vst v63  }
0x83: {  	_ =	swait.ge [sflag:s10], $0x4000  }
0x84: {  	[sflag:s10] =	ssyncset.done $0x0  }
0x85: {  	s17 =	simm.s32 $0x280;
	[sflag:s10] =	ssyncadd.s32 $0xFFFFC000  }
0x86: {  	[tilespmem:s0], [sflag:$0x2] =	stream.indirect.gather [hbm4b:s4+s29], $0x80, s17, s29, $0xb8;
	[tilespmem:$0x1D000] =	vst v63  }
0x87: {  	_ =	swait.ge [sflag:s1], $0x4000  }
0x88: {  	[sflag:s1] =	ssyncset.done $0x0  }
0x89: {  	[sflag:s1] =	ssyncadd.s32 $0xFFFFC000  }
0x8a: {  	[spmem:s2] =	stream.indirect.scatter.add.f32 [tilespmem:s0], [sflag:$0x4], $0x80, s11, s29, $0xb8;
	[tilespmem:$0x1D000] =	vst v63  }
0x8b: {  	_ =	swait.ge [sflag:s18], $0x4000  }
0x8c: {  	[sflag:s18] =	ssyncset.done $0x0  }
0x8d: {  	s20 =	simm.s32 $0x300;
	[sflag:s18] =	ssyncadd.s32 $0xFFFFC000  }
0x8e: {  	[tilespmem:s30], [sflag:$0x1] =	stream.indirect.gather [hbm4b:s4+s29], $0x80, s20, s29, $0xb8;
	[tilespmem:$0x1D000] =	vst v63  }
0x8f: {  	_ =	swait.ge [sflag:s31], $0x4000  }
0x90: {  	[sflag:s31] =	ssyncset.done $0x0  }
0x91: {  	s21 =	simm.s32 $0xB00;
	[sflag:s31] =	ssyncadd.s32 $0xFFFFC000  }
0x92: {  	[spmem:s2] =	stream.indirect.scatter.add.f32 [tilespmem:s30], [sflag:$0x3], $0x80, s21, s29, $0xb8;
	[tilespmem:$0x1D000] =	vst v63  }
0x93: {  	_ =	swait.ge [sflag:s10], $0x4000  }
0x94: {  	[sflag:s10] =	ssyncset.done $0x0  }
0x95: {  	[sflag:s10] =	ssyncadd.s32 $0xFFFFC000  }
0x96: {  	[tilespmem:s0], [sflag:$0x2] =	stream.indirect.gather [hbm4b:s4+s29], $0x80, s9, s29, $0xb8;
	[tilespmem:$0x1D000] =	vst v63  }
0x97: {  	_ =	swait.ge [sflag:s1], $0x4000  }
0x98: {  	[sflag:s1] =	ssyncset.done $0x0  }
0x99: {  	[sflag:s1] =	ssyncadd.s32 $0xFFFFC000  }
0x9a: {  	[spmem:s2] =	stream.indirect.scatter.add.f32 [tilespmem:s0], [sflag:$0x4], $0x80, s12, s29, $0xb8;
	[tilespmem:$0x1D000] =	vst v63  }
0x9b: {  	_ =	swait.ge [sflag:s18], $0x4000  }
0x9c: {  	[sflag:s18] =	ssyncset.done $0x0  }
0x9d: {  	[sflag:s18] =	ssyncadd.s32 $0xFFFFC000  }
0x9e: {  	_ =	swait.ge [sflag:s10], $0x4000  }
0x9f: {  	[sflag:s10] =	ssyncset.done $0x0  }
0xa0: {  	[sflag:s10] =	ssyncadd.s32 $0xFFFFC000  }
0xa1: {  	_ =	swait.ge [sflag:s19], $0x400  }
0xa2: {  	[sflag:s19] =	ssyncset.done $0x0  }
0xa3: {  	[sflag:s19] =	ssyncadd.s32 $0xFFFFFC00  }
0xa4: {  	_ =	swait.ge [sflag:s19], $0x400  }
0xa5: {  	[sflag:s19] =	ssyncset.done $0x0  }
0xa6: {  	s6 =	sadd.s32 $0x600, s6;
	[sflag:s19] =	ssyncadd.s32 $0xFFFFFC00  }
0xa7: {  	[tilespmem:s3], [sflag:$0x5] =	stream.linear.gather [hbm4b:s6+s3], $0x400, $0x38;
	[tilespmem:$0x1D000] =	vst v63  }
0xa8: {  	s22 =	sadd.s32 $0x600, s7  }
0xa9: {  	[tilespmem:s25], [sflag:$0x5] =	stream.linear.gather [hbm4b:s22+s3], $0x400, $0x38;
	[tilespmem:$0x1D000] =	vst v63  }
0xaa: {  	_ = 	snop  }
0xab: {  	[tilespmem:s30], [sflag:$0x1] =	stream.indirect.gather [hbm4b:s4+s29], $0x80, s26, s29, $0xb8;
	[tilespmem:$0x1D000] =	vst v63  }
0xac: {  	_ =	swait.ge [sflag:s31], $0x4000  }
0xad: {  	[sflag:s31] =	ssyncset.done $0x0  }
0xae: {  	[sflag:s31] =	ssyncadd.s32 $0xFFFFC000  }
0xaf: {  	[spmem:s2] =	stream.indirect.scatter.add.f32 [tilespmem:s30], [sflag:$0x3], $0x80, s28, s29, $0xb8;
	[tilespmem:$0x1D000] =	vst v63  }
0xb0: {  	s23 =	simm.s32 $0x480  }
0xb1: {  	[tilespmem:s0], [sflag:$0x2] =	stream.indirect.gather [hbm4b:s4+s29], $0x80, s23, s29, $0xb8;
	[tilespmem:$0x1D000] =	vst v63  }
0xb2: {  	_ =	swait.ge [sflag:s1], $0x4000  }
0xb3: {  	[sflag:s1] =	ssyncset.done $0x0  }
0xb4: {  	s24 =	simm.s32 $0xC80;
	[sflag:s1] =	ssyncadd.s32 $0xFFFFC000  }
0xb5: {  	[spmem:s2] =	stream.indirect.scatter.add.f32 [tilespmem:s0], [sflag:$0x4], $0x80, s24, s29, $0xb8;
	[tilespmem:$0x1D000] =	vst v63  }
0xb6: {  	_ =	swait.ge [sflag:s18], $0x4000  }
0xb7: {  	[sflag:s18] =	ssyncset.done $0x0  }
0xb8: {  	s7 =	simm.s32 $0x500;
	[sflag:s18] =	ssyncadd.s32 $0xFFFFC000  }
0xb9: {  	[tilespmem:s30], [sflag:$0x1] =	stream.indirect.gather [hbm4b:s4+s29], $0x80, s7, s29, $0xb8;
	[tilespmem:$0x1D000] =	vst v63  }
0xba: {  	_ =	swait.ge [sflag:s31], $0x4000  }
0xbb: {  	[sflag:s31] =	ssyncset.done $0x0  }
0xbc: {  	s9 =	simm.s32 $0xD00;
	[sflag:s31] =	ssyncadd.s32 $0xFFFFC000  }
0xbd: {  	[spmem:s2] =	stream.indirect.scatter.add.f32 [tilespmem:s30], [sflag:$0x3], $0x80, s9, s29, $0xb8;
	[tilespmem:$0x1D000] =	vst v63  }
0xbe: {  	_ =	swait.ge [sflag:s10], $0x4000  }
0xbf: {  	[sflag:s10] =	ssyncset.done $0x0  }
0xc0: {  	s11 =	simm.s32 $0x580;
	[sflag:s10] =	ssyncadd.s32 $0xFFFFC000  }
0xc1: {  	[tilespmem:s0], [sflag:$0x2] =	stream.indirect.gather [hbm4b:s4+s29], $0x80, s11, s29, $0xb8;
	[tilespmem:$0x1D000] =	vst v63  }
0xc2: {  	_ =	swait.ge [sflag:s1], $0x4000  }
0xc3: {  	[sflag:s1] =	ssyncset.done $0x0  }
0xc4: {  	s12 =	simm.s32 $0xD80;
	[sflag:s1] =	ssyncadd.s32 $0xFFFFC000  }
0xc5: {  	[spmem:s2] =	stream.indirect.scatter.add.f32 [tilespmem:s0], [sflag:$0x4], $0x80, s12, s29, $0xb8;
	[tilespmem:$0x1D000] =	vst v63  }
0xc6: {  	_ =	swait.ge [sflag:s18], $0x4000  }
0xc7: {  	[sflag:s18] =	ssyncset.done $0x0  }
0xc8: {  	s13 =	simm.s32 $0x600;
	[sflag:s18] =	ssyncadd.s32 $0xFFFFC000  }
0xc9: {  	[tilespmem:s30], [sflag:$0x1] =	stream.indirect.gather [hbm4b:s4+s29], $0x80, s13, s29, $0xb8;
	[tilespmem:$0x1D000] =	vst v63  }
0xca: {  	_ =	swait.ge [sflag:s31], $0x4000  }
0xcb: {  	[sflag:s31] =	ssyncset.done $0x0  }
0xcc: {  	s16 =	simm.s32 $0xE00;
	[sflag:s31] =	ssyncadd.s32 $0xFFFFC000  }
0xcd: {  	[spmem:s2] =	stream.indirect.scatter.add.f32 [tilespmem:s30], [sflag:$0x3], $0x80, s16, s29, $0xb8;
	[tilespmem:$0x1D000] =	vst v63  }
0xce: {  	_ =	swait.ge [sflag:s10], $0x4000  }
0xcf: {  	[sflag:s10] =	ssyncset.done $0x0  }
0xd0: {  	s17 =	simm.s32 $0x680;
	[sflag:s10] =	ssyncadd.s32 $0xFFFFC000  }
0xd1: {  	[tilespmem:s0], [sflag:$0x2] =	stream.indirect.gather [hbm4b:s4+s29], $0x80, s17, s29, $0xb8;
	[tilespmem:$0x1D000] =	vst v63  }
0xd2: {  	_ =	swait.ge [sflag:s1], $0x4000  }
0xd3: {  	[sflag:s1] =	ssyncset.done $0x0  }
0xd4: {  	s20 =	simm.s32 $0xE80;
	[sflag:s1] =	ssyncadd.s32 $0xFFFFC000  }
0xd5: {  	[spmem:s2] =	stream.indirect.scatter.add.f32 [tilespmem:s0], [sflag:$0x4], $0x80, s20, s29, $0xb8;
	[tilespmem:$0x1D000] =	vst v63  }
0xd6: {  	_ =	swait.ge [sflag:s18], $0x4000  }
0xd7: {  	[sflag:s18] =	ssyncset.done $0x0  }
0xd8: {  	s21 =	simm.s32 $0x700;
	[sflag:s18] =	ssyncadd.s32 $0xFFFFC000  }
0xd9: {  	[tilespmem:s30], [sflag:$0x1] =	stream.indirect.gather [hbm4b:s4+s29], $0x80, s21, s29, $0xb8;
	[tilespmem:$0x1D000] =	vst v63  }
0xda: {  	_ =	swait.ge [sflag:s31], $0x4000  }
0xdb: {  	[sflag:s31] =	ssyncset.done $0x0  }
0xdc: {  	s22 =	simm.s32 $0xF00;
	[sflag:s31] =	ssyncadd.s32 $0xFFFFC000  }
0xdd: {  	[spmem:s2] =	stream.indirect.scatter.add.f32 [tilespmem:s30], [sflag:$0x3], $0x80, s22, s29, $0xb8;
	[tilespmem:$0x1D000] =	vst v63  }
0xde: {  	_ =	swait.ge [sflag:s10], $0x4000  }
0xdf: {  	[sflag:s10] =	ssyncset.done $0x0  }
0xe0: {  	s23 =	simm.s32 $0x780;
	[sflag:s10] =	ssyncadd.s32 $0xFFFFC000  }
0xe1: {  	[tilespmem:s0], [sflag:$0x2] =	stream.indirect.gather [hbm4b:s4+s29], $0x80, s23, s29, $0xb8;
	[tilespmem:$0x1D000] =	vst v63  }
0xe2: {  	_ =	swait.ge [sflag:s1], $0x4000  }
0xe3: {  	[sflag:s1] =	ssyncset.done $0x0  }
0xe4: {  	s24 =	simm.s32 $0xF80;
	[sflag:s1] =	ssyncadd.s32 $0xFFFFC000  }
0xe5: {  	[spmem:s2] =	stream.indirect.scatter.add.f32 [tilespmem:s0], [sflag:$0x4], $0x80, s24, s29, $0xb8;
	[tilespmem:$0x1D000] =	vst v63  }
0xe6: {  	_ =	swait.ge [sflag:s18], $0x4000  }
0xe7: {  	[sflag:s18] =	ssyncset.done $0x0  }
0xe8: {  	[sflag:s18] =	ssyncadd.s32 $0xFFFFC000  }
0xe9: {  	_ =	swait.ge [sflag:s10], $0x4000  }
0xea: {  	[sflag:s10] =	ssyncset.done $0x0  }
0xeb: {  	[sflag:s10] =	ssyncadd.s32 $0xFFFFC000  }
0xec: {  	s6 =	sadd.s32 $0xFFFFFC00, s14;
	s7 =	simm.s32 $0xFFFFFD00;
	_ =	swait.ge [sflag:s8], $0x400  }
0xed: {  	s11 =	simm.s32 $0x280;
	s12 =	simm.s32 $0xA80;
	[sflag:s8] =	ssyncset.done $0x0  }
0xee: {  	s16 =	simm.s32 $0xA00;
	s17 =	simm.s32 $0x100;
	[sflag:s8] =	ssyncadd.s32 $0xFFFFFC00  }
0xef: {  	s20 =	simm.s32 $0x200;
	s21 =	simm.s32 $0xFFFFFC00;
	_ =	swait.ge [sflag:s8], $0x400  }
0xf0: {  	s22 =	simm.s32 $0x180;
	s23 =	simm.s32 $0x980;
	[sflag:s8] =	ssyncset.done $0x0  }
.LBB2_3:
0xf1: {  	s24 =	sadd.s32 $0x580, s6  }
0xf2: {  	s13 =	sadd.s32 s21, s15;
	[sflag:s8] =	ssyncadd.s32 $0xFFFFFC00;
	s21 =	smov.u32 s7  }
0xf3: {  	[tilespmem:s26], [sflag:$0x6] =	stream.linear.gather [hbm4b:s24+s3], $0x400, $0x38;
	[tilespmem:$0x1D000] =	vst v63  }
0xf4: {  	p1 =	seq.s32 s7, $0xFFFFFF00;
	s7 =	sadd.s32 $0x100, s7;
	s24 =	sadd.s32 $0x580, s13  }
0xf5: {  	[tilespmem:s28], [sflag:$0x6] =	stream.linear.gather [hbm4b:s24+s3], $0x400, $0x38;
	[tilespmem:$0x1D000] =	vst v63  }
0xf6: {  	s24 =	simm.s32 $0x880;
	_ =	sdelay $0x1  }
0xf7: {  	[tilespmem:s30], [sflag:$0x1] =	stream.indirect.gather [hbm4b:s4+s29], $0x80, s3, s29, $0xb8;
	[tilespmem:$0x1D000] =	vst v63  }
0xf8: {  	_ =	swait.ge [sflag:s31], $0x4000  }
0xf9: {  	[sflag:s31] =	ssyncset.done $0x0  }
0xfa: {  	[sflag:s31] =	ssyncadd.s32 $0xFFFFC000  }
0xfb: {  	[spmem:s2] =	stream.indirect.scatter.add.f32 [tilespmem:s30], [sflag:$0x3], $0x80, s25, s29, $0xb8;
	[tilespmem:$0x1D000] =	vst v63  }
0xfc: {  	_ = 	snop  }
0xfd: {  	[tilespmem:s0], [sflag:$0x2] =	stream.indirect.gather [hbm4b:s4+s29], $0x80, s29, s29, $0xb8;
	[tilespmem:$0x1D000] =	vst v63  }
0xfe: {  	_ =	swait.ge [sflag:s1], $0x4000  }
0xff: {  	[sflag:s1] =	ssyncset.done $0x0  }
0x100: {  	[sflag:s1] =	ssyncadd.s32 $0xFFFFC000  }
0x101: {  	[spmem:s2] =	stream.indirect.scatter.add.f32 [tilespmem:s0], [sflag:$0x4], $0x80, s24, s29, $0xb8;
	[tilespmem:$0x1D000] =	vst v63  }
0x102: {  	_ =	swait.ge [sflag:s18], $0x4000  }
0x103: {  	[sflag:s18] =	ssyncset.done $0x0  }
0x104: {  	[sflag:s18] =	ssyncadd.s32 $0xFFFFC000  }
0x105: {  	[tilespmem:s30], [sflag:$0x1] =	stream.indirect.gather [hbm4b:s4+s29], $0x80, s17, s29, $0xb8;
	[tilespmem:$0x1D000] =	vst v63  }
0x106: {  	_ =	swait.ge [sflag:s31], $0x4000  }
0x107: {  	s9 =	smov.u32 s15;
	[sflag:s31] =	ssyncset.done $0x0  }
0x108: {  	s15 =	smov.u32 s14;
	s14 =	simm.s32 $0x900;
	[sflag:s31] =	ssyncadd.s32 $0xFFFFC000  }
0x109: {  	[spmem:s2] =	stream.indirect.scatter.add.f32 [tilespmem:s30], [sflag:$0x3], $0x80, s14, s29, $0xb8;
	[tilespmem:$0x1D000] =	vst v63  }
0x10a: {  	s14 =	smov.u32 s15;
	s15 =	smov.u32 s9  }
0x10b: {  	_ =	swait.ge [sflag:s10], $0x4000  }
0x10c: {  	[sflag:s10] =	ssyncset.done $0x0  }
0x10d: {  	[sflag:s10] =	ssyncadd.s32 $0xFFFFC000  }
0x10e: {  	[tilespmem:s0], [sflag:$0x2] =	stream.indirect.gather [hbm4b:s4+s29], $0x80, s22, s29, $0xb8;
	[tilespmem:$0x1D000] =	vst v63  }
0x10f: {  	_ =	swait.ge [sflag:s1], $0x4000  }
0x110: {  	[sflag:s1] =	ssyncset.done $0x0  }
0x111: {  	[sflag:s1] =	ssyncadd.s32 $0xFFFFC000  }
0x112: {  	[spmem:s2] =	stream.indirect.scatter.add.f32 [tilespmem:s0], [sflag:$0x4], $0x80, s23, s29, $0xb8;
	[tilespmem:$0x1D000] =	vst v63  }
0x113: {  	_ =	swait.ge [sflag:s18], $0x4000  }
0x114: {  	[sflag:s18] =	ssyncset.done $0x0  }
0x115: {  	[sflag:s18] =	ssyncadd.s32 $0xFFFFC000  }
0x116: {  	[tilespmem:s30], [sflag:$0x1] =	stream.indirect.gather [hbm4b:s4+s29], $0x80, s20, s29, $0xb8;
	[tilespmem:$0x1D000] =	vst v63  }
0x117: {  	_ =	swait.ge [sflag:s31], $0x4000  }
0x118: {  	[sflag:s31] =	ssyncset.done $0x0  }
0x119: {  	[sflag:s31] =	ssyncadd.s32 $0xFFFFC000  }
0x11a: {  	[spmem:s2] =	stream.indirect.scatter.add.f32 [tilespmem:s30], [sflag:$0x3], $0x80, s16, s29, $0xb8;
	[tilespmem:$0x1D000] =	vst v63  }
0x11b: {  	_ =	swait.ge [sflag:s10], $0x4000  }
0x11c: {  	[sflag:s10] =	ssyncset.done $0x0  }
0x11d: {  	[sflag:s10] =	ssyncadd.s32 $0xFFFFC000  }
0x11e: {  	[tilespmem:s0], [sflag:$0x2] =	stream.indirect.gather [hbm4b:s4+s29], $0x80, s11, s29, $0xb8;
	[tilespmem:$0x1D000] =	vst v63  }
0x11f: {  	_ =	swait.ge [sflag:s1], $0x4000  }
0x120: {  	[sflag:s1] =	ssyncset.done $0x0  }
0x121: {  	[sflag:s1] =	ssyncadd.s32 $0xFFFFC000  }
0x122: {  	[spmem:s2] =	stream.indirect.scatter.add.f32 [tilespmem:s0], [sflag:$0x4], $0x80, s12, s29, $0xb8;
	[tilespmem:$0x1D000] =	vst v63  }
0x123: {  	_ =	swait.ge [sflag:s18], $0x4000  }
0x124: {  	[sflag:s18] =	ssyncset.done $0x0  }
0x125: {  	s9 =	simm.s32 $0x300;
	[sflag:s18] =	ssyncadd.s32 $0xFFFFC000  }
0x126: {  	[tilespmem:s30], [sflag:$0x1] =	stream.indirect.gather [hbm4b:s4+s29], $0x80, s9, s29, $0xb8;
	[tilespmem:$0x1D000] =	vst v63  }
0x127: {  	_ =	swait.ge [sflag:s31], $0x4000  }
0x128: {  	[sflag:s31] =	ssyncset.done $0x0  }
0x129: {  	s9 =	simm.s32 $0xB00;
	[sflag:s31] =	ssyncadd.s32 $0xFFFFC000  }
0x12a: {  	[spmem:s2] =	stream.indirect.scatter.add.f32 [tilespmem:s30], [sflag:$0x3], $0x80, s9, s29, $0xb8;
	[tilespmem:$0x1D000] =	vst v63  }
0x12b: {  	_ =	swait.ge [sflag:s10], $0x4000  }
0x12c: {  	[sflag:s10] =	ssyncset.done $0x0  }
0x12d: {  	s9 =	simm.s32 $0x380;
	[sflag:s10] =	ssyncadd.s32 $0xFFFFC000  }
0x12e: {  	[tilespmem:s0], [sflag:$0x2] =	stream.indirect.gather [hbm4b:s4+s29], $0x80, s9, s29, $0xb8;
	[tilespmem:$0x1D000] =	vst v63  }
0x12f: {  	_ =	swait.ge [sflag:s1], $0x4000  }
0x130: {  	[sflag:s1] =	ssyncset.done $0x0  }
0x131: {  	s9 =	simm.s32 $0xB80;
	[sflag:s1] =	ssyncadd.s32 $0xFFFFC000  }
0x132: {  	[spmem:s2] =	stream.indirect.scatter.add.f32 [tilespmem:s0], [sflag:$0x4], $0x80, s9, s29, $0xb8;
	[tilespmem:$0x1D000] =	vst v63  }
0x133: {  	_ =	swait.ge [sflag:s18], $0x4000  }
0x134: {  	[sflag:s18] =	ssyncset.done $0x0  }
0x135: {  	[sflag:s18] =	ssyncadd.s32 $0xFFFFC000  }
0x136: {  	_ =	swait.ge [sflag:s10], $0x4000  }
0x137: {  	[sflag:s10] =	ssyncset.done $0x0  }
0x138: {  	[sflag:s10] =	ssyncadd.s32 $0xFFFFC000  }
0x139: {  	_ =	swait.ge [sflag:s19], $0x400  }
0x13a: {  	[sflag:s19] =	ssyncset.done $0x0  }
0x13b: {  	[sflag:s19] =	ssyncadd.s32 $0xFFFFFC00  }
0x13c: {  	_ =	swait.ge [sflag:s19], $0x400  }
0x13d: {  	[sflag:s19] =	ssyncset.done $0x0  }
0x13e: {  	s6 =	sadd.s32 $0x600, s6;
	[sflag:s19] =	ssyncadd.s32 $0xFFFFFC00  }
0x13f: {  	[tilespmem:s3], [sflag:$0x5] =	stream.linear.gather [hbm4b:s6+s3], $0x400, $0x38;
	[tilespmem:$0x1D000] =	vst v63  }
0x140: {  	s6 =	sadd.s32 $0x600, s13  }
0x141: {  	[tilespmem:s25], [sflag:$0x5] =	stream.linear.gather [hbm4b:s6+s3], $0x400, $0x38;
	[tilespmem:$0x1D000] =	vst v63  }
0x142: {  	_ = 	snop  }
0x143: {  	[tilespmem:s30], [sflag:$0x1] =	stream.indirect.gather [hbm4b:s4+s29], $0x80, s26, s29, $0xb8;
	[tilespmem:$0x1D000] =	vst v63  }
0x144: {  	_ =	swait.ge [sflag:s31], $0x4000  }
0x145: {  	[sflag:s31] =	ssyncset.done $0x0  }
0x146: {  	[sflag:s31] =	ssyncadd.s32 $0xFFFFC000  }
0x147: {  	[spmem:s2] =	stream.indirect.scatter.add.f32 [tilespmem:s30], [sflag:$0x3], $0x80, s28, s29, $0xb8;
	[tilespmem:$0x1D000] =	vst v63  }
0x148: {  	s6 =	simm.s32 $0x480  }
0x149: {  	[tilespmem:s0], [sflag:$0x2] =	stream.indirect.gather [hbm4b:s4+s29], $0x80, s6, s29, $0xb8;
	[tilespmem:$0x1D000] =	vst v63  }
0x14a: {  	_ =	swait.ge [sflag:s1], $0x4000  }
0x14b: {  	[sflag:s1] =	ssyncset.done $0x0  }
0x14c: {  	s6 =	simm.s32 $0xC80;
	[sflag:s1] =	ssyncadd.s32 $0xFFFFC000  }
0x14d: {  	[spmem:s2] =	stream.indirect.scatter.add.f32 [tilespmem:s0], [sflag:$0x4], $0x80, s6, s29, $0xb8;
	[tilespmem:$0x1D000] =	vst v63  }
0x14e: {  	_ =	swait.ge [sflag:s18], $0x4000  }
0x14f: {  	[sflag:s18] =	ssyncset.done $0x0  }
0x150: {  	s6 =	simm.s32 $0x500;
	[sflag:s18] =	ssyncadd.s32 $0xFFFFC000  }
0x151: {  	[tilespmem:s30], [sflag:$0x1] =	stream.indirect.gather [hbm4b:s4+s29], $0x80, s6, s29, $0xb8;
	[tilespmem:$0x1D000] =	vst v63  }
0x152: {  	_ =	swait.ge [sflag:s31], $0x4000  }
0x153: {  	[sflag:s31] =	ssyncset.done $0x0  }
0x154: {  	s6 =	simm.s32 $0xD00;
	[sflag:s31] =	ssyncadd.s32 $0xFFFFC000  }
0x155: {  	[spmem:s2] =	stream.indirect.scatter.add.f32 [tilespmem:s30], [sflag:$0x3], $0x80, s6, s29, $0xb8;
	[tilespmem:$0x1D000] =	vst v63  }
0x156: {  	_ =	swait.ge [sflag:s10], $0x4000  }
0x157: {  	[sflag:s10] =	ssyncset.done $0x0  }
0x158: {  	s6 =	simm.s32 $0x580;
	[sflag:s10] =	ssyncadd.s32 $0xFFFFC000  }
0x159: {  	[tilespmem:s0], [sflag:$0x2] =	stream.indirect.gather [hbm4b:s4+s29], $0x80, s6, s29, $0xb8;
	[tilespmem:$0x1D000] =	vst v63  }
0x15a: {  	_ =	swait.ge [sflag:s1], $0x4000  }
0x15b: {  	[sflag:s1] =	ssyncset.done $0x0  }
0x15c: {  	s6 =	simm.s32 $0xD80;
	[sflag:s1] =	ssyncadd.s32 $0xFFFFC000  }
0x15d: {  	[spmem:s2] =	stream.indirect.scatter.add.f32 [tilespmem:s0], [sflag:$0x4], $0x80, s6, s29, $0xb8;
	[tilespmem:$0x1D000] =	vst v63  }
0x15e: {  	_ =	swait.ge [sflag:s18], $0x4000  }
0x15f: {  	[sflag:s18] =	ssyncset.done $0x0  }
0x160: {  	s6 =	simm.s32 $0x600;
	[sflag:s18] =	ssyncadd.s32 $0xFFFFC000  }
0x161: {  	[tilespmem:s30], [sflag:$0x1] =	stream.indirect.gather [hbm4b:s4+s29], $0x80, s6, s29, $0xb8;
	[tilespmem:$0x1D000] =	vst v63  }
0x162: {  	_ =	swait.ge [sflag:s31], $0x4000  }
0x163: {  	[sflag:s31] =	ssyncset.done $0x0  }
0x164: {  	s6 =	simm.s32 $0xE00;
	[sflag:s31] =	ssyncadd.s32 $0xFFFFC000  }
0x165: {  	[spmem:s2] =	stream.indirect.scatter.add.f32 [tilespmem:s30], [sflag:$0x3], $0x80, s6, s29, $0xb8;
	[tilespmem:$0x1D000] =	vst v63  }
0x166: {  	_ =	swait.ge [sflag:s10], $0x4000  }
0x167: {  	[sflag:s10] =	ssyncset.done $0x0  }
0x168: {  	s6 =	simm.s32 $0x680;
	[sflag:s10] =	ssyncadd.s32 $0xFFFFC000  }
0x169: {  	[tilespmem:s0], [sflag:$0x2] =	stream.indirect.gather [hbm4b:s4+s29], $0x80, s6, s29, $0xb8;
	[tilespmem:$0x1D000] =	vst v63  }
0x16a: {  	_ =	swait.ge [sflag:s1], $0x4000  }
0x16b: {  	[sflag:s1] =	ssyncset.done $0x0  }
0x16c: {  	s6 =	simm.s32 $0xE80;
	[sflag:s1] =	ssyncadd.s32 $0xFFFFC000  }
0x16d: {  	[spmem:s2] =	stream.indirect.scatter.add.f32 [tilespmem:s0], [sflag:$0x4], $0x80, s6, s29, $0xb8;
	[tilespmem:$0x1D000] =	vst v63  }
0x16e: {  	_ =	swait.ge [sflag:s18], $0x4000  }
0x16f: {  	[sflag:s18] =	ssyncset.done $0x0  }
0x170: {  	s6 =	simm.s32 $0x700;
	[sflag:s18] =	ssyncadd.s32 $0xFFFFC000  }
0x171: {  	[tilespmem:s30], [sflag:$0x1] =	stream.indirect.gather [hbm4b:s4+s29], $0x80, s6, s29, $0xb8;
	[tilespmem:$0x1D000] =	vst v63  }
0x172: {  	_ =	swait.ge [sflag:s31], $0x4000  }
0x173: {  	[sflag:s31] =	ssyncset.done $0x0  }
0x174: {  	s6 =	simm.s32 $0xF00;
	[sflag:s31] =	ssyncadd.s32 $0xFFFFC000  }
0x175: {  	[spmem:s2] =	stream.indirect.scatter.add.f32 [tilespmem:s30], [sflag:$0x3], $0x80, s6, s29, $0xb8;
	[tilespmem:$0x1D000] =	vst v63  }
0x176: {  	_ =	swait.ge [sflag:s10], $0x4000  }
0x177: {  	[sflag:s10] =	ssyncset.done $0x0  }
0x178: {  	s6 =	simm.s32 $0x780;
	[sflag:s10] =	ssyncadd.s32 $0xFFFFC000  }
0x179: {  	[tilespmem:s0], [sflag:$0x2] =	stream.indirect.gather [hbm4b:s4+s29], $0x80, s6, s29, $0xb8;
	[tilespmem:$0x1D000] =	vst v63  }
0x17a: {  	_ =	swait.ge [sflag:s1], $0x4000  }
0x17b: {  	[sflag:s1] =	ssyncset.done $0x0  }
0x17c: {  	s6 =	simm.s32 $0xF80;
	[sflag:s1] =	ssyncadd.s32 $0xFFFFC000  }
0x17d: {  	[spmem:s2] =	stream.indirect.scatter.add.f32 [tilespmem:s0], [sflag:$0x4], $0x80, s6, s29, $0xb8;
	[tilespmem:$0x1D000] =	vst v63  }
0x17e: {  	_ =	swait.ge [sflag:s18], $0x4000  }
0x17f: {  	[sflag:s18] =	ssyncset.done $0x0  }
0x180: {  	[sflag:s18] =	ssyncadd.s32 $0xFFFFC000  }
0x181: {  	_ =	swait.ge [sflag:s10], $0x4000  }
0x182: {  	[sflag:s10] =	ssyncset.done $0x0  }
0x183: {  	[sflag:s10] =	ssyncadd.s32 $0xFFFFC000  }
.Ltmp3:
0x184: {  	_ =	swait.ge [sflag:s8], $0x400;
	(pc) =	sbr.rel @!p1 .LBB2_3-.Ltmp3, $4  }
0x185: {  	[sflag:s8] =	ssyncset.done $0x0  }
0x186: {  	[sflag:s8] =	ssyncadd.s32 $0xFFFFFC00  }
0x187: {  	_ =	swait.ge [sflag:s8], $0x400  }
0x188: {  	s6 =	sadd.s32 s21, s14;
	[sflag:s8] =	ssyncset.done $0x0  }
0x189: {  	s13 =	sadd.s32 $0x580, s6;
	s7 =	sadd.s32 s21, s15;
	[sflag:s8] =	ssyncadd.s32 $0xFFFFFC00  }
0x18a: {  	[tilespmem:s26], [sflag:$0x6] =	stream.linear.gather [hbm4b:s13+s3], $0x400, $0x38;
	[tilespmem:$0x1D000] =	vst v63  }
0x18b: {  	s21 =	sadd.s32 $0x580, s7  }
0x18c: {  	[tilespmem:s28], [sflag:$0x6] =	stream.linear.gather [hbm4b:s21+s3], $0x400, $0x38;
	[tilespmem:$0x1D000] =	vst v63  }
0x18d: {  	_ = 	snop  }
0x18e: {  	[tilespmem:s30], [sflag:$0x1] =	stream.indirect.gather [hbm4b:s4+s29], $0x80, s3, s29, $0xb8;
	[tilespmem:$0x1D000] =	vst v63  }
0x18f: {  	_ =	swait.ge [sflag:s31], $0x4000  }
0x190: {  	[sflag:s31] =	ssyncset.done $0x0  }
0x191: {  	[sflag:s31] =	ssyncadd.s32 $0xFFFFC000  }
0x192: {  	[spmem:s2] =	stream.indirect.scatter.add.f32 [tilespmem:s30], [sflag:$0x3], $0x80, s25, s29, $0xb8;
	[tilespmem:$0x1D000] =	vst v63  }
0x193: {  	_ = 	snop  }
0x194: {  	[tilespmem:s0], [sflag:$0x2] =	stream.indirect.gather [hbm4b:s4+s29], $0x80, s29, s29, $0xb8;
	[tilespmem:$0x1D000] =	vst v63  }
0x195: {  	_ =	swait.ge [sflag:s1], $0x4000  }
0x196: {  	[sflag:s1] =	ssyncset.done $0x0  }
0x197: {  	[sflag:s1] =	ssyncadd.s32 $0xFFFFC000  }
0x198: {  	[spmem:s2] =	stream.indirect.scatter.add.f32 [tilespmem:s0], [sflag:$0x4], $0x80, s24, s29, $0xb8;
	[tilespmem:$0x1D000] =	vst v63  }
0x199: {  	_ =	swait.ge [sflag:s18], $0x4000  }
0x19a: {  	[sflag:s18] =	ssyncset.done $0x0  }
0x19b: {  	[sflag:s18] =	ssyncadd.s32 $0xFFFFC000  }
0x19c: {  	[tilespmem:s30], [sflag:$0x1] =	stream.indirect.gather [hbm4b:s4+s29], $0x80, s17, s29, $0xb8;
	[tilespmem:$0x1D000] =	vst v63  }
0x19d: {  	_ =	swait.ge [sflag:s31], $0x4000  }
0x19e: {  	[sflag:s31] =	ssyncset.done $0x0  }
0x19f: {  	s9 =	simm.s32 $0x900;
	[sflag:s31] =	ssyncadd.s32 $0xFFFFC000  }
0x1a0: {  	[spmem:s2] =	stream.indirect.scatter.add.f32 [tilespmem:s30], [sflag:$0x3], $0x80, s9, s29, $0xb8;
	[tilespmem:$0x1D000] =	vst v63  }
0x1a1: {  	_ =	swait.ge [sflag:s10], $0x4000  }
0x1a2: {  	[sflag:s10] =	ssyncset.done $0x0  }
0x1a3: {  	[sflag:s10] =	ssyncadd.s32 $0xFFFFC000  }
0x1a4: {  	[tilespmem:s0], [sflag:$0x2] =	stream.indirect.gather [hbm4b:s4+s29], $0x80, s22, s29, $0xb8;
	[tilespmem:$0x1D000] =	vst v63  }
0x1a5: {  	_ =	swait.ge [sflag:s1], $0x4000  }
0x1a6: {  	[sflag:s1] =	ssyncset.done $0x0  }
0x1a7: {  	[sflag:s1] =	ssyncadd.s32 $0xFFFFC000  }
0x1a8: {  	[spmem:s2] =	stream.indirect.scatter.add.f32 [tilespmem:s0], [sflag:$0x4], $0x80, s23, s29, $0xb8;
	[tilespmem:$0x1D000] =	vst v63  }
0x1a9: {  	_ =	swait.ge [sflag:s18], $0x4000  }
0x1aa: {  	[sflag:s18] =	ssyncset.done $0x0  }
0x1ab: {  	[sflag:s18] =	ssyncadd.s32 $0xFFFFC000  }
0x1ac: {  	[tilespmem:s30], [sflag:$0x1] =	stream.indirect.gather [hbm4b:s4+s29], $0x80, s20, s29, $0xb8;
	[tilespmem:$0x1D000] =	vst v63  }
0x1ad: {  	_ =	swait.ge [sflag:s31], $0x4000  }
0x1ae: {  	[sflag:s31] =	ssyncset.done $0x0  }
0x1af: {  	[sflag:s31] =	ssyncadd.s32 $0xFFFFC000  }
0x1b0: {  	[spmem:s2] =	stream.indirect.scatter.add.f32 [tilespmem:s30], [sflag:$0x3], $0x80, s16, s29, $0xb8;
	[tilespmem:$0x1D000] =	vst v63  }
0x1b1: {  	_ =	swait.ge [sflag:s10], $0x4000  }
0x1b2: {  	[sflag:s10] =	ssyncset.done $0x0  }
0x1b3: {  	[sflag:s10] =	ssyncadd.s32 $0xFFFFC000  }
0x1b4: {  	[tilespmem:s0], [sflag:$0x2] =	stream.indirect.gather [hbm4b:s4+s29], $0x80, s11, s29, $0xb8;
	[tilespmem:$0x1D000] =	vst v63  }
0x1b5: {  	_ =	swait.ge [sflag:s1], $0x4000  }
0x1b6: {  	[sflag:s1] =	ssyncset.done $0x0  }
0x1b7: {  	[sflag:s1] =	ssyncadd.s32 $0xFFFFC000  }
0x1b8: {  	[spmem:s2] =	stream.indirect.scatter.add.f32 [tilespmem:s0], [sflag:$0x4], $0x80, s12, s29, $0xb8;
	[tilespmem:$0x1D000] =	vst v63  }
0x1b9: {  	_ =	swait.ge [sflag:s18], $0x4000  }
0x1ba: {  	[sflag:s18] =	ssyncset.done $0x0  }
0x1bb: {  	s9 =	simm.s32 $0x300;
	[sflag:s18] =	ssyncadd.s32 $0xFFFFC000  }
0x1bc: {  	[tilespmem:s30], [sflag:$0x1] =	stream.indirect.gather [hbm4b:s4+s29], $0x80, s9, s29, $0xb8;
	[tilespmem:$0x1D000] =	vst v63  }
0x1bd: {  	_ =	swait.ge [sflag:s31], $0x4000  }
0x1be: {  	[sflag:s31] =	ssyncset.done $0x0  }
0x1bf: {  	s16 =	simm.s32 $0xB00;
	[sflag:s31] =	ssyncadd.s32 $0xFFFFC000  }
0x1c0: {  	[spmem:s2] =	stream.indirect.scatter.add.f32 [tilespmem:s30], [sflag:$0x3], $0x80, s16, s29, $0xb8;
	[tilespmem:$0x1D000] =	vst v63  }
0x1c1: {  	_ =	swait.ge [sflag:s10], $0x4000  }
0x1c2: {  	[sflag:s10] =	ssyncset.done $0x0  }
0x1c3: {  	s17 =	simm.s32 $0x380;
	[sflag:s10] =	ssyncadd.s32 $0xFFFFC000  }
0x1c4: {  	[tilespmem:s0], [sflag:$0x2] =	stream.indirect.gather [hbm4b:s4+s29], $0x80, s17, s29, $0xb8;
	[tilespmem:$0x1D000] =	vst v63  }
0x1c5: {  	_ =	swait.ge [sflag:s1], $0x4000  }
0x1c6: {  	[sflag:s1] =	ssyncset.done $0x0  }
0x1c7: {  	s20 =	simm.s32 $0xB80;
	[sflag:s1] =	ssyncadd.s32 $0xFFFFC000  }
0x1c8: {  	[spmem:s2] =	stream.indirect.scatter.add.f32 [tilespmem:s0], [sflag:$0x4], $0x80, s20, s29, $0xb8;
	[tilespmem:$0x1D000] =	vst v63  }
0x1c9: {  	_ =	swait.ge [sflag:s18], $0x4000  }
0x1ca: {  	[sflag:s18] =	ssyncset.done $0x0  }
0x1cb: {  	[sflag:s18] =	ssyncadd.s32 $0xFFFFC000  }
0x1cc: {  	_ =	swait.ge [sflag:s10], $0x4000  }
0x1cd: {  	[sflag:s10] =	ssyncset.done $0x0  }
0x1ce: {  	[sflag:s10] =	ssyncadd.s32 $0xFFFFC000  }
0x1cf: {  	_ =	swait.ge [sflag:s19], $0x400  }
0x1d0: {  	[sflag:s19] =	ssyncset.done $0x0  }
0x1d1: {  	[sflag:s19] =	ssyncadd.s32 $0xFFFFFC00  }
0x1d2: {  	_ =	swait.ge [sflag:s19], $0x400  }
0x1d3: {  	[sflag:s19] =	ssyncset.done $0x0  }
0x1d4: {  	s21 =	sadd.s32 $0x600, s6;
	[sflag:s19] =	ssyncadd.s32 $0xFFFFFC00  }
0x1d5: {  	[tilespmem:s3], [sflag:$0x5] =	stream.linear.gather [hbm4b:s21+s3], $0x400, $0x38;
	[tilespmem:$0x1D000] =	vst v63  }
0x1d6: {  	s22 =	sadd.s32 $0x600, s7  }
0x1d7: {  	[tilespmem:s25], [sflag:$0x5] =	stream.linear.gather [hbm4b:s22+s3], $0x400, $0x38;
	[tilespmem:$0x1D000] =	vst v63  }
0x1d8: {  	_ = 	snop  }
0x1d9: {  	[tilespmem:s30], [sflag:$0x1] =	stream.indirect.gather [hbm4b:s4+s29], $0x80, s26, s29, $0xb8;
	[tilespmem:$0x1D000] =	vst v63  }
0x1da: {  	_ =	swait.ge [sflag:s31], $0x4000  }
0x1db: {  	[sflag:s31] =	ssyncset.done $0x0  }
0x1dc: {  	[sflag:s31] =	ssyncadd.s32 $0xFFFFC000  }
0x1dd: {  	[spmem:s2] =	stream.indirect.scatter.add.f32 [tilespmem:s30], [sflag:$0x3], $0x80, s28, s29, $0xb8;
	[tilespmem:$0x1D000] =	vst v63  }
0x1de: {  	s23 =	simm.s32 $0x480  }
0x1df: {  	[tilespmem:s0], [sflag:$0x2] =	stream.indirect.gather [hbm4b:s4+s29], $0x80, s23, s29, $0xb8;
	[tilespmem:$0x1D000] =	vst v63  }
0x1e0: {  	_ =	swait.ge [sflag:s1], $0x4000  }
0x1e1: {  	[sflag:s1] =	ssyncset.done $0x0  }
0x1e2: {  	s24 =	simm.s32 $0xC80;
	[sflag:s1] =	ssyncadd.s32 $0xFFFFC000  }
0x1e3: {  	[spmem:s2] =	stream.indirect.scatter.add.f32 [tilespmem:s0], [sflag:$0x4], $0x80, s24, s29, $0xb8;
	[tilespmem:$0x1D000] =	vst v63  }
0x1e4: {  	_ =	swait.ge [sflag:s18], $0x4000  }
0x1e5: {  	[sflag:s18] =	ssyncset.done $0x0  }
0x1e6: {  	s7 =	simm.s32 $0x500;
	[sflag:s18] =	ssyncadd.s32 $0xFFFFC000  }
0x1e7: {  	[tilespmem:s30], [sflag:$0x1] =	stream.indirect.gather [hbm4b:s4+s29], $0x80, s7, s29, $0xb8;
	[tilespmem:$0x1D000] =	vst v63  }
0x1e8: {  	_ =	swait.ge [sflag:s31], $0x4000  }
0x1e9: {  	[sflag:s31] =	ssyncset.done $0x0  }
0x1ea: {  	s9 =	simm.s32 $0xD00;
	[sflag:s31] =	ssyncadd.s32 $0xFFFFC000  }
0x1eb: {  	[spmem:s2] =	stream.indirect.scatter.add.f32 [tilespmem:s30], [sflag:$0x3], $0x80, s9, s29, $0xb8;
	[tilespmem:$0x1D000] =	vst v63  }
0x1ec: {  	_ =	swait.ge [sflag:s10], $0x4000  }
0x1ed: {  	[sflag:s10] =	ssyncset.done $0x0  }
0x1ee: {  	s11 =	simm.s32 $0x580;
	[sflag:s10] =	ssyncadd.s32 $0xFFFFC000  }
0x1ef: {  	[tilespmem:s0], [sflag:$0x2] =	stream.indirect.gather [hbm4b:s4+s29], $0x80, s11, s29, $0xb8;
	[tilespmem:$0x1D000] =	vst v63  }
0x1f0: {  	_ =	swait.ge [sflag:s1], $0x4000  }
0x1f1: {  	[sflag:s1] =	ssyncset.done $0x0  }
0x1f2: {  	s12 =	simm.s32 $0xD80;
	[sflag:s1] =	ssyncadd.s32 $0xFFFFC000  }
0x1f3: {  	[spmem:s2] =	stream.indirect.scatter.add.f32 [tilespmem:s0], [sflag:$0x4], $0x80, s12, s29, $0xb8;
	[tilespmem:$0x1D000] =	vst v63  }
0x1f4: {  	_ =	swait.ge [sflag:s18], $0x4000  }
0x1f5: {  	[sflag:s18] =	ssyncset.done $0x0  }
0x1f6: {  	s13 =	simm.s32 $0x600;
	[sflag:s18] =	ssyncadd.s32 $0xFFFFC000  }
0x1f7: {  	[tilespmem:s30], [sflag:$0x1] =	stream.indirect.gather [hbm4b:s4+s29], $0x80, s13, s29, $0xb8;
	[tilespmem:$0x1D000] =	vst v63  }
0x1f8: {  	_ =	swait.ge [sflag:s31], $0x4000  }
0x1f9: {  	[sflag:s31] =	ssyncset.done $0x0  }
0x1fa: {  	s16 =	simm.s32 $0xE00;
	[sflag:s31] =	ssyncadd.s32 $0xFFFFC000  }
0x1fb: {  	[spmem:s2] =	stream.indirect.scatter.add.f32 [tilespmem:s30], [sflag:$0x3], $0x80, s16, s29, $0xb8;
	[tilespmem:$0x1D000] =	vst v63  }
0x1fc: {  	_ =	swait.ge [sflag:s10], $0x4000  }
0x1fd: {  	[sflag:s10] =	ssyncset.done $0x0  }
0x1fe: {  	s17 =	simm.s32 $0x680;
	[sflag:s10] =	ssyncadd.s32 $0xFFFFC000  }
0x1ff: {  	[tilespmem:s0], [sflag:$0x2] =	stream.indirect.gather [hbm4b:s4+s29], $0x80, s17, s29, $0xb8;
	[tilespmem:$0x1D000] =	vst v63  }
0x200: {  	_ =	swait.ge [sflag:s1], $0x4000  }
0x201: {  	[sflag:s1] =	ssyncset.done $0x0  }
0x202: {  	s20 =	simm.s32 $0xE80;
	[sflag:s1] =	ssyncadd.s32 $0xFFFFC000  }
0x203: {  	[spmem:s2] =	stream.indirect.scatter.add.f32 [tilespmem:s0], [sflag:$0x4], $0x80, s20, s29, $0xb8;
	[tilespmem:$0x1D000] =	vst v63  }
0x204: {  	_ =	swait.ge [sflag:s18], $0x4000  }
0x205: {  	[sflag:s18] =	ssyncset.done $0x0  }
0x206: {  	s21 =	simm.s32 $0x700;
	[sflag:s18] =	ssyncadd.s32 $0xFFFFC000  }
0x207: {  	[tilespmem:s30], [sflag:$0x1] =	stream.indirect.gather [hbm4b:s4+s29], $0x80, s21, s29, $0xb8;
	[tilespmem:$0x1D000] =	vst v63  }
0x208: {  	_ =	swait.ge [sflag:s31], $0x4000  }
0x209: {  	[sflag:s31] =	ssyncset.done $0x0  }
0x20a: {  	s22 =	simm.s32 $0xF00;
	[sflag:s31] =	ssyncadd.s32 $0xFFFFC000  }
0x20b: {  	[spmem:s2] =	stream.indirect.scatter.add.f32 [tilespmem:s30], [sflag:$0x3], $0x80, s22, s29, $0xb8;
	[tilespmem:$0x1D000] =	vst v63  }
0x20c: {  	_ =	swait.ge [sflag:s10], $0x4000  }
0x20d: {  	[sflag:s10] =	ssyncset.done $0x0  }
0x20e: {  	s23 =	simm.s32 $0x780;
	[sflag:s10] =	ssyncadd.s32 $0xFFFFC000  }
0x20f: {  	[tilespmem:s0], [sflag:$0x2] =	stream.indirect.gather [hbm4b:s4+s29], $0x80, s23, s29, $0xb8;
	[tilespmem:$0x1D000] =	vst v63  }
0x210: {  	_ =	swait.ge [sflag:s1], $0x4000  }
0x211: {  	[sflag:s1] =	ssyncset.done $0x0  }
0x212: {  	s24 =	simm.s32 $0xF80;
	[sflag:s1] =	ssyncadd.s32 $0xFFFFC000  }
0x213: {  	[spmem:s2] =	stream.indirect.scatter.add.f32 [tilespmem:s0], [sflag:$0x4], $0x80, s24, s29, $0xb8;
	[tilespmem:$0x1D000] =	vst v63  }
0x214: {  	_ =	swait.ge [sflag:s18], $0x4000  }
0x215: {  	[sflag:s18] =	ssyncset.done $0x0  }
0x216: {  	[sflag:s18] =	ssyncadd.s32 $0xFFFFC000  }
0x217: {  	_ =	swait.ge [sflag:s10], $0x4000  }
0x218: {  	[sflag:s10] =	ssyncset.done $0x0  }
0x219: {  	[sflag:s10] =	ssyncadd.s32 $0xFFFFC000  }
0x21a: {  	_ =	swait.ge [sflag:s8], $0x400  }
.Ltmp4:
0x21b: {  	[sflag:s8] =	ssyncset.done $0x0;
	(pc) =	sbr.rel .LBB2_8-.Ltmp4, $4  }
0x21c: {  	s9 =	simm.s32 $0x900;
	[sflag:s8] =	ssyncadd.s32 $0xFFFFFC00  }
0x21d: {  	s11 =	simm.s32 $0xA80;
	s12 =	simm.s32 $0xB80;
	_ =	swait.ge [sflag:s8], $0x400  }
0x21e: {  	s17 =	simm.s32 $0xB00;
	s20 =	simm.s32 $0xA00;
	[sflag:s8] =	ssyncset.done $0x0  }
0x21f: {  	s22 =	simm.s32 $0x980;
	s6 =	rddreg [dreg:$0x5];
	[sflag:s8] =	ssyncadd.s32 $0xFFFFFC00  }
.LBB2_5:
0x220: {  	[tilespmem:s26], [sflag:$0x6] =	stream.linear.gather [hbm4b:s13+s3], $0x400, $0x38;
	[tilespmem:$0x1D000] =	vst v63  }
0x221: {  	s16 =	sadd.s32 $0x580, s7  }
0x222: {  	[tilespmem:s28], [sflag:$0x6] =	stream.linear.gather [hbm4b:s16+s3], $0x400, $0x38;
	[tilespmem:$0x1D000] =	vst v63  }
0x223: {  	_ = 	snop  }
0x224: {  	[tilespmem:s30], [sflag:$0x1] =	stream.indirect.gather [hbm4b:s5+s29], $0x80, s3, s29, $0xb8;
	[tilespmem:$0x1D000] =	vst v63  }
0x225: {  	_ =	swait.ge [sflag:s31], $0x4000  }
0x226: {  	[sflag:s31] =	ssyncset.done $0x0  }
0x227: {  	[sflag:s31] =	ssyncadd.s32 $0xFFFFC000  }
0x228: {  	[spmem:s2] =	stream.indirect.scatter.add.f32 [tilespmem:s30], [sflag:$0x3], $0x80, s25, s29, $0xb8;
	[tilespmem:$0x1D000] =	vst v63  }
0x229: {  	_ = 	snop  }
0x22a: {  	[tilespmem:s0], [sflag:$0x2] =	stream.indirect.gather [hbm4b:s5+s29], $0x80, s29, s29, $0xb8;
	[tilespmem:$0x1D000] =	vst v63  }
0x22b: {  	_ =	swait.ge [sflag:s1], $0x4000  }
0x22c: {  	[sflag:s1] =	ssyncset.done $0x0  }
0x22d: {  	s21 =	simm.s32 $0x880;
	[sflag:s1] =	ssyncadd.s32 $0xFFFFC000  }
0x22e: {  	[spmem:s2] =	stream.indirect.scatter.add.f32 [tilespmem:s0], [sflag:$0x4], $0x80, s21, s29, $0xb8;
	[tilespmem:$0x1D000] =	vst v63  }
0x22f: {  	_ =	swait.ge [sflag:s18], $0x4000  }
0x230: {  	[sflag:s18] =	ssyncset.done $0x0  }
0x231: {  	[sflag:s18] =	ssyncadd.s32 $0xFFFFC000  }
0x232: {  	[tilespmem:s30], [sflag:$0x1] =	stream.indirect.gather [hbm4b:s5+s29], $0x80, s17, s29, $0xb8;
	[tilespmem:$0x1D000] =	vst v63  }
0x233: {  	_ =	swait.ge [sflag:s31], $0x4000  }
0x234: {  	[sflag:s31] =	ssyncset.done $0x0  }
0x235: {  	s23 =	simm.s32 $0x900;
	[sflag:s31] =	ssyncadd.s32 $0xFFFFC000  }
0x236: {  	[spmem:s2] =	stream.indirect.scatter.add.f32 [tilespmem:s30], [sflag:$0x3], $0x80, s23, s29, $0xb8;
	[tilespmem:$0x1D000] =	vst v63  }
0x237: {  	_ =	swait.ge [sflag:s10], $0x4000  }
0x238: {  	[sflag:s10] =	ssyncset.done $0x0  }
0x239: {  	s24 =	simm.s32 $0x180;
	[sflag:s10] =	ssyncadd.s32 $0xFFFFC000  }
0x23a: {  	[tilespmem:s0], [sflag:$0x2] =	stream.indirect.gather [hbm4b:s5+s29], $0x80, s24, s29, $0xb8;
	[tilespmem:$0x1D000] =	vst v63  }
0x23b: {  	_ =	swait.ge [sflag:s1], $0x4000  }
0x23c: {  	[sflag:s1] =	ssyncset.done $0x0  }
0x23d: {  	[sflag:s1] =	ssyncadd.s32 $0xFFFFC000  }
0x23e: {  	[spmem:s2] =	stream.indirect.scatter.add.f32 [tilespmem:s0], [sflag:$0x4], $0x80, s22, s29, $0xb8;
	[tilespmem:$0x1D000] =	vst v63  }
0x23f: {  	_ =	swait.ge [sflag:s18], $0x4000  }
0x240: {  	[sflag:s18] =	ssyncset.done $0x0  }
0x241: {  	s16 =	simm.s32 $0x200;
	[sflag:s18] =	ssyncadd.s32 $0xFFFFC000  }
0x242: {  	[tilespmem:s30], [sflag:$0x1] =	stream.indirect.gather [hbm4b:s5+s29], $0x80, s16, s29, $0xb8;
	[tilespmem:$0x1D000] =	vst v63  }
0x243: {  	_ =	swait.ge [sflag:s31], $0x4000  }
0x244: {  	[sflag:s31] =	ssyncset.done $0x0  }
0x245: {  	[sflag:s31] =	ssyncadd.s32 $0xFFFFC000  }
0x246: {  	[spmem:s2] =	stream.indirect.scatter.add.f32 [tilespmem:s30], [sflag:$0x3], $0x80, s20, s29, $0xb8;
	[tilespmem:$0x1D000] =	vst v63  }
0x247: {  	_ =	swait.ge [sflag:s10], $0x4000  }
0x248: {  	[sflag:s10] =	ssyncset.done $0x0  }
0x249: {  	s17 =	simm.s32 $0x280;
	[sflag:s10] =	ssyncadd.s32 $0xFFFFC000  }
0x24a: {  	[tilespmem:s0], [sflag:$0x2] =	stream.indirect.gather [hbm4b:s5+s29], $0x80, s17, s29, $0xb8;
	[tilespmem:$0x1D000] =	vst v63  }
0x24b: {  	_ =	swait.ge [sflag:s1], $0x4000  }
0x24c: {  	[sflag:s1] =	ssyncset.done $0x0  }
0x24d: {  	[sflag:s1] =	ssyncadd.s32 $0xFFFFC000  }
0x24e: {  	[spmem:s2] =	stream.indirect.scatter.add.f32 [tilespmem:s0], [sflag:$0x4], $0x80, s11, s29, $0xb8;
	[tilespmem:$0x1D000] =	vst v63  }
0x24f: {  	_ =	swait.ge [sflag:s18], $0x4000  }
0x250: {  	[sflag:s18] =	ssyncset.done $0x0  }
0x251: {  	s20 =	simm.s32 $0x300;
	[sflag:s18] =	ssyncadd.s32 $0xFFFFC000  }
0x252: {  	[tilespmem:s30], [sflag:$0x1] =	stream.indirect.gather [hbm4b:s5+s29], $0x80, s20, s29, $0xb8;
	[tilespmem:$0x1D000] =	vst v63  }
0x253: {  	_ =	swait.ge [sflag:s31], $0x4000  }
0x254: {  	[sflag:s31] =	ssyncset.done $0x0  }
0x255: {  	s21 =	simm.s32 $0xB00;
	[sflag:s31] =	ssyncadd.s32 $0xFFFFC000  }
0x256: {  	[spmem:s2] =	stream.indirect.scatter.add.f32 [tilespmem:s30], [sflag:$0x3], $0x80, s21, s29, $0xb8;
	[tilespmem:$0x1D000] =	vst v63  }
0x257: {  	_ =	swait.ge [sflag:s10], $0x4000  }
0x258: {  	[sflag:s10] =	ssyncset.done $0x0  }
0x259: {  	[sflag:s10] =	ssyncadd.s32 $0xFFFFC000  }
0x25a: {  	[tilespmem:s0], [sflag:$0x2] =	stream.indirect.gather [hbm4b:s5+s29], $0x80, s9, s29, $0xb8;
	[tilespmem:$0x1D000] =	vst v63  }
0x25b: {  	_ =	swait.ge [sflag:s1], $0x4000  }
0x25c: {  	[sflag:s1] =	ssyncset.done $0x0  }
0x25d: {  	[sflag:s1] =	ssyncadd.s32 $0xFFFFC000  }
0x25e: {  	[spmem:s2] =	stream.indirect.scatter.add.f32 [tilespmem:s0], [sflag:$0x4], $0x80, s12, s29, $0xb8;
	[tilespmem:$0x1D000] =	vst v63  }
0x25f: {  	_ =	swait.ge [sflag:s18], $0x4000  }
0x260: {  	[sflag:s18] =	ssyncset.done $0x0  }
0x261: {  	[sflag:s18] =	ssyncadd.s32 $0xFFFFC000  }
0x262: {  	_ =	swait.ge [sflag:s10], $0x4000  }
0x263: {  	[sflag:s10] =	ssyncset.done $0x0  }
0x264: {  	[sflag:s10] =	ssyncadd.s32 $0xFFFFC000  }
0x265: {  	_ =	swait.ge [sflag:s19], $0x400  }
0x266: {  	[sflag:s19] =	ssyncset.done $0x0  }
0x267: {  	[sflag:s19] =	ssyncadd.s32 $0xFFFFFC00  }
0x268: {  	_ =	swait.ge [sflag:s19], $0x400  }
0x269: {  	[sflag:s19] =	ssyncset.done $0x0  }
0x26a: {  	s6 =	sadd.s32 $0x600, s6;
	[sflag:s19] =	ssyncadd.s32 $0xFFFFFC00  }
0x26b: {  	[tilespmem:s3], [sflag:$0x5] =	stream.linear.gather [hbm4b:s6+s3], $0x400, $0x38;
	[tilespmem:$0x1D000] =	vst v63  }
0x26c: {  	s22 =	sadd.s32 $0x600, s7  }
0x26d: {  	[tilespmem:s25], [sflag:$0x5] =	stream.linear.gather [hbm4b:s22+s3], $0x400, $0x38;
	[tilespmem:$0x1D000] =	vst v63  }
0x26e: {  	_ = 	snop  }
0x26f: {  	[tilespmem:s30], [sflag:$0x1] =	stream.indirect.gather [hbm4b:s5+s29], $0x80, s26, s29, $0xb8;
	[tilespmem:$0x1D000] =	vst v63  }
0x270: {  	_ =	swait.ge [sflag:s31], $0x4000  }
0x271: {  	[sflag:s31] =	ssyncset.done $0x0  }
0x272: {  	[sflag:s31] =	ssyncadd.s32 $0xFFFFC000  }
0x273: {  	[spmem:s2] =	stream.indirect.scatter.add.f32 [tilespmem:s30], [sflag:$0x3], $0x80, s28, s29, $0xb8;
	[tilespmem:$0x1D000] =	vst v63  }
0x274: {  	s23 =	simm.s32 $0x480  }
0x275: {  	[tilespmem:s0], [sflag:$0x2] =	stream.indirect.gather [hbm4b:s5+s29], $0x80, s23, s29, $0xb8;
	[tilespmem:$0x1D000] =	vst v63  }
0x276: {  	_ =	swait.ge [sflag:s1], $0x4000  }
0x277: {  	[sflag:s1] =	ssyncset.done $0x0  }
0x278: {  	s24 =	simm.s32 $0xC80;
	[sflag:s1] =	ssyncadd.s32 $0xFFFFC000  }
0x279: {  	[spmem:s2] =	stream.indirect.scatter.add.f32 [tilespmem:s0], [sflag:$0x4], $0x80, s24, s29, $0xb8;
	[tilespmem:$0x1D000] =	vst v63  }
0x27a: {  	_ =	swait.ge [sflag:s18], $0x4000  }
0x27b: {  	[sflag:s18] =	ssyncset.done $0x0  }
0x27c: {  	s7 =	simm.s32 $0x500;
	[sflag:s18] =	ssyncadd.s32 $0xFFFFC000  }
0x27d: {  	[tilespmem:s30], [sflag:$0x1] =	stream.indirect.gather [hbm4b:s5+s29], $0x80, s7, s29, $0xb8;
	[tilespmem:$0x1D000] =	vst v63  }
0x27e: {  	_ =	swait.ge [sflag:s31], $0x4000  }
0x27f: {  	[sflag:s31] =	ssyncset.done $0x0  }
0x280: {  	s9 =	simm.s32 $0xD00;
	[sflag:s31] =	ssyncadd.s32 $0xFFFFC000  }
0x281: {  	[spmem:s2] =	stream.indirect.scatter.add.f32 [tilespmem:s30], [sflag:$0x3], $0x80, s9, s29, $0xb8;
	[tilespmem:$0x1D000] =	vst v63  }
0x282: {  	_ =	swait.ge [sflag:s10], $0x4000  }
0x283: {  	[sflag:s10] =	ssyncset.done $0x0  }
0x284: {  	s11 =	simm.s32 $0x580;
	[sflag:s10] =	ssyncadd.s32 $0xFFFFC000  }
0x285: {  	[tilespmem:s0], [sflag:$0x2] =	stream.indirect.gather [hbm4b:s5+s29], $0x80, s11, s29, $0xb8;
	[tilespmem:$0x1D000] =	vst v63  }
0x286: {  	_ =	swait.ge [sflag:s1], $0x4000  }
0x287: {  	[sflag:s1] =	ssyncset.done $0x0  }
0x288: {  	s12 =	simm.s32 $0xD80;
	[sflag:s1] =	ssyncadd.s32 $0xFFFFC000  }
0x289: {  	[spmem:s2] =	stream.indirect.scatter.add.f32 [tilespmem:s0], [sflag:$0x4], $0x80, s12, s29, $0xb8;
	[tilespmem:$0x1D000] =	vst v63  }
0x28a: {  	_ =	swait.ge [sflag:s18], $0x4000  }
0x28b: {  	[sflag:s18] =	ssyncset.done $0x0  }
0x28c: {  	s13 =	simm.s32 $0x600;
	[sflag:s18] =	ssyncadd.s32 $0xFFFFC000  }
0x28d: {  	[tilespmem:s30], [sflag:$0x1] =	stream.indirect.gather [hbm4b:s5+s29], $0x80, s13, s29, $0xb8;
	[tilespmem:$0x1D000] =	vst v63  }
0x28e: {  	_ =	swait.ge [sflag:s31], $0x4000  }
0x28f: {  	[sflag:s31] =	ssyncset.done $0x0  }
0x290: {  	s16 =	simm.s32 $0xE00;
	[sflag:s31] =	ssyncadd.s32 $0xFFFFC000  }
0x291: {  	[spmem:s2] =	stream.indirect.scatter.add.f32 [tilespmem:s30], [sflag:$0x3], $0x80, s16, s29, $0xb8;
	[tilespmem:$0x1D000] =	vst v63  }
0x292: {  	_ =	swait.ge [sflag:s10], $0x4000  }
0x293: {  	[sflag:s10] =	ssyncset.done $0x0  }
0x294: {  	s17 =	simm.s32 $0x680;
	[sflag:s10] =	ssyncadd.s32 $0xFFFFC000  }
0x295: {  	[tilespmem:s0], [sflag:$0x2] =	stream.indirect.gather [hbm4b:s5+s29], $0x80, s17, s29, $0xb8;
	[tilespmem:$0x1D000] =	vst v63  }
0x296: {  	_ =	swait.ge [sflag:s1], $0x4000  }
0x297: {  	[sflag:s1] =	ssyncset.done $0x0  }
0x298: {  	s20 =	simm.s32 $0xE80;
	[sflag:s1] =	ssyncadd.s32 $0xFFFFC000  }
0x299: {  	[spmem:s2] =	stream.indirect.scatter.add.f32 [tilespmem:s0], [sflag:$0x4], $0x80, s20, s29, $0xb8;
	[tilespmem:$0x1D000] =	vst v63  }
0x29a: {  	_ =	swait.ge [sflag:s18], $0x4000  }
0x29b: {  	[sflag:s18] =	ssyncset.done $0x0  }
0x29c: {  	s21 =	simm.s32 $0x700;
	[sflag:s18] =	ssyncadd.s32 $0xFFFFC000  }
0x29d: {  	[tilespmem:s30], [sflag:$0x1] =	stream.indirect.gather [hbm4b:s5+s29], $0x80, s21, s29, $0xb8;
	[tilespmem:$0x1D000] =	vst v63  }
0x29e: {  	_ =	swait.ge [sflag:s31], $0x4000  }
0x29f: {  	[sflag:s31] =	ssyncset.done $0x0  }
0x2a0: {  	s22 =	simm.s32 $0xF00;
	[sflag:s31] =	ssyncadd.s32 $0xFFFFC000  }
0x2a1: {  	[spmem:s2] =	stream.indirect.scatter.add.f32 [tilespmem:s30], [sflag:$0x3], $0x80, s22, s29, $0xb8;
	[tilespmem:$0x1D000] =	vst v63  }
0x2a2: {  	_ =	swait.ge [sflag:s10], $0x4000  }
0x2a3: {  	[sflag:s10] =	ssyncset.done $0x0  }
0x2a4: {  	s23 =	simm.s32 $0x780;
	[sflag:s10] =	ssyncadd.s32 $0xFFFFC000  }
0x2a5: {  	[tilespmem:s0], [sflag:$0x2] =	stream.indirect.gather [hbm4b:s5+s29], $0x80, s23, s29, $0xb8;
	[tilespmem:$0x1D000] =	vst v63  }
0x2a6: {  	_ =	swait.ge [sflag:s1], $0x4000  }
0x2a7: {  	[sflag:s1] =	ssyncset.done $0x0  }
0x2a8: {  	s24 =	simm.s32 $0xF80;
	[sflag:s1] =	ssyncadd.s32 $0xFFFFC000  }
0x2a9: {  	[spmem:s2] =	stream.indirect.scatter.add.f32 [tilespmem:s0], [sflag:$0x4], $0x80, s24, s29, $0xb8;
	[tilespmem:$0x1D000] =	vst v63  }
0x2aa: {  	_ =	swait.ge [sflag:s18], $0x4000  }
0x2ab: {  	[sflag:s18] =	ssyncset.done $0x0  }
0x2ac: {  	[sflag:s18] =	ssyncadd.s32 $0xFFFFC000  }
0x2ad: {  	_ =	swait.ge [sflag:s10], $0x4000  }
0x2ae: {  	[sflag:s10] =	ssyncset.done $0x0  }
0x2af: {  	[sflag:s10] =	ssyncadd.s32 $0xFFFFC000  }
0x2b0: {  	s6 =	sadd.s32 $0xFFFFFC00, s14;
	s7 =	simm.s32 $0xFFFFFD00;
	_ =	swait.ge [sflag:s8], $0x400  }
0x2b1: {  	s11 =	simm.s32 $0x280;
	s12 =	simm.s32 $0xA80;
	[sflag:s8] =	ssyncset.done $0x0  }
0x2b2: {  	s16 =	simm.s32 $0xA00;
	s17 =	simm.s32 $0x100;
	[sflag:s8] =	ssyncadd.s32 $0xFFFFFC00  }
0x2b3: {  	s20 =	simm.s32 $0x200;
	s21 =	simm.s32 $0xFFFFFC00;
	_ =	swait.ge [sflag:s8], $0x400  }
0x2b4: {  	s22 =	simm.s32 $0x180;
	s23 =	simm.s32 $0x980;
	[sflag:s8] =	ssyncset.done $0x0  }
.LBB2_6:
0x2b5: {  	s24 =	sadd.s32 $0x580, s6  }
0x2b6: {  	s13 =	sadd.s32 s21, s15;
	[sflag:s8] =	ssyncadd.s32 $0xFFFFFC00;
	s21 =	smov.u32 s7  }
0x2b7: {  	[tilespmem:s26], [sflag:$0x6] =	stream.linear.gather [hbm4b:s24+s3], $0x400, $0x38;
	[tilespmem:$0x1D000] =	vst v63  }
0x2b8: {  	p1 =	sne.s32 s7, $0xFFFFFF00;
	s7 =	sadd.s32 $0x100, s7;
	s24 =	sadd.s32 $0x580, s13  }
0x2b9: {  	[tilespmem:s28], [sflag:$0x6] =	stream.linear.gather [hbm4b:s24+s3], $0x400, $0x38;
	[tilespmem:$0x1D000] =	vst v63  }
0x2ba: {  	s24 =	simm.s32 $0x880;
	_ =	sdelay $0x1  }
0x2bb: {  	[tilespmem:s30], [sflag:$0x1] =	stream.indirect.gather [hbm4b:s5+s29], $0x80, s3, s29, $0xb8;
	[tilespmem:$0x1D000] =	vst v63  }
0x2bc: {  	_ =	swait.ge [sflag:s31], $0x4000  }
0x2bd: {  	[sflag:s31] =	ssyncset.done $0x0  }
0x2be: {  	[sflag:s31] =	ssyncadd.s32 $0xFFFFC000  }
0x2bf: {  	[spmem:s2] =	stream.indirect.scatter.add.f32 [tilespmem:s30], [sflag:$0x3], $0x80, s25, s29, $0xb8;
	[tilespmem:$0x1D000] =	vst v63  }
0x2c0: {  	_ = 	snop  }
0x2c1: {  	[tilespmem:s0], [sflag:$0x2] =	stream.indirect.gather [hbm4b:s5+s29], $0x80, s29, s29, $0xb8;
	[tilespmem:$0x1D000] =	vst v63  }
0x2c2: {  	_ =	swait.ge [sflag:s1], $0x4000  }
0x2c3: {  	[sflag:s1] =	ssyncset.done $0x0  }
0x2c4: {  	[sflag:s1] =	ssyncadd.s32 $0xFFFFC000  }
0x2c5: {  	[spmem:s2] =	stream.indirect.scatter.add.f32 [tilespmem:s0], [sflag:$0x4], $0x80, s24, s29, $0xb8;
	[tilespmem:$0x1D000] =	vst v63  }
0x2c6: {  	_ =	swait.ge [sflag:s18], $0x4000  }
0x2c7: {  	[sflag:s18] =	ssyncset.done $0x0  }
0x2c8: {  	[sflag:s18] =	ssyncadd.s32 $0xFFFFC000  }
0x2c9: {  	[tilespmem:s30], [sflag:$0x1] =	stream.indirect.gather [hbm4b:s5+s29], $0x80, s17, s29, $0xb8;
	[tilespmem:$0x1D000] =	vst v63  }
0x2ca: {  	_ =	swait.ge [sflag:s31], $0x4000  }
0x2cb: {  	[sflag:s31] =	ssyncset.done $0x0  }
0x2cc: {  	s9 =	simm.s32 $0x900;
	[sflag:s31] =	ssyncadd.s32 $0xFFFFC000  }
0x2cd: {  	[spmem:s2] =	stream.indirect.scatter.add.f32 [tilespmem:s30], [sflag:$0x3], $0x80, s9, s29, $0xb8;
	[tilespmem:$0x1D000] =	vst v63  }
0x2ce: {  	_ =	swait.ge [sflag:s10], $0x4000  }
0x2cf: {  	[sflag:s10] =	ssyncset.done $0x0  }
0x2d0: {  	[sflag:s10] =	ssyncadd.s32 $0xFFFFC000  }
0x2d1: {  	[tilespmem:s0], [sflag:$0x2] =	stream.indirect.gather [hbm4b:s5+s29], $0x80, s22, s29, $0xb8;
	[tilespmem:$0x1D000] =	vst v63  }
0x2d2: {  	_ =	swait.ge [sflag:s1], $0x4000  }
0x2d3: {  	[sflag:s1] =	ssyncset.done $0x0  }
0x2d4: {  	[sflag:s1] =	ssyncadd.s32 $0xFFFFC000  }
0x2d5: {  	[spmem:s2] =	stream.indirect.scatter.add.f32 [tilespmem:s0], [sflag:$0x4], $0x80, s23, s29, $0xb8;
	[tilespmem:$0x1D000] =	vst v63  }
0x2d6: {  	_ =	swait.ge [sflag:s18], $0x4000  }
0x2d7: {  	[sflag:s18] =	ssyncset.done $0x0  }
0x2d8: {  	[sflag:s18] =	ssyncadd.s32 $0xFFFFC000  }
0x2d9: {  	[tilespmem:s30], [sflag:$0x1] =	stream.indirect.gather [hbm4b:s5+s29], $0x80, s20, s29, $0xb8;
	[tilespmem:$0x1D000] =	vst v63  }
0x2da: {  	_ =	swait.ge [sflag:s31], $0x4000  }
0x2db: {  	[sflag:s31] =	ssyncset.done $0x0  }
0x2dc: {  	[sflag:s31] =	ssyncadd.s32 $0xFFFFC000  }
0x2dd: {  	[spmem:s2] =	stream.indirect.scatter.add.f32 [tilespmem:s30], [sflag:$0x3], $0x80, s16, s29, $0xb8;
	[tilespmem:$0x1D000] =	vst v63  }
0x2de: {  	_ =	swait.ge [sflag:s10], $0x4000  }
0x2df: {  	[sflag:s10] =	ssyncset.done $0x0  }
0x2e0: {  	[sflag:s10] =	ssyncadd.s32 $0xFFFFC000  }
0x2e1: {  	[tilespmem:s0], [sflag:$0x2] =	stream.indirect.gather [hbm4b:s5+s29], $0x80, s11, s29, $0xb8;
	[tilespmem:$0x1D000] =	vst v63  }
0x2e2: {  	_ =	swait.ge [sflag:s1], $0x4000  }
0x2e3: {  	[sflag:s1] =	ssyncset.done $0x0  }
0x2e4: {  	[sflag:s1] =	ssyncadd.s32 $0xFFFFC000  }
0x2e5: {  	[spmem:s2] =	stream.indirect.scatter.add.f32 [tilespmem:s0], [sflag:$0x4], $0x80, s12, s29, $0xb8;
	[tilespmem:$0x1D000] =	vst v63  }
0x2e6: {  	_ =	swait.ge [sflag:s18], $0x4000  }
0x2e7: {  	[sflag:s18] =	ssyncset.done $0x0  }
0x2e8: {  	s9 =	simm.s32 $0x300;
	[sflag:s18] =	ssyncadd.s32 $0xFFFFC000  }
0x2e9: {  	[tilespmem:s30], [sflag:$0x1] =	stream.indirect.gather [hbm4b:s5+s29], $0x80, s9, s29, $0xb8;
	[tilespmem:$0x1D000] =	vst v63  }
0x2ea: {  	_ =	swait.ge [sflag:s31], $0x4000  }
0x2eb: {  	[sflag:s31] =	ssyncset.done $0x0  }
0x2ec: {  	s9 =	simm.s32 $0xB00;
	[sflag:s31] =	ssyncadd.s32 $0xFFFFC000  }
0x2ed: {  	[spmem:s2] =	stream.indirect.scatter.add.f32 [tilespmem:s30], [sflag:$0x3], $0x80, s9, s29, $0xb8;
	[tilespmem:$0x1D000] =	vst v63  }
0x2ee: {  	_ =	swait.ge [sflag:s10], $0x4000  }
0x2ef: {  	[sflag:s10] =	ssyncset.done $0x0  }
0x2f0: {  	s9 =	simm.s32 $0x380;
	[sflag:s10] =	ssyncadd.s32 $0xFFFFC000  }
0x2f1: {  	[tilespmem:s0], [sflag:$0x2] =	stream.indirect.gather [hbm4b:s5+s29], $0x80, s9, s29, $0xb8;
	[tilespmem:$0x1D000] =	vst v63  }
0x2f2: {  	_ =	swait.ge [sflag:s1], $0x4000  }
0x2f3: {  	[sflag:s1] =	ssyncset.done $0x0  }
0x2f4: {  	s9 =	simm.s32 $0xB80;
	[sflag:s1] =	ssyncadd.s32 $0xFFFFC000  }
0x2f5: {  	[spmem:s2] =	stream.indirect.scatter.add.f32 [tilespmem:s0], [sflag:$0x4], $0x80, s9, s29, $0xb8;
	[tilespmem:$0x1D000] =	vst v63  }
0x2f6: {  	_ =	swait.ge [sflag:s18], $0x4000  }
0x2f7: {  	[sflag:s18] =	ssyncset.done $0x0  }
0x2f8: {  	[sflag:s18] =	ssyncadd.s32 $0xFFFFC000  }
0x2f9: {  	_ =	swait.ge [sflag:s10], $0x4000  }
0x2fa: {  	[sflag:s10] =	ssyncset.done $0x0  }
0x2fb: {  	[sflag:s10] =	ssyncadd.s32 $0xFFFFC000  }
0x2fc: {  	_ =	swait.ge [sflag:s19], $0x400  }
0x2fd: {  	[sflag:s19] =	ssyncset.done $0x0  }
0x2fe: {  	[sflag:s19] =	ssyncadd.s32 $0xFFFFFC00  }
0x2ff: {  	_ =	swait.ge [sflag:s19], $0x400  }
0x300: {  	[sflag:s19] =	ssyncset.done $0x0  }
0x301: {  	s6 =	sadd.s32 $0x600, s6;
	[sflag:s19] =	ssyncadd.s32 $0xFFFFFC00  }
0x302: {  	[tilespmem:s3], [sflag:$0x5] =	stream.linear.gather [hbm4b:s6+s3], $0x400, $0x38;
	[tilespmem:$0x1D000] =	vst v63  }
0x303: {  	s6 =	sadd.s32 $0x600, s13  }
0x304: {  	[tilespmem:s25], [sflag:$0x5] =	stream.linear.gather [hbm4b:s6+s3], $0x400, $0x38;
	[tilespmem:$0x1D000] =	vst v63  }
0x305: {  	_ = 	snop  }
0x306: {  	[tilespmem:s30], [sflag:$0x1] =	stream.indirect.gather [hbm4b:s5+s29], $0x80, s26, s29, $0xb8;
	[tilespmem:$0x1D000] =	vst v63  }
0x307: {  	_ =	swait.ge [sflag:s31], $0x4000  }
0x308: {  	[sflag:s31] =	ssyncset.done $0x0  }
0x309: {  	[sflag:s31] =	ssyncadd.s32 $0xFFFFC000  }
0x30a: {  	[spmem:s2] =	stream.indirect.scatter.add.f32 [tilespmem:s30], [sflag:$0x3], $0x80, s28, s29, $0xb8;
	[tilespmem:$0x1D000] =	vst v63  }
0x30b: {  	s6 =	simm.s32 $0x480  }
0x30c: {  	[tilespmem:s0], [sflag:$0x2] =	stream.indirect.gather [hbm4b:s5+s29], $0x80, s6, s29, $0xb8;
	[tilespmem:$0x1D000] =	vst v63  }
0x30d: {  	_ =	swait.ge [sflag:s1], $0x4000  }
0x30e: {  	[sflag:s1] =	ssyncset.done $0x0  }
0x30f: {  	s6 =	simm.s32 $0xC80;
	[sflag:s1] =	ssyncadd.s32 $0xFFFFC000  }
0x310: {  	[spmem:s2] =	stream.indirect.scatter.add.f32 [tilespmem:s0], [sflag:$0x4], $0x80, s6, s29, $0xb8;
	[tilespmem:$0x1D000] =	vst v63  }
0x311: {  	_ =	swait.ge [sflag:s18], $0x4000  }
0x312: {  	[sflag:s18] =	ssyncset.done $0x0  }
0x313: {  	s6 =	simm.s32 $0x500;
	[sflag:s18] =	ssyncadd.s32 $0xFFFFC000  }
0x314: {  	[tilespmem:s30], [sflag:$0x1] =	stream.indirect.gather [hbm4b:s5+s29], $0x80, s6, s29, $0xb8;
	[tilespmem:$0x1D000] =	vst v63  }
0x315: {  	_ =	swait.ge [sflag:s31], $0x4000  }
0x316: {  	[sflag:s31] =	ssyncset.done $0x0  }
0x317: {  	s6 =	simm.s32 $0xD00;
	[sflag:s31] =	ssyncadd.s32 $0xFFFFC000  }
0x318: {  	[spmem:s2] =	stream.indirect.scatter.add.f32 [tilespmem:s30], [sflag:$0x3], $0x80, s6, s29, $0xb8;
	[tilespmem:$0x1D000] =	vst v63  }
0x319: {  	_ =	swait.ge [sflag:s10], $0x4000  }
0x31a: {  	[sflag:s10] =	ssyncset.done $0x0  }
0x31b: {  	s6 =	simm.s32 $0x580;
	[sflag:s10] =	ssyncadd.s32 $0xFFFFC000  }
0x31c: {  	[tilespmem:s0], [sflag:$0x2] =	stream.indirect.gather [hbm4b:s5+s29], $0x80, s6, s29, $0xb8;
	[tilespmem:$0x1D000] =	vst v63  }
0x31d: {  	_ =	swait.ge [sflag:s1], $0x4000  }
0x31e: {  	[sflag:s1] =	ssyncset.done $0x0  }
0x31f: {  	s6 =	simm.s32 $0xD80;
	[sflag:s1] =	ssyncadd.s32 $0xFFFFC000  }
0x320: {  	[spmem:s2] =	stream.indirect.scatter.add.f32 [tilespmem:s0], [sflag:$0x4], $0x80, s6, s29, $0xb8;
	[tilespmem:$0x1D000] =	vst v63  }
0x321: {  	_ =	swait.ge [sflag:s18], $0x4000  }
0x322: {  	[sflag:s18] =	ssyncset.done $0x0  }
0x323: {  	s6 =	simm.s32 $0x600;
	[sflag:s18] =	ssyncadd.s32 $0xFFFFC000  }
0x324: {  	[tilespmem:s30], [sflag:$0x1] =	stream.indirect.gather [hbm4b:s5+s29], $0x80, s6, s29, $0xb8;
	[tilespmem:$0x1D000] =	vst v63  }
0x325: {  	_ =	swait.ge [sflag:s31], $0x4000  }
0x326: {  	[sflag:s31] =	ssyncset.done $0x0  }
0x327: {  	s6 =	simm.s32 $0xE00;
	[sflag:s31] =	ssyncadd.s32 $0xFFFFC000  }
0x328: {  	[spmem:s2] =	stream.indirect.scatter.add.f32 [tilespmem:s30], [sflag:$0x3], $0x80, s6, s29, $0xb8;
	[tilespmem:$0x1D000] =	vst v63  }
0x329: {  	_ =	swait.ge [sflag:s10], $0x4000  }
0x32a: {  	[sflag:s10] =	ssyncset.done $0x0  }
0x32b: {  	s6 =	simm.s32 $0x680;
	[sflag:s10] =	ssyncadd.s32 $0xFFFFC000  }
0x32c: {  	[tilespmem:s0], [sflag:$0x2] =	stream.indirect.gather [hbm4b:s5+s29], $0x80, s6, s29, $0xb8;
	[tilespmem:$0x1D000] =	vst v63  }
0x32d: {  	_ =	swait.ge [sflag:s1], $0x4000  }
0x32e: {  	[sflag:s1] =	ssyncset.done $0x0  }
0x32f: {  	s6 =	simm.s32 $0xE80;
	[sflag:s1] =	ssyncadd.s32 $0xFFFFC000  }
0x330: {  	[spmem:s2] =	stream.indirect.scatter.add.f32 [tilespmem:s0], [sflag:$0x4], $0x80, s6, s29, $0xb8;
	[tilespmem:$0x1D000] =	vst v63  }
0x331: {  	_ =	swait.ge [sflag:s18], $0x4000  }
0x332: {  	[sflag:s18] =	ssyncset.done $0x0  }
0x333: {  	s6 =	simm.s32 $0x700;
	[sflag:s18] =	ssyncadd.s32 $0xFFFFC000  }
0x334: {  	[tilespmem:s30], [sflag:$0x1] =	stream.indirect.gather [hbm4b:s5+s29], $0x80, s6, s29, $0xb8;
	[tilespmem:$0x1D000] =	vst v63  }
0x335: {  	_ =	swait.ge [sflag:s31], $0x4000  }
0x336: {  	[sflag:s31] =	ssyncset.done $0x0  }
0x337: {  	s6 =	simm.s32 $0xF00;
	[sflag:s31] =	ssyncadd.s32 $0xFFFFC000  }
0x338: {  	[spmem:s2] =	stream.indirect.scatter.add.f32 [tilespmem:s30], [sflag:$0x3], $0x80, s6, s29, $0xb8;
	[tilespmem:$0x1D000] =	vst v63  }
0x339: {  	_ =	swait.ge [sflag:s10], $0x4000  }
0x33a: {  	[sflag:s10] =	ssyncset.done $0x0  }
0x33b: {  	s6 =	simm.s32 $0x780;
	[sflag:s10] =	ssyncadd.s32 $0xFFFFC000  }
0x33c: {  	[tilespmem:s0], [sflag:$0x2] =	stream.indirect.gather [hbm4b:s5+s29], $0x80, s6, s29, $0xb8;
	[tilespmem:$0x1D000] =	vst v63  }
0x33d: {  	_ =	swait.ge [sflag:s1], $0x4000  }
0x33e: {  	[sflag:s1] =	ssyncset.done $0x0  }
0x33f: {  	s6 =	simm.s32 $0xF80;
	[sflag:s1] =	ssyncadd.s32 $0xFFFFC000  }
0x340: {  	[spmem:s2] =	stream.indirect.scatter.add.f32 [tilespmem:s0], [sflag:$0x4], $0x80, s6, s29, $0xb8;
	[tilespmem:$0x1D000] =	vst v63  }
0x341: {  	_ =	swait.ge [sflag:s18], $0x4000  }
0x342: {  	[sflag:s18] =	ssyncset.done $0x0  }
0x343: {  	[sflag:s18] =	ssyncadd.s32 $0xFFFFC000  }
0x344: {  	_ =	swait.ge [sflag:s10], $0x4000  }
0x345: {  	[sflag:s10] =	ssyncset.done $0x0  }
0x346: {  	[sflag:s10] =	ssyncadd.s32 $0xFFFFC000  }
.Ltmp5:
0x347: {  	_ =	swait.ge [sflag:s8], $0x400;
	(pc) =	sbr.rel @p1 .LBB2_6-.Ltmp5, $4  }
0x348: {  	[sflag:s8] =	ssyncset.done $0x0  }
0x349: {  	[sflag:s8] =	ssyncadd.s32 $0xFFFFFC00  }
0x34a: {  	_ =	swait.ge [sflag:s8], $0x400  }
0x34b: {  	s6 =	sadd.s32 s21, s14;
	[sflag:s8] =	ssyncset.done $0x0  }
0x34c: {  	s13 =	sadd.s32 $0x580, s6;
	s7 =	sadd.s32 s21, s15;
	[sflag:s8] =	ssyncadd.s32 $0xFFFFFC00  }
0x34d: {  	[tilespmem:s26], [sflag:$0x6] =	stream.linear.gather [hbm4b:s13+s3], $0x400, $0x38;
	[tilespmem:$0x1D000] =	vst v63  }
0x34e: {  	s9 =	sadd.s32 $0x580, s7  }
0x34f: {  	[tilespmem:s28], [sflag:$0x6] =	stream.linear.gather [hbm4b:s9+s3], $0x400, $0x38;
	[tilespmem:$0x1D000] =	vst v63  }
0x350: {  	_ = 	snop  }
0x351: {  	[tilespmem:s30], [sflag:$0x1] =	stream.indirect.gather [hbm4b:s5+s29], $0x80, s3, s29, $0xb8;
	[tilespmem:$0x1D000] =	vst v63  }
0x352: {  	_ =	swait.ge [sflag:s31], $0x4000  }
0x353: {  	[sflag:s31] =	ssyncset.done $0x0  }
0x354: {  	[sflag:s31] =	ssyncadd.s32 $0xFFFFC000  }
0x355: {  	[spmem:s2] =	stream.indirect.scatter.add.f32 [tilespmem:s30], [sflag:$0x3], $0x80, s25, s29, $0xb8;
	[tilespmem:$0x1D000] =	vst v63  }
0x356: {  	_ = 	snop  }
0x357: {  	[tilespmem:s0], [sflag:$0x2] =	stream.indirect.gather [hbm4b:s5+s29], $0x80, s29, s29, $0xb8;
	[tilespmem:$0x1D000] =	vst v63  }
0x358: {  	_ =	swait.ge [sflag:s1], $0x4000  }
0x359: {  	[sflag:s1] =	ssyncset.done $0x0  }
0x35a: {  	[sflag:s1] =	ssyncadd.s32 $0xFFFFC000  }
0x35b: {  	[spmem:s2] =	stream.indirect.scatter.add.f32 [tilespmem:s0], [sflag:$0x4], $0x80, s24, s29, $0xb8;
	[tilespmem:$0x1D000] =	vst v63  }
0x35c: {  	_ =	swait.ge [sflag:s18], $0x4000  }
0x35d: {  	[sflag:s18] =	ssyncset.done $0x0  }
0x35e: {  	[sflag:s18] =	ssyncadd.s32 $0xFFFFC000  }
0x35f: {  	[tilespmem:s30], [sflag:$0x1] =	stream.indirect.gather [hbm4b:s5+s29], $0x80, s17, s29, $0xb8;
	[tilespmem:$0x1D000] =	vst v63  }
0x360: {  	_ =	swait.ge [sflag:s31], $0x4000  }
0x361: {  	[sflag:s31] =	ssyncset.done $0x0  }
0x362: {  	s9 =	simm.s32 $0x900;
	[sflag:s31] =	ssyncadd.s32 $0xFFFFC000  }
0x363: {  	[spmem:s2] =	stream.indirect.scatter.add.f32 [tilespmem:s30], [sflag:$0x3], $0x80, s9, s29, $0xb8;
	[tilespmem:$0x1D000] =	vst v63  }
0x364: {  	_ =	swait.ge [sflag:s10], $0x4000  }
0x365: {  	[sflag:s10] =	ssyncset.done $0x0  }
0x366: {  	[sflag:s10] =	ssyncadd.s32 $0xFFFFC000  }
0x367: {  	[tilespmem:s0], [sflag:$0x2] =	stream.indirect.gather [hbm4b:s5+s29], $0x80, s22, s29, $0xb8;
	[tilespmem:$0x1D000] =	vst v63  }
0x368: {  	_ =	swait.ge [sflag:s1], $0x4000  }
0x369: {  	[sflag:s1] =	ssyncset.done $0x0  }
0x36a: {  	[sflag:s1] =	ssyncadd.s32 $0xFFFFC000  }
0x36b: {  	[spmem:s2] =	stream.indirect.scatter.add.f32 [tilespmem:s0], [sflag:$0x4], $0x80, s23, s29, $0xb8;
	[tilespmem:$0x1D000] =	vst v63  }
0x36c: {  	_ =	swait.ge [sflag:s18], $0x4000  }
0x36d: {  	[sflag:s18] =	ssyncset.done $0x0  }
0x36e: {  	[sflag:s18] =	ssyncadd.s32 $0xFFFFC000  }
0x36f: {  	[tilespmem:s30], [sflag:$0x1] =	stream.indirect.gather [hbm4b:s5+s29], $0x80, s20, s29, $0xb8;
	[tilespmem:$0x1D000] =	vst v63  }
0x370: {  	_ =	swait.ge [sflag:s31], $0x4000  }
0x371: {  	[sflag:s31] =	ssyncset.done $0x0  }
0x372: {  	[sflag:s31] =	ssyncadd.s32 $0xFFFFC000  }
0x373: {  	[spmem:s2] =	stream.indirect.scatter.add.f32 [tilespmem:s30], [sflag:$0x3], $0x80, s16, s29, $0xb8;
	[tilespmem:$0x1D000] =	vst v63  }
0x374: {  	_ =	swait.ge [sflag:s10], $0x4000  }
0x375: {  	[sflag:s10] =	ssyncset.done $0x0  }
0x376: {  	[sflag:s10] =	ssyncadd.s32 $0xFFFFC000  }
0x377: {  	[tilespmem:s0], [sflag:$0x2] =	stream.indirect.gather [hbm4b:s5+s29], $0x80, s11, s29, $0xb8;
	[tilespmem:$0x1D000] =	vst v63  }
0x378: {  	_ =	swait.ge [sflag:s1], $0x4000  }
0x379: {  	[sflag:s1] =	ssyncset.done $0x0  }
0x37a: {  	[sflag:s1] =	ssyncadd.s32 $0xFFFFC000  }
0x37b: {  	[spmem:s2] =	stream.indirect.scatter.add.f32 [tilespmem:s0], [sflag:$0x4], $0x80, s12, s29, $0xb8;
	[tilespmem:$0x1D000] =	vst v63  }
0x37c: {  	_ =	swait.ge [sflag:s18], $0x4000  }
0x37d: {  	[sflag:s18] =	ssyncset.done $0x0  }
0x37e: {  	s13 =	simm.s32 $0x300;
	[sflag:s18] =	ssyncadd.s32 $0xFFFFC000  }
0x37f: {  	[tilespmem:s30], [sflag:$0x1] =	stream.indirect.gather [hbm4b:s5+s29], $0x80, s13, s29, $0xb8;
	[tilespmem:$0x1D000] =	vst v63  }
0x380: {  	_ =	swait.ge [sflag:s31], $0x4000  }
0x381: {  	[sflag:s31] =	ssyncset.done $0x0  }
0x382: {  	s16 =	simm.s32 $0xB00;
	[sflag:s31] =	ssyncadd.s32 $0xFFFFC000  }
0x383: {  	[spmem:s2] =	stream.indirect.scatter.add.f32 [tilespmem:s30], [sflag:$0x3], $0x80, s16, s29, $0xb8;
	[tilespmem:$0x1D000] =	vst v63  }
0x384: {  	_ =	swait.ge [sflag:s10], $0x4000  }
0x385: {  	[sflag:s10] =	ssyncset.done $0x0  }
0x386: {  	s17 =	simm.s32 $0x380;
	[sflag:s10] =	ssyncadd.s32 $0xFFFFC000  }
0x387: {  	[tilespmem:s0], [sflag:$0x2] =	stream.indirect.gather [hbm4b:s5+s29], $0x80, s17, s29, $0xb8;
	[tilespmem:$0x1D000] =	vst v63  }
0x388: {  	_ =	swait.ge [sflag:s1], $0x4000  }
0x389: {  	[sflag:s1] =	ssyncset.done $0x0  }
0x38a: {  	s20 =	simm.s32 $0xB80;
	[sflag:s1] =	ssyncadd.s32 $0xFFFFC000  }
0x38b: {  	[spmem:s2] =	stream.indirect.scatter.add.f32 [tilespmem:s0], [sflag:$0x4], $0x80, s20, s29, $0xb8;
	[tilespmem:$0x1D000] =	vst v63  }
0x38c: {  	_ =	swait.ge [sflag:s18], $0x4000  }
0x38d: {  	[sflag:s18] =	ssyncset.done $0x0  }
0x38e: {  	[sflag:s18] =	ssyncadd.s32 $0xFFFFC000  }
0x38f: {  	_ =	swait.ge [sflag:s10], $0x4000  }
0x390: {  	[sflag:s10] =	ssyncset.done $0x0  }
0x391: {  	[sflag:s10] =	ssyncadd.s32 $0xFFFFC000  }
0x392: {  	_ =	swait.ge [sflag:s19], $0x400  }
0x393: {  	[sflag:s19] =	ssyncset.done $0x0  }
0x394: {  	[sflag:s19] =	ssyncadd.s32 $0xFFFFFC00  }
0x395: {  	_ =	swait.ge [sflag:s19], $0x400  }
0x396: {  	[sflag:s19] =	ssyncset.done $0x0  }
0x397: {  	s21 =	sadd.s32 $0x600, s6;
	[sflag:s19] =	ssyncadd.s32 $0xFFFFFC00  }
0x398: {  	[tilespmem:s3], [sflag:$0x5] =	stream.linear.gather [hbm4b:s21+s3], $0x400, $0x38;
	[tilespmem:$0x1D000] =	vst v63  }
0x399: {  	s22 =	sadd.s32 $0x600, s7  }
0x39a: {  	[tilespmem:s25], [sflag:$0x5] =	stream.linear.gather [hbm4b:s22+s3], $0x400, $0x38;
	[tilespmem:$0x1D000] =	vst v63  }
0x39b: {  	_ = 	snop  }
0x39c: {  	[tilespmem:s30], [sflag:$0x1] =	stream.indirect.gather [hbm4b:s5+s29], $0x80, s26, s29, $0xb8;
	[tilespmem:$0x1D000] =	vst v63  }
0x39d: {  	_ =	swait.ge [sflag:s31], $0x4000  }
0x39e: {  	[sflag:s31] =	ssyncset.done $0x0  }
0x39f: {  	[sflag:s31] =	ssyncadd.s32 $0xFFFFC000  }
0x3a0: {  	[spmem:s2] =	stream.indirect.scatter.add.f32 [tilespmem:s30], [sflag:$0x3], $0x80, s28, s29, $0xb8;
	[tilespmem:$0x1D000] =	vst v63  }
0x3a1: {  	s23 =	simm.s32 $0x480  }
0x3a2: {  	[tilespmem:s0], [sflag:$0x2] =	stream.indirect.gather [hbm4b:s5+s29], $0x80, s23, s29, $0xb8;
	[tilespmem:$0x1D000] =	vst v63  }
0x3a3: {  	_ =	swait.ge [sflag:s1], $0x4000  }
0x3a4: {  	[sflag:s1] =	ssyncset.done $0x0  }
0x3a5: {  	s24 =	simm.s32 $0xC80;
	[sflag:s1] =	ssyncadd.s32 $0xFFFFC000  }
0x3a6: {  	[spmem:s2] =	stream.indirect.scatter.add.f32 [tilespmem:s0], [sflag:$0x4], $0x80, s24, s29, $0xb8;
	[tilespmem:$0x1D000] =	vst v63  }
0x3a7: {  	_ =	swait.ge [sflag:s18], $0x4000  }
0x3a8: {  	[sflag:s18] =	ssyncset.done $0x0  }
0x3a9: {  	s7 =	simm.s32 $0x500;
	[sflag:s18] =	ssyncadd.s32 $0xFFFFC000  }
0x3aa: {  	[tilespmem:s30], [sflag:$0x1] =	stream.indirect.gather [hbm4b:s5+s29], $0x80, s7, s29, $0xb8;
	[tilespmem:$0x1D000] =	vst v63  }
0x3ab: {  	_ =	swait.ge [sflag:s31], $0x4000  }
0x3ac: {  	[sflag:s31] =	ssyncset.done $0x0  }
0x3ad: {  	s9 =	simm.s32 $0xD00;
	[sflag:s31] =	ssyncadd.s32 $0xFFFFC000  }
0x3ae: {  	[spmem:s2] =	stream.indirect.scatter.add.f32 [tilespmem:s30], [sflag:$0x3], $0x80, s9, s29, $0xb8;
	[tilespmem:$0x1D000] =	vst v63  }
0x3af: {  	_ =	swait.ge [sflag:s10], $0x4000  }
0x3b0: {  	[sflag:s10] =	ssyncset.done $0x0  }
0x3b1: {  	s11 =	simm.s32 $0x580;
	[sflag:s10] =	ssyncadd.s32 $0xFFFFC000  }
0x3b2: {  	[tilespmem:s0], [sflag:$0x2] =	stream.indirect.gather [hbm4b:s5+s29], $0x80, s11, s29, $0xb8;
	[tilespmem:$0x1D000] =	vst v63  }
0x3b3: {  	_ =	swait.ge [sflag:s1], $0x4000  }
0x3b4: {  	[sflag:s1] =	ssyncset.done $0x0  }
0x3b5: {  	s12 =	simm.s32 $0xD80;
	[sflag:s1] =	ssyncadd.s32 $0xFFFFC000  }
0x3b6: {  	[spmem:s2] =	stream.indirect.scatter.add.f32 [tilespmem:s0], [sflag:$0x4], $0x80, s12, s29, $0xb8;
	[tilespmem:$0x1D000] =	vst v63  }
0x3b7: {  	_ =	swait.ge [sflag:s18], $0x4000  }
0x3b8: {  	[sflag:s18] =	ssyncset.done $0x0  }
0x3b9: {  	s13 =	simm.s32 $0x600;
	[sflag:s18] =	ssyncadd.s32 $0xFFFFC000  }
0x3ba: {  	[tilespmem:s30], [sflag:$0x1] =	stream.indirect.gather [hbm4b:s5+s29], $0x80, s13, s29, $0xb8;
	[tilespmem:$0x1D000] =	vst v63  }
0x3bb: {  	_ =	swait.ge [sflag:s31], $0x4000  }
0x3bc: {  	[sflag:s31] =	ssyncset.done $0x0  }
0x3bd: {  	s16 =	simm.s32 $0xE00;
	[sflag:s31] =	ssyncadd.s32 $0xFFFFC000  }
0x3be: {  	[spmem:s2] =	stream.indirect.scatter.add.f32 [tilespmem:s30], [sflag:$0x3], $0x80, s16, s29, $0xb8;
	[tilespmem:$0x1D000] =	vst v63  }
0x3bf: {  	_ =	swait.ge [sflag:s10], $0x4000  }
0x3c0: {  	[sflag:s10] =	ssyncset.done $0x0  }
0x3c1: {  	s17 =	simm.s32 $0x680;
	[sflag:s10] =	ssyncadd.s32 $0xFFFFC000  }
0x3c2: {  	[tilespmem:s0], [sflag:$0x2] =	stream.indirect.gather [hbm4b:s5+s29], $0x80, s17, s29, $0xb8;
	[tilespmem:$0x1D000] =	vst v63  }
0x3c3: {  	_ =	swait.ge [sflag:s1], $0x4000  }
0x3c4: {  	[sflag:s1] =	ssyncset.done $0x0  }
0x3c5: {  	s20 =	simm.s32 $0xE80;
	[sflag:s1] =	ssyncadd.s32 $0xFFFFC000  }
0x3c6: {  	[spmem:s2] =	stream.indirect.scatter.add.f32 [tilespmem:s0], [sflag:$0x4], $0x80, s20, s29, $0xb8;
	[tilespmem:$0x1D000] =	vst v63  }
0x3c7: {  	_ =	swait.ge [sflag:s18], $0x4000  }
0x3c8: {  	[sflag:s18] =	ssyncset.done $0x0  }
0x3c9: {  	s21 =	simm.s32 $0x700;
	[sflag:s18] =	ssyncadd.s32 $0xFFFFC000  }
0x3ca: {  	[tilespmem:s30], [sflag:$0x1] =	stream.indirect.gather [hbm4b:s5+s29], $0x80, s21, s29, $0xb8;
	[tilespmem:$0x1D000] =	vst v63  }
0x3cb: {  	_ =	swait.ge [sflag:s31], $0x4000  }
0x3cc: {  	[sflag:s31] =	ssyncset.done $0x0  }
0x3cd: {  	s22 =	simm.s32 $0xF00;
	[sflag:s31] =	ssyncadd.s32 $0xFFFFC000  }
0x3ce: {  	[spmem:s2] =	stream.indirect.scatter.add.f32 [tilespmem:s30], [sflag:$0x3], $0x80, s22, s29, $0xb8;
	[tilespmem:$0x1D000] =	vst v63  }
0x3cf: {  	_ =	swait.ge [sflag:s10], $0x4000  }
0x3d0: {  	[sflag:s10] =	ssyncset.done $0x0  }
0x3d1: {  	s23 =	simm.s32 $0x780;
	[sflag:s10] =	ssyncadd.s32 $0xFFFFC000  }
0x3d2: {  	[tilespmem:s0], [sflag:$0x2] =	stream.indirect.gather [hbm4b:s5+s29], $0x80, s23, s29, $0xb8;
	[tilespmem:$0x1D000] =	vst v63  }
0x3d3: {  	_ =	swait.ge [sflag:s1], $0x4000  }
0x3d4: {  	[sflag:s1] =	ssyncset.done $0x0  }
0x3d5: {  	s24 =	simm.s32 $0xF80;
	[sflag:s1] =	ssyncadd.s32 $0xFFFFC000  }
0x3d6: {  	[spmem:s2] =	stream.indirect.scatter.add.f32 [tilespmem:s0], [sflag:$0x4], $0x80, s24, s29, $0xb8;
	[tilespmem:$0x1D000] =	vst v63  }
0x3d7: {  	_ =	swait.ge [sflag:s18], $0x4000  }
0x3d8: {  	[sflag:s18] =	ssyncset.done $0x0  }
0x3d9: {  	[sflag:s18] =	ssyncadd.s32 $0xFFFFC000  }
0x3da: {  	_ =	swait.ge [sflag:s10], $0x4000  }
0x3db: {  	[sflag:s10] =	ssyncset.done $0x0  }
0x3dc: {  	[sflag:s10] =	ssyncadd.s32 $0xFFFFC000  }
0x3dd: {  	_ =	swait.ge [sflag:s8], $0x400  }
0x3de: {  	[sflag:s8] =	ssyncset.done $0x0  }
0x3df: {  	s9 =	simm.s32 $0x900;
	[sflag:s8] =	ssyncadd.s32 $0xFFFFFC00  }
0x3e0: {  	s11 =	simm.s32 $0xA80;
	s12 =	simm.s32 $0xB80;
	_ =	swait.ge [sflag:s8], $0x400  }
0x3e1: {  	s17 =	simm.s32 $0xB00;
	s20 =	simm.s32 $0xA00;
	[sflag:s8] =	ssyncset.done $0x0  }
0x3e2: {  	s22 =	simm.s32 $0x980;
	s6 =	rddreg [dreg:$0x6];
	[sflag:s8] =	ssyncadd.s32 $0xFFFFFC00  }
.LBB2_8:
0x3e3: {  	s7 =	rddreg [dreg:$0xb];
	[bflag:$0x0] =	sbarrier.arrive $0xFFFF  }
0x3e4: {  	s21 =	rddreg [dreg:$0xa]  }
0x3e5: {  	s13 =	simm.s32 $0x7;
	s6 =	sadd.s32 s6, s7;
	s16 =	rddreg [dreg:$0x12]  }
0x3e6: {  	[hbm:s6], [sflag:s21] =	dma.local [spmem:s16], $0x2800  }
0x3e7: {  	_ =	swait.ge [sflag:s13], $0x2800  }
0x3e8: {  	[sflag:s13] =	ssyncset.done $0x0  }
0x3e9: {  	[sflag:s13] =	ssyncadd.s32 $0xFFFFD800  }
0x3ea: {  	[bflag:$0x0] =	sbarrier.arrive $0xFFFF  }
0x3eb: {  	s23 =	rddreg [dreg:$0x3]  }
0x3ec: {  	[spmem:s16], [sflag:s21] =	dma.local [hbm:s23], $0x2800  }
0x3ed: {  	_ =	swait.ge [sflag:s13], $0x2800  }
0x3ee: {  	[sflag:s13] =	ssyncset.done $0x0  }
0x3ef: {  	s24 =	rddreg [dreg:$0x4];
	[sflag:s13] =	ssyncadd.s32 $0xFFFFD800  }
0x3f0: {  	[tilespmem:s30], [sflag:$0x7] =	stream.linear.gather [hbm4b:s24+s3], $0x4000, $0x38;
	[tilespmem:$0x1D000] =	vst v63  }
.Ltmp6:
0x3f1: {  	_ =	swait.ge [sflag:s13], $0x4000;
	(pc) =	sbr.rel @p0 .LBB2_12-.Ltmp6, $4  }
0x3f2: {  	[sflag:s13] =	ssyncset.done $0x0  }
0x3f3: {  	[sflag:s13] =	ssyncadd.s32 $0xFFFFC000  }
0x3f4: {  	[bflag:$0x0] =	sbarrier.arrive $0xFFFF  }
0x3f5: {  	s6 =	simm.s32 $0x0  }
0x3f6: {  	s7 =	rddreg [dreg:$0x10]  }
0x3f7: {  	[tilespmem:s25], [sflag:$0x7] =	stream.linear.gather [hbm4b:s7+s6], $0x400, $0x38;
	[tilespmem:$0x1D000] =	vst v63  }
0x3f8: {  	_ =	swait.ge [sflag:s13], $0x400  }
0x3f9: {  	p1 =	por $0x1, $0x1;
	s24 =	rddreg [dreg:$0xf]  }
0x3fa: {  	s21 =	simm.s32 $0xF00;
	[sflag:s13] =	ssyncset.done $0x0;
	s23 =	rddreg [dreg:$0x9]  }
0x3fb: {  	s16 =	simm.s32 $0xF80;
	[sflag:s13] =	ssyncadd.s32 $0xFFFFFC00;
	s13 =	rddreg [dreg:$0xe]  }
.LBB2_10:
0x3fc: {  	s6 =	sadd.s32 s23, s6  }
0x3fd: {  	s7 =	sadd.s32 s6, s13  }
0x3fe: {  	[tilespmem:s28], [sflag:$0x6] =	stream.linear.gather [hbm4b:s7+s3], $0x400, $0x38;
	[tilespmem:$0x1D000] =	vst v63  }
0x3ff: {  	_ = 	snop  }
0x400: {  	[spmem:s2] =	stream.indirect.scatter.add.f32 [tilespmem:s30], [sflag:$0x3], $0x80, s25, s29, $0xb8;
	[tilespmem:$0x1D000] =	vst v63  }
0x401: {  	s7 =	simm.s32 $0x880  }
0x402: {  	[spmem:s2] =	stream.indirect.scatter.add.f32 [tilespmem:s30], [sflag:$0x4], $0x80, s7, s29, $0xb8;
	[tilespmem:$0x1D000] =	vst v63  }
0x403: {  	_ = 	snop  }
0x404: {  	[spmem:s2] =	stream.indirect.scatter.add.f32 [tilespmem:s30], [sflag:$0x3], $0x80, s9, s29, $0xb8;
	[tilespmem:$0x1D000] =	vst v63  }
0x405: {  	_ = 	snop  }
0x406: {  	[spmem:s2] =	stream.indirect.scatter.add.f32 [tilespmem:s30], [sflag:$0x4], $0x80, s22, s29, $0xb8;
	[tilespmem:$0x1D000] =	vst v63  }
0x407: {  	_ = 	snop  }
0x408: {  	[spmem:s2] =	stream.indirect.scatter.add.f32 [tilespmem:s30], [sflag:$0x3], $0x80, s20, s29, $0xb8;
	[tilespmem:$0x1D000] =	vst v63  }
0x409: {  	_ = 	snop  }
0x40a: {  	[spmem:s2] =	stream.indirect.scatter.add.f32 [tilespmem:s30], [sflag:$0x4], $0x80, s11, s29, $0xb8;
	[tilespmem:$0x1D000] =	vst v63  }
0x40b: {  	_ = 	snop  }
0x40c: {  	[spmem:s2] =	stream.indirect.scatter.add.f32 [tilespmem:s30], [sflag:$0x3], $0x80, s17, s29, $0xb8;
	[tilespmem:$0x1D000] =	vst v63  }
0x40d: {  	_ = 	snop  }
0x40e: {  	[spmem:s2] =	stream.indirect.scatter.add.f32 [tilespmem:s30], [sflag:$0x4], $0x80, s12, s29, $0xb8;
	[tilespmem:$0x1D000] =	vst v63  }
0x40f: {  	_ =	swait.ge [sflag:s18], $0x4000  }
0x410: {  	[sflag:s18] =	ssyncset.done $0x0  }
0x411: {  	[sflag:s18] =	ssyncadd.s32 $0xFFFFC000  }
0x412: {  	_ =	swait.ge [sflag:s10], $0x4000  }
0x413: {  	[sflag:s10] =	ssyncset.done $0x0  }
0x414: {  	[sflag:s10] =	ssyncadd.s32 $0xFFFFC000  }
0x415: {  	_ =	swait.ge [sflag:s18], $0x4000  }
0x416: {  	[sflag:s18] =	ssyncset.done $0x0  }
0x417: {  	[sflag:s18] =	ssyncadd.s32 $0xFFFFC000  }
0x418: {  	_ =	swait.ge [sflag:s10], $0x4000  }
0x419: {  	[sflag:s10] =	ssyncset.done $0x0  }
0x41a: {  	[sflag:s10] =	ssyncadd.s32 $0xFFFFC000  }
0x41b: {  	_ =	swait.ge [sflag:s18], $0x4000  }
0x41c: {  	[sflag:s18] =	ssyncset.done $0x0  }
0x41d: {  	[sflag:s18] =	ssyncadd.s32 $0xFFFFC000  }
0x41e: {  	_ =	swait.ge [sflag:s10], $0x4000  }
0x41f: {  	[sflag:s10] =	ssyncset.done $0x0  }
0x420: {  	[sflag:s10] =	ssyncadd.s32 $0xFFFFC000  }
0x421: {  	_ =	swait.ge [sflag:s18], $0x4000  }
0x422: {  	[sflag:s18] =	ssyncset.done $0x0  }
0x423: {  	[sflag:s18] =	ssyncadd.s32 $0xFFFFC000  }
0x424: {  	_ =	swait.ge [sflag:s10], $0x4000  }
0x425: {  	[sflag:s10] =	ssyncset.done $0x0  }
0x426: {  	[sflag:s10] =	ssyncadd.s32 $0xFFFFC000  }
0x427: {  	_ =	swait.ge [sflag:s19], $0x400  }
0x428: {  	[sflag:s19] =	ssyncset.done $0x0  }
0x429: {  	s6 =	sadd.s32 s6, s24;
	[sflag:s19] =	ssyncadd.s32 $0xFFFFFC00  }
0x42a: {  	[tilespmem:s25], [sflag:$0x5] =	stream.linear.gather [hbm4b:s6+s3], $0x400, $0x38;
	[tilespmem:$0x1D000] =	vst v63  }
0x42b: {  	_ = 	snop  }
0x42c: {  	[spmem:s2] =	stream.indirect.scatter.add.f32 [tilespmem:s30], [sflag:$0x3], $0x80, s28, s29, $0xb8;
	[tilespmem:$0x1D000] =	vst v63  }
0x42d: {  	s7 =	simm.s32 $0xC80  }
0x42e: {  	[spmem:s2] =	stream.indirect.scatter.add.f32 [tilespmem:s30], [sflag:$0x4], $0x80, s7, s29, $0xb8;
	[tilespmem:$0x1D000] =	vst v63  }
0x42f: {  	s7 =	simm.s32 $0xD00  }
0x430: {  	[spmem:s2] =	stream.indirect.scatter.add.f32 [tilespmem:s30], [sflag:$0x3], $0x80, s7, s29, $0xb8;
	[tilespmem:$0x1D000] =	vst v63  }
0x431: {  	s7 =	simm.s32 $0xD80  }
0x432: {  	[spmem:s2] =	stream.indirect.scatter.add.f32 [tilespmem:s30], [sflag:$0x4], $0x80, s7, s29, $0xb8;
	[tilespmem:$0x1D000] =	vst v63  }
0x433: {  	s7 =	simm.s32 $0xE00  }
0x434: {  	[spmem:s2] =	stream.indirect.scatter.add.f32 [tilespmem:s30], [sflag:$0x3], $0x80, s7, s29, $0xb8;
	[tilespmem:$0x1D000] =	vst v63  }
0x435: {  	s7 =	simm.s32 $0xE80  }
0x436: {  	[spmem:s2] =	stream.indirect.scatter.add.f32 [tilespmem:s30], [sflag:$0x4], $0x80, s7, s29, $0xb8;
	[tilespmem:$0x1D000] =	vst v63  }
0x437: {  	_ = 	snop  }
0x438: {  	[spmem:s2] =	stream.indirect.scatter.add.f32 [tilespmem:s30], [sflag:$0x3], $0x80, s21, s29, $0xb8;
	[tilespmem:$0x1D000] =	vst v63  }
0x439: {  	_ = 	snop  }
0x43a: {  	[spmem:s2] =	stream.indirect.scatter.add.f32 [tilespmem:s30], [sflag:$0x4], $0x80, s16, s29, $0xb8;
	[tilespmem:$0x1D000] =	vst v63  }
0x43b: {  	_ =	swait.ge [sflag:s18], $0x4000  }
0x43c: {  	[sflag:s18] =	ssyncset.done $0x0  }
0x43d: {  	[sflag:s18] =	ssyncadd.s32 $0xFFFFC000  }
0x43e: {  	_ =	swait.ge [sflag:s10], $0x4000  }
0x43f: {  	[sflag:s10] =	ssyncset.done $0x0  }
0x440: {  	[sflag:s10] =	ssyncadd.s32 $0xFFFFC000  }
0x441: {  	_ =	swait.ge [sflag:s18], $0x4000  }
0x442: {  	[sflag:s18] =	ssyncset.done $0x0  }
0x443: {  	[sflag:s18] =	ssyncadd.s32 $0xFFFFC000  }
0x444: {  	_ =	swait.ge [sflag:s10], $0x4000  }
0x445: {  	[sflag:s10] =	ssyncset.done $0x0  }
0x446: {  	[sflag:s10] =	ssyncadd.s32 $0xFFFFC000  }
0x447: {  	_ =	swait.ge [sflag:s18], $0x4000  }
0x448: {  	[sflag:s18] =	ssyncset.done $0x0  }
0x449: {  	[sflag:s18] =	ssyncadd.s32 $0xFFFFC000  }
0x44a: {  	_ =	swait.ge [sflag:s10], $0x4000  }
0x44b: {  	[sflag:s10] =	ssyncset.done $0x0  }
0x44c: {  	[sflag:s10] =	ssyncadd.s32 $0xFFFFC000  }
0x44d: {  	_ =	swait.ge [sflag:s18], $0x4000  }
0x44e: {  	[sflag:s18] =	ssyncset.done $0x0  }
0x44f: {  	[sflag:s18] =	ssyncadd.s32 $0xFFFFC000  }
0x450: {  	p2 =	por p1, p1;
	_ =	swait.ge [sflag:s10], $0x4000  }
.Ltmp7:
0x451: {  	[sflag:s10] =	ssyncset.done $0x0;
	(pc) =	sbr.rel @p2 .LBB2_10-.Ltmp7, $4  }
0x452: {  	[sflag:s10] =	ssyncadd.s32 $0xFFFFC000  }
0x453: {  	_ =	swait.ge [sflag:s8], $0x400  }
0x454: {  	[sflag:s8] =	ssyncset.done $0x0  }
0x455: {  	p1 =	por $0x0, $0x0;
	s6 =	simm.s32 $0x100;
	[sflag:s8] =	ssyncadd.s32 $0xFFFFFC00  }
.Ltmp8:
0x456: {  	(pc) =	sbr.rel .LBB2_15-.Ltmp8, $4  }
0x457: {  	_ = 	snop  }
0x458: {  	s6 =	rddreg [dreg:$0x7]  }
0x459: {  	s12 =	simm.s32 $0xB00;
	s9 =	simm.s32 $0x900;
	s23 =	rddreg [dreg:$0x13]  }
0x45a: {  	s7 =	simm.s32 $0x880;
	s17 =	simm.s32 $0x100;
	s21 =	rddreg [dreg:$0x12]  }
.LBB2_12:
0x45b: {  	s7 =	rddreg [dreg:$0xd]  }
0x45c: {  	[tilespmem:s25], [sflag:$0x7] =	stream.linear.gather [hbm4b:s7+s6], $0x400, $0x38;
	[tilespmem:$0x1D000] =	vst v63  }
0x45d: {  	_ =	swait.ge [sflag:s13], $0x400  }
0x45e: {  	p1 =	por $0x1, $0x1;
	s21 =	rddreg [dreg:$0xc]  }
0x45f: {  	s23 =	simm.s32 $0xF00;
	[sflag:s13] =	ssyncset.done $0x0;
	s24 =	rddreg [dreg:$0xf]  }
0x460: {  	s16 =	simm.s32 $0xF80;
	[sflag:s13] =	ssyncadd.s32 $0xFFFFFC00;
	s13 =	rddreg [dreg:$0xe]  }
.LBB2_13:
0x461: {  	s6 =	sadd.s32 s21, s6  }
0x462: {  	s7 =	sadd.s32 s6, s13  }
0x463: {  	[tilespmem:s28], [sflag:$0x6] =	stream.linear.gather [hbm4b:s7+s3], $0x400, $0x38;
	[tilespmem:$0x1D000] =	vst v63  }
0x464: {  	_ = 	snop  }
0x465: {  	[spmem:s2] =	stream.indirect.scatter.add.f32 [tilespmem:s30], [sflag:$0x3], $0x80, s25, s29, $0xb8;
	[tilespmem:$0x1D000] =	vst v63  }
0x466: {  	s7 =	simm.s32 $0x880  }
0x467: {  	[spmem:s2] =	stream.indirect.scatter.add.f32 [tilespmem:s30], [sflag:$0x4], $0x80, s7, s29, $0xb8;
	[tilespmem:$0x1D000] =	vst v63  }
0x468: {  	_ = 	snop  }
0x469: {  	[spmem:s2] =	stream.indirect.scatter.add.f32 [tilespmem:s30], [sflag:$0x3], $0x80, s9, s29, $0xb8;
	[tilespmem:$0x1D000] =	vst v63  }
0x46a: {  	_ = 	snop  }
0x46b: {  	[spmem:s2] =	stream.indirect.scatter.add.f32 [tilespmem:s30], [sflag:$0x4], $0x80, s22, s29, $0xb8;
	[tilespmem:$0x1D000] =	vst v63  }
0x46c: {  	_ = 	snop  }
0x46d: {  	[spmem:s2] =	stream.indirect.scatter.add.f32 [tilespmem:s30], [sflag:$0x3], $0x80, s20, s29, $0xb8;
	[tilespmem:$0x1D000] =	vst v63  }
0x46e: {  	_ = 	snop  }
0x46f: {  	[spmem:s2] =	stream.indirect.scatter.add.f32 [tilespmem:s30], [sflag:$0x4], $0x80, s11, s29, $0xb8;
	[tilespmem:$0x1D000] =	vst v63  }
0x470: {  	_ = 	snop  }
0x471: {  	[spmem:s2] =	stream.indirect.scatter.add.f32 [tilespmem:s30], [sflag:$0x3], $0x80, s17, s29, $0xb8;
	[tilespmem:$0x1D000] =	vst v63  }
0x472: {  	_ = 	snop  }
0x473: {  	[spmem:s2] =	stream.indirect.scatter.add.f32 [tilespmem:s30], [sflag:$0x4], $0x80, s12, s29, $0xb8;
	[tilespmem:$0x1D000] =	vst v63  }
0x474: {  	_ =	swait.ge [sflag:s18], $0x4000  }
0x475: {  	[sflag:s18] =	ssyncset.done $0x0  }
0x476: {  	[sflag:s18] =	ssyncadd.s32 $0xFFFFC000  }
0x477: {  	_ =	swait.ge [sflag:s10], $0x4000  }
0x478: {  	[sflag:s10] =	ssyncset.done $0x0  }
0x479: {  	[sflag:s10] =	ssyncadd.s32 $0xFFFFC000  }
0x47a: {  	_ =	swait.ge [sflag:s18], $0x4000  }
0x47b: {  	[sflag:s18] =	ssyncset.done $0x0  }
0x47c: {  	[sflag:s18] =	ssyncadd.s32 $0xFFFFC000  }
0x47d: {  	_ =	swait.ge [sflag:s10], $0x4000  }
0x47e: {  	[sflag:s10] =	ssyncset.done $0x0  }
0x47f: {  	[sflag:s10] =	ssyncadd.s32 $0xFFFFC000  }
0x480: {  	_ =	swait.ge [sflag:s18], $0x4000  }
0x481: {  	[sflag:s18] =	ssyncset.done $0x0  }
0x482: {  	[sflag:s18] =	ssyncadd.s32 $0xFFFFC000  }
0x483: {  	_ =	swait.ge [sflag:s10], $0x4000  }
0x484: {  	[sflag:s10] =	ssyncset.done $0x0  }
0x485: {  	[sflag:s10] =	ssyncadd.s32 $0xFFFFC000  }
0x486: {  	_ =	swait.ge [sflag:s18], $0x4000  }
0x487: {  	[sflag:s18] =	ssyncset.done $0x0  }
0x488: {  	[sflag:s18] =	ssyncadd.s32 $0xFFFFC000  }
0x489: {  	_ =	swait.ge [sflag:s10], $0x4000  }
0x48a: {  	[sflag:s10] =	ssyncset.done $0x0  }
0x48b: {  	[sflag:s10] =	ssyncadd.s32 $0xFFFFC000  }
0x48c: {  	_ =	swait.ge [sflag:s19], $0x400  }
0x48d: {  	[sflag:s19] =	ssyncset.done $0x0  }
0x48e: {  	s6 =	sadd.s32 s6, s24;
	[sflag:s19] =	ssyncadd.s32 $0xFFFFFC00  }
0x48f: {  	[tilespmem:s25], [sflag:$0x5] =	stream.linear.gather [hbm4b:s6+s3], $0x400, $0x38;
	[tilespmem:$0x1D000] =	vst v63  }
0x490: {  	_ = 	snop  }
0x491: {  	[spmem:s2] =	stream.indirect.scatter.add.f32 [tilespmem:s30], [sflag:$0x3], $0x80, s28, s29, $0xb8;
	[tilespmem:$0x1D000] =	vst v63  }
0x492: {  	s7 =	simm.s32 $0xC80  }
0x493: {  	[spmem:s2] =	stream.indirect.scatter.add.f32 [tilespmem:s30], [sflag:$0x4], $0x80, s7, s29, $0xb8;
	[tilespmem:$0x1D000] =	vst v63  }
0x494: {  	s7 =	simm.s32 $0xD00  }
0x495: {  	[spmem:s2] =	stream.indirect.scatter.add.f32 [tilespmem:s30], [sflag:$0x3], $0x80, s7, s29, $0xb8;
	[tilespmem:$0x1D000] =	vst v63  }
0x496: {  	s7 =	simm.s32 $0xD80  }
0x497: {  	[spmem:s2] =	stream.indirect.scatter.add.f32 [tilespmem:s30], [sflag:$0x4], $0x80, s7, s29, $0xb8;
	[tilespmem:$0x1D000] =	vst v63  }
0x498: {  	s7 =	simm.s32 $0xE00  }
0x499: {  	[spmem:s2] =	stream.indirect.scatter.add.f32 [tilespmem:s30], [sflag:$0x3], $0x80, s7, s29, $0xb8;
	[tilespmem:$0x1D000] =	vst v63  }
0x49a: {  	s7 =	simm.s32 $0xE80  }
0x49b: {  	[spmem:s2] =	stream.indirect.scatter.add.f32 [tilespmem:s30], [sflag:$0x4], $0x80, s7, s29, $0xb8;
	[tilespmem:$0x1D000] =	vst v63  }
0x49c: {  	_ = 	snop  }
0x49d: {  	[spmem:s2] =	stream.indirect.scatter.add.f32 [tilespmem:s30], [sflag:$0x3], $0x80, s23, s29, $0xb8;
	[tilespmem:$0x1D000] =	vst v63  }
0x49e: {  	_ = 	snop  }
0x49f: {  	[spmem:s2] =	stream.indirect.scatter.add.f32 [tilespmem:s30], [sflag:$0x4], $0x80, s16, s29, $0xb8;
	[tilespmem:$0x1D000] =	vst v63  }
0x4a0: {  	_ =	swait.ge [sflag:s18], $0x4000  }
0x4a1: {  	[sflag:s18] =	ssyncset.done $0x0  }
0x4a2: {  	[sflag:s18] =	ssyncadd.s32 $0xFFFFC000  }
0x4a3: {  	_ =	swait.ge [sflag:s10], $0x4000  }
0x4a4: {  	[sflag:s10] =	ssyncset.done $0x0  }
0x4a5: {  	[sflag:s10] =	ssyncadd.s32 $0xFFFFC000  }
0x4a6: {  	_ =	swait.ge [sflag:s18], $0x4000  }
0x4a7: {  	[sflag:s18] =	ssyncset.done $0x0  }
0x4a8: {  	[sflag:s18] =	ssyncadd.s32 $0xFFFFC000  }
0x4a9: {  	_ =	swait.ge [sflag:s10], $0x4000  }
0x4aa: {  	[sflag:s10] =	ssyncset.done $0x0  }
0x4ab: {  	[sflag:s10] =	ssyncadd.s32 $0xFFFFC000  }
0x4ac: {  	_ =	swait.ge [sflag:s18], $0x4000  }
0x4ad: {  	[sflag:s18] =	ssyncset.done $0x0  }
0x4ae: {  	[sflag:s18] =	ssyncadd.s32 $0xFFFFC000  }
0x4af: {  	_ =	swait.ge [sflag:s10], $0x4000  }
0x4b0: {  	[sflag:s10] =	ssyncset.done $0x0  }
0x4b1: {  	[sflag:s10] =	ssyncadd.s32 $0xFFFFC000  }
0x4b2: {  	_ =	swait.ge [sflag:s18], $0x4000  }
0x4b3: {  	[sflag:s18] =	ssyncset.done $0x0  }
0x4b4: {  	[sflag:s18] =	ssyncadd.s32 $0xFFFFC000  }
0x4b5: {  	p2 =	por p1, p1;
	_ =	swait.ge [sflag:s10], $0x4000  }
.Ltmp9:
0x4b6: {  	[sflag:s10] =	ssyncset.done $0x0;
	(pc) =	sbr.rel @p2 .LBB2_13-.Ltmp9, $4  }
0x4b7: {  	[sflag:s10] =	ssyncadd.s32 $0xFFFFC000  }
0x4b8: {  	_ =	swait.ge [sflag:s8], $0x400  }
0x4b9: {  	[sflag:s8] =	ssyncset.done $0x0  }
0x4ba: {  	p1 =	por $0x0, $0x0;
	s6 =	simm.s32 $0x100;
	[sflag:s8] =	ssyncadd.s32 $0xFFFFFC00  }
.Ltmp10:
0x4bb: {  	(pc) =	sbr.rel .LBB2_15-.Ltmp10, $4  }
0x4bc: {  	_ = 	snop  }
0x4bd: {  	s6 =	rddreg [dreg:$0x8]  }
0x4be: {  	s12 =	simm.s32 $0xB00;
	s9 =	simm.s32 $0x900;
	s21 =	rddreg [dreg:$0x12]  }
0x4bf: {  	s7 =	simm.s32 $0x880;
	s17 =	simm.s32 $0x100;
	s23 =	rddreg [dreg:$0x13]  }
.LBB2_16:
0x4c0: {  	_ =	sfence.sel $0x180000  }
0x4c1: {  	[bflag:$0x0] =	sbarrier.arrive $0xFFFF  }
0x4c2: {  	_ =	strace $0x90000047  }
0x4c3: {  	s0 =	stileid.u32;
	[bflag:$0x2] =	sbarrier.arrive $0xFFFF  }
0x4c4: {  	p0 =	sne.s32 s0, $0x0;
	s0 =	rddreg [dreg:$0x2]  }
0x4c5: {  	s0 =	sadd.s32 @!p0 $0x100000, s0  }
0x4c6: {  	[sflag:s0] =	ssyncadd.tile.s32 @!p0 $0x1;
	_ =	shalt  }
.Lfunc_end2:
_tile_overlayer_lowered:
.L_overlay_start_2:
0x4c7: {  	(tag) =	ssettag $0x2  }
0x4c8: {  	s0 =	rddreg [dreg:$0x0];
	s2 =	stileid.u32  }
0x4c9: {  	s1 =	rddreg [dreg:$0x1];
	p0 =	sne.s32 s2, $0x0  }
0x4ca: {  	s3 =	rddreg [dreg:$0x2];
	[bflag:$0x3] =	sbarrier.arrive $0xFFFF;
	s2 =	simm.s32 @!p0 $0x1C07  }
0x4cb: {  	[timem:s3], [sflag:s2] =	dma.local @!p0 [hbm:s0], s1  }
0x4cc: {  	s0 =	simm.s32 @!p0 $0x7  }
0x4cd: {  	_ =	swait.ge @!p0 [sflag:s0], s1  }
0x4ce: {  	s1 =	ssub.s32 @!p0 $0x0, s1;
	[sflag:s0] =	ssyncset.done @!p0 $0x0  }
0x4cf: {  	[sflag:s0] =	ssyncadd.s32 @!p0 s1  }
0x4d0: {  	[bflag:$0x3] =	sbarrier.arrive $0xFFFF  }
0x4d1: {  	_ =	shalt  }

</sc_bundles>
